<compile_context>
chip_gen: v7x
topology: tpu7x:2x2x1
jax: 0.10.2.dev20260603
libtpu: 0.0.44.dev20260713+nightly
codegen_flags: <defaults>
</compile_context>

<pallas_src>
import functools

import jax
import jax.numpy as jnp
from jax import lax
from jax.experimental import pallas as pl
from jax.experimental.pallas import tpu as pltpu
from jax.experimental.pallas import tpu_sc as plsc

R = 64
V = 1000000
K = 64
L = 16
NC, NS = 2, 16

QT = 1953
CW = 21
CWC = CW * 128
NCH = 93
GV = 24
GCOL = GV * L
NG = CWC // GCOL
TAIL0 = 7812 * 128
TAILC = V - TAIL0

CAP = 640
PRUNE_AT = CAP - GCOL
BIG = 1 << 30
NEG_INF = float("-inf")


def _iota():
    return lax.iota(jnp.int32, L)


def _splat_f(x):
    return jnp.full((L,), x, jnp.float32)


def _splat_i(x):
    return jnp.full((L,), x, jnp.int32)


def _splat_u(x):
    return jnp.full((L,), x, jnp.uint32)


def _scalar(vec):
    return jnp.max(vec)


def _count(mask):
    return _scalar(plsc.all_reduce_population_count(mask))


def _sortable_keys(v):
    su = plsc.bitcast(v, jnp.uint32)
    top = jnp.uint32(0x80000000)
    return jnp.where(su < top, su + top, ~su)


def _tree_max(vs):
    while len(vs) > 1:
        nxt = [jnp.maximum(vs[i], vs[i + 1]) for i in range(0, len(vs) - 1, 2)]
        if len(vs) % 2:
            nxt.append(vs[-1])
        vs = nxt
    return vs[0]


def _prune(candv, candi, candk, base, off):
    nv = (off + (L - 1)) // L
    iota = _iota()

    def key_body(r, _):
        vv = candv[pl.ds(base + r * L, L)]
        kk = _sortable_keys(vv)
        valid = (r * L + iota) < _splat_i(off)
        candk[pl.ds(base + r * L, L)] = jnp.where(valid, kk, jnp.uint32(0))
        return 0

    lax.fori_loop(0, nv, key_body, 0)

    def bit_body(b, T):
        sh = (31 - b).astype(jnp.uint32)
        trial = T | (jnp.uint32(1) << sh)
        trial_v = _splat_u(trial)

        def cnt_body(r, acc):
            kk = candk[pl.ds(base + r * L, L)]
            return acc + plsc.all_reduce_population_count(kk >= trial_v)

        cnt = _scalar(lax.fori_loop(0, nv, cnt_body, _splat_i(0)))
        return jnp.where(cnt >= K, trial, T)

    T = lax.fori_loop(0, 32, bit_body, jnp.uint32(0))
    T_v = _splat_u(T)

    def n1_body(r, acc):
        kk = candk[pl.ds(base + r * L, L)]
        return acc + plsc.all_reduce_population_count(kk > T_v)

    n1 = _scalar(lax.fori_loop(0, nv, n1_body, _splat_i(0)))
    need = K - n1

    def comp_body(r, carry):
        newoff, taken = carry
        kk = candk[pl.ds(base + r * L, L)]
        m_gt = kk > T_v
        m_eq = kk == T_v
        ce = plsc.cumsum(m_eq.astype(jnp.int32))
        m_take = m_eq & ((_splat_i(taken) + ce) <= _splat_i(need))
        keep = m_gt | m_take
        ck = plsc.cumsum(keep.astype(jnp.int32))
        pos = _splat_i(base + newoff) + ck - 1
        vv = candv[pl.ds(base + r * L, L)]
        iv = candi[pl.ds(base + r * L, L)]
        plsc.store_scatter(candv, [pos], vv, mask=keep)
        plsc.store_scatter(candi, [pos], iv, mask=keep)
        return newoff + _count(keep), taken + _count(m_take)

    lax.fori_loop(0, nv, comp_body, (jnp.int32(0), jnp.int32(0)))

    t0 = jnp.minimum(candv[pl.ds(base, L)], candv[pl.ds(base + L, L)])
    t1 = jnp.minimum(candv[pl.ds(base + 2 * L, L)],
                     candv[pl.ds(base + 3 * L, L)])
    return jnp.min(jnp.minimum(t0, t1))


def _sc_body(logits_hbm, w_hbm, p_hbm, tok_hbm, partv_hbm, parti_hbm,
             buf_a, buf_b, tailbuf, candv, candi, candk,
             mstagev, mstagei, mergev, mergei,
             vstage, istage, pstage, tstage, wstage,
             off_ref, t_ref, sem_a, sem_b):
    cid = lax.axis_index("c")
    sid = lax.axis_index("s")
    band = cid * 4 + sid // 4
    q = sid % 4
    row0 = pl.multiple_of(band * 8, 8)
    qcol0 = q * (QT * 128)
    iota = _iota()
    lane0 = iota == 0

    def issue(ch, buf, sem):
        col0 = pl.multiple_of(qcol0 + ch * CWC, 128)
        pltpu.async_copy(
            logits_hbm.at[pl.ds(row0, 8), pl.ds(col0, CWC)], buf, sem)

    def wait(buf, sem):
        pltpu.make_async_copy(
            logits_hbm.at[pl.ds(row0, 8), pl.ds(0, CWC)], buf, sem).wait()

    def append_vec(s, v, gidx, t_v, off_vec):
        m = v > t_v
        ck = plsc.cumsum(m.astype(jnp.int32))
        pos = _splat_i(s * CAP) + off_vec + ck - 1
        plsc.store_scatter(candv, [pos], v, mask=m)
        plsc.store_scatter(candi, [pos], gidx, mask=m)
        return off_vec + plsc.all_reduce_population_count(m)

    def prune_row(s):
        t2 = _prune(candv, candi, candk, s * CAP, off_ref[s])
        off_ref[s] = K
        t_ref[s] = t2

    def chunk_rows(buf, ccol0):
        def row_body(s, _):
            def group_body(g, _):
                t = t_ref[s]
                gt = g * 3
                gmax = jnp.max(_tree_max(
                    [buf[s, pl.ds((gt + tt) * 128 + u * L, L)]
                     for tt in range(3) for u in range(8)]))

                @pl.when(gmax > t)
                def _slow():
                    off_vec = _splat_i(off_ref[s])
                    t_v = _splat_f(t)
                    for tt in range(3):
                        for u in range(8):
                            v = buf[s, pl.ds((gt + tt) * 128 + u * L, L)]
                            gidx = _splat_i(ccol0 + (gt + tt) * 128
                                            + u * L) + iota
                            off_vec = append_vec(s, v, gidx, t_v, off_vec)
                    off = _scalar(off_vec)
                    off_ref[s] = off

                    @pl.when(off >= PRUNE_AT)
                    def _():
                        prune_row(s)

                return 0

            lax.fori_loop(0, NG, group_body, 0)
            return 0

        lax.fori_loop(0, 8, row_body, 0)

    def init_body(s, _):
        off_ref[s] = 0
        t_ref[s] = jnp.float32(NEG_INF)
        return 0

    lax.fori_loop(0, 8, init_body, 0)

    issue(0, buf_a, sem_a)
    issue(1, buf_b, sem_b)

    def chunk_body(i, _):
        ca = 2 * i
        wait(buf_a, sem_a)
        chunk_rows(buf_a, qcol0 + ca * CWC)

        @pl.when(ca + 2 < NCH)
        def _():
            issue(ca + 2, buf_a, sem_a)

        cb = 2 * i + 1

        @pl.when(cb < NCH)
        def _():
            wait(buf_b, sem_b)
            chunk_rows(buf_b, qcol0 + cb * CWC)

            @pl.when(cb + 2 < NCH)
            def _():
                issue(cb + 2, buf_b, sem_b)

        return 0

    lax.fori_loop(0, (NCH + 1) // 2, chunk_body, 0)

    @pl.when(q == 3)
    def _tail():
        pltpu.sync_copy(
            logits_hbm.at[pl.ds(row0, 8), pl.ds(TAIL0, TAILC)], tailbuf)

        def tail_row(s, _):
            off_vec = _splat_i(off_ref[s])
            t_v = _splat_f(t_ref[s])
            for u in range(TAILC // L):
                v = tailbuf[s, pl.ds(u * L, L)]
                gidx = _splat_i(TAIL0 + u * L) + iota
                off_vec = append_vec(s, v, gidx, t_v, off_vec)
            off_ref[s] = _scalar(off_vec)
            return 0

        lax.fori_loop(0, 8, tail_row, 0)

    def finish_row(s, _):
        prune_row(s)
        for r in range(K // L):
            mstagev[s, pl.ds(r * L, L)] = candv[pl.ds(s * CAP + r * L, L)]
            mstagei[s, pl.ds(r * L, L)] = candi[pl.ds(s * CAP + r * L, L)]
        return 0

    lax.fori_loop(0, 8, finish_row, 0)

    pb = pl.multiple_of(band * 32 + q * 8, 8)
    pltpu.sync_copy(mstagev, partv_hbm.at[pl.ds(pb, 8), :])
    pltpu.sync_copy(mstagei, parti_hbm.at[pl.ds(pb, 8), :])

    plsc.subcore_barrier()

    @pl.when(q == 0)
    def _merge():
        for qq in range(4):
            src = pl.multiple_of(band * 32 + qq * 8, 8)
            pltpu.sync_copy(partv_hbm.at[pl.ds(src, 8), :],
                            mergev.at[pl.ds(qq * 8, 8), :])
            pltpu.sync_copy(parti_hbm.at[pl.ds(src, 8), :],
                            mergei.at[pl.ds(qq * 8, 8), :])
        pltpu.sync_copy(w_hbm.at[pl.ds(row0, 8), :], wstage)

        def merge_row(s, _):
            def cc_body(k16, _):
                qq = k16 // 4
                r4 = k16 % 4
                candv[pl.ds(k16 * L, L)] = mergev[qq * 8 + s,
                                                  pl.ds(r4 * L, L)]
                candi[pl.ds(k16 * L, L)] = mergei[qq * 8 + s,
                                                  pl.ds(r4 * L, L)]
                return 0

            lax.fori_loop(0, 16, cc_body, 0)
            _prune(candv, candi, candk, 0, jnp.int32(4 * K))

            def extract_body(jj, _):
                w0 = jnp.maximum(candv[pl.ds(0, L)], candv[pl.ds(L, L)])
                w1 = jnp.maximum(candv[pl.ds(2 * L, L)],
                                 candv[pl.ds(3 * L, L)])
                mx = jnp.max(jnp.maximum(w0, w1))
                mx_v = _splat_f(mx)
                p_best = _splat_i(BIG)
                for r in range(K // L):
                    vv = candv[pl.ds(r * L, L)]
                    p_best = jnp.minimum(
                        p_best,
                        jnp.where(vv == mx_v, _splat_i(r * L) + iota,
                                  _splat_i(BIG)))
                p_v = _splat_i(jnp.min(p_best))
                jj_v = _splat_i(jj)
                plsc.store_scatter(vstage, [jj_v], mx_v, mask=lane0)
                ival = plsc.load_gather(candi, [p_v])
                plsc.store_scatter(istage, [jj_v], ival, mask=lane0)
                plsc.store_scatter(candv, [p_v], _splat_f(NEG_INF),
                                   mask=lane0)
                return 0

            lax.fori_loop(0, K, extract_body, 0)

            v_r = [vstage[pl.ds(r * L, L)] for r in range(K // L)]
            mx0 = _splat_f(jnp.max(v_r[0]))
            e_r = [jnp.exp(v - mx0) for v in v_r]
            ssum = jnp.sum(e_r[0] + e_r[1] + e_r[2] + e_r[3])
            inv_s = jnp.float32(1.0) / _splat_f(ssum)
            best = _splat_f(NEG_INF)
            scores = []
            for r in range(K // L):
                p_r = e_r[r] * inv_s
                pstage[s, pl.ds(r * L, L)] = p_r
                sc = (p_r + jnp.float32(1e-20)) * wstage[s, pl.ds(r * L, L)]
                scores.append(sc)
                best = jnp.maximum(best, sc)
            smax = _splat_f(jnp.max(best))
            p_best = _splat_i(BIG)
            for r in range(K // L):
                p_best = jnp.minimum(
                    p_best,
                    jnp.where(scores[r] == smax, _splat_i(r * L) + iota,
                              _splat_i(BIG)))
            sp = _splat_i(jnp.min(p_best))
            tok = plsc.load_gather(istage, [sp])
            tstage[s, pl.ds(0, L)] = jnp.where(lane0, tok, 0)
            return 0

        lax.fori_loop(0, 8, merge_row, 0)

        pltpu.sync_copy(pstage, p_hbm.at[pl.ds(row0, 8), :])
        pltpu.sync_copy(tstage, tok_hbm.at[pl.ds(row0, 8), :])


@jax.jit
def _run(logits, w):
    mesh = plsc.VectorSubcoreMesh(core_axis_name="c", subcore_axis_name="s",
                                  num_cores=NC, num_subcores=NS)
    f = pl.kernel(
        _sc_body,
        out_type=(
            jax.ShapeDtypeStruct((R, K), jnp.float32),
            jax.ShapeDtypeStruct((R, L), jnp.int32),
            jax.ShapeDtypeStruct((4 * R, K), jnp.float32),
            jax.ShapeDtypeStruct((4 * R, K), jnp.int32),
        ),
        mesh=mesh,
        compiler_params=pltpu.CompilerParams(use_tc_tiling_on_sc=True,
                                             needs_layout_passes=False),
        scratch_types=[
            pltpu.VMEM((8, CWC), jnp.float32),
            pltpu.VMEM((8, CWC), jnp.float32),
            pltpu.VMEM((8, TAILC), jnp.float32),
            pltpu.VMEM((8 * CAP,), jnp.float32),
            pltpu.VMEM((8 * CAP,), jnp.int32),
            pltpu.VMEM((8 * CAP,), jnp.uint32),
            pltpu.VMEM((8, K), jnp.float32),
            pltpu.VMEM((8, K), jnp.int32),
            pltpu.VMEM((32, K), jnp.float32),
            pltpu.VMEM((32, K), jnp.int32),
            pltpu.VMEM((K,), jnp.float32),
            pltpu.VMEM((K,), jnp.int32),
            pltpu.VMEM((8, K), jnp.float32),
            pltpu.VMEM((8, L), jnp.int32),
            pltpu.VMEM((8, K), jnp.float32),
            pltpu.SMEM((8,), jnp.int32),
            pltpu.SMEM((8,), jnp.float32),
            pltpu.SemaphoreType.DMA,
            pltpu.SemaphoreType.DMA,
        ],
    )
    return f(logits, w)


def kernel(logits):
    w = jnp.exp(jax.random.gumbel(jax.random.key(42), (R, K), jnp.float32))
    p_out, tok_out, _, _ = _run(logits, w)
    return tok_out[:, 0], p_out

# --- scband reference (transcript-rebuilt; emitter-appended) ---
"""Pipeline reference for scband-sampler-85109071937852 (READ-ONLY COPY).

The authoritative reference and input builder live on the scoring server;
editing this copy changes nothing except your own understanding.
"""

import jax, jax.numpy as jnp
import numpy as np

TOP_K = 64        # truncation size used by self.truncate (top-k nucleus-style truncation)
NUM_SAMPLES = 1   # args.num_samples


def setup_inputs(seed: int = 0) -> dict:
    key = jax.random.key(seed)
    logits = jax.random.normal(key, (64, 1000000), dtype=jnp.float32) * 2.0
    return {"logits": logits}


def reference(logits):
    # Faithful translation of the per-step sampling core of Sampler:
    #   probs = softmax(logits)            (F.softmax over vocab)
    #   idx   = truncate(probs)            (top-k truncation of the distribution)
    #   probs = probs[idx] / sum(probs[idx])  (renormalize over kept entries)
    #   sample = multinomial(probs, num_samples)
    probs = jax.nn.softmax(logits, axis=-1)
    topk_p, topk_idx = jax.lax.top_k(probs, TOP_K)
    topk_p = topk_p / jnp.sum(topk_p, axis=-1, keepdims=True)
    # multinomial sampling via the Gumbel-max trick (deterministic key)
    gkey = jax.random.key(42)
    g = jax.random.gumbel(gkey, topk_p.shape, dtype=topk_p.dtype)
    sample = jnp.argmax(jnp.log(topk_p + 1e-20) + g, axis=-1)
    tokens = jnp.take_along_axis(topk_idx, sample[:, None], axis=1)[:, 0]
    return tokens, topk_p

if __name__ == "__main__":
    import jax
    _d = setup_inputs()
    print(jax.jit(kernel)(*tuple(_d.values())))

</pallas_src>

<mosaic_0001>
#map = affine_map<(d0, d1) -> (0, 0)>
module attributes {stable_mosaic.version = 14 : i64} {
  func.func @_sc_body(%arg0: i32, %arg1: i32, %arg2: memref<64x1000000xf32, #tpu.memory_space<hbm>>, %arg3: memref<64x64xf32, #tpu.memory_space<hbm>>, %arg4: memref<64x64xf32, #tpu.memory_space<hbm>>, %arg5: memref<64x16xi32, #tpu.memory_space<hbm>>, %arg6: memref<256x64xf32, #tpu.memory_space<hbm>>, %arg7: memref<256x64xi32, #tpu.memory_space<hbm>>, %arg8: memref<8x2688xf32, #tpu.memory_space<vmem>>, %arg9: memref<8x2688xf32, #tpu.memory_space<vmem>>, %arg10: memref<8x64xf32, #tpu.memory_space<vmem>>, %arg11: memref<5120xf32, #tpu.memory_space<vmem>>, %arg12: memref<5120xi32, #tpu.memory_space<vmem>>, %arg13: memref<5120xi32, #tpu.memory_space<vmem>>, %arg14: memref<8x64xf32, #tpu.memory_space<vmem>>, %arg15: memref<8x64xi32, #tpu.memory_space<vmem>>, %arg16: memref<32x64xf32, #tpu.memory_space<vmem>>, %arg17: memref<32x64xi32, #tpu.memory_space<vmem>>, %arg18: memref<64xf32, #tpu.memory_space<vmem>>, %arg19: memref<64xi32, #tpu.memory_space<vmem>>, %arg20: memref<8x64xf32, #tpu.memory_space<vmem>>, %arg21: memref<8x16xi32, #tpu.memory_space<vmem>>, %arg22: memref<8x64xf32, #tpu.memory_space<vmem>>, %arg23: memref<8xi32, #tpu.memory_space<smem>>, %arg24: memref<8xf32, #tpu.memory_space<smem>>, %arg25: memref<!tpu.dma_semaphore, #tpu.memory_space<semaphore_mem>>, %arg26: memref<!tpu.dma_semaphore, #tpu.memory_space<semaphore_mem>>) attributes {dimension_semantics = [#tpu.dimension_semantics<core_parallel>, #tpu.dimension_semantics<subcore_parallel>], iteration_bounds = array<i64: 2, 16>, scalar_prefetch = 0 : i64, scratch_operands = 19 : i64, tpu.core_type = #tpu.core_type<sc_vector_subcore>, window_params = [{transform_indices = #map}, {transform_indices = #map}, {transform_indices = #map}, {transform_indices = #map}, {transform_indices = #map}, {transform_indices = #map}]} {
    %mul3A = arith.constant 4 : i32
    %mul3A_0 = arith.muli %arg0, %mul3A : i32
    %jit3A = arith.constant 4 : i32
    %div3A = arith.divsi %arg1, %jit3A : i32
    %sign3A = arith.constant 0 : i32
    %sign3A_1 = arith.cmpi sgt, %arg1, %sign3A : i32
    %sign3A_2 = arith.extui %sign3A_1 : i1 to i32
    %sign3A_3 = arith.constant 0 : i32
    %sign3A_4 = arith.cmpi slt, %arg1, %sign3A_3 : i32
    %sign3A_5 = arith.extui %sign3A_4 : i1 to i32
    %sign3A_6 = arith.subi %sign3A_2, %sign3A_5 : i32
    %sign3A_7 = arith.constant 0 : i32
    %sign3A_8 = arith.cmpi sgt, %jit3A, %sign3A_7 : i32
    %sign3A_9 = arith.extui %sign3A_8 : i1 to i32
    %sign3A_10 = arith.constant 0 : i32
    %sign3A_11 = arith.cmpi slt, %jit3A, %sign3A_10 : i32
    %sign3A_12 = arith.extui %sign3A_11 : i1 to i32
    %sign3A_13 = arith.subi %sign3A_9, %sign3A_12 : i32
    %ne3A = arith.cmpi ne, %sign3A_6, %sign3A_13 : i32
    %rem3A = arith.remsi %arg1, %jit3A : i32
    %ne3A_14 = arith.constant 0 : i32
    %ne3A_15 = arith.cmpi ne, %rem3A, %ne3A_14 : i32
    %and3A = arith.andi %ne3A, %ne3A_15 : i1
    %sub3A = arith.constant 1 : i32
    %sub3A_16 = arith.subi %div3A, %sub3A : i32
    %select_n3A = arith.select %and3A, %sub3A_16, %div3A : i32
    %add3A = arith.addi %mul3A_0, %select_n3A : i32
    %jit3A_17 = arith.constant 4 : i32
    %eq3A = arith.constant 0 : i32
    %eq3A_18 = arith.cmpi eq, %jit3A_17, %eq3A : i32
    %jit3A_19 = arith.constant 1 : i32
    %select_n3A_20 = arith.select %eq3A_18, %jit3A_19, %jit3A_17 : i32
    %rem3A_21 = arith.remsi %arg1, %select_n3A_20 : i32
    %ne3A_22 = arith.constant 0 : i32
    %ne3A_23 = arith.cmpi ne, %rem3A_21, %ne3A_22 : i32
    %lt3A = arith.constant 0 : i32
    %lt3A_24 = arith.cmpi slt, %rem3A_21, %lt3A : i32
    %lt3A_25 = arith.constant 0 : i32
    %lt3A_26 = arith.cmpi slt, %select_n3A_20, %lt3A_25 : i32
    %ne3A_27 = arith.xori %lt3A_24, %lt3A_26 : i1
    %and3A_28 = arith.andi %ne3A_27, %ne3A_23 : i1
    %add3A_29 = arith.addi %rem3A_21, %select_n3A_20 : i32
    %select_n3A_30 = arith.select %and3A_28, %add3A_29, %rem3A_21 : i32
    %mul3A_31 = arith.constant 8 : i32
    %mul3A_32 = arith.muli %add3A, %mul3A_31 : i32
    %multiple_of3A = tpu.assume_multiple %mul3A_32, 8 : i32
    %mul3A_33 = arith.constant 249984 : i32
    %mul3A_34 = arith.muli %select_n3A_30, %mul3A_33 : i32
    %iota3A = tpu.iota {dimensions = array<i32: 0>} : vector<16xi32>
    %eq3A_35 = arith.constant 0 : i32
    %eq3A_36 = vector.broadcast %eq3A_35 : i32 to vector<16xi32>
    %eq3A_37 = arith.cmpi eq, %iota3A, %eq3A_36 : vector<16xi32>
    %scan3A = arith.constant 0 : i32
    %scan3A_38 = arith.constant 0 : i32
    %scan3A_39 = arith.constant 8 : i32
    %scan3A_40 = arith.addi %scan3A_38, %scan3A_39 : i32
    %scan3A_41 = arith.constant 1 : i32
    %scan3A_42 = scf.for %scan3A_81 = %scan3A_38 to %scan3A_40 step %scan3A_41 iter_args(%scan3A_82 = %scan3A) -> (i32)  : i32 {
      %swap3A = arith.constant 0 : i32
      %swap3A_83 = arith.index_cast %scan3A_81 : i32 to index
      %swap3A_84 = memref.load %arg23[%swap3A_83] : memref<8xi32, #tpu.memory_space<smem>>
      memref.store %swap3A, %arg23[%swap3A_83] : memref<8xi32, #tpu.memory_space<smem>>
      %swap3A_85 = arith.constant 0xFF800000 : f32
      %swap3A_86 = arith.index_cast %scan3A_81 : i32 to index
      %swap3A_87 = memref.load %arg24[%swap3A_86] : memref<8xf32, #tpu.memory_space<smem>>
      memref.store %swap3A_85, %arg24[%swap3A_86] : memref<8xf32, #tpu.memory_space<smem>>
      %scan3A_88 = arith.constant 0 : i32
      scf.yield %scan3A_88 : i32
    }
    %scan3A_43 = arith.constant 8 : i32
    %add3A_44 = arith.constant 0 : i32
    %add3A_45 = arith.addi %mul3A_34, %add3A_44 : i32
    %multiple_of3A_46 = tpu.assume_multiple %add3A_45, 128 : i32
    %dma_start3A = tpu.memref_slice %arg2[%multiple_of3A, %multiple_of3A_46] : memref<64x1000000xf32, #tpu.memory_space<hbm>> -> memref<8x2688xf32, #tpu.memory_space<hbm>>
    %dma_start3A_47 = tpu.memref_slice %arg2[%multiple_of3A, %multiple_of3A_46] : memref<64x1000000xf32, #tpu.memory_space<hbm>> -> memref<8x2688xf32, #tpu.memory_space<hbm>>
    tpu.enqueue_dma source(%dma_start3A_47 : memref<8x2688xf32, #tpu.memory_space<hbm>>) target(%arg8 : memref<8x2688xf32, #tpu.memory_space<vmem>>) target_semaphore(%arg25 : memref<!tpu.dma_semaphore, #tpu.memory_space<semaphore_mem>>)
    %add3A_48 = arith.constant 2688 : i32
    %add3A_49 = arith.addi %mul3A_34, %add3A_48 : i32
    %multiple_of3A_50 = tpu.assume_multiple %add3A_49, 128 : i32
    %dma_start3A_51 = tpu.memref_slice %arg2[%multiple_of3A, %multiple_of3A_50] : memref<64x1000000xf32, #tpu.memory_space<hbm>> -> memref<8x2688xf32, #tpu.memory_space<hbm>>
    %dma_start3A_52 = tpu.memref_slice %arg2[%multiple_of3A, %multiple_of3A_50] : memref<64x1000000xf32, #tpu.memory_space<hbm>> -> memref<8x2688xf32, #tpu.memory_space<hbm>>
    tpu.enqueue_dma source(%dma_start3A_52 : memref<8x2688xf32, #tpu.memory_space<hbm>>) target(%arg9 : memref<8x2688xf32, #tpu.memory_space<vmem>>) target_semaphore(%arg26 : memref<!tpu.dma_semaphore, #tpu.memory_space<semaphore_mem>>)
    %scan3A_53 = arith.constant 0 : i32
    %scan3A_54 = arith.constant 0 : i32
    %scan3A_55 = arith.constant 47 : i32
    %scan3A_56 = arith.addi %scan3A_54, %scan3A_55 : i32
    %scan3A_57 = arith.constant 1 : i32
    %scan3A_58 = scf.for %scan3A_81 = %scan3A_54 to %scan3A_56 step %scan3A_57 iter_args(%scan3A_82 = %scan3A_53) -> (i32)  : i32 {
      %mul3A_83 = arith.constant 2 : i32
      %mul3A_84 = arith.muli %mul3A_83, %scan3A_81 : i32
      %dma_wait3A = arith.constant 0 : i32
      %dma_wait3A_85 = tpu.memref_slice %arg2[%multiple_of3A, %dma_wait3A] : memref<64x1000000xf32, #tpu.memory_space<hbm>> -> memref<8x2688xf32, #tpu.memory_space<hbm>>
      %dma_wait3A_86 = arith.constant 0 : i32
      %dma_wait3A_87 = tpu.memref_slice %arg2[%multiple_of3A, %dma_wait3A_86] : memref<64x1000000xf32, #tpu.memory_space<hbm>> -> memref<8x2688xf32, #tpu.memory_space<hbm>>
      tpu.wait_dma2 semaphore(%arg25 : memref<!tpu.dma_semaphore, #tpu.memory_space<semaphore_mem>>) src(%dma_wait3A_87 : memref<8x2688xf32, #tpu.memory_space<hbm>>) dst(%arg8 : memref<8x2688xf32, #tpu.memory_space<vmem>>)
      %mul3A_88 = arith.constant 2688 : i32
      %mul3A_89 = arith.muli %mul3A_84, %mul3A_88 : i32
      %add3A_90 = arith.addi %mul3A_34, %mul3A_89 : i32
      %scan3A_91 = arith.constant 0 : i32
      %scan3A_92 = arith.constant 0 : i32
      %scan3A_93 = arith.constant 8 : i32
      %scan3A_94 = arith.addi %scan3A_92, %scan3A_93 : i32
      %scan3A_95 = arith.constant 1 : i32
      %scan3A_96 = scf.for %scan3A_115 = %scan3A_92 to %scan3A_94 step %scan3A_95 iter_args(%scan3A_116 = %scan3A_91) -> (i32)  : i32 {
        %scan3A_117 = arith.constant 0 : i32
        %scan3A_118 = arith.constant 0 : i32
        %scan3A_119 = arith.constant 7 : i32
        %scan3A_120 = arith.addi %scan3A_118, %scan3A_119 : i32
        %scan3A_121 = arith.constant 1 : i32
        %scan3A_122 = scf.for %scan3A_125 = %scan3A_118 to %scan3A_120 step %scan3A_121 iter_args(%scan3A_126 = %scan3A_117) -> (i32)  : i32 {
          %get3A = arith.index_cast %scan3A_115 : i32 to index
          %get3A_127 = memref.load %arg24[%get3A] : memref<8xf32, #tpu.memory_space<smem>>
          %mul3A_128 = arith.constant 3 : i32
          %mul3A_129 = arith.muli %scan3A_125, %mul3A_128 : i32
          %add3A_130 = arith.constant 0 : i32
          %add3A_131 = arith.addi %mul3A_129, %add3A_130 : i32
          %mul3A_132 = arith.constant 128 : i32
          %mul3A_133 = arith.muli %add3A_131, %mul3A_132 : i32
          %add3A_134 = arith.constant 0 : i32
          %add3A_135 = arith.addi %mul3A_133, %add3A_134 : i32
          %get3A_136 = arith.index_cast %scan3A_115 : i32 to index
          %get3A_137 = arith.index_cast %add3A_135 : i32 to index
          %get3A_138 = tpu.vector_load %arg8[%get3A_136, %get3A_137] {strides = array<i32>} : memref<8x2688xf32, #tpu.memory_space<vmem>>, vector<16xf32>,
          %add3A_139 = arith.constant 0 : i32
          %add3A_140 = arith.addi %mul3A_129, %add3A_139 : i32
          %mul3A_141 = arith.constant 128 : i32
          %mul3A_142 = arith.muli %add3A_140, %mul3A_141 : i32
          %add3A_143 = arith.constant 16 : i32
          %add3A_144 = arith.addi %mul3A_142, %add3A_143 : i32
          %get3A_145 = arith.index_cast %scan3A_115 : i32 to index
          %get3A_146 = arith.index_cast %add3A_144 : i32 to index
          %get3A_147 = tpu.vector_load %arg8[%get3A_145, %get3A_146] {strides = array<i32>} : memref<8x2688xf32, #tpu.memory_space<vmem>>, vector<16xf32>,
          %add3A_148 = arith.constant 0 : i32
          %add3A_149 = arith.addi %mul3A_129, %add3A_148 : i32
          %mul3A_150 = arith.constant 128 : i32
          %mul3A_151 = arith.muli %add3A_149, %mul3A_150 : i32
          %add3A_152 = arith.constant 32 : i32
          %add3A_153 = arith.addi %mul3A_151, %add3A_152 : i32
          %get3A_154 = arith.index_cast %scan3A_115 : i32 to index
          %get3A_155 = arith.index_cast %add3A_153 : i32 to index
          %get3A_156 = tpu.vector_load %arg8[%get3A_154, %get3A_155] {strides = array<i32>} : memref<8x2688xf32, #tpu.memory_space<vmem>>, vector<16xf32>,
          %add3A_157 = arith.constant 0 : i32
          %add3A_158 = arith.addi %mul3A_129, %add3A_157 : i32
          %mul3A_159 = arith.constant 128 : i32
          %mul3A_160 = arith.muli %add3A_158, %mul3A_159 : i32
          %add3A_161 = arith.constant 48 : i32
          %add3A_162 = arith.addi %mul3A_160, %add3A_161 : i32
          %get3A_163 = arith.index_cast %scan3A_115 : i32 to index
          %get3A_164 = arith.index_cast %add3A_162 : i32 to index
          %get3A_165 = tpu.vector_load %arg8[%get3A_163, %get3A_164] {strides = array<i32>} : memref<8x2688xf32, #tpu.memory_space<vmem>>, vector<16xf32>,
          %add3A_166 = arith.constant 0 : i32
          %add3A_167 = arith.addi %mul3A_129, %add3A_166 : i32
          %mul3A_168 = arith.constant 128 : i32
          %mul3A_169 = arith.muli %add3A_167, %mul3A_168 : i32
          %add3A_170 = arith.constant 64 : i32
          %add3A_171 = arith.addi %mul3A_169, %add3A_170 : i32
          %get3A_172 = arith.index_cast %scan3A_115 : i32 to index
          %get3A_173 = arith.index_cast %add3A_171 : i32 to index
          %get3A_174 = tpu.vector_load %arg8[%get3A_172, %get3A_173] {strides = array<i32>} : memref<8x2688xf32, #tpu.memory_space<vmem>>, vector<16xf32>,
          %add3A_175 = arith.constant 0 : i32
          %add3A_176 = arith.addi %mul3A_129, %add3A_175 : i32
          %mul3A_177 = arith.constant 128 : i32
          %mul3A_178 = arith.muli %add3A_176, %mul3A_177 : i32
          %add3A_179 = arith.constant 80 : i32
          %add3A_180 = arith.addi %mul3A_178, %add3A_179 : i32
          %get3A_181 = arith.index_cast %scan3A_115 : i32 to index
          %get3A_182 = arith.index_cast %add3A_180 : i32 to index
          %get3A_183 = tpu.vector_load %arg8[%get3A_181, %get3A_182] {strides = array<i32>} : memref<8x2688xf32, #tpu.memory_space<vmem>>, vector<16xf32>,
          %add3A_184 = arith.constant 0 : i32
          %add3A_185 = arith.addi %mul3A_129, %add3A_184 : i32
          %mul3A_186 = arith.constant 128 : i32
          %mul3A_187 = arith.muli %add3A_185, %mul3A_186 : i32
          %add3A_188 = arith.constant 96 : i32
          %add3A_189 = arith.addi %mul3A_187, %add3A_188 : i32
          %get3A_190 = arith.index_cast %scan3A_115 : i32 to index
          %get3A_191 = arith.index_cast %add3A_189 : i32 to index
          %get3A_192 = tpu.vector_load %arg8[%get3A_190, %get3A_191] {strides = array<i32>} : memref<8x2688xf32, #tpu.memory_space<vmem>>, vector<16xf32>,
          %add3A_193 = arith.constant 0 : i32
          %add3A_194 = arith.addi %mul3A_129, %add3A_193 : i32
          %mul3A_195 = arith.constant 128 : i32
          %mul3A_196 = arith.muli %add3A_194, %mul3A_195 : i32
          %add3A_197 = arith.constant 112 : i32
          %add3A_198 = arith.addi %mul3A_196, %add3A_197 : i32
          %get3A_199 = arith.index_cast %scan3A_115 : i32 to index
          %get3A_200 = arith.index_cast %add3A_198 : i32 to index
          %get3A_201 = tpu.vector_load %arg8[%get3A_199, %get3A_200] {strides = array<i32>} : memref<8x2688xf32, #tpu.memory_space<vmem>>, vector<16xf32>,
          %add3A_202 = arith.constant 1 : i32
          %add3A_203 = arith.addi %mul3A_129, %add3A_202 : i32
          %mul3A_204 = arith.constant 128 : i32
          %mul3A_205 = arith.muli %add3A_203, %mul3A_204 : i32
          %add3A_206 = arith.constant 0 : i32
          %add3A_207 = arith.addi %mul3A_205, %add3A_206 : i32
          %get3A_208 = arith.index_cast %scan3A_115 : i32 to index
          %get3A_209 = arith.index_cast %add3A_207 : i32 to index
          %get3A_210 = tpu.vector_load %arg8[%get3A_208, %get3A_209] {strides = array<i32>} : memref<8x2688xf32, #tpu.memory_space<vmem>>, vector<16xf32>,
          %add3A_211 = arith.constant 1 : i32
          %add3A_212 = arith.addi %mul3A_129, %add3A_211 : i32
          %mul3A_213 = arith.constant 128 : i32
          %mul3A_214 = arith.muli %add3A_212, %mul3A_213 : i32
          %add3A_215 = arith.constant 16 : i32
          %add3A_216 = arith.addi %mul3A_214, %add3A_215 : i32
          %get3A_217 = arith.index_cast %scan3A_115 : i32 to index
          %get3A_218 = arith.index_cast %add3A_216 : i32 to index
          %get3A_219 = tpu.vector_load %arg8[%get3A_217, %get3A_218] {strides = array<i32>} : memref<8x2688xf32, #tpu.memory_space<vmem>>, vector<16xf32>,
          %add3A_220 = arith.constant 1 : i32
          %add3A_221 = arith.addi %mul3A_129, %add3A_220 : i32
          %mul3A_222 = arith.constant 128 : i32
          %mul3A_223 = arith.muli %add3A_221, %mul3A_222 : i32
          %add3A_224 = arith.constant 32 : i32
          %add3A_225 = arith.addi %mul3A_223, %add3A_224 : i32
          %get3A_226 = arith.index_cast %scan3A_115 : i32 to index
          %get3A_227 = arith.index_cast %add3A_225 : i32 to index
          %get3A_228 = tpu.vector_load %arg8[%get3A_226, %get3A_227] {strides = array<i32>} : memref<8x2688xf32, #tpu.memory_space<vmem>>, vector<16xf32>,
          %add3A_229 = arith.constant 1 : i32
          %add3A_230 = arith.addi %mul3A_129, %add3A_229 : i32
          %mul3A_231 = arith.constant 128 : i32
          %mul3A_232 = arith.muli %add3A_230, %mul3A_231 : i32
          %add3A_233 = arith.constant 48 : i32
          %add3A_234 = arith.addi %mul3A_232, %add3A_233 : i32
          %get3A_235 = arith.index_cast %scan3A_115 : i32 to index
          %get3A_236 = arith.index_cast %add3A_234 : i32 to index
          %get3A_237 = tpu.vector_load %arg8[%get3A_235, %get3A_236] {strides = array<i32>} : memref<8x2688xf32, #tpu.memory_space<vmem>>, vector<16xf32>,
          %add3A_238 = arith.constant 1 : i32
          %add3A_239 = arith.addi %mul3A_129, %add3A_238 : i32
          %mul3A_240 = arith.constant 128 : i32
          %mul3A_241 = arith.muli %add3A_239, %mul3A_240 : i32
          %add3A_242 = arith.constant 64 : i32
          %add3A_243 = arith.addi %mul3A_241, %add3A_242 : i32
          %get3A_244 = arith.index_cast %scan3A_115 : i32 to index
          %get3A_245 = arith.index_cast %add3A_243 : i32 to index
          %get3A_246 = tpu.vector_load %arg8[%get3A_244, %get3A_245] {strides = array<i32>} : memref<8x2688xf32, #tpu.memory_space<vmem>>, vector<16xf32>,
          %add3A_247 = arith.constant 1 : i32
          %add3A_248 = arith.addi %mul3A_129, %add3A_247 : i32
          %mul3A_249 = arith.constant 128 : i32
          %mul3A_250 = arith.muli %add3A_248, %mul3A_249 : i32
          %add3A_251 = arith.constant 80 : i32
          %add3A_252 = arith.addi %mul3A_250, %add3A_251 : i32
          %get3A_253 = arith.index_cast %scan3A_115 : i32 to index
          %get3A_254 = arith.index_cast %add3A_252 : i32 to index
          %get3A_255 = tpu.vector_load %arg8[%get3A_253, %get3A_254] {strides = array<i32>} : memref<8x2688xf32, #tpu.memory_space<vmem>>, vector<16xf32>,
          %add3A_256 = arith.constant 1 : i32
          %add3A_257 = arith.addi %mul3A_129, %add3A_256 : i32
          %mul3A_258 = arith.constant 128 : i32
          %mul3A_259 = arith.muli %add3A_257, %mul3A_258 : i32
          %add3A_260 = arith.constant 96 : i32
          %add3A_261 = arith.addi %mul3A_259, %add3A_260 : i32
          %get3A_262 = arith.index_cast %scan3A_115 : i32 to index
          %get3A_263 = arith.index_cast %add3A_261 : i32 to index
          %get3A_264 = tpu.vector_load %arg8[%get3A_262, %get3A_263] {strides = array<i32>} : memref<8x2688xf32, #tpu.memory_space<vmem>>, vector<16xf32>,
          %add3A_265 = arith.constant 1 : i32
          %add3A_266 = arith.addi %mul3A_129, %add3A_265 : i32
          %mul3A_267 = arith.constant 128 : i32
          %mul3A_268 = arith.muli %add3A_266, %mul3A_267 : i32
          %add3A_269 = arith.constant 112 : i32
          %add3A_270 = arith.addi %mul3A_268, %add3A_269 : i32
          %get3A_271 = arith.index_cast %scan3A_115 : i32 to index
          %get3A_272 = arith.index_cast %add3A_270 : i32 to index
          %get3A_273 = tpu.vector_load %arg8[%get3A_271, %get3A_272] {strides = array<i32>} : memref<8x2688xf32, #tpu.memory_space<vmem>>, vector<16xf32>,
          %add3A_274 = arith.constant 2 : i32
          %add3A_275 = arith.addi %mul3A_129, %add3A_274 : i32
          %mul3A_276 = arith.constant 128 : i32
          %mul3A_277 = arith.muli %add3A_275, %mul3A_276 : i32
          %add3A_278 = arith.constant 0 : i32
          %add3A_279 = arith.addi %mul3A_277, %add3A_278 : i32
          %get3A_280 = arith.index_cast %scan3A_115 : i32 to index
          %get3A_281 = arith.index_cast %add3A_279 : i32 to index
          %get3A_282 = tpu.vector_load %arg8[%get3A_280, %get3A_281] {strides = array<i32>} : memref<8x2688xf32, #tpu.memory_space<vmem>>, vector<16xf32>,
          %add3A_283 = arith.constant 2 : i32
          %add3A_284 = arith.addi %mul3A_129, %add3A_283 : i32
          %mul3A_285 = arith.constant 128 : i32
          %mul3A_286 = arith.muli %add3A_284, %mul3A_285 : i32
          %add3A_287 = arith.constant 16 : i32
          %add3A_288 = arith.addi %mul3A_286, %add3A_287 : i32
          %get3A_289 = arith.index_cast %scan3A_115 : i32 to index
          %get3A_290 = arith.index_cast %add3A_288 : i32 to index
          %get3A_291 = tpu.vector_load %arg8[%get3A_289, %get3A_290] {strides = array<i32>} : memref<8x2688xf32, #tpu.memory_space<vmem>>, vector<16xf32>,
          %add3A_292 = arith.constant 2 : i32
          %add3A_293 = arith.addi %mul3A_129, %add3A_292 : i32
          %mul3A_294 = arith.constant 128 : i32
          %mul3A_295 = arith.muli %add3A_293, %mul3A_294 : i32
          %add3A_296 = arith.constant 32 : i32
          %add3A_297 = arith.addi %mul3A_295, %add3A_296 : i32
          %get3A_298 = arith.index_cast %scan3A_115 : i32 to index
          %get3A_299 = arith.index_cast %add3A_297 : i32 to index
          %get3A_300 = tpu.vector_load %arg8[%get3A_298, %get3A_299] {strides = array<i32>} : memref<8x2688xf32, #tpu.memory_space<vmem>>, vector<16xf32>,
          %add3A_301 = arith.constant 2 : i32
          %add3A_302 = arith.addi %mul3A_129, %add3A_301 : i32
          %mul3A_303 = arith.constant 128 : i32
          %mul3A_304 = arith.muli %add3A_302, %mul3A_303 : i32
          %add3A_305 = arith.constant 48 : i32
          %add3A_306 = arith.addi %mul3A_304, %add3A_305 : i32
          %get3A_307 = arith.index_cast %scan3A_115 : i32 to index
          %get3A_308 = arith.index_cast %add3A_306 : i32 to index
          %get3A_309 = tpu.vector_load %arg8[%get3A_307, %get3A_308] {strides = array<i32>} : memref<8x2688xf32, #tpu.memory_space<vmem>>, vector<16xf32>,
          %add3A_310 = arith.constant 2 : i32
          %add3A_311 = arith.addi %mul3A_129, %add3A_310 : i32
          %mul3A_312 = arith.constant 128 : i32
          %mul3A_313 = arith.muli %add3A_311, %mul3A_312 : i32
          %add3A_314 = arith.constant 64 : i32
          %add3A_315 = arith.addi %mul3A_313, %add3A_314 : i32
          %get3A_316 = arith.index_cast %scan3A_115 : i32 to index
          %get3A_317 = arith.index_cast %add3A_315 : i32 to index
          %get3A_318 = tpu.vector_load %arg8[%get3A_316, %get3A_317] {strides = array<i32>} : memref<8x2688xf32, #tpu.memory_space<vmem>>, vector<16xf32>,
          %add3A_319 = arith.constant 2 : i32
          %add3A_320 = arith.addi %mul3A_129, %add3A_319 : i32
          %mul3A_321 = arith.constant 128 : i32
          %mul3A_322 = arith.muli %add3A_320, %mul3A_321 : i32
          %add3A_323 = arith.constant 80 : i32
          %add3A_324 = arith.addi %mul3A_322, %add3A_323 : i32
          %get3A_325 = arith.index_cast %scan3A_115 : i32 to index
          %get3A_326 = arith.index_cast %add3A_324 : i32 to index
          %get3A_327 = tpu.vector_load %arg8[%get3A_325, %get3A_326] {strides = array<i32>} : memref<8x2688xf32, #tpu.memory_space<vmem>>, vector<16xf32>,
          %add3A_328 = arith.constant 2 : i32
          %add3A_329 = arith.addi %mul3A_129, %add3A_328 : i32
          %mul3A_330 = arith.constant 128 : i32
          %mul3A_331 = arith.muli %add3A_329, %mul3A_330 : i32
          %add3A_332 = arith.constant 96 : i32
          %add3A_333 = arith.addi %mul3A_331, %add3A_332 : i32
          %get3A_334 = arith.index_cast %scan3A_115 : i32 to index
          %get3A_335 = arith.index_cast %add3A_333 : i32 to index
          %get3A_336 = tpu.vector_load %arg8[%get3A_334, %get3A_335] {strides = array<i32>} : memref<8x2688xf32, #tpu.memory_space<vmem>>, vector<16xf32>,
          %add3A_337 = arith.constant 2 : i32
          %add3A_338 = arith.addi %mul3A_129, %add3A_337 : i32
          %mul3A_339 = arith.constant 128 : i32
          %mul3A_340 = arith.muli %add3A_338, %mul3A_339 : i32
          %add3A_341 = arith.constant 112 : i32
          %add3A_342 = arith.addi %mul3A_340, %add3A_341 : i32
          %get3A_343 = arith.index_cast %scan3A_115 : i32 to index
          %get3A_344 = arith.index_cast %add3A_342 : i32 to index
          %get3A_345 = tpu.vector_load %arg8[%get3A_343, %get3A_344] {strides = array<i32>} : memref<8x2688xf32, #tpu.memory_space<vmem>>, vector<16xf32>,
          %max3A = arith.maximumf %get3A_138, %get3A_147 : vector<16xf32>
          %max3A_346 = arith.maximumf %get3A_156, %get3A_165 : vector<16xf32>
          %max3A_347 = arith.maximumf %get3A_174, %get3A_183 : vector<16xf32>
          %max3A_348 = arith.maximumf %get3A_192, %get3A_201 : vector<16xf32>
          %max3A_349 = arith.maximumf %get3A_210, %get3A_219 : vector<16xf32>
          %max3A_350 = arith.maximumf %get3A_228, %get3A_237 : vector<16xf32>
          %max3A_351 = arith.maximumf %get3A_246, %get3A_255 : vector<16xf32>
          %max3A_352 = arith.maximumf %get3A_264, %get3A_273 : vector<16xf32>
          %max3A_353 = arith.maximumf %get3A_282, %get3A_291 : vector<16xf32>
          %max3A_354 = arith.maximumf %get3A_300, %get3A_309 : vector<16xf32>
          %max3A_355 = arith.maximumf %get3A_318, %get3A_327 : vector<16xf32>
          %max3A_356 = arith.maximumf %get3A_336, %get3A_345 : vector<16xf32>
          %max3A_357 = arith.maximumf %max3A, %max3A_346 : vector<16xf32>
          %max3A_358 = arith.maximumf %max3A_347, %max3A_348 : vector<16xf32>
          %max3A_359 = arith.maximumf %max3A_349, %max3A_350 : vector<16xf32>
          %max3A_360 = arith.maximumf %max3A_351, %max3A_352 : vector<16xf32>
          %max3A_361 = arith.maximumf %max3A_353, %max3A_354 : vector<16xf32>
          %max3A_362 = arith.maximumf %max3A_355, %max3A_356 : vector<16xf32>
          %max3A_363 = arith.maximumf %max3A_357, %max3A_358 : vector<16xf32>
          %max3A_364 = arith.maximumf %max3A_359, %max3A_360 : vector<16xf32>
          %max3A_365 = arith.maximumf %max3A_361, %max3A_362 : vector<16xf32>
          %max3A_366 = arith.maximumf %max3A_363, %max3A_364 : vector<16xf32>
          %max3A_367 = arith.maximumf %max3A_366, %max3A_365 : vector<16xf32>
          %reduce_max3A = arith.constant true
          %reduce_max3A_368 = vector.broadcast %reduce_max3A : i1 to vector<16xi1>
          %reduce_max3A_369 = tpu.scan <max>, %max3A_367 masked %reduce_max3A_368 : vector<16xf32>, vector<16xi1> -> vector<16xf32>
          %reduce_max3A_370 = vector.extract %reduce_max3A_369[15] : f32 from vector<16xf32>
          %gt3A = arith.cmpf ogt, %reduce_max3A_370, %get3A_127 : f32
          %convert_element_type3A_371 = arith.extui %gt3A : i1 to i32
          %cond3A_372 = arith.constant 0 : i32
          %cond3A_373 = arith.cmpi ne, %convert_element_type3A_371, %cond3A_372 : i32
          scf.if %cond3A_373 {
            %get3A_375 = arith.index_cast %scan3A_115 : i32 to index
            %get3A_376 = memref.load %arg23[%get3A_375] : memref<8xi32, #tpu.memory_space<smem>>
            %broadcast_in_dim3A = vector.broadcast %get3A_376 : i32 to vector<16xi32>
            %broadcast_in_dim3A_377 = vector.broadcast %get3A_127 : f32 to vector<16xf32>
            %add3A_378 = arith.constant 0 : i32
            %add3A_379 = arith.addi %mul3A_129, %add3A_378 : i32
            %mul3A_380 = arith.constant 128 : i32
            %mul3A_381 = arith.muli %add3A_379, %mul3A_380 : i32
            %add3A_382 = arith.constant 0 : i32
            %add3A_383 = arith.addi %mul3A_381, %add3A_382 : i32
            %get3A_384 = arith.index_cast %scan3A_115 : i32 to index
            %get3A_385 = arith.index_cast %add3A_383 : i32 to index
            %get3A_386 = tpu.vector_load %arg8[%get3A_384, %get3A_385] {strides = array<i32>} : memref<8x2688xf32, #tpu.memory_space<vmem>>, vector<16xf32>,
            %add3A_387 = arith.constant 0 : i32
            %add3A_388 = arith.addi %mul3A_129, %add3A_387 : i32
            %mul3A_389 = arith.constant 128 : i32
            %mul3A_390 = arith.muli %add3A_388, %mul3A_389 : i32
            %add3A_391 = arith.addi %add3A_90, %mul3A_390 : i32
            %add3A_392 = arith.constant 0 : i32
            %add3A_393 = arith.addi %add3A_391, %add3A_392 : i32
            %broadcast_in_dim3A_394 = vector.broadcast %add3A_393 : i32 to vector<16xi32>
            %add3A_395 = arith.addi %broadcast_in_dim3A_394, %iota3A : vector<16xi32>
            %gt3A_396 = arith.cmpf ogt, %get3A_386, %broadcast_in_dim3A_377 : vector<16xf32>
            %convert_element_type3A_397 = arith.extui %gt3A_396 : vector<16xi1> to vector<16xi32>
            %broadcast_in_dim3A_398 = arith.constant true
            %broadcast_in_dim3A_399 = vector.broadcast %broadcast_in_dim3A_398 : i1 to vector<16xi1>
            %masked_cumsum3A = tpu.scan <sum>, %convert_element_type3A_397 masked %broadcast_in_dim3A_399 : vector<16xi32>, vector<16xi1> -> vector<16xi32>
            %mul3A_400 = arith.constant 640 : i32
            %mul3A_401 = arith.muli %scan3A_115, %mul3A_400 : i32
            %broadcast_in_dim3A_402 = vector.broadcast %mul3A_401 : i32 to vector<16xi32>
            %add3A_403 = arith.addi %broadcast_in_dim3A_402, %broadcast_in_dim3A : vector<16xi32>
            %add3A_404 = arith.addi %add3A_403, %masked_cumsum3A : vector<16xi32>
            %sub3A_405 = arith.constant 1 : i32
            %sub3A_406 = vector.broadcast %sub3A_405 : i32 to vector<16xi32>
            %sub3A_407 = arith.subi %add3A_404, %sub3A_406 : vector<16xi32>
            tpu.vector_store_idx %arg11[%sub3A_407], %get3A_386 masked %gt3A_396 : memref<5120xf32, #tpu.memory_space<vmem>>[vector<16xi32>], vector<16xf32>, vector<16xi1>
            tpu.vector_store_idx %arg12[%sub3A_407], %add3A_395 masked %gt3A_396 : memref<5120xi32, #tpu.memory_space<vmem>>[vector<16xi32>], vector<16xi32>, vector<16xi1>
            %all_reduce_population_count3A = tpu.all_reduce %gt3A_396 {dim = 0 : i64, kind = #tpu.reduction_kind<sum>} : vector<16xi1> -> vector<16xi32>
            %add3A_408 = arith.addi %broadcast_in_dim3A, %all_reduce_population_count3A : vector<16xi32>
            %add3A_409 = arith.constant 0 : i32
            %add3A_410 = arith.addi %mul3A_129, %add3A_409 : i32
            %mul3A_411 = arith.constant 128 : i32
            %mul3A_412 = arith.muli %add3A_410, %mul3A_411 : i32
            %add3A_413 = arith.constant 16 : i32
            %add3A_414 = arith.addi %mul3A_412, %add3A_413 : i32
            %get3A_415 = arith.index_cast %scan3A_115 : i32 to index
            %get3A_416 = arith.index_cast %add3A_414 : i32 to index
            %get3A_417 = tpu.vector_load %arg8[%get3A_415, %get3A_416] {strides = array<i32>} : memref<8x2688xf32, #tpu.memory_space<vmem>>, vector<16xf32>,
            %add3A_418 = arith.constant 0 : i32
            %add3A_419 = arith.addi %mul3A_129, %add3A_418 : i32
            %mul3A_420 = arith.constant 128 : i32
            %mul3A_421 = arith.muli %add3A_419, %mul3A_420 : i32
            %add3A_422 = arith.addi %add3A_90, %mul3A_421 : i32
            %add3A_423 = arith.constant 16 : i32
            %add3A_424 = arith.addi %add3A_422, %add3A_423 : i32
            %broadcast_in_dim3A_425 = vector.broadcast %add3A_424 : i32 to vector<16xi32>
            %add3A_426 = arith.addi %broadcast_in_dim3A_425, %iota3A : vector<16xi32>
            %gt3A_427 = arith.cmpf ogt, %get3A_417, %broadcast_in_dim3A_377 : vector<16xf32>
            %convert_element_type3A_428 = arith.extui %gt3A_427 : vector<16xi1> to vector<16xi32>
            %broadcast_in_dim3A_429 = arith.constant true
            %broadcast_in_dim3A_430 = vector.broadcast %broadcast_in_dim3A_429 : i1 to vector<16xi1>
            %masked_cumsum3A_431 = tpu.scan <sum>, %convert_element_type3A_428 masked %broadcast_in_dim3A_430 : vector<16xi32>, vector<16xi1> -> vector<16xi32>
            %mul3A_432 = arith.constant 640 : i32
            %mul3A_433 = arith.muli %scan3A_115, %mul3A_432 : i32
            %broadcast_in_dim3A_434 = vector.broadcast %mul3A_433 : i32 to vector<16xi32>
            %add3A_435 = arith.addi %broadcast_in_dim3A_434, %add3A_408 : vector<16xi32>
            %add3A_436 = arith.addi %add3A_435, %masked_cumsum3A_431 : vector<16xi32>
            %sub3A_437 = arith.constant 1 : i32
            %sub3A_438 = vector.broadcast %sub3A_437 : i32 to vector<16xi32>
            %sub3A_439 = arith.subi %add3A_436, %sub3A_438 : vector<16xi32>
            tpu.vector_store_idx %arg11[%sub3A_439], %get3A_417 masked %gt3A_427 : memref<5120xf32, #tpu.memory_space<vmem>>[vector<16xi32>], vector<16xf32>, vector<16xi1>
            tpu.vector_store_idx %arg12[%sub3A_439], %add3A_426 masked %gt3A_427 : memref<5120xi32, #tpu.memory_space<vmem>>[vector<16xi32>], vector<16xi32>, vector<16xi1>
            %all_reduce_population_count3A_440 = tpu.all_reduce %gt3A_427 {dim = 0 : i64, kind = #tpu.reduction_kind<sum>} : vector<16xi1> -> vector<16xi32>
            %add3A_441 = arith.addi %add3A_408, %all_reduce_population_count3A_440 : vector<16xi32>
            %add3A_442 = arith.constant 0 : i32
            %add3A_443 = arith.addi %mul3A_129, %add3A_442 : i32
            %mul3A_444 = arith.constant 128 : i32
            %mul3A_445 = arith.muli %add3A_443, %mul3A_444 : i32
            %add3A_446 = arith.constant 32 : i32
            %add3A_447 = arith.addi %mul3A_445, %add3A_446 : i32
            %get3A_448 = arith.index_cast %scan3A_115 : i32 to index
            %get3A_449 = arith.index_cast %add3A_447 : i32 to index
            %get3A_450 = tpu.vector_load %arg8[%get3A_448, %get3A_449] {strides = array<i32>} : memref<8x2688xf32, #tpu.memory_space<vmem>>, vector<16xf32>,
            %add3A_451 = arith.constant 0 : i32
            %add3A_452 = arith.addi %mul3A_129, %add3A_451 : i32
            %mul3A_453 = arith.constant 128 : i32
            %mul3A_454 = arith.muli %add3A_452, %mul3A_453 : i32
            %add3A_455 = arith.addi %add3A_90, %mul3A_454 : i32
            %add3A_456 = arith.constant 32 : i32
            %add3A_457 = arith.addi %add3A_455, %add3A_456 : i32
            %broadcast_in_dim3A_458 = vector.broadcast %add3A_457 : i32 to vector<16xi32>
            %add3A_459 = arith.addi %broadcast_in_dim3A_458, %iota3A : vector<16xi32>
            %gt3A_460 = arith.cmpf ogt, %get3A_450, %broadcast_in_dim3A_377 : vector<16xf32>
            %convert_element_type3A_461 = arith.extui %gt3A_460 : vector<16xi1> to vector<16xi32>
            %broadcast_in_dim3A_462 = arith.constant true
            %broadcast_in_dim3A_463 = vector.broadcast %broadcast_in_dim3A_462 : i1 to vector<16xi1>
            %masked_cumsum3A_464 = tpu.scan <sum>, %convert_element_type3A_461 masked %broadcast_in_dim3A_463 : vector<16xi32>, vector<16xi1> -> vector<16xi32>
            %mul3A_465 = arith.constant 640 : i32
            %mul3A_466 = arith.muli %scan3A_115, %mul3A_465 : i32
            %broadcast_in_dim3A_467 = vector.broadcast %mul3A_466 : i32 to vector<16xi32>
            %add3A_468 = arith.addi %broadcast_in_dim3A_467, %add3A_441 : vector<16xi32>
            %add3A_469 = arith.addi %add3A_468, %masked_cumsum3A_464 : vector<16xi32>
            %sub3A_470 = arith.constant 1 : i32
            %sub3A_471 = vector.broadcast %sub3A_470 : i32 to vector<16xi32>
            %sub3A_472 = arith.subi %add3A_469, %sub3A_471 : vector<16xi32>
            tpu.vector_store_idx %arg11[%sub3A_472], %get3A_450 masked %gt3A_460 : memref<5120xf32, #tpu.memory_space<vmem>>[vector<16xi32>], vector<16xf32>, vector<16xi1>
            tpu.vector_store_idx %arg12[%sub3A_472], %add3A_459 masked %gt3A_460 : memref<5120xi32, #tpu.memory_space<vmem>>[vector<16xi32>], vector<16xi32>, vector<16xi1>
            %all_reduce_population_count3A_473 = tpu.all_reduce %gt3A_460 {dim = 0 : i64, kind = #tpu.reduction_kind<sum>} : vector<16xi1> -> vector<16xi32>
            %add3A_474 = arith.addi %add3A_441, %all_reduce_population_count3A_473 : vector<16xi32>
            %add3A_475 = arith.constant 0 : i32
            %add3A_476 = arith.addi %mul3A_129, %add3A_475 : i32
            %mul3A_477 = arith.constant 128 : i32
            %mul3A_478 = arith.muli %add3A_476, %mul3A_477 : i32
            %add3A_479 = arith.constant 48 : i32
            %add3A_480 = arith.addi %mul3A_478, %add3A_479 : i32
            %get3A_481 = arith.index_cast %scan3A_115 : i32 to index
            %get3A_482 = arith.index_cast %add3A_480 : i32 to index
            %get3A_483 = tpu.vector_load %arg8[%get3A_481, %get3A_482] {strides = array<i32>} : memref<8x2688xf32, #tpu.memory_space<vmem>>, vector<16xf32>,
            %add3A_484 = arith.constant 0 : i32
            %add3A_485 = arith.addi %mul3A_129, %add3A_484 : i32
            %mul3A_486 = arith.constant 128 : i32
            %mul3A_487 = arith.muli %add3A_485, %mul3A_486 : i32
            %add3A_488 = arith.addi %add3A_90, %mul3A_487 : i32
            %add3A_489 = arith.constant 48 : i32
            %add3A_490 = arith.addi %add3A_488, %add3A_489 : i32
            %broadcast_in_dim3A_491 = vector.broadcast %add3A_490 : i32 to vector<16xi32>
            %add3A_492 = arith.addi %broadcast_in_dim3A_491, %iota3A : vector<16xi32>
            %gt3A_493 = arith.cmpf ogt, %get3A_483, %broadcast_in_dim3A_377 : vector<16xf32>
            %convert_element_type3A_494 = arith.extui %gt3A_493 : vector<16xi1> to vector<16xi32>
            %broadcast_in_dim3A_495 = arith.constant true
            %broadcast_in_dim3A_496 = vector.broadcast %broadcast_in_dim3A_495 : i1 to vector<16xi1>
            %masked_cumsum3A_497 = tpu.scan <sum>, %convert_element_type3A_494 masked %broadcast_in_dim3A_496 : vector<16xi32>, vector<16xi1> -> vector<16xi32>
            %mul3A_498 = arith.constant 640 : i32
            %mul3A_499 = arith.muli %scan3A_115, %mul3A_498 : i32
            %broadcast_in_dim3A_500 = vector.broadcast %mul3A_499 : i32 to vector<16xi32>
            %add3A_501 = arith.addi %broadcast_in_dim3A_500, %add3A_474 : vector<16xi32>
            %add3A_502 = arith.addi %add3A_501, %masked_cumsum3A_497 : vector<16xi32>
            %sub3A_503 = arith.constant 1 : i32
            %sub3A_504 = vector.broadcast %sub3A_503 : i32 to vector<16xi32>
            %sub3A_505 = arith.subi %add3A_502, %sub3A_504 : vector<16xi32>
            tpu.vector_store_idx %arg11[%sub3A_505], %get3A_483 masked %gt3A_493 : memref<5120xf32, #tpu.memory_space<vmem>>[vector<16xi32>], vector<16xf32>, vector<16xi1>
            tpu.vector_store_idx %arg12[%sub3A_505], %add3A_492 masked %gt3A_493 : memref<5120xi32, #tpu.memory_space<vmem>>[vector<16xi32>], vector<16xi32>, vector<16xi1>
            %all_reduce_population_count3A_506 = tpu.all_reduce %gt3A_493 {dim = 0 : i64, kind = #tpu.reduction_kind<sum>} : vector<16xi1> -> vector<16xi32>
            %add3A_507 = arith.addi %add3A_474, %all_reduce_population_count3A_506 : vector<16xi32>
            %add3A_508 = arith.constant 0 : i32
            %add3A_509 = arith.addi %mul3A_129, %add3A_508 : i32
            %mul3A_510 = arith.constant 128 : i32
            %mul3A_511 = arith.muli %add3A_509, %mul3A_510 : i32
            %add3A_512 = arith.constant 64 : i32
            %add3A_513 = arith.addi %mul3A_511, %add3A_512 : i32
            %get3A_514 = arith.index_cast %scan3A_115 : i32 to index
            %get3A_515 = arith.index_cast %add3A_513 : i32 to index
            %get3A_516 = tpu.vector_load %arg8[%get3A_514, %get3A_515] {strides = array<i32>} : memref<8x2688xf32, #tpu.memory_space<vmem>>, vector<16xf32>,
            %add3A_517 = arith.constant 0 : i32
            %add3A_518 = arith.addi %mul3A_129, %add3A_517 : i32
            %mul3A_519 = arith.constant 128 : i32
            %mul3A_520 = arith.muli %add3A_518, %mul3A_519 : i32
            %add3A_521 = arith.addi %add3A_90, %mul3A_520 : i32
            %add3A_522 = arith.constant 64 : i32
            %add3A_523 = arith.addi %add3A_521, %add3A_522 : i32
            %broadcast_in_dim3A_524 = vector.broadcast %add3A_523 : i32 to vector<16xi32>
            %add3A_525 = arith.addi %broadcast_in_dim3A_524, %iota3A : vector<16xi32>
            %gt3A_526 = arith.cmpf ogt, %get3A_516, %broadcast_in_dim3A_377 : vector<16xf32>
            %convert_element_type3A_527 = arith.extui %gt3A_526 : vector<16xi1> to vector<16xi32>
            %broadcast_in_dim3A_528 = arith.constant true
            %broadcast_in_dim3A_529 = vector.broadcast %broadcast_in_dim3A_528 : i1 to vector<16xi1>
            %masked_cumsum3A_530 = tpu.scan <sum>, %convert_element_type3A_527 masked %broadcast_in_dim3A_529 : vector<16xi32>, vector<16xi1> -> vector<16xi32>
            %mul3A_531 = arith.constant 640 : i32
            %mul3A_532 = arith.muli %scan3A_115, %mul3A_531 : i32
            %broadcast_in_dim3A_533 = vector.broadcast %mul3A_532 : i32 to vector<16xi32>
            %add3A_534 = arith.addi %broadcast_in_dim3A_533, %add3A_507 : vector<16xi32>
            %add3A_535 = arith.addi %add3A_534, %masked_cumsum3A_530 : vector<16xi32>
            %sub3A_536 = arith.constant 1 : i32
            %sub3A_537 = vector.broadcast %sub3A_536 : i32 to vector<16xi32>
            %sub3A_538 = arith.subi %add3A_535, %sub3A_537 : vector<16xi32>
            tpu.vector_store_idx %arg11[%sub3A_538], %get3A_516 masked %gt3A_526 : memref<5120xf32, #tpu.memory_space<vmem>>[vector<16xi32>], vector<16xf32>, vector<16xi1>
            tpu.vector_store_idx %arg12[%sub3A_538], %add3A_525 masked %gt3A_526 : memref<5120xi32, #tpu.memory_space<vmem>>[vector<16xi32>], vector<16xi32>, vector<16xi1>
            %all_reduce_population_count3A_539 = tpu.all_reduce %gt3A_526 {dim = 0 : i64, kind = #tpu.reduction_kind<sum>} : vector<16xi1> -> vector<16xi32>
            %add3A_540 = arith.addi %add3A_507, %all_reduce_population_count3A_539 : vector<16xi32>
            %add3A_541 = arith.constant 0 : i32
            %add3A_542 = arith.addi %mul3A_129, %add3A_541 : i32
            %mul3A_543 = arith.constant 128 : i32
            %mul3A_544 = arith.muli %add3A_542, %mul3A_543 : i32
            %add3A_545 = arith.constant 80 : i32
            %add3A_546 = arith.addi %mul3A_544, %add3A_545 : i32
            %get3A_547 = arith.index_cast %scan3A_115 : i32 to index
            %get3A_548 = arith.index_cast %add3A_546 : i32 to index
            %get3A_549 = tpu.vector_load %arg8[%get3A_547, %get3A_548] {strides = array<i32>} : memref<8x2688xf32, #tpu.memory_space<vmem>>, vector<16xf32>,
            %add3A_550 = arith.constant 0 : i32
            %add3A_551 = arith.addi %mul3A_129, %add3A_550 : i32
            %mul3A_552 = arith.constant 128 : i32
            %mul3A_553 = arith.muli %add3A_551, %mul3A_552 : i32
            %add3A_554 = arith.addi %add3A_90, %mul3A_553 : i32
            %add3A_555 = arith.constant 80 : i32
            %add3A_556 = arith.addi %add3A_554, %add3A_555 : i32
            %broadcast_in_dim3A_557 = vector.broadcast %add3A_556 : i32 to vector<16xi32>
            %add3A_558 = arith.addi %broadcast_in_dim3A_557, %iota3A : vector<16xi32>
            %gt3A_559 = arith.cmpf ogt, %get3A_549, %broadcast_in_dim3A_377 : vector<16xf32>
            %convert_element_type3A_560 = arith.extui %gt3A_559 : vector<16xi1> to vector<16xi32>
            %broadcast_in_dim3A_561 = arith.constant true
            %broadcast_in_dim3A_562 = vector.broadcast %broadcast_in_dim3A_561 : i1 to vector<16xi1>
            %masked_cumsum3A_563 = tpu.scan <sum>, %convert_element_type3A_560 masked %broadcast_in_dim3A_562 : vector<16xi32>, vector<16xi1> -> vector<16xi32>
            %mul3A_564 = arith.constant 640 : i32
            %mul3A_565 = arith.muli %scan3A_115, %mul3A_564 : i32
            %broadcast_in_dim3A_566 = vector.broadcast %mul3A_565 : i32 to vector<16xi32>
            %add3A_567 = arith.addi %broadcast_in_dim3A_566, %add3A_540 : vector<16xi32>
            %add3A_568 = arith.addi %add3A_567, %masked_cumsum3A_563 : vector<16xi32>
            %sub3A_569 = arith.constant 1 : i32
            %sub3A_570 = vector.broadcast %sub3A_569 : i32 to vector<16xi32>
            %sub3A_571 = arith.subi %add3A_568, %sub3A_570 : vector<16xi32>
            tpu.vector_store_idx %arg11[%sub3A_571], %get3A_549 masked %gt3A_559 : memref<5120xf32, #tpu.memory_space<vmem>>[vector<16xi32>], vector<16xf32>, vector<16xi1>
            tpu.vector_store_idx %arg12[%sub3A_571], %add3A_558 masked %gt3A_559 : memref<5120xi32, #tpu.memory_space<vmem>>[vector<16xi32>], vector<16xi32>, vector<16xi1>
            %all_reduce_population_count3A_572 = tpu.all_reduce %gt3A_559 {dim = 0 : i64, kind = #tpu.reduction_kind<sum>} : vector<16xi1> -> vector<16xi32>
            %add3A_573 = arith.addi %add3A_540, %all_reduce_population_count3A_572 : vector<16xi32>
            %add3A_574 = arith.constant 0 : i32
            %add3A_575 = arith.addi %mul3A_129, %add3A_574 : i32
            %mul3A_576 = arith.constant 128 : i32
            %mul3A_577 = arith.muli %add3A_575, %mul3A_576 : i32
            %add3A_578 = arith.constant 96 : i32
            %add3A_579 = arith.addi %mul3A_577, %add3A_578 : i32
            %get3A_580 = arith.index_cast %scan3A_115 : i32 to index
            %get3A_581 = arith.index_cast %add3A_579 : i32 to index
            %get3A_582 = tpu.vector_load %arg8[%get3A_580, %get3A_581] {strides = array<i32>} : memref<8x2688xf32, #tpu.memory_space<vmem>>, vector<16xf32>,
            %add3A_583 = arith.constant 0 : i32
            %add3A_584 = arith.addi %mul3A_129, %add3A_583 : i32
            %mul3A_585 = arith.constant 128 : i32
            %mul3A_586 = arith.muli %add3A_584, %mul3A_585 : i32
            %add3A_587 = arith.addi %add3A_90, %mul3A_586 : i32
            %add3A_588 = arith.constant 96 : i32
            %add3A_589 = arith.addi %add3A_587, %add3A_588 : i32
            %broadcast_in_dim3A_590 = vector.broadcast %add3A_589 : i32 to vector<16xi32>
            %add3A_591 = arith.addi %broadcast_in_dim3A_590, %iota3A : vector<16xi32>
            %gt3A_592 = arith.cmpf ogt, %get3A_582, %broadcast_in_dim3A_377 : vector<16xf32>
            %convert_element_type3A_593 = arith.extui %gt3A_592 : vector<16xi1> to vector<16xi32>
            %broadcast_in_dim3A_594 = arith.constant true
            %broadcast_in_dim3A_595 = vector.broadcast %broadcast_in_dim3A_594 : i1 to vector<16xi1>
            %masked_cumsum3A_596 = tpu.scan <sum>, %convert_element_type3A_593 masked %broadcast_in_dim3A_595 : vector<16xi32>, vector<16xi1> -> vector<16xi32>
            %mul3A_597 = arith.constant 640 : i32
            %mul3A_598 = arith.muli %scan3A_115, %mul3A_597 : i32
            %broadcast_in_dim3A_599 = vector.broadcast %mul3A_598 : i32 to vector<16xi32>
            %add3A_600 = arith.addi %broadcast_in_dim3A_599, %add3A_573 : vector<16xi32>
            %add3A_601 = arith.addi %add3A_600, %masked_cumsum3A_596 : vector<16xi32>
            %sub3A_602 = arith.constant 1 : i32
            %sub3A_603 = vector.broadcast %sub3A_602 : i32 to vector<16xi32>
            %sub3A_604 = arith.subi %add3A_601, %sub3A_603 : vector<16xi32>
            tpu.vector_store_idx %arg11[%sub3A_604], %get3A_582 masked %gt3A_592 : memref<5120xf32, #tpu.memory_space<vmem>>[vector<16xi32>], vector<16xf32>, vector<16xi1>
            tpu.vector_store_idx %arg12[%sub3A_604], %add3A_591 masked %gt3A_592 : memref<5120xi32, #tpu.memory_space<vmem>>[vector<16xi32>], vector<16xi32>, vector<16xi1>
            %all_reduce_population_count3A_605 = tpu.all_reduce %gt3A_592 {dim = 0 : i64, kind = #tpu.reduction_kind<sum>} : vector<16xi1> -> vector<16xi32>
            %add3A_606 = arith.addi %add3A_573, %all_reduce_population_count3A_605 : vector<16xi32>
            %add3A_607 = arith.constant 0 : i32
            %add3A_608 = arith.addi %mul3A_129, %add3A_607 : i32
            %mul3A_609 = arith.constant 128 : i32
            %mul3A_610 = arith.muli %add3A_608, %mul3A_609 : i32
            %add3A_611 = arith.constant 112 : i32
            %add3A_612 = arith.addi %mul3A_610, %add3A_611 : i32
            %get3A_613 = arith.index_cast %scan3A_115 : i32 to index
            %get3A_614 = arith.index_cast %add3A_612 : i32 to index
            %get3A_615 = tpu.vector_load %arg8[%get3A_613, %get3A_614] {strides = array<i32>} : memref<8x2688xf32, #tpu.memory_space<vmem>>, vector<16xf32>,
            %add3A_616 = arith.constant 0 : i32
            %add3A_617 = arith.addi %mul3A_129, %add3A_616 : i32
            %mul3A_618 = arith.constant 128 : i32
            %mul3A_619 = arith.muli %add3A_617, %mul3A_618 : i32
            %add3A_620 = arith.addi %add3A_90, %mul3A_619 : i32
            %add3A_621 = arith.constant 112 : i32
            %add3A_622 = arith.addi %add3A_620, %add3A_621 : i32
            %broadcast_in_dim3A_623 = vector.broadcast %add3A_622 : i32 to vector<16xi32>
            %add3A_624 = arith.addi %broadcast_in_dim3A_623, %iota3A : vector<16xi32>
            %gt3A_625 = arith.cmpf ogt, %get3A_615, %broadcast_in_dim3A_377 : vector<16xf32>
            %convert_element_type3A_626 = arith.extui %gt3A_625 : vector<16xi1> to vector<16xi32>
            %broadcast_in_dim3A_627 = arith.constant true
            %broadcast_in_dim3A_628 = vector.broadcast %broadcast_in_dim3A_627 : i1 to vector<16xi1>
            %masked_cumsum3A_629 = tpu.scan <sum>, %convert_element_type3A_626 masked %broadcast_in_dim3A_628 : vector<16xi32>, vector<16xi1> -> vector<16xi32>
            %mul3A_630 = arith.constant 640 : i32
            %mul3A_631 = arith.muli %scan3A_115, %mul3A_630 : i32
            %broadcast_in_dim3A_632 = vector.broadcast %mul3A_631 : i32 to vector<16xi32>
            %add3A_633 = arith.addi %broadcast_in_dim3A_632, %add3A_606 : vector<16xi32>
            %add3A_634 = arith.addi %add3A_633, %masked_cumsum3A_629 : vector<16xi32>
            %sub3A_635 = arith.constant 1 : i32
            %sub3A_636 = vector.broadcast %sub3A_635 : i32 to vector<16xi32>
            %sub3A_637 = arith.subi %add3A_634, %sub3A_636 : vector<16xi32>
            tpu.vector_store_idx %arg11[%sub3A_637], %get3A_615 masked %gt3A_625 : memref<5120xf32, #tpu.memory_space<vmem>>[vector<16xi32>], vector<16xf32>, vector<16xi1>
            tpu.vector_store_idx %arg12[%sub3A_637], %add3A_624 masked %gt3A_625 : memref<5120xi32, #tpu.memory_space<vmem>>[vector<16xi32>], vector<16xi32>, vector<16xi1>
            %all_reduce_population_count3A_638 = tpu.all_reduce %gt3A_625 {dim = 0 : i64, kind = #tpu.reduction_kind<sum>} : vector<16xi1> -> vector<16xi32>
            %add3A_639 = arith.addi %add3A_606, %all_reduce_population_count3A_638 : vector<16xi32>
            %add3A_640 = arith.constant 1 : i32
            %add3A_641 = arith.addi %mul3A_129, %add3A_640 : i32
            %mul3A_642 = arith.constant 128 : i32
            %mul3A_643 = arith.muli %add3A_641, %mul3A_642 : i32
            %add3A_644 = arith.constant 0 : i32
            %add3A_645 = arith.addi %mul3A_643, %add3A_644 : i32
            %get3A_646 = arith.index_cast %scan3A_115 : i32 to index
            %get3A_647 = arith.index_cast %add3A_645 : i32 to index
            %get3A_648 = tpu.vector_load %arg8[%get3A_646, %get3A_647] {strides = array<i32>} : memref<8x2688xf32, #tpu.memory_space<vmem>>, vector<16xf32>,
            %add3A_649 = arith.constant 1 : i32
            %add3A_650 = arith.addi %mul3A_129, %add3A_649 : i32
            %mul3A_651 = arith.constant 128 : i32
            %mul3A_652 = arith.muli %add3A_650, %mul3A_651 : i32
            %add3A_653 = arith.addi %add3A_90, %mul3A_652 : i32
            %add3A_654 = arith.constant 0 : i32
            %add3A_655 = arith.addi %add3A_653, %add3A_654 : i32
            %broadcast_in_dim3A_656 = vector.broadcast %add3A_655 : i32 to vector<16xi32>
            %add3A_657 = arith.addi %broadcast_in_dim3A_656, %iota3A : vector<16xi32>
            %gt3A_658 = arith.cmpf ogt, %get3A_648, %broadcast_in_dim3A_377 : vector<16xf32>
            %convert_element_type3A_659 = arith.extui %gt3A_658 : vector<16xi1> to vector<16xi32>
            %broadcast_in_dim3A_660 = arith.constant true
            %broadcast_in_dim3A_661 = vector.broadcast %broadcast_in_dim3A_660 : i1 to vector<16xi1>
            %masked_cumsum3A_662 = tpu.scan <sum>, %convert_element_type3A_659 masked %broadcast_in_dim3A_661 : vector<16xi32>, vector<16xi1> -> vector<16xi32>
            %mul3A_663 = arith.constant 640 : i32
            %mul3A_664 = arith.muli %scan3A_115, %mul3A_663 : i32
            %broadcast_in_dim3A_665 = vector.broadcast %mul3A_664 : i32 to vector<16xi32>
            %add3A_666 = arith.addi %broadcast_in_dim3A_665, %add3A_639 : vector<16xi32>
            %add3A_667 = arith.addi %add3A_666, %masked_cumsum3A_662 : vector<16xi32>
            %sub3A_668 = arith.constant 1 : i32
            %sub3A_669 = vector.broadcast %sub3A_668 : i32 to vector<16xi32>
            %sub3A_670 = arith.subi %add3A_667, %sub3A_669 : vector<16xi32>
            tpu.vector_store_idx %arg11[%sub3A_670], %get3A_648 masked %gt3A_658 : memref<5120xf32, #tpu.memory_space<vmem>>[vector<16xi32>], vector<16xf32>, vector<16xi1>
            tpu.vector_store_idx %arg12[%sub3A_670], %add3A_657 masked %gt3A_658 : memref<5120xi32, #tpu.memory_space<vmem>>[vector<16xi32>], vector<16xi32>, vector<16xi1>
            %all_reduce_population_count3A_671 = tpu.all_reduce %gt3A_658 {dim = 0 : i64, kind = #tpu.reduction_kind<sum>} : vector<16xi1> -> vector<16xi32>
            %add3A_672 = arith.addi %add3A_639, %all_reduce_population_count3A_671 : vector<16xi32>
            %add3A_673 = arith.constant 1 : i32
            %add3A_674 = arith.addi %mul3A_129, %add3A_673 : i32
            %mul3A_675 = arith.constant 128 : i32
            %mul3A_676 = arith.muli %add3A_674, %mul3A_675 : i32
            %add3A_677 = arith.constant 16 : i32
            %add3A_678 = arith.addi %mul3A_676, %add3A_677 : i32
            %get3A_679 = arith.index_cast %scan3A_115 : i32 to index
            %get3A_680 = arith.index_cast %add3A_678 : i32 to index
            %get3A_681 = tpu.vector_load %arg8[%get3A_679, %get3A_680] {strides = array<i32>} : memref<8x2688xf32, #tpu.memory_space<vmem>>, vector<16xf32>,
            %add3A_682 = arith.constant 1 : i32
            %add3A_683 = arith.addi %mul3A_129, %add3A_682 : i32
            %mul3A_684 = arith.constant 128 : i32
            %mul3A_685 = arith.muli %add3A_683, %mul3A_684 : i32
            %add3A_686 = arith.addi %add3A_90, %mul3A_685 : i32
            %add3A_687 = arith.constant 16 : i32
            %add3A_688 = arith.addi %add3A_686, %add3A_687 : i32
            %broadcast_in_dim3A_689 = vector.broadcast %add3A_688 : i32 to vector<16xi32>
            %add3A_690 = arith.addi %broadcast_in_dim3A_689, %iota3A : vector<16xi32>
            %gt3A_691 = arith.cmpf ogt, %get3A_681, %broadcast_in_dim3A_377 : vector<16xf32>
            %convert_element_type3A_692 = arith.extui %gt3A_691 : vector<16xi1> to vector<16xi32>
            %broadcast_in_dim3A_693 = arith.constant true
            %broadcast_in_dim3A_694 = vector.broadcast %broadcast_in_dim3A_693 : i1 to vector<16xi1>
            %masked_cumsum3A_695 = tpu.scan <sum>, %convert_element_type3A_692 masked %broadcast_in_dim3A_694 : vector<16xi32>, vector<16xi1> -> vector<16xi32>
            %mul3A_696 = arith.constant 640 : i32
            %mul3A_697 = arith.muli %scan3A_115, %mul3A_696 : i32
            %broadcast_in_dim3A_698 = vector.broadcast %mul3A_697 : i32 to vector<16xi32>
            %add3A_699 = arith.addi %broadcast_in_dim3A_698, %add3A_672 : vector<16xi32>
            %add3A_700 = arith.addi %add3A_699, %masked_cumsum3A_695 : vector<16xi32>
            %sub3A_701 = arith.constant 1 : i32
            %sub3A_702 = vector.broadcast %sub3A_701 : i32 to vector<16xi32>
            %sub3A_703 = arith.subi %add3A_700, %sub3A_702 : vector<16xi32>
            tpu.vector_store_idx %arg11[%sub3A_703], %get3A_681 masked %gt3A_691 : memref<5120xf32, #tpu.memory_space<vmem>>[vector<16xi32>], vector<16xf32>, vector<16xi1>
            tpu.vector_store_idx %arg12[%sub3A_703], %add3A_690 masked %gt3A_691 : memref<5120xi32, #tpu.memory_space<vmem>>[vector<16xi32>], vector<16xi32>, vector<16xi1>
            %all_reduce_population_count3A_704 = tpu.all_reduce %gt3A_691 {dim = 0 : i64, kind = #tpu.reduction_kind<sum>} : vector<16xi1> -> vector<16xi32>
            %add3A_705 = arith.addi %add3A_672, %all_reduce_population_count3A_704 : vector<16xi32>
            %add3A_706 = arith.constant 1 : i32
            %add3A_707 = arith.addi %mul3A_129, %add3A_706 : i32
            %mul3A_708 = arith.constant 128 : i32
            %mul3A_709 = arith.muli %add3A_707, %mul3A_708 : i32
            %add3A_710 = arith.constant 32 : i32
            %add3A_711 = arith.addi %mul3A_709, %add3A_710 : i32
            %get3A_712 = arith.index_cast %scan3A_115 : i32 to index
            %get3A_713 = arith.index_cast %add3A_711 : i32 to index
            %get3A_714 = tpu.vector_load %arg8[%get3A_712, %get3A_713] {strides = array<i32>} : memref<8x2688xf32, #tpu.memory_space<vmem>>, vector<16xf32>,
            %add3A_715 = arith.constant 1 : i32
            %add3A_716 = arith.addi %mul3A_129, %add3A_715 : i32
            %mul3A_717 = arith.constant 128 : i32
            %mul3A_718 = arith.muli %add3A_716, %mul3A_717 : i32
            %add3A_719 = arith.addi %add3A_90, %mul3A_718 : i32
            %add3A_720 = arith.constant 32 : i32
            %add3A_721 = arith.addi %add3A_719, %add3A_720 : i32
            %broadcast_in_dim3A_722 = vector.broadcast %add3A_721 : i32 to vector<16xi32>
            %add3A_723 = arith.addi %broadcast_in_dim3A_722, %iota3A : vector<16xi32>
            %gt3A_724 = arith.cmpf ogt, %get3A_714, %broadcast_in_dim3A_377 : vector<16xf32>
            %convert_element_type3A_725 = arith.extui %gt3A_724 : vector<16xi1> to vector<16xi32>
            %broadcast_in_dim3A_726 = arith.constant true
            %broadcast_in_dim3A_727 = vector.broadcast %broadcast_in_dim3A_726 : i1 to vector<16xi1>
            %masked_cumsum3A_728 = tpu.scan <sum>, %convert_element_type3A_725 masked %broadcast_in_dim3A_727 : vector<16xi32>, vector<16xi1> -> vector<16xi32>
            %mul3A_729 = arith.constant 640 : i32
            %mul3A_730 = arith.muli %scan3A_115, %mul3A_729 : i32
            %broadcast_in_dim3A_731 = vector.broadcast %mul3A_730 : i32 to vector<16xi32>
            %add3A_732 = arith.addi %broadcast_in_dim3A_731, %add3A_705 : vector<16xi32>
            %add3A_733 = arith.addi %add3A_732, %masked_cumsum3A_728 : vector<16xi32>
            %sub3A_734 = arith.constant 1 : i32
            %sub3A_735 = vector.broadcast %sub3A_734 : i32 to vector<16xi32>
            %sub3A_736 = arith.subi %add3A_733, %sub3A_735 : vector<16xi32>
            tpu.vector_store_idx %arg11[%sub3A_736], %get3A_714 masked %gt3A_724 : memref<5120xf32, #tpu.memory_space<vmem>>[vector<16xi32>], vector<16xf32>, vector<16xi1>
            tpu.vector_store_idx %arg12[%sub3A_736], %add3A_723 masked %gt3A_724 : memref<5120xi32, #tpu.memory_space<vmem>>[vector<16xi32>], vector<16xi32>, vector<16xi1>
            %all_reduce_population_count3A_737 = tpu.all_reduce %gt3A_724 {dim = 0 : i64, kind = #tpu.reduction_kind<sum>} : vector<16xi1> -> vector<16xi32>
            %add3A_738 = arith.addi %add3A_705, %all_reduce_population_count3A_737 : vector<16xi32>
            %add3A_739 = arith.constant 1 : i32
            %add3A_740 = arith.addi %mul3A_129, %add3A_739 : i32
            %mul3A_741 = arith.constant 128 : i32
            %mul3A_742 = arith.muli %add3A_740, %mul3A_741 : i32
            %add3A_743 = arith.constant 48 : i32
            %add3A_744 = arith.addi %mul3A_742, %add3A_743 : i32
            %get3A_745 = arith.index_cast %scan3A_115 : i32 to index
            %get3A_746 = arith.index_cast %add3A_744 : i32 to index
            %get3A_747 = tpu.vector_load %arg8[%get3A_745, %get3A_746] {strides = array<i32>} : memref<8x2688xf32, #tpu.memory_space<vmem>>, vector<16xf32>,
            %add3A_748 = arith.constant 1 : i32
            %add3A_749 = arith.addi %mul3A_129, %add3A_748 : i32
            %mul3A_750 = arith.constant 128 : i32
            %mul3A_751 = arith.muli %add3A_749, %mul3A_750 : i32
            %add3A_752 = arith.addi %add3A_90, %mul3A_751 : i32
            %add3A_753 = arith.constant 48 : i32
            %add3A_754 = arith.addi %add3A_752, %add3A_753 : i32
            %broadcast_in_dim3A_755 = vector.broadcast %add3A_754 : i32 to vector<16xi32>
            %add3A_756 = arith.addi %broadcast_in_dim3A_755, %iota3A : vector<16xi32>
            %gt3A_757 = arith.cmpf ogt, %get3A_747, %broadcast_in_dim3A_377 : vector<16xf32>
            %convert_element_type3A_758 = arith.extui %gt3A_757 : vector<16xi1> to vector<16xi32>
            %broadcast_in_dim3A_759 = arith.constant true
            %broadcast_in_dim3A_760 = vector.broadcast %broadcast_in_dim3A_759 : i1 to vector<16xi1>
            %masked_cumsum3A_761 = tpu.scan <sum>, %convert_element_type3A_758 masked %broadcast_in_dim3A_760 : vector<16xi32>, vector<16xi1> -> vector<16xi32>
            %mul3A_762 = arith.constant 640 : i32
            %mul3A_763 = arith.muli %scan3A_115, %mul3A_762 : i32
            %broadcast_in_dim3A_764 = vector.broadcast %mul3A_763 : i32 to vector<16xi32>
            %add3A_765 = arith.addi %broadcast_in_dim3A_764, %add3A_738 : vector<16xi32>
            %add3A_766 = arith.addi %add3A_765, %masked_cumsum3A_761 : vector<16xi32>
            %sub3A_767 = arith.constant 1 : i32
            %sub3A_768 = vector.broadcast %sub3A_767 : i32 to vector<16xi32>
            %sub3A_769 = arith.subi %add3A_766, %sub3A_768 : vector<16xi32>
            tpu.vector_store_idx %arg11[%sub3A_769], %get3A_747 masked %gt3A_757 : memref<5120xf32, #tpu.memory_space<vmem>>[vector<16xi32>], vector<16xf32>, vector<16xi1>
            tpu.vector_store_idx %arg12[%sub3A_769], %add3A_756 masked %gt3A_757 : memref<5120xi32, #tpu.memory_space<vmem>>[vector<16xi32>], vector<16xi32>, vector<16xi1>
            %all_reduce_population_count3A_770 = tpu.all_reduce %gt3A_757 {dim = 0 : i64, kind = #tpu.reduction_kind<sum>} : vector<16xi1> -> vector<16xi32>
            %add3A_771 = arith.addi %add3A_738, %all_reduce_population_count3A_770 : vector<16xi32>
            %add3A_772 = arith.constant 1 : i32
            %add3A_773 = arith.addi %mul3A_129, %add3A_772 : i32
            %mul3A_774 = arith.constant 128 : i32
            %mul3A_775 = arith.muli %add3A_773, %mul3A_774 : i32
            %add3A_776 = arith.constant 64 : i32
            %add3A_777 = arith.addi %mul3A_775, %add3A_776 : i32
            %get3A_778 = arith.index_cast %scan3A_115 : i32 to index
            %get3A_779 = arith.index_cast %add3A_777 : i32 to index
            %get3A_780 = tpu.vector_load %arg8[%get3A_778, %get3A_779] {strides = array<i32>} : memref<8x2688xf32, #tpu.memory_space<vmem>>, vector<16xf32>,
            %add3A_781 = arith.constant 1 : i32
            %add3A_782 = arith.addi %mul3A_129, %add3A_781 : i32
            %mul3A_783 = arith.constant 128 : i32
            %mul3A_784 = arith.muli %add3A_782, %mul3A_783 : i32
            %add3A_785 = arith.addi %add3A_90, %mul3A_784 : i32
            %add3A_786 = arith.constant 64 : i32
            %add3A_787 = arith.addi %add3A_785, %add3A_786 : i32
            %broadcast_in_dim3A_788 = vector.broadcast %add3A_787 : i32 to vector<16xi32>
            %add3A_789 = arith.addi %broadcast_in_dim3A_788, %iota3A : vector<16xi32>
            %gt3A_790 = arith.cmpf ogt, %get3A_780, %broadcast_in_dim3A_377 : vector<16xf32>
            %convert_element_type3A_791 = arith.extui %gt3A_790 : vector<16xi1> to vector<16xi32>
            %broadcast_in_dim3A_792 = arith.constant true
            %broadcast_in_dim3A_793 = vector.broadcast %broadcast_in_dim3A_792 : i1 to vector<16xi1>
            %masked_cumsum3A_794 = tpu.scan <sum>, %convert_element_type3A_791 masked %broadcast_in_dim3A_793 : vector<16xi32>, vector<16xi1> -> vector<16xi32>
            %mul3A_795 = arith.constant 640 : i32
            %mul3A_796 = arith.muli %scan3A_115, %mul3A_795 : i32
            %broadcast_in_dim3A_797 = vector.broadcast %mul3A_796 : i32 to vector<16xi32>
            %add3A_798 = arith.addi %broadcast_in_dim3A_797, %add3A_771 : vector<16xi32>
            %add3A_799 = arith.addi %add3A_798, %masked_cumsum3A_794 : vector<16xi32>
            %sub3A_800 = arith.constant 1 : i32
            %sub3A_801 = vector.broadcast %sub3A_800 : i32 to vector<16xi32>
            %sub3A_802 = arith.subi %add3A_799, %sub3A_801 : vector<16xi32>
            tpu.vector_store_idx %arg11[%sub3A_802], %get3A_780 masked %gt3A_790 : memref<5120xf32, #tpu.memory_space<vmem>>[vector<16xi32>], vector<16xf32>, vector<16xi1>
            tpu.vector_store_idx %arg12[%sub3A_802], %add3A_789 masked %gt3A_790 : memref<5120xi32, #tpu.memory_space<vmem>>[vector<16xi32>], vector<16xi32>, vector<16xi1>
            %all_reduce_population_count3A_803 = tpu.all_reduce %gt3A_790 {dim = 0 : i64, kind = #tpu.reduction_kind<sum>} : vector<16xi1> -> vector<16xi32>
            %add3A_804 = arith.addi %add3A_771, %all_reduce_population_count3A_803 : vector<16xi32>
            %add3A_805 = arith.constant 1 : i32
            %add3A_806 = arith.addi %mul3A_129, %add3A_805 : i32
            %mul3A_807 = arith.constant 128 : i32
            %mul3A_808 = arith.muli %add3A_806, %mul3A_807 : i32
            %add3A_809 = arith.constant 80 : i32
            %add3A_810 = arith.addi %mul3A_808, %add3A_809 : i32
            %get3A_811 = arith.index_cast %scan3A_115 : i32 to index
            %get3A_812 = arith.index_cast %add3A_810 : i32 to index
            %get3A_813 = tpu.vector_load %arg8[%get3A_811, %get3A_812] {strides = array<i32>} : memref<8x2688xf32, #tpu.memory_space<vmem>>, vector<16xf32>,
            %add3A_814 = arith.constant 1 : i32
            %add3A_815 = arith.addi %mul3A_129, %add3A_814 : i32
            %mul3A_816 = arith.constant 128 : i32
            %mul3A_817 = arith.muli %add3A_815, %mul3A_816 : i32
            %add3A_818 = arith.addi %add3A_90, %mul3A_817 : i32
            %add3A_819 = arith.constant 80 : i32
            %add3A_820 = arith.addi %add3A_818, %add3A_819 : i32
            %broadcast_in_dim3A_821 = vector.broadcast %add3A_820 : i32 to vector<16xi32>
            %add3A_822 = arith.addi %broadcast_in_dim3A_821, %iota3A : vector<16xi32>
            %gt3A_823 = arith.cmpf ogt, %get3A_813, %broadcast_in_dim3A_377 : vector<16xf32>
            %convert_element_type3A_824 = arith.extui %gt3A_823 : vector<16xi1> to vector<16xi32>
            %broadcast_in_dim3A_825 = arith.constant true
            %broadcast_in_dim3A_826 = vector.broadcast %broadcast_in_dim3A_825 : i1 to vector<16xi1>
            %masked_cumsum3A_827 = tpu.scan <sum>, %convert_element_type3A_824 masked %broadcast_in_dim3A_826 : vector<16xi32>, vector<16xi1> -> vector<16xi32>
            %mul3A_828 = arith.constant 640 : i32
            %mul3A_829 = arith.muli %scan3A_115, %mul3A_828 : i32
            %broadcast_in_dim3A_830 = vector.broadcast %mul3A_829 : i32 to vector<16xi32>
            %add3A_831 = arith.addi %broadcast_in_dim3A_830, %add3A_804 : vector<16xi32>
            %add3A_832 = arith.addi %add3A_831, %masked_cumsum3A_827 : vector<16xi32>
            %sub3A_833 = arith.constant 1 : i32
            %sub3A_834 = vector.broadcast %sub3A_833 : i32 to vector<16xi32>
            %sub3A_835 = arith.subi %add3A_832, %sub3A_834 : vector<16xi32>
            tpu.vector_store_idx %arg11[%sub3A_835], %get3A_813 masked %gt3A_823 : memref<5120xf32, #tpu.memory_space<vmem>>[vector<16xi32>], vector<16xf32>, vector<16xi1>
            tpu.vector_store_idx %arg12[%sub3A_835], %add3A_822 masked %gt3A_823 : memref<5120xi32, #tpu.memory_space<vmem>>[vector<16xi32>], vector<16xi32>, vector<16xi1>
            %all_reduce_population_count3A_836 = tpu.all_reduce %gt3A_823 {dim = 0 : i64, kind = #tpu.reduction_kind<sum>} : vector<16xi1> -> vector<16xi32>
            %add3A_837 = arith.addi %add3A_804, %all_reduce_population_count3A_836 : vector<16xi32>
            %add3A_838 = arith.constant 1 : i32
            %add3A_839 = arith.addi %mul3A_129, %add3A_838 : i32
            %mul3A_840 = arith.constant 128 : i32
            %mul3A_841 = arith.muli %add3A_839, %mul3A_840 : i32
            %add3A_842 = arith.constant 96 : i32
            %add3A_843 = arith.addi %mul3A_841, %add3A_842 : i32
            %get3A_844 = arith.index_cast %scan3A_115 : i32 to index
            %get3A_845 = arith.index_cast %add3A_843 : i32 to index
            %get3A_846 = tpu.vector_load %arg8[%get3A_844, %get3A_845] {strides = array<i32>} : memref<8x2688xf32, #tpu.memory_space<vmem>>, vector<16xf32>,
            %add3A_847 = arith.constant 1 : i32
            %add3A_848 = arith.addi %mul3A_129, %add3A_847 : i32
            %mul3A_849 = arith.constant 128 : i32
            %mul3A_850 = arith.muli %add3A_848, %mul3A_849 : i32
            %add3A_851 = arith.addi %add3A_90, %mul3A_850 : i32
            %add3A_852 = arith.constant 96 : i32
            %add3A_853 = arith.addi %add3A_851, %add3A_852 : i32
            %broadcast_in_dim3A_854 = vector.broadcast %add3A_853 : i32 to vector<16xi32>
            %add3A_855 = arith.addi %broadcast_in_dim3A_854, %iota3A : vector<16xi32>
            %gt3A_856 = arith.cmpf ogt, %get3A_846, %broadcast_in_dim3A_377 : vector<16xf32>
            %convert_element_type3A_857 = arith.extui %gt3A_856 : vector<16xi1> to vector<16xi32>
            %broadcast_in_dim3A_858 = arith.constant true
            %broadcast_in_dim3A_859 = vector.broadcast %broadcast_in_dim3A_858 : i1 to vector<16xi1>
            %masked_cumsum3A_860 = tpu.scan <sum>, %convert_element_type3A_857 masked %broadcast_in_dim3A_859 : vector<16xi32>, vector<16xi1> -> vector<16xi32>
            %mul3A_861 = arith.constant 640 : i32
            %mul3A_862 = arith.muli %scan3A_115, %mul3A_861 : i32
            %broadcast_in_dim3A_863 = vector.broadcast %mul3A_862 : i32 to vector<16xi32>
            %add3A_864 = arith.addi %broadcast_in_dim3A_863, %add3A_837 : vector<16xi32>
            %add3A_865 = arith.addi %add3A_864, %masked_cumsum3A_860 : vector<16xi32>
            %sub3A_866 = arith.constant 1 : i32
            %sub3A_867 = vector.broadcast %sub3A_866 : i32 to vector<16xi32>
            %sub3A_868 = arith.subi %add3A_865, %sub3A_867 : vector<16xi32>
            tpu.vector_store_idx %arg11[%sub3A_868], %get3A_846 masked %gt3A_856 : memref<5120xf32, #tpu.memory_space<vmem>>[vector<16xi32>], vector<16xf32>, vector<16xi1>
            tpu.vector_store_idx %arg12[%sub3A_868], %add3A_855 masked %gt3A_856 : memref<5120xi32, #tpu.memory_space<vmem>>[vector<16xi32>], vector<16xi32>, vector<16xi1>
            %all_reduce_population_count3A_869 = tpu.all_reduce %gt3A_856 {dim = 0 : i64, kind = #tpu.reduction_kind<sum>} : vector<16xi1> -> vector<16xi32>
            %add3A_870 = arith.addi %add3A_837, %all_reduce_population_count3A_869 : vector<16xi32>
            %add3A_871 = arith.constant 1 : i32
            %add3A_872 = arith.addi %mul3A_129, %add3A_871 : i32
            %mul3A_873 = arith.constant 128 : i32
            %mul3A_874 = arith.muli %add3A_872, %mul3A_873 : i32
            %add3A_875 = arith.constant 112 : i32
            %add3A_876 = arith.addi %mul3A_874, %add3A_875 : i32
            %get3A_877 = arith.index_cast %scan3A_115 : i32 to index
            %get3A_878 = arith.index_cast %add3A_876 : i32 to index
            %get3A_879 = tpu.vector_load %arg8[%get3A_877, %get3A_878] {strides = array<i32>} : memref<8x2688xf32, #tpu.memory_space<vmem>>, vector<16xf32>,
            %add3A_880 = arith.constant 1 : i32
            %add3A_881 = arith.addi %mul3A_129, %add3A_880 : i32
            %mul3A_882 = arith.constant 128 : i32
            %mul3A_883 = arith.muli %add3A_881, %mul3A_882 : i32
            %add3A_884 = arith.addi %add3A_90, %mul3A_883 : i32
            %add3A_885 = arith.constant 112 : i32
            %add3A_886 = arith.addi %add3A_884, %add3A_885 : i32
            %broadcast_in_dim3A_887 = vector.broadcast %add3A_886 : i32 to vector<16xi32>
            %add3A_888 = arith.addi %broadcast_in_dim3A_887, %iota3A : vector<16xi32>
            %gt3A_889 = arith.cmpf ogt, %get3A_879, %broadcast_in_dim3A_377 : vector<16xf32>
            %convert_element_type3A_890 = arith.extui %gt3A_889 : vector<16xi1> to vector<16xi32>
            %broadcast_in_dim3A_891 = arith.constant true
            %broadcast_in_dim3A_892 = vector.broadcast %broadcast_in_dim3A_891 : i1 to vector<16xi1>
            %masked_cumsum3A_893 = tpu.scan <sum>, %convert_element_type3A_890 masked %broadcast_in_dim3A_892 : vector<16xi32>, vector<16xi1> -> vector<16xi32>
            %mul3A_894 = arith.constant 640 : i32
            %mul3A_895 = arith.muli %scan3A_115, %mul3A_894 : i32
            %broadcast_in_dim3A_896 = vector.broadcast %mul3A_895 : i32 to vector<16xi32>
            %add3A_897 = arith.addi %broadcast_in_dim3A_896, %add3A_870 : vector<16xi32>
            %add3A_898 = arith.addi %add3A_897, %masked_cumsum3A_893 : vector<16xi32>
            %sub3A_899 = arith.constant 1 : i32
            %sub3A_900 = vector.broadcast %sub3A_899 : i32 to vector<16xi32>
            %sub3A_901 = arith.subi %add3A_898, %sub3A_900 : vector<16xi32>
            tpu.vector_store_idx %arg11[%sub3A_901], %get3A_879 masked %gt3A_889 : memref<5120xf32, #tpu.memory_space<vmem>>[vector<16xi32>], vector<16xf32>, vector<16xi1>
            tpu.vector_store_idx %arg12[%sub3A_901], %add3A_888 masked %gt3A_889 : memref<5120xi32, #tpu.memory_space<vmem>>[vector<16xi32>], vector<16xi32>, vector<16xi1>
            %all_reduce_population_count3A_902 = tpu.all_reduce %gt3A_889 {dim = 0 : i64, kind = #tpu.reduction_kind<sum>} : vector<16xi1> -> vector<16xi32>
            %add3A_903 = arith.addi %add3A_870, %all_reduce_population_count3A_902 : vector<16xi32>
            %add3A_904 = arith.constant 2 : i32
            %add3A_905 = arith.addi %mul3A_129, %add3A_904 : i32
            %mul3A_906 = arith.constant 128 : i32
            %mul3A_907 = arith.muli %add3A_905, %mul3A_906 : i32
            %add3A_908 = arith.constant 0 : i32
            %add3A_909 = arith.addi %mul3A_907, %add3A_908 : i32
            %get3A_910 = arith.index_cast %scan3A_115 : i32 to index
            %get3A_911 = arith.index_cast %add3A_909 : i32 to index
            %get3A_912 = tpu.vector_load %arg8[%get3A_910, %get3A_911] {strides = array<i32>} : memref<8x2688xf32, #tpu.memory_space<vmem>>, vector<16xf32>,
            %add3A_913 = arith.constant 2 : i32
            %add3A_914 = arith.addi %mul3A_129, %add3A_913 : i32
            %mul3A_915 = arith.constant 128 : i32
            %mul3A_916 = arith.muli %add3A_914, %mul3A_915 : i32
            %add3A_917 = arith.addi %add3A_90, %mul3A_916 : i32
            %add3A_918 = arith.constant 0 : i32
            %add3A_919 = arith.addi %add3A_917, %add3A_918 : i32
            %broadcast_in_dim3A_920 = vector.broadcast %add3A_919 : i32 to vector<16xi32>
            %add3A_921 = arith.addi %broadcast_in_dim3A_920, %iota3A : vector<16xi32>
            %gt3A_922 = arith.cmpf ogt, %get3A_912, %broadcast_in_dim3A_377 : vector<16xf32>
            %convert_element_type3A_923 = arith.extui %gt3A_922 : vector<16xi1> to vector<16xi32>
            %broadcast_in_dim3A_924 = arith.constant true
            %broadcast_in_dim3A_925 = vector.broadcast %broadcast_in_dim3A_924 : i1 to vector<16xi1>
            %masked_cumsum3A_926 = tpu.scan <sum>, %convert_element_type3A_923 masked %broadcast_in_dim3A_925 : vector<16xi32>, vector<16xi1> -> vector<16xi32>
            %mul3A_927 = arith.constant 640 : i32
            %mul3A_928 = arith.muli %scan3A_115, %mul3A_927 : i32
            %broadcast_in_dim3A_929 = vector.broadcast %mul3A_928 : i32 to vector<16xi32>
            %add3A_930 = arith.addi %broadcast_in_dim3A_929, %add3A_903 : vector<16xi32>
            %add3A_931 = arith.addi %add3A_930, %masked_cumsum3A_926 : vector<16xi32>
            %sub3A_932 = arith.constant 1 : i32
            %sub3A_933 = vector.broadcast %sub3A_932 : i32 to vector<16xi32>
            %sub3A_934 = arith.subi %add3A_931, %sub3A_933 : vector<16xi32>
            tpu.vector_store_idx %arg11[%sub3A_934], %get3A_912 masked %gt3A_922 : memref<5120xf32, #tpu.memory_space<vmem>>[vector<16xi32>], vector<16xf32>, vector<16xi1>
            tpu.vector_store_idx %arg12[%sub3A_934], %add3A_921 masked %gt3A_922 : memref<5120xi32, #tpu.memory_space<vmem>>[vector<16xi32>], vector<16xi32>, vector<16xi1>
            %all_reduce_population_count3A_935 = tpu.all_reduce %gt3A_922 {dim = 0 : i64, kind = #tpu.reduction_kind<sum>} : vector<16xi1> -> vector<16xi32>
            %add3A_936 = arith.addi %add3A_903, %all_reduce_population_count3A_935 : vector<16xi32>
            %add3A_937 = arith.constant 2 : i32
            %add3A_938 = arith.addi %mul3A_129, %add3A_937 : i32
            %mul3A_939 = arith.constant 128 : i32
            %mul3A_940 = arith.muli %add3A_938, %mul3A_939 : i32
            %add3A_941 = arith.constant 16 : i32
            %add3A_942 = arith.addi %mul3A_940, %add3A_941 : i32
            %get3A_943 = arith.index_cast %scan3A_115 : i32 to index
            %get3A_944 = arith.index_cast %add3A_942 : i32 to index
            %get3A_945 = tpu.vector_load %arg8[%get3A_943, %get3A_944] {strides = array<i32>} : memref<8x2688xf32, #tpu.memory_space<vmem>>, vector<16xf32>,
            %add3A_946 = arith.constant 2 : i32
            %add3A_947 = arith.addi %mul3A_129, %add3A_946 : i32
            %mul3A_948 = arith.constant 128 : i32
            %mul3A_949 = arith.muli %add3A_947, %mul3A_948 : i32
            %add3A_950 = arith.addi %add3A_90, %mul3A_949 : i32
            %add3A_951 = arith.constant 16 : i32
            %add3A_952 = arith.addi %add3A_950, %add3A_951 : i32
            %broadcast_in_dim3A_953 = vector.broadcast %add3A_952 : i32 to vector<16xi32>
            %add3A_954 = arith.addi %broadcast_in_dim3A_953, %iota3A : vector<16xi32>
            %gt3A_955 = arith.cmpf ogt, %get3A_945, %broadcast_in_dim3A_377 : vector<16xf32>
            %convert_element_type3A_956 = arith.extui %gt3A_955 : vector<16xi1> to vector<16xi32>
            %broadcast_in_dim3A_957 = arith.constant true
            %broadcast_in_dim3A_958 = vector.broadcast %broadcast_in_dim3A_957 : i1 to vector<16xi1>
            %masked_cumsum3A_959 = tpu.scan <sum>, %convert_element_type3A_956 masked %broadcast_in_dim3A_958 : vector<16xi32>, vector<16xi1> -> vector<16xi32>
            %mul3A_960 = arith.constant 640 : i32
            %mul3A_961 = arith.muli %scan3A_115, %mul3A_960 : i32
            %broadcast_in_dim3A_962 = vector.broadcast %mul3A_961 : i32 to vector<16xi32>
            %add3A_963 = arith.addi %broadcast_in_dim3A_962, %add3A_936 : vector<16xi32>
            %add3A_964 = arith.addi %add3A_963, %masked_cumsum3A_959 : vector<16xi32>
            %sub3A_965 = arith.constant 1 : i32
            %sub3A_966 = vector.broadcast %sub3A_965 : i32 to vector<16xi32>
            %sub3A_967 = arith.subi %add3A_964, %sub3A_966 : vector<16xi32>
            tpu.vector_store_idx %arg11[%sub3A_967], %get3A_945 masked %gt3A_955 : memref<5120xf32, #tpu.memory_space<vmem>>[vector<16xi32>], vector<16xf32>, vector<16xi1>
            tpu.vector_store_idx %arg12[%sub3A_967], %add3A_954 masked %gt3A_955 : memref<5120xi32, #tpu.memory_space<vmem>>[vector<16xi32>], vector<16xi32>, vector<16xi1>
            %all_reduce_population_count3A_968 = tpu.all_reduce %gt3A_955 {dim = 0 : i64, kind = #tpu.reduction_kind<sum>} : vector<16xi1> -> vector<16xi32>
            %add3A_969 = arith.addi %add3A_936, %all_reduce_population_count3A_968 : vector<16xi32>
            %add3A_970 = arith.constant 2 : i32
            %add3A_971 = arith.addi %mul3A_129, %add3A_970 : i32
            %mul3A_972 = arith.constant 128 : i32
            %mul3A_973 = arith.muli %add3A_971, %mul3A_972 : i32
            %add3A_974 = arith.constant 32 : i32
            %add3A_975 = arith.addi %mul3A_973, %add3A_974 : i32
            %get3A_976 = arith.index_cast %scan3A_115 : i32 to index
            %get3A_977 = arith.index_cast %add3A_975 : i32 to index
            %get3A_978 = tpu.vector_load %arg8[%get3A_976, %get3A_977] {strides = array<i32>} : memref<8x2688xf32, #tpu.memory_space<vmem>>, vector<16xf32>,
            %add3A_979 = arith.constant 2 : i32
            %add3A_980 = arith.addi %mul3A_129, %add3A_979 : i32
            %mul3A_981 = arith.constant 128 : i32
            %mul3A_982 = arith.muli %add3A_980, %mul3A_981 : i32
            %add3A_983 = arith.addi %add3A_90, %mul3A_982 : i32
            %add3A_984 = arith.constant 32 : i32
            %add3A_985 = arith.addi %add3A_983, %add3A_984 : i32
            %broadcast_in_dim3A_986 = vector.broadcast %add3A_985 : i32 to vector<16xi32>
            %add3A_987 = arith.addi %broadcast_in_dim3A_986, %iota3A : vector<16xi32>
            %gt3A_988 = arith.cmpf ogt, %get3A_978, %broadcast_in_dim3A_377 : vector<16xf32>
            %convert_element_type3A_989 = arith.extui %gt3A_988 : vector<16xi1> to vector<16xi32>
            %broadcast_in_dim3A_990 = arith.constant true
            %broadcast_in_dim3A_991 = vector.broadcast %broadcast_in_dim3A_990 : i1 to vector<16xi1>
            %masked_cumsum3A_992 = tpu.scan <sum>, %convert_element_type3A_989 masked %broadcast_in_dim3A_991 : vector<16xi32>, vector<16xi1> -> vector<16xi32>
            %mul3A_993 = arith.constant 640 : i32
            %mul3A_994 = arith.muli %scan3A_115, %mul3A_993 : i32
            %broadcast_in_dim3A_995 = vector.broadcast %mul3A_994 : i32 to vector<16xi32>
            %add3A_996 = arith.addi %broadcast_in_dim3A_995, %add3A_969 : vector<16xi32>
            %add3A_997 = arith.addi %add3A_996, %masked_cumsum3A_992 : vector<16xi32>
            %sub3A_998 = arith.constant 1 : i32
            %sub3A_999 = vector.broadcast %sub3A_998 : i32 to vector<16xi32>
            %sub3A_1000 = arith.subi %add3A_997, %sub3A_999 : vector<16xi32>
            tpu.vector_store_idx %arg11[%sub3A_1000], %get3A_978 masked %gt3A_988 : memref<5120xf32, #tpu.memory_space<vmem>>[vector<16xi32>], vector<16xf32>, vector<16xi1>
            tpu.vector_store_idx %arg12[%sub3A_1000], %add3A_987 masked %gt3A_988 : memref<5120xi32, #tpu.memory_space<vmem>>[vector<16xi32>], vector<16xi32>, vector<16xi1>
            %all_reduce_population_count3A_1001 = tpu.all_reduce %gt3A_988 {dim = 0 : i64, kind = #tpu.reduction_kind<sum>} : vector<16xi1> -> vector<16xi32>
            %add3A_1002 = arith.addi %add3A_969, %all_reduce_population_count3A_1001 : vector<16xi32>
            %add3A_1003 = arith.constant 2 : i32
            %add3A_1004 = arith.addi %mul3A_129, %add3A_1003 : i32
            %mul3A_1005 = arith.constant 128 : i32
            %mul3A_1006 = arith.muli %add3A_1004, %mul3A_1005 : i32
            %add3A_1007 = arith.constant 48 : i32
            %add3A_1008 = arith.addi %mul3A_1006, %add3A_1007 : i32
            %get3A_1009 = arith.index_cast %scan3A_115 : i32 to index
            %get3A_1010 = arith.index_cast %add3A_1008 : i32 to index
            %get3A_1011 = tpu.vector_load %arg8[%get3A_1009, %get3A_1010] {strides = array<i32>} : memref<8x2688xf32, #tpu.memory_space<vmem>>, vector<16xf32>,
            %add3A_1012 = arith.constant 2 : i32
            %add3A_1013 = arith.addi %mul3A_129, %add3A_1012 : i32
            %mul3A_1014 = arith.constant 128 : i32
            %mul3A_1015 = arith.muli %add3A_1013, %mul3A_1014 : i32
            %add3A_1016 = arith.addi %add3A_90, %mul3A_1015 : i32
            %add3A_1017 = arith.constant 48 : i32
            %add3A_1018 = arith.addi %add3A_1016, %add3A_1017 : i32
            %broadcast_in_dim3A_1019 = vector.broadcast %add3A_1018 : i32 to vector<16xi32>
            %add3A_1020 = arith.addi %broadcast_in_dim3A_1019, %iota3A : vector<16xi32>
            %gt3A_1021 = arith.cmpf ogt, %get3A_1011, %broadcast_in_dim3A_377 : vector<16xf32>
            %convert_element_type3A_1022 = arith.extui %gt3A_1021 : vector<16xi1> to vector<16xi32>
            %broadcast_in_dim3A_1023 = arith.constant true
            %broadcast_in_dim3A_1024 = vector.broadcast %broadcast_in_dim3A_1023 : i1 to vector<16xi1>
            %masked_cumsum3A_1025 = tpu.scan <sum>, %convert_element_type3A_1022 masked %broadcast_in_dim3A_1024 : vector<16xi32>, vector<16xi1> -> vector<16xi32>
            %mul3A_1026 = arith.constant 640 : i32
            %mul3A_1027 = arith.muli %scan3A_115, %mul3A_1026 : i32
            %broadcast_in_dim3A_1028 = vector.broadcast %mul3A_1027 : i32 to vector<16xi32>
            %add3A_1029 = arith.addi %broadcast_in_dim3A_1028, %add3A_1002 : vector<16xi32>
            %add3A_1030 = arith.addi %add3A_1029, %masked_cumsum3A_1025 : vector<16xi32>
            %sub3A_1031 = arith.constant 1 : i32
            %sub3A_1032 = vector.broadcast %sub3A_1031 : i32 to vector<16xi32>
            %sub3A_1033 = arith.subi %add3A_1030, %sub3A_1032 : vector<16xi32>
            tpu.vector_store_idx %arg11[%sub3A_1033], %get3A_1011 masked %gt3A_1021 : memref<5120xf32, #tpu.memory_space<vmem>>[vector<16xi32>], vector<16xf32>, vector<16xi1>
            tpu.vector_store_idx %arg12[%sub3A_1033], %add3A_1020 masked %gt3A_1021 : memref<5120xi32, #tpu.memory_space<vmem>>[vector<16xi32>], vector<16xi32>, vector<16xi1>
            %all_reduce_population_count3A_1034 = tpu.all_reduce %gt3A_1021 {dim = 0 : i64, kind = #tpu.reduction_kind<sum>} : vector<16xi1> -> vector<16xi32>
            %add3A_1035 = arith.addi %add3A_1002, %all_reduce_population_count3A_1034 : vector<16xi32>
            %add3A_1036 = arith.constant 2 : i32
            %add3A_1037 = arith.addi %mul3A_129, %add3A_1036 : i32
            %mul3A_1038 = arith.constant 128 : i32
            %mul3A_1039 = arith.muli %add3A_1037, %mul3A_1038 : i32
            %add3A_1040 = arith.constant 64 : i32
            %add3A_1041 = arith.addi %mul3A_1039, %add3A_1040 : i32
            %get3A_1042 = arith.index_cast %scan3A_115 : i32 to index
            %get3A_1043 = arith.index_cast %add3A_1041 : i32 to index
            %get3A_1044 = tpu.vector_load %arg8[%get3A_1042, %get3A_1043] {strides = array<i32>} : memref<8x2688xf32, #tpu.memory_space<vmem>>, vector<16xf32>,
            %add3A_1045 = arith.constant 2 : i32
            %add3A_1046 = arith.addi %mul3A_129, %add3A_1045 : i32
            %mul3A_1047 = arith.constant 128 : i32
            %mul3A_1048 = arith.muli %add3A_1046, %mul3A_1047 : i32
            %add3A_1049 = arith.addi %add3A_90, %mul3A_1048 : i32
            %add3A_1050 = arith.constant 64 : i32
            %add3A_1051 = arith.addi %add3A_1049, %add3A_1050 : i32
            %broadcast_in_dim3A_1052 = vector.broadcast %add3A_1051 : i32 to vector<16xi32>
            %add3A_1053 = arith.addi %broadcast_in_dim3A_1052, %iota3A : vector<16xi32>
            %gt3A_1054 = arith.cmpf ogt, %get3A_1044, %broadcast_in_dim3A_377 : vector<16xf32>
            %convert_element_type3A_1055 = arith.extui %gt3A_1054 : vector<16xi1> to vector<16xi32>
            %broadcast_in_dim3A_1056 = arith.constant true
            %broadcast_in_dim3A_1057 = vector.broadcast %broadcast_in_dim3A_1056 : i1 to vector<16xi1>
            %masked_cumsum3A_1058 = tpu.scan <sum>, %convert_element_type3A_1055 masked %broadcast_in_dim3A_1057 : vector<16xi32>, vector<16xi1> -> vector<16xi32>
            %mul3A_1059 = arith.constant 640 : i32
            %mul3A_1060 = arith.muli %scan3A_115, %mul3A_1059 : i32
            %broadcast_in_dim3A_1061 = vector.broadcast %mul3A_1060 : i32 to vector<16xi32>
            %add3A_1062 = arith.addi %broadcast_in_dim3A_1061, %add3A_1035 : vector<16xi32>
            %add3A_1063 = arith.addi %add3A_1062, %masked_cumsum3A_1058 : vector<16xi32>
            %sub3A_1064 = arith.constant 1 : i32
            %sub3A_1065 = vector.broadcast %sub3A_1064 : i32 to vector<16xi32>
            %sub3A_1066 = arith.subi %add3A_1063, %sub3A_1065 : vector<16xi32>
            tpu.vector_store_idx %arg11[%sub3A_1066], %get3A_1044 masked %gt3A_1054 : memref<5120xf32, #tpu.memory_space<vmem>>[vector<16xi32>], vector<16xf32>, vector<16xi1>
            tpu.vector_store_idx %arg12[%sub3A_1066], %add3A_1053 masked %gt3A_1054 : memref<5120xi32, #tpu.memory_space<vmem>>[vector<16xi32>], vector<16xi32>, vector<16xi1>
            %all_reduce_population_count3A_1067 = tpu.all_reduce %gt3A_1054 {dim = 0 : i64, kind = #tpu.reduction_kind<sum>} : vector<16xi1> -> vector<16xi32>
            %add3A_1068 = arith.addi %add3A_1035, %all_reduce_population_count3A_1067 : vector<16xi32>
            %add3A_1069 = arith.constant 2 : i32
            %add3A_1070 = arith.addi %mul3A_129, %add3A_1069 : i32
            %mul3A_1071 = arith.constant 128 : i32
            %mul3A_1072 = arith.muli %add3A_1070, %mul3A_1071 : i32
            %add3A_1073 = arith.constant 80 : i32
            %add3A_1074 = arith.addi %mul3A_1072, %add3A_1073 : i32
            %get3A_1075 = arith.index_cast %scan3A_115 : i32 to index
            %get3A_1076 = arith.index_cast %add3A_1074 : i32 to index
            %get3A_1077 = tpu.vector_load %arg8[%get3A_1075, %get3A_1076] {strides = array<i32>} : memref<8x2688xf32, #tpu.memory_space<vmem>>, vector<16xf32>,
            %add3A_1078 = arith.constant 2 : i32
            %add3A_1079 = arith.addi %mul3A_129, %add3A_1078 : i32
            %mul3A_1080 = arith.constant 128 : i32
            %mul3A_1081 = arith.muli %add3A_1079, %mul3A_1080 : i32
            %add3A_1082 = arith.addi %add3A_90, %mul3A_1081 : i32
            %add3A_1083 = arith.constant 80 : i32
            %add3A_1084 = arith.addi %add3A_1082, %add3A_1083 : i32
            %broadcast_in_dim3A_1085 = vector.broadcast %add3A_1084 : i32 to vector<16xi32>
            %add3A_1086 = arith.addi %broadcast_in_dim3A_1085, %iota3A : vector<16xi32>
            %gt3A_1087 = arith.cmpf ogt, %get3A_1077, %broadcast_in_dim3A_377 : vector<16xf32>
            %convert_element_type3A_1088 = arith.extui %gt3A_1087 : vector<16xi1> to vector<16xi32>
            %broadcast_in_dim3A_1089 = arith.constant true
            %broadcast_in_dim3A_1090 = vector.broadcast %broadcast_in_dim3A_1089 : i1 to vector<16xi1>
            %masked_cumsum3A_1091 = tpu.scan <sum>, %convert_element_type3A_1088 masked %broadcast_in_dim3A_1090 : vector<16xi32>, vector<16xi1> -> vector<16xi32>
            %mul3A_1092 = arith.constant 640 : i32
            %mul3A_1093 = arith.muli %scan3A_115, %mul3A_1092 : i32
            %broadcast_in_dim3A_1094 = vector.broadcast %mul3A_1093 : i32 to vector<16xi32>
            %add3A_1095 = arith.addi %broadcast_in_dim3A_1094, %add3A_1068 : vector<16xi32>
            %add3A_1096 = arith.addi %add3A_1095, %masked_cumsum3A_1091 : vector<16xi32>
            %sub3A_1097 = arith.constant 1 : i32
            %sub3A_1098 = vector.broadcast %sub3A_1097 : i32 to vector<16xi32>
            %sub3A_1099 = arith.subi %add3A_1096, %sub3A_1098 : vector<16xi32>
            tpu.vector_store_idx %arg11[%sub3A_1099], %get3A_1077 masked %gt3A_1087 : memref<5120xf32, #tpu.memory_space<vmem>>[vector<16xi32>], vector<16xf32>, vector<16xi1>
            tpu.vector_store_idx %arg12[%sub3A_1099], %add3A_1086 masked %gt3A_1087 : memref<5120xi32, #tpu.memory_space<vmem>>[vector<16xi32>], vector<16xi32>, vector<16xi1>
            %all_reduce_population_count3A_1100 = tpu.all_reduce %gt3A_1087 {dim = 0 : i64, kind = #tpu.reduction_kind<sum>} : vector<16xi1> -> vector<16xi32>
            %add3A_1101 = arith.addi %add3A_1068, %all_reduce_population_count3A_1100 : vector<16xi32>
            %add3A_1102 = arith.constant 2 : i32
            %add3A_1103 = arith.addi %mul3A_129, %add3A_1102 : i32
            %mul3A_1104 = arith.constant 128 : i32
            %mul3A_1105 = arith.muli %add3A_1103, %mul3A_1104 : i32
            %add3A_1106 = arith.constant 96 : i32
            %add3A_1107 = arith.addi %mul3A_1105, %add3A_1106 : i32
            %get3A_1108 = arith.index_cast %scan3A_115 : i32 to index
            %get3A_1109 = arith.index_cast %add3A_1107 : i32 to index
            %get3A_1110 = tpu.vector_load %arg8[%get3A_1108, %get3A_1109] {strides = array<i32>} : memref<8x2688xf32, #tpu.memory_space<vmem>>, vector<16xf32>,
            %add3A_1111 = arith.constant 2 : i32
            %add3A_1112 = arith.addi %mul3A_129, %add3A_1111 : i32
            %mul3A_1113 = arith.constant 128 : i32
            %mul3A_1114 = arith.muli %add3A_1112, %mul3A_1113 : i32
            %add3A_1115 = arith.addi %add3A_90, %mul3A_1114 : i32
            %add3A_1116 = arith.constant 96 : i32
            %add3A_1117 = arith.addi %add3A_1115, %add3A_1116 : i32
            %broadcast_in_dim3A_1118 = vector.broadcast %add3A_1117 : i32 to vector<16xi32>
            %add3A_1119 = arith.addi %broadcast_in_dim3A_1118, %iota3A : vector<16xi32>
            %gt3A_1120 = arith.cmpf ogt, %get3A_1110, %broadcast_in_dim3A_377 : vector<16xf32>
            %convert_element_type3A_1121 = arith.extui %gt3A_1120 : vector<16xi1> to vector<16xi32>
            %broadcast_in_dim3A_1122 = arith.constant true
            %broadcast_in_dim3A_1123 = vector.broadcast %broadcast_in_dim3A_1122 : i1 to vector<16xi1>
            %masked_cumsum3A_1124 = tpu.scan <sum>, %convert_element_type3A_1121 masked %broadcast_in_dim3A_1123 : vector<16xi32>, vector<16xi1> -> vector<16xi32>
            %mul3A_1125 = arith.constant 640 : i32
            %mul3A_1126 = arith.muli %scan3A_115, %mul3A_1125 : i32
            %broadcast_in_dim3A_1127 = vector.broadcast %mul3A_1126 : i32 to vector<16xi32>
            %add3A_1128 = arith.addi %broadcast_in_dim3A_1127, %add3A_1101 : vector<16xi32>
            %add3A_1129 = arith.addi %add3A_1128, %masked_cumsum3A_1124 : vector<16xi32>
            %sub3A_1130 = arith.constant 1 : i32
            %sub3A_1131 = vector.broadcast %sub3A_1130 : i32 to vector<16xi32>
            %sub3A_1132 = arith.subi %add3A_1129, %sub3A_1131 : vector<16xi32>
            tpu.vector_store_idx %arg11[%sub3A_1132], %get3A_1110 masked %gt3A_1120 : memref<5120xf32, #tpu.memory_space<vmem>>[vector<16xi32>], vector<16xf32>, vector<16xi1>
            tpu.vector_store_idx %arg12[%sub3A_1132], %add3A_1119 masked %gt3A_1120 : memref<5120xi32, #tpu.memory_space<vmem>>[vector<16xi32>], vector<16xi32>, vector<16xi1>
            %all_reduce_population_count3A_1133 = tpu.all_reduce %gt3A_1120 {dim = 0 : i64, kind = #tpu.reduction_kind<sum>} : vector<16xi1> -> vector<16xi32>
            %add3A_1134 = arith.addi %add3A_1101, %all_reduce_population_count3A_1133 : vector<16xi32>
            %add3A_1135 = arith.constant 2 : i32
            %add3A_1136 = arith.addi %mul3A_129, %add3A_1135 : i32
            %mul3A_1137 = arith.constant 128 : i32
            %mul3A_1138 = arith.muli %add3A_1136, %mul3A_1137 : i32
            %add3A_1139 = arith.constant 112 : i32
            %add3A_1140 = arith.addi %mul3A_1138, %add3A_1139 : i32
            %get3A_1141 = arith.index_cast %scan3A_115 : i32 to index
            %get3A_1142 = arith.index_cast %add3A_1140 : i32 to index
            %get3A_1143 = tpu.vector_load %arg8[%get3A_1141, %get3A_1142] {strides = array<i32>} : memref<8x2688xf32, #tpu.memory_space<vmem>>, vector<16xf32>,
            %add3A_1144 = arith.constant 2 : i32
            %add3A_1145 = arith.addi %mul3A_129, %add3A_1144 : i32
            %mul3A_1146 = arith.constant 128 : i32
            %mul3A_1147 = arith.muli %add3A_1145, %mul3A_1146 : i32
            %add3A_1148 = arith.addi %add3A_90, %mul3A_1147 : i32
            %add3A_1149 = arith.constant 112 : i32
            %add3A_1150 = arith.addi %add3A_1148, %add3A_1149 : i32
            %broadcast_in_dim3A_1151 = vector.broadcast %add3A_1150 : i32 to vector<16xi32>
            %add3A_1152 = arith.addi %broadcast_in_dim3A_1151, %iota3A : vector<16xi32>
            %gt3A_1153 = arith.cmpf ogt, %get3A_1143, %broadcast_in_dim3A_377 : vector<16xf32>
            %convert_element_type3A_1154 = arith.extui %gt3A_1153 : vector<16xi1> to vector<16xi32>
            %broadcast_in_dim3A_1155 = arith.constant true
            %broadcast_in_dim3A_1156 = vector.broadcast %broadcast_in_dim3A_1155 : i1 to vector<16xi1>
            %masked_cumsum3A_1157 = tpu.scan <sum>, %convert_element_type3A_1154 masked %broadcast_in_dim3A_1156 : vector<16xi32>, vector<16xi1> -> vector<16xi32>
            %mul3A_1158 = arith.constant 640 : i32
            %mul3A_1159 = arith.muli %scan3A_115, %mul3A_1158 : i32
            %broadcast_in_dim3A_1160 = vector.broadcast %mul3A_1159 : i32 to vector<16xi32>
            %add3A_1161 = arith.addi %broadcast_in_dim3A_1160, %add3A_1134 : vector<16xi32>
            %add3A_1162 = arith.addi %add3A_1161, %masked_cumsum3A_1157 : vector<16xi32>
            %sub3A_1163 = arith.constant 1 : i32
            %sub3A_1164 = vector.broadcast %sub3A_1163 : i32 to vector<16xi32>
            %sub3A_1165 = arith.subi %add3A_1162, %sub3A_1164 : vector<16xi32>
            tpu.vector_store_idx %arg11[%sub3A_1165], %get3A_1143 masked %gt3A_1153 : memref<5120xf32, #tpu.memory_space<vmem>>[vector<16xi32>], vector<16xf32>, vector<16xi1>
            tpu.vector_store_idx %arg12[%sub3A_1165], %add3A_1152 masked %gt3A_1153 : memref<5120xi32, #tpu.memory_space<vmem>>[vector<16xi32>], vector<16xi32>, vector<16xi1>
            %all_reduce_population_count3A_1166 = tpu.all_reduce %gt3A_1153 {dim = 0 : i64, kind = #tpu.reduction_kind<sum>} : vector<16xi1> -> vector<16xi32>
            %add3A_1167 = arith.addi %add3A_1134, %all_reduce_population_count3A_1166 : vector<16xi32>
            %reduce_max3A_1168 = arith.constant true
            %reduce_max3A_1169 = vector.broadcast %reduce_max3A_1168 : i1 to vector<16xi1>
            %reduce_max3A_1170 = arith.constant -2147483648 : i32
            %reduce_max3A_1171 = vector.broadcast %reduce_max3A_1170 : i32 to vector<16xi32>
            %reduce_max3A_1172 = arith.xori %add3A_1167, %reduce_max3A_1171 : vector<16xi32>
            %reduce_max3A_1173 = tpu.scan <max>, %reduce_max3A_1172 masked %reduce_max3A_1169 : vector<16xi32>, vector<16xi1> -> vector<16xi32>
            %reduce_max3A_1174 = arith.xori %reduce_max3A_1173, %reduce_max3A_1171 : vector<16xi32>
            %reduce_max3A_1175 = vector.extract %reduce_max3A_1174[15] : i32 from vector<16xi32>
            %swap3A = arith.index_cast %scan3A_115 : i32 to index
            %swap3A_1176 = memref.load %arg23[%swap3A] : memref<8xi32, #tpu.memory_space<smem>>
            memref.store %reduce_max3A_1175, %arg23[%swap3A] : memref<8xi32, #tpu.memory_space<smem>>
            %ge3A = arith.constant 256 : i32
            %ge3A_1177 = arith.cmpi sge, %reduce_max3A_1175, %ge3A : i32
            %convert_element_type3A_1178 = arith.extui %ge3A_1177 : i1 to i32
            %cond3A_1179 = arith.constant 0 : i32
            %cond3A_1180 = arith.cmpi ne, %convert_element_type3A_1178, %cond3A_1179 : i32
            scf.if %cond3A_1180 {
              %mul3A_1181 = arith.constant 640 : i32
              %mul3A_1182 = arith.muli %scan3A_115, %mul3A_1181 : i32
              %get3A_1183 = arith.index_cast %scan3A_115 : i32 to index
              %get3A_1184 = memref.load %arg23[%get3A_1183] : memref<8xi32, #tpu.memory_space<smem>>
              %add3A_1185 = arith.constant 15 : i32
              %add3A_1186 = arith.addi %get3A_1184, %add3A_1185 : i32
              %jit3A_1187 = arith.constant 16 : i32
              %div3A_1188 = arith.divsi %add3A_1186, %jit3A_1187 : i32
              %sign3A_1189 = arith.constant 0 : i32
              %sign3A_1190 = arith.cmpi sgt, %add3A_1186, %sign3A_1189 : i32
              %sign3A_1191 = arith.extui %sign3A_1190 : i1 to i32
              %sign3A_1192 = arith.constant 0 : i32
              %sign3A_1193 = arith.cmpi slt, %add3A_1186, %sign3A_1192 : i32
              %sign3A_1194 = arith.extui %sign3A_1193 : i1 to i32
              %sign3A_1195 = arith.subi %sign3A_1191, %sign3A_1194 : i32
              %sign3A_1196 = arith.constant 0 : i32
              %sign3A_1197 = arith.cmpi sgt, %jit3A_1187, %sign3A_1196 : i32
              %sign3A_1198 = arith.extui %sign3A_1197 : i1 to i32
              %sign3A_1199 = arith.constant 0 : i32
              %sign3A_1200 = arith.cmpi slt, %jit3A_1187, %sign3A_1199 : i32
              %sign3A_1201 = arith.extui %sign3A_1200 : i1 to i32
              %sign3A_1202 = arith.subi %sign3A_1198, %sign3A_1201 : i32
              %ne3A_1203 = arith.cmpi ne, %sign3A_1195, %sign3A_1202 : i32
              %rem3A_1204 = arith.remsi %add3A_1186, %jit3A_1187 : i32
              %ne3A_1205 = arith.constant 0 : i32
              %ne3A_1206 = arith.cmpi ne, %rem3A_1204, %ne3A_1205 : i32
              %and3A_1207 = arith.andi %ne3A_1203, %ne3A_1206 : i1
              %sub3A_1208 = arith.constant 1 : i32
              %sub3A_1209 = arith.subi %div3A_1188, %sub3A_1208 : i32
              %select_n3A_1210 = arith.select %and3A_1207, %sub3A_1209, %div3A_1188 : i32
              %iota3A_1211 = tpu.iota {dimensions = array<i32: 0>} : vector<16xi32>
              %while3A = arith.constant 0 : i32
              %while3A_1212 = arith.constant 0 : i32
              %while3A_1213 = arith.subi %select_n3A_1210, %while3A : i32
              %while3A_1214 = arith.addi %while3A, %while3A_1213 : i32
              %while3A_1215 = arith.constant 1 : i32
              %while3A_1216 = arith.divsi %while3A_1213, %while3A_1215 : i32
              %while3A_1217 = arith.muli %while3A_1216, %while3A_1215 : i32
              %while3A_1218 = arith.addi %while3A, %while3A_1217 : i32
              %while3A_1219 = arith.constant 1 : i32
              %while3A_1220 = scf.for %while3A_1291 = %while3A to %while3A_1218 step %while3A_1219 iter_args(%while3A_1292 = %while3A_1212) -> (i32)  : i32 {
                %mul3A_1293 = arith.constant 16 : i32
                %mul3A_1294 = arith.muli %while3A_1291, %mul3A_1293 : i32
                %add3A_1295 = arith.addi %mul3A_1182, %mul3A_1294 : i32
                %get3A_1296 = arith.index_cast %add3A_1295 : i32 to index
                %get3A_1297 = tpu.vector_load %arg11[%get3A_1296] {strides = array<i32>} : memref<5120xf32, #tpu.memory_space<vmem>>, vector<16xf32>,
                %bitcast3A = vector.bitcast %get3A_1297 : vector<16xf32> to vector<16xi32>
                %lt3A_1298 = arith.constant -2147483648 : i32
                %lt3A_1299 = vector.broadcast %lt3A_1298 : i32 to vector<16xi32>
                %lt3A_1300 = arith.cmpi ult, %bitcast3A, %lt3A_1299 : vector<16xi32>
                %add3A_1301 = arith.constant -2147483648 : i32
                %add3A_1302 = vector.broadcast %add3A_1301 : i32 to vector<16xi32>
                %add3A_1303 = arith.addi %bitcast3A, %add3A_1302 : vector<16xi32>
                %not3A = arith.constant dense<-1> : vector<16xi32>
                %not3A_1304 = arith.xori %bitcast3A, %not3A : vector<16xi32>
                %select_n3A_1305 = arith.select %lt3A_1300, %add3A_1303, %not3A_1304 : vector<16xi1>, vector<16xi32>
                %mul3A_1306 = arith.constant 16 : i32
                %mul3A_1307 = arith.muli %while3A_1291, %mul3A_1306 : i32
                %add3A_1308 = vector.broadcast %mul3A_1307 : i32 to vector<16xi32>
                %add3A_1309 = arith.addi %add3A_1308, %iota3A_1211 : vector<16xi32>
                %broadcast_in_dim3A_1310 = vector.broadcast %get3A_1184 : i32 to vector<16xi32>
                %lt3A_1311 = arith.cmpi slt, %add3A_1309, %broadcast_in_dim3A_1310 : vector<16xi32>
                %jit3A_1312 = arith.constant 0 : i32
                %broadcast_in_dim3A_1313 = vector.broadcast %jit3A_1312 : i32 to vector<16xi32>
                %select_n3A_1314 = arith.select %lt3A_1311, %select_n3A_1305, %broadcast_in_dim3A_1313 : vector<16xi1>, vector<16xi32>
                %mul3A_1315 = arith.constant 16 : i32
                %mul3A_1316 = arith.muli %while3A_1291, %mul3A_1315 : i32
                %add3A_1317 = arith.addi %mul3A_1182, %mul3A_1316 : i32
                %swap3A_1318 = arith.index_cast %add3A_1317 : i32 to index
                %swap3A_1319 = tpu.vector_load %arg13[%swap3A_1318] {strides = array<i32>} : memref<5120xi32, #tpu.memory_space<vmem>>, vector<16xi32>,
                tpu.vector_store %arg13[%swap3A_1318], %select_n3A_1314 {strides = array<i32>} : memref<5120xi32, #tpu.memory_space<vmem>>, vector<16xi32>,
                %while3A_1320 = arith.constant 0 : i32
                scf.yield %while3A_1320 : i32
              }
              %while3A_1221 = arith.constant 1 : i32
              %while3A_1222 = scf.for %while3A_1291 = %while3A_1218 to %while3A_1214 step %while3A_1221 iter_args(%while3A_1292 = %while3A_1220) -> (i32)  : i32 {
                %mul3A_1293 = arith.constant 16 : i32
                %mul3A_1294 = arith.muli %while3A_1291, %mul3A_1293 : i32
                %add3A_1295 = arith.addi %mul3A_1182, %mul3A_1294 : i32
                %get3A_1296 = arith.index_cast %add3A_1295 : i32 to index
                %get3A_1297 = tpu.vector_load %arg11[%get3A_1296] {strides = array<i32>} : memref<5120xf32, #tpu.memory_space<vmem>>, vector<16xf32>,
                %bitcast3A = vector.bitcast %get3A_1297 : vector<16xf32> to vector<16xi32>
                %lt3A_1298 = arith.constant -2147483648 : i32
                %lt3A_1299 = vector.broadcast %lt3A_1298 : i32 to vector<16xi32>
                %lt3A_1300 = arith.cmpi ult, %bitcast3A, %lt3A_1299 : vector<16xi32>
                %add3A_1301 = arith.constant -2147483648 : i32
                %add3A_1302 = vector.broadcast %add3A_1301 : i32 to vector<16xi32>
                %add3A_1303 = arith.addi %bitcast3A, %add3A_1302 : vector<16xi32>
                %not3A = arith.constant dense<-1> : vector<16xi32>
                %not3A_1304 = arith.xori %bitcast3A, %not3A : vector<16xi32>
                %select_n3A_1305 = arith.select %lt3A_1300, %add3A_1303, %not3A_1304 : vector<16xi1>, vector<16xi32>
                %mul3A_1306 = arith.constant 16 : i32
                %mul3A_1307 = arith.muli %while3A_1291, %mul3A_1306 : i32
                %add3A_1308 = vector.broadcast %mul3A_1307 : i32 to vector<16xi32>
                %add3A_1309 = arith.addi %add3A_1308, %iota3A_1211 : vector<16xi32>
                %broadcast_in_dim3A_1310 = vector.broadcast %get3A_1184 : i32 to vector<16xi32>
                %lt3A_1311 = arith.cmpi slt, %add3A_1309, %broadcast_in_dim3A_1310 : vector<16xi32>
                %jit3A_1312 = arith.constant 0 : i32
                %broadcast_in_dim3A_1313 = vector.broadcast %jit3A_1312 : i32 to vector<16xi32>
                %select_n3A_1314 = arith.select %lt3A_1311, %select_n3A_1305, %broadcast_in_dim3A_1313 : vector<16xi1>, vector<16xi32>
                %mul3A_1315 = arith.constant 16 : i32
                %mul3A_1316 = arith.muli %while3A_1291, %mul3A_1315 : i32
                %add3A_1317 = arith.addi %mul3A_1182, %mul3A_1316 : i32
                %swap3A_1318 = arith.index_cast %add3A_1317 : i32 to index
                %swap3A_1319 = tpu.vector_load %arg13[%swap3A_1318] {strides = array<i32>} : memref<5120xi32, #tpu.memory_space<vmem>>, vector<16xi32>,
                tpu.vector_store %arg13[%swap3A_1318], %select_n3A_1314 {strides = array<i32>} : memref<5120xi32, #tpu.memory_space<vmem>>, vector<16xi32>,
                %while3A_1320 = arith.constant 0 : i32
                scf.yield %while3A_1320 : i32
              }
              %scan3A_1223 = arith.constant 0 : i32
              %scan3A_1224 = arith.constant 0 : i32
              %scan3A_1225 = arith.constant 32 : i32
              %scan3A_1226 = arith.addi %scan3A_1224, %scan3A_1225 : i32
              %scan3A_1227 = arith.constant 1 : i32
              %scan3A_1228 = scf.for %scan3A_1291 = %scan3A_1224 to %scan3A_1226 step %scan3A_1227 iter_args(%scan3A_1292 = %scan3A_1223) -> (i32)  : i32 {
                %sub3A_1293 = arith.constant 31 : i32
                %sub3A_1294 = arith.subi %sub3A_1293, %scan3A_1291 : i32
                %shift_left3A = arith.constant 1 : i32
                %shift_left3A_1295 = arith.shli %shift_left3A, %sub3A_1294 : i32
                %or3A = arith.ori %scan3A_1292, %shift_left3A_1295 : i32
                %broadcast_in_dim3A_1296 = vector.broadcast %or3A : i32 to vector<16xi32>
                %broadcast_in_dim3A_1297 = arith.constant 0 : i32
                %broadcast_in_dim3A_1298 = vector.broadcast %broadcast_in_dim3A_1297 : i32 to vector<16xi32>
                %while3A_1299 = arith.constant 0 : i32
                %while3A_1300 = arith.subi %select_n3A_1210, %while3A_1299 : i32
                %while3A_1301 = arith.addi %while3A_1299, %while3A_1300 : i32
                %while3A_1302 = arith.constant 1 : i32
                %while3A_1303 = arith.divsi %while3A_1300, %while3A_1302 : i32
                %while3A_1304 = arith.muli %while3A_1303, %while3A_1302 : i32
                %while3A_1305 = arith.addi %while3A_1299, %while3A_1304 : i32
                %while3A_1306 = arith.constant 1 : i32
                %while3A_1307 = scf.for %while3A_1321 = %while3A_1299 to %while3A_1305 step %while3A_1306 iter_args(%while3A_1322 = %broadcast_in_dim3A_1298) -> (vector<16xi32>)  : i32 {
                  %mul3A_1323 = arith.constant 16 : i32
                  %mul3A_1324 = arith.muli %while3A_1321, %mul3A_1323 : i32
                  %add3A_1325 = arith.addi %mul3A_1182, %mul3A_1324 : i32
                  %get3A_1326 = arith.index_cast %add3A_1325 : i32 to index
                  %get3A_1327 = tpu.vector_load %arg13[%get3A_1326] {strides = array<i32>} : memref<5120xi32, #tpu.memory_space<vmem>>, vector<16xi32>,
                  %ge3A_1328 = arith.cmpi uge, %get3A_1327, %broadcast_in_dim3A_1296 : vector<16xi32>
                  %all_reduce_population_count3A_1329 = tpu.all_reduce %ge3A_1328 {dim = 0 : i64, kind = #tpu.reduction_kind<sum>} : vector<16xi1> -> vector<16xi32>
                  %add3A_1330 = arith.addi %while3A_1322, %all_reduce_population_count3A_1329 : vector<16xi32>
                  scf.yield %add3A_1330 : vector<16xi32>
                }
                %while3A_1308 = arith.constant 1 : i32
                %while3A_1309 = scf.for %while3A_1321 = %while3A_1305 to %while3A_1301 step %while3A_1308 iter_args(%while3A_1322 = %while3A_1307) -> (vector<16xi32>)  : i32 {
                  %mul3A_1323 = arith.constant 16 : i32
                  %mul3A_1324 = arith.muli %while3A_1321, %mul3A_1323 : i32
                  %add3A_1325 = arith.addi %mul3A_1182, %mul3A_1324 : i32
                  %get3A_1326 = arith.index_cast %add3A_1325 : i32 to index
                  %get3A_1327 = tpu.vector_load %arg13[%get3A_1326] {strides = array<i32>} : memref<5120xi32, #tpu.memory_space<vmem>>, vector<16xi32>,
                  %ge3A_1328 = arith.cmpi uge, %get3A_1327, %broadcast_in_dim3A_1296 : vector<16xi32>
                  %all_reduce_population_count3A_1329 = tpu.all_reduce %ge3A_1328 {dim = 0 : i64, kind = #tpu.reduction_kind<sum>} : vector<16xi1> -> vector<16xi32>
                  %add3A_1330 = arith.addi %while3A_1322, %all_reduce_population_count3A_1329 : vector<16xi32>
                  scf.yield %add3A_1330 : vector<16xi32>
                }
                %reduce_max3A_1310 = arith.constant true
                %reduce_max3A_1311 = vector.broadcast %reduce_max3A_1310 : i1 to vector<16xi1>
                %reduce_max3A_1312 = arith.constant -2147483648 : i32
                %reduce_max3A_1313 = vector.broadcast %reduce_max3A_1312 : i32 to vector<16xi32>
                %reduce_max3A_1314 = arith.xori %while3A_1309, %reduce_max3A_1313 : vector<16xi32>
                %reduce_max3A_1315 = tpu.scan <max>, %reduce_max3A_1314 masked %reduce_max3A_1311 : vector<16xi32>, vector<16xi1> -> vector<16xi32>
                %reduce_max3A_1316 = arith.xori %reduce_max3A_1315, %reduce_max3A_1313 : vector<16xi32>
                %reduce_max3A_1317 = vector.extract %reduce_max3A_1316[15] : i32 from vector<16xi32>
                %ge3A_1318 = arith.constant 64 : i32
                %ge3A_1319 = arith.cmpi sge, %reduce_max3A_1317, %ge3A_1318 : i32
                %select_n3A_1320 = arith.select %ge3A_1319, %or3A, %scan3A_1292 : i32
                scf.yield %select_n3A_1320 : i32
              }
              %scan3A_1229 = arith.constant 32 : i32
              %broadcast_in_dim3A_1230 = vector.broadcast %scan3A_1228 : i32 to vector<16xi32>
              %broadcast_in_dim3A_1231 = arith.constant 0 : i32
              %broadcast_in_dim3A_1232 = vector.broadcast %broadcast_in_dim3A_1231 : i32 to vector<16xi32>
              %while3A_1233 = arith.constant 0 : i32
              %while3A_1234 = arith.subi %select_n3A_1210, %while3A_1233 : i32
              %while3A_1235 = arith.addi %while3A_1233, %while3A_1234 : i32
              %while3A_1236 = arith.constant 1 : i32
              %while3A_1237 = arith.divsi %while3A_1234, %while3A_1236 : i32
              %while3A_1238 = arith.muli %while3A_1237, %while3A_1236 : i32
              %while3A_1239 = arith.addi %while3A_1233, %while3A_1238 : i32
              %while3A_1240 = arith.constant 1 : i32
              %while3A_1241 = scf.for %while3A_1291 = %while3A_1233 to %while3A_1239 step %while3A_1240 iter_args(%while3A_1292 = %broadcast_in_dim3A_1232) -> (vector<16xi32>)  : i32 {
                %mul3A_1293 = arith.constant 16 : i32
                %mul3A_1294 = arith.muli %while3A_1291, %mul3A_1293 : i32
                %add3A_1295 = arith.addi %mul3A_1182, %mul3A_1294 : i32
                %get3A_1296 = arith.index_cast %add3A_1295 : i32 to index
                %get3A_1297 = tpu.vector_load %arg13[%get3A_1296] {strides = array<i32>} : memref<5120xi32, #tpu.memory_space<vmem>>, vector<16xi32>,
                %gt3A_1298 = arith.cmpi ugt, %get3A_1297, %broadcast_in_dim3A_1230 : vector<16xi32>
                %all_reduce_population_count3A_1299 = tpu.all_reduce %gt3A_1298 {dim = 0 : i64, kind = #tpu.reduction_kind<sum>} : vector<16xi1> -> vector<16xi32>
                %add3A_1300 = arith.addi %while3A_1292, %all_reduce_population_count3A_1299 : vector<16xi32>
                scf.yield %add3A_1300 : vector<16xi32>
              }
              %while3A_1242 = arith.constant 1 : i32
              %while3A_1243 = scf.for %while3A_1291 = %while3A_1239 to %while3A_1235 step %while3A_1242 iter_args(%while3A_1292 = %while3A_1241) -> (vector<16xi32>)  : i32 {
                %mul3A_1293 = arith.constant 16 : i32
                %mul3A_1294 = arith.muli %while3A_1291, %mul3A_1293 : i32
                %add3A_1295 = arith.addi %mul3A_1182, %mul3A_1294 : i32
                %get3A_1296 = arith.index_cast %add3A_1295 : i32 to index
                %get3A_1297 = tpu.vector_load %arg13[%get3A_1296] {strides = array<i32>} : memref<5120xi32, #tpu.memory_space<vmem>>, vector<16xi32>,
                %gt3A_1298 = arith.cmpi ugt, %get3A_1297, %broadcast_in_dim3A_1230 : vector<16xi32>
                %all_reduce_population_count3A_1299 = tpu.all_reduce %gt3A_1298 {dim = 0 : i64, kind = #tpu.reduction_kind<sum>} : vector<16xi1> -> vector<16xi32>
                %add3A_1300 = arith.addi %while3A_1292, %all_reduce_population_count3A_1299 : vector<16xi32>
                scf.yield %add3A_1300 : vector<16xi32>
              }
              %reduce_max3A_1244 = arith.constant true
              %reduce_max3A_1245 = vector.broadcast %reduce_max3A_1244 : i1 to vector<16xi1>
              %reduce_max3A_1246 = arith.constant -2147483648 : i32
              %reduce_max3A_1247 = vector.broadcast %reduce_max3A_1246 : i32 to vector<16xi32>
              %reduce_max3A_1248 = arith.xori %while3A_1243, %reduce_max3A_1247 : vector<16xi32>
              %reduce_max3A_1249 = tpu.scan <max>, %reduce_max3A_1248 masked %reduce_max3A_1245 : vector<16xi32>, vector<16xi1> -> vector<16xi32>
              %reduce_max3A_1250 = arith.xori %reduce_max3A_1249, %reduce_max3A_1247 : vector<16xi32>
              %reduce_max3A_1251 = vector.extract %reduce_max3A_1250[15] : i32 from vector<16xi32>
              %sub3A_1252 = arith.constant 64 : i32
              %sub3A_1253 = arith.subi %sub3A_1252, %reduce_max3A_1251 : i32
              %while3A_1254 = arith.constant 0 : i32
              %while3A_1255 = arith.constant 0 : i32
              %while3A_1256 = arith.constant 0 : i32
              %while3A_1257 = arith.subi %select_n3A_1210, %while3A_1254 : i32
              %while3A_1258 = arith.addi %while3A_1254, %while3A_1257 : i32
              %while3A_1259 = arith.constant 1 : i32
              %while3A_1260 = arith.divsi %while3A_1257, %while3A_1259 : i32
              %while3A_1261 = arith.muli %while3A_1260, %while3A_1259 : i32
              %while3A_1262 = arith.addi %while3A_1254, %while3A_1261 : i32
              %while3A_1263 = arith.constant 1 : i32
              %while3A_1264:2 = scf.for %while3A_1291 = %while3A_1254 to %while3A_1262 step %while3A_1263 iter_args(%while3A_1292 = %while3A_1255, %while3A_1293 = %while3A_1256) -> (i32, i32)  : i32 {
                %mul3A_1294 = arith.constant 16 : i32
                %mul3A_1295 = arith.muli %while3A_1291, %mul3A_1294 : i32
                %add3A_1296 = arith.addi %mul3A_1182, %mul3A_1295 : i32
                %get3A_1297 = arith.index_cast %add3A_1296 : i32 to index
                %get3A_1298 = tpu.vector_load %arg13[%get3A_1297] {strides = array<i32>} : memref<5120xi32, #tpu.memory_space<vmem>>, vector<16xi32>,
                %gt3A_1299 = arith.cmpi ugt, %get3A_1298, %broadcast_in_dim3A_1230 : vector<16xi32>
                %eq3A_1300 = arith.cmpi eq, %get3A_1298, %broadcast_in_dim3A_1230 : vector<16xi32>
                %convert_element_type3A_1301 = arith.extui %eq3A_1300 : vector<16xi1> to vector<16xi32>
                %broadcast_in_dim3A_1302 = arith.constant true
                %broadcast_in_dim3A_1303 = vector.broadcast %broadcast_in_dim3A_1302 : i1 to vector<16xi1>
                %masked_cumsum3A_1304 = tpu.scan <sum>, %convert_element_type3A_1301 masked %broadcast_in_dim3A_1303 : vector<16xi32>, vector<16xi1> -> vector<16xi32>
                %broadcast_in_dim3A_1305 = vector.broadcast %while3A_1293 : i32 to vector<16xi32>
                %add3A_1306 = arith.addi %broadcast_in_dim3A_1305, %masked_cumsum3A_1304 : vector<16xi32>
                %broadcast_in_dim3A_1307 = vector.broadcast %sub3A_1253 : i32 to vector<16xi32>
                %le3A = arith.cmpi sle, %add3A_1306, %broadcast_in_dim3A_1307 : vector<16xi32>
                %and3A_1308 = arith.andi %eq3A_1300, %le3A : vector<16xi1>
                %or3A = arith.ori %gt3A_1299, %and3A_1308 : vector<16xi1>
                %convert_element_type3A_1309 = arith.extui %or3A : vector<16xi1> to vector<16xi32>
                %broadcast_in_dim3A_1310 = arith.constant true
                %broadcast_in_dim3A_1311 = vector.broadcast %broadcast_in_dim3A_1310 : i1 to vector<16xi1>
                %masked_cumsum3A_1312 = tpu.scan <sum>, %convert_element_type3A_1309 masked %broadcast_in_dim3A_1311 : vector<16xi32>, vector<16xi1> -> vector<16xi32>
                %add3A_1313 = arith.addi %mul3A_1182, %while3A_1292 : i32
                %broadcast_in_dim3A_1314 = vector.broadcast %add3A_1313 : i32 to vector<16xi32>
                %add3A_1315 = arith.addi %broadcast_in_dim3A_1314, %masked_cumsum3A_1312 : vector<16xi32>
                %sub3A_1316 = arith.constant 1 : i32
                %sub3A_1317 = vector.broadcast %sub3A_1316 : i32 to vector<16xi32>
                %sub3A_1318 = arith.subi %add3A_1315, %sub3A_1317 : vector<16xi32>
                %mul3A_1319 = arith.constant 16 : i32
                %mul3A_1320 = arith.muli %while3A_1291, %mul3A_1319 : i32
                %add3A_1321 = arith.addi %mul3A_1182, %mul3A_1320 : i32
                %get3A_1322 = arith.index_cast %add3A_1321 : i32 to index
                %get3A_1323 = tpu.vector_load %arg11[%get3A_1322] {strides = array<i32>} : memref<5120xf32, #tpu.memory_space<vmem>>, vector<16xf32>,
                %mul3A_1324 = arith.constant 16 : i32
                %mul3A_1325 = arith.muli %while3A_1291, %mul3A_1324 : i32
                %add3A_1326 = arith.addi %mul3A_1182, %mul3A_1325 : i32
                %get3A_1327 = arith.index_cast %add3A_1326 : i32 to index
                %get3A_1328 = tpu.vector_load %arg12[%get3A_1327] {strides = array<i32>} : memref<5120xi32, #tpu.memory_space<vmem>>, vector<16xi32>,
                tpu.vector_store_idx %arg11[%sub3A_1318], %get3A_1323 masked %or3A : memref<5120xf32, #tpu.memory_space<vmem>>[vector<16xi32>], vector<16xf32>, vector<16xi1>
                tpu.vector_store_idx %arg12[%sub3A_1318], %get3A_1328 masked %or3A : memref<5120xi32, #tpu.memory_space<vmem>>[vector<16xi32>], vector<16xi32>, vector<16xi1>
                %all_reduce_population_count3A_1329 = tpu.all_reduce %or3A {dim = 0 : i64, kind = #tpu.reduction_kind<sum>} : vector<16xi1> -> vector<16xi32>
                %reduce_max3A_1330 = arith.constant true
                %reduce_max3A_1331 = vector.broadcast %reduce_max3A_1330 : i1 to vector<16xi1>
                %reduce_max3A_1332 = arith.constant -2147483648 : i32
                %reduce_max3A_1333 = vector.broadcast %reduce_max3A_1332 : i32 to vector<16xi32>
                %reduce_max3A_1334 = arith.xori %all_reduce_population_count3A_1329, %reduce_max3A_1333 : vector<16xi32>
                %reduce_max3A_1335 = tpu.scan <max>, %reduce_max3A_1334 masked %reduce_max3A_1331 : vector<16xi32>, vector<16xi1> -> vector<16xi32>
                %reduce_max3A_1336 = arith.xori %reduce_max3A_1335, %reduce_max3A_1333 : vector<16xi32>
                %reduce_max3A_1337 = vector.extract %reduce_max3A_1336[15] : i32 from vector<16xi32>
                %add3A_1338 = arith.addi %while3A_1292, %reduce_max3A_1337 : i32
                %all_reduce_population_count3A_1339 = tpu.all_reduce %and3A_1308 {dim = 0 : i64, kind = #tpu.reduction_kind<sum>} : vector<16xi1> -> vector<16xi32>
                %reduce_max3A_1340 = arith.constant true
                %reduce_max3A_1341 = vector.broadcast %reduce_max3A_1340 : i1 to vector<16xi1>
                %reduce_max3A_1342 = arith.constant -2147483648 : i32
                %reduce_max3A_1343 = vector.broadcast %reduce_max3A_1342 : i32 to vector<16xi32>
                %reduce_max3A_1344 = arith.xori %all_reduce_population_count3A_1339, %reduce_max3A_1343 : vector<16xi32>
                %reduce_max3A_1345 = tpu.scan <max>, %reduce_max3A_1344 masked %reduce_max3A_1341 : vector<16xi32>, vector<16xi1> -> vector<16xi32>
                %reduce_max3A_1346 = arith.xori %reduce_max3A_1345, %reduce_max3A_1343 : vector<16xi32>
                %reduce_max3A_1347 = vector.extract %reduce_max3A_1346[15] : i32 from vector<16xi32>
                %add3A_1348 = arith.addi %while3A_1293, %reduce_max3A_1347 : i32
                scf.yield %add3A_1338, %add3A_1348 : i32, i32
              }
              %while3A_1265 = arith.constant 1 : i32
              %while3A_1266:2 = scf.for %while3A_1291 = %while3A_1262 to %while3A_1258 step %while3A_1265 iter_args(%while3A_1292 = %while3A_1264#0, %while3A_1293 = %while3A_1264#1) -> (i32, i32)  : i32 {
                %mul3A_1294 = arith.constant 16 : i32
                %mul3A_1295 = arith.muli %while3A_1291, %mul3A_1294 : i32
                %add3A_1296 = arith.addi %mul3A_1182, %mul3A_1295 : i32
                %get3A_1297 = arith.index_cast %add3A_1296 : i32 to index
                %get3A_1298 = tpu.vector_load %arg13[%get3A_1297] {strides = array<i32>} : memref<5120xi32, #tpu.memory_space<vmem>>, vector<16xi32>,
                %gt3A_1299 = arith.cmpi ugt, %get3A_1298, %broadcast_in_dim3A_1230 : vector<16xi32>
                %eq3A_1300 = arith.cmpi eq, %get3A_1298, %broadcast_in_dim3A_1230 : vector<16xi32>
                %convert_element_type3A_1301 = arith.extui %eq3A_1300 : vector<16xi1> to vector<16xi32>
                %broadcast_in_dim3A_1302 = arith.constant true
                %broadcast_in_dim3A_1303 = vector.broadcast %broadcast_in_dim3A_1302 : i1 to vector<16xi1>
                %masked_cumsum3A_1304 = tpu.scan <sum>, %convert_element_type3A_1301 masked %broadcast_in_dim3A_1303 : vector<16xi32>, vector<16xi1> -> vector<16xi32>
                %broadcast_in_dim3A_1305 = vector.broadcast %while3A_1293 : i32 to vector<16xi32>
                %add3A_1306 = arith.addi %broadcast_in_dim3A_1305, %masked_cumsum3A_1304 : vector<16xi32>
                %broadcast_in_dim3A_1307 = vector.broadcast %sub3A_1253 : i32 to vector<16xi32>
                %le3A = arith.cmpi sle, %add3A_1306, %broadcast_in_dim3A_1307 : vector<16xi32>
                %and3A_1308 = arith.andi %eq3A_1300, %le3A : vector<16xi1>
                %or3A = arith.ori %gt3A_1299, %and3A_1308 : vector<16xi1>
                %convert_element_type3A_1309 = arith.extui %or3A : vector<16xi1> to vector<16xi32>
                %broadcast_in_dim3A_1310 = arith.constant true
                %broadcast_in_dim3A_1311 = vector.broadcast %broadcast_in_dim3A_1310 : i1 to vector<16xi1>
                %masked_cumsum3A_1312 = tpu.scan <sum>, %convert_element_type3A_1309 masked %broadcast_in_dim3A_1311 : vector<16xi32>, vector<16xi1> -> vector<16xi32>
                %add3A_1313 = arith.addi %mul3A_1182, %while3A_1292 : i32
                %broadcast_in_dim3A_1314 = vector.broadcast %add3A_1313 : i32 to vector<16xi32>
                %add3A_1315 = arith.addi %broadcast_in_dim3A_1314, %masked_cumsum3A_1312 : vector<16xi32>
                %sub3A_1316 = arith.constant 1 : i32
                %sub3A_1317 = vector.broadcast %sub3A_1316 : i32 to vector<16xi32>
                %sub3A_1318 = arith.subi %add3A_1315, %sub3A_1317 : vector<16xi32>
                %mul3A_1319 = arith.constant 16 : i32
                %mul3A_1320 = arith.muli %while3A_1291, %mul3A_1319 : i32
                %add3A_1321 = arith.addi %mul3A_1182, %mul3A_1320 : i32
                %get3A_1322 = arith.index_cast %add3A_1321 : i32 to index
                %get3A_1323 = tpu.vector_load %arg11[%get3A_1322] {strides = array<i32>} : memref<5120xf32, #tpu.memory_space<vmem>>, vector<16xf32>,
                %mul3A_1324 = arith.constant 16 : i32
                %mul3A_1325 = arith.muli %while3A_1291, %mul3A_1324 : i32
                %add3A_1326 = arith.addi %mul3A_1182, %mul3A_1325 : i32
                %get3A_1327 = arith.index_cast %add3A_1326 : i32 to index
                %get3A_1328 = tpu.vector_load %arg12[%get3A_1327] {strides = array<i32>} : memref<5120xi32, #tpu.memory_space<vmem>>, vector<16xi32>,
                tpu.vector_store_idx %arg11[%sub3A_1318], %get3A_1323 masked %or3A : memref<5120xf32, #tpu.memory_space<vmem>>[vector<16xi32>], vector<16xf32>, vector<16xi1>
                tpu.vector_store_idx %arg12[%sub3A_1318], %get3A_1328 masked %or3A : memref<5120xi32, #tpu.memory_space<vmem>>[vector<16xi32>], vector<16xi32>, vector<16xi1>
                %all_reduce_population_count3A_1329 = tpu.all_reduce %or3A {dim = 0 : i64, kind = #tpu.reduction_kind<sum>} : vector<16xi1> -> vector<16xi32>
                %reduce_max3A_1330 = arith.constant true
                %reduce_max3A_1331 = vector.broadcast %reduce_max3A_1330 : i1 to vector<16xi1>
                %reduce_max3A_1332 = arith.constant -2147483648 : i32
                %reduce_max3A_1333 = vector.broadcast %reduce_max3A_1332 : i32 to vector<16xi32>
                %reduce_max3A_1334 = arith.xori %all_reduce_population_count3A_1329, %reduce_max3A_1333 : vector<16xi32>
                %reduce_max3A_1335 = tpu.scan <max>, %reduce_max3A_1334 masked %reduce_max3A_1331 : vector<16xi32>, vector<16xi1> -> vector<16xi32>
                %reduce_max3A_1336 = arith.xori %reduce_max3A_1335, %reduce_max3A_1333 : vector<16xi32>
                %reduce_max3A_1337 = vector.extract %reduce_max3A_1336[15] : i32 from vector<16xi32>
                %add3A_1338 = arith.addi %while3A_1292, %reduce_max3A_1337 : i32
                %all_reduce_population_count3A_1339 = tpu.all_reduce %and3A_1308 {dim = 0 : i64, kind = #tpu.reduction_kind<sum>} : vector<16xi1> -> vector<16xi32>
                %reduce_max3A_1340 = arith.constant true
                %reduce_max3A_1341 = vector.broadcast %reduce_max3A_1340 : i1 to vector<16xi1>
                %reduce_max3A_1342 = arith.constant -2147483648 : i32
                %reduce_max3A_1343 = vector.broadcast %reduce_max3A_1342 : i32 to vector<16xi32>
                %reduce_max3A_1344 = arith.xori %all_reduce_population_count3A_1339, %reduce_max3A_1343 : vector<16xi32>
                %reduce_max3A_1345 = tpu.scan <max>, %reduce_max3A_1344 masked %reduce_max3A_1341 : vector<16xi32>, vector<16xi1> -> vector<16xi32>
                %reduce_max3A_1346 = arith.xori %reduce_max3A_1345, %reduce_max3A_1343 : vector<16xi32>
                %reduce_max3A_1347 = vector.extract %reduce_max3A_1346[15] : i32 from vector<16xi32>
                %add3A_1348 = arith.addi %while3A_1293, %reduce_max3A_1347 : i32
                scf.yield %add3A_1338, %add3A_1348 : i32, i32
              }
              %get3A_1267 = arith.index_cast %mul3A_1182 : i32 to index
              %get3A_1268 = tpu.vector_load %arg11[%get3A_1267] {strides = array<i32>} : memref<5120xf32, #tpu.memory_space<vmem>>, vector<16xf32>,
              %add3A_1269 = arith.constant 16 : i32
              %add3A_1270 = arith.addi %mul3A_1182, %add3A_1269 : i32
              %get3A_1271 = arith.index_cast %add3A_1270 : i32 to index
              %get3A_1272 = tpu.vector_load %arg11[%get3A_1271] {strides = array<i32>} : memref<5120xf32, #tpu.memory_space<vmem>>, vector<16xf32>,
              %min3A = arith.minimumf %get3A_1268, %get3A_1272 : vector<16xf32>
              %add3A_1273 = arith.constant 32 : i32
              %add3A_1274 = arith.addi %mul3A_1182, %add3A_1273 : i32
              %get3A_1275 = arith.index_cast %add3A_1274 : i32 to index
              %get3A_1276 = tpu.vector_load %arg11[%get3A_1275] {strides = array<i32>} : memref<5120xf32, #tpu.memory_space<vmem>>, vector<16xf32>,
              %add3A_1277 = arith.constant 48 : i32
              %add3A_1278 = arith.addi %mul3A_1182, %add3A_1277 : i32
              %get3A_1279 = arith.index_cast %add3A_1278 : i32 to index
              %get3A_1280 = tpu.vector_load %arg11[%get3A_1279] {strides = array<i32>} : memref<5120xf32, #tpu.memory_space<vmem>>, vector<16xf32>,
              %min3A_1281 = arith.minimumf %get3A_1276, %get3A_1280 : vector<16xf32>
              %min3A_1282 = arith.minimumf %min3A, %min3A_1281 : vector<16xf32>
              %reduce_min3A = arith.constant true
              %reduce_min3A_1283 = vector.broadcast %reduce_min3A : i1 to vector<16xi1>
              %reduce_min3A_1284 = tpu.scan <min>, %min3A_1282 masked %reduce_min3A_1283 : vector<16xf32>, vector<16xi1> -> vector<16xf32>
              %reduce_min3A_1285 = vector.extract %reduce_min3A_1284[15] : f32 from vector<16xf32>
              %swap3A_1286 = arith.constant 64 : i32
              %swap3A_1287 = arith.index_cast %scan3A_115 : i32 to index
              %swap3A_1288 = memref.load %arg23[%swap3A_1287] : memref<8xi32, #tpu.memory_space<smem>>
              memref.store %swap3A_1286, %arg23[%swap3A_1287] : memref<8xi32, #tpu.memory_space<smem>>
              %swap3A_1289 = arith.index_cast %scan3A_115 : i32 to index
              %swap3A_1290 = memref.load %arg24[%swap3A_1289] : memref<8xf32, #tpu.memory_space<smem>>
              memref.store %reduce_min3A_1285, %arg24[%swap3A_1289] : memref<8xf32, #tpu.memory_space<smem>>
            } else {
            }
          } else {
          }
          %scan3A_374 = arith.constant 0 : i32
          scf.yield %scan3A_374 : i32
        }
        %scan3A_123 = arith.constant 7 : i32
        %scan3A_124 = arith.constant 0 : i32
        scf.yield %scan3A_124 : i32
      }
      %scan3A_97 = arith.constant 8 : i32
      %add3A_98 = arith.constant 2 : i32
      %add3A_99 = arith.addi %mul3A_84, %add3A_98 : i32
      %lt3A_100 = arith.constant 93 : i32
      %lt3A_101 = arith.cmpi slt, %add3A_99, %lt3A_100 : i32
      %convert_element_type3A_102 = arith.extui %lt3A_101 : i1 to i32
      %cond3A_103 = arith.constant 0 : i32
      %cond3A_104 = arith.cmpi ne, %convert_element_type3A_102, %cond3A_103 : i32
      scf.if %cond3A_104 {
        %add3A_115 = arith.constant 2 : i32
        %add3A_116 = arith.addi %mul3A_84, %add3A_115 : i32
        %mul3A_117 = arith.constant 2688 : i32
        %mul3A_118 = arith.muli %add3A_116, %mul3A_117 : i32
        %add3A_119 = arith.addi %mul3A_34, %mul3A_118 : i32
        %multiple_of3A_120 = tpu.assume_multiple %add3A_119, 128 : i32
        %dma_start3A_121 = tpu.memref_slice %arg2[%multiple_of3A, %multiple_of3A_120] : memref<64x1000000xf32, #tpu.memory_space<hbm>> -> memref<8x2688xf32, #tpu.memory_space<hbm>>
        %dma_start3A_122 = tpu.memref_slice %arg2[%multiple_of3A, %multiple_of3A_120] : memref<64x1000000xf32, #tpu.memory_space<hbm>> -> memref<8x2688xf32, #tpu.memory_space<hbm>>
        tpu.enqueue_dma source(%dma_start3A_122 : memref<8x2688xf32, #tpu.memory_space<hbm>>) target(%arg8 : memref<8x2688xf32, #tpu.memory_space<vmem>>) target_semaphore(%arg25 : memref<!tpu.dma_semaphore, #tpu.memory_space<semaphore_mem>>)
      } else {
      }
      %mul3A_105 = arith.constant 2 : i32
      %mul3A_106 = arith.muli %mul3A_105, %scan3A_81 : i32
      %add3A_107 = arith.constant 1 : i32
      %add3A_108 = arith.addi %mul3A_106, %add3A_107 : i32
      %lt3A_109 = arith.constant 93 : i32
      %lt3A_110 = arith.cmpi slt, %add3A_108, %lt3A_109 : i32
      %convert_element_type3A_111 = arith.extui %lt3A_110 : i1 to i32
      %cond3A_112 = arith.constant 0 : i32
      %cond3A_113 = arith.cmpi ne, %convert_element_type3A_111, %cond3A_112 : i32
      scf.if %cond3A_113 {
        %dma_wait3A_115 = arith.constant 0 : i32
        %dma_wait3A_116 = tpu.memref_slice %arg2[%multiple_of3A, %dma_wait3A_115] : memref<64x1000000xf32, #tpu.memory_space<hbm>> -> memref<8x2688xf32, #tpu.memory_space<hbm>>
        %dma_wait3A_117 = arith.constant 0 : i32
        %dma_wait3A_118 = tpu.memref_slice %arg2[%multiple_of3A, %dma_wait3A_117] : memref<64x1000000xf32, #tpu.memory_space<hbm>> -> memref<8x2688xf32, #tpu.memory_space<hbm>>
        tpu.wait_dma2 semaphore(%arg26 : memref<!tpu.dma_semaphore, #tpu.memory_space<semaphore_mem>>) src(%dma_wait3A_118 : memref<8x2688xf32, #tpu.memory_space<hbm>>) dst(%arg9 : memref<8x2688xf32, #tpu.memory_space<vmem>>)
        %mul3A_119 = arith.constant 2688 : i32
        %mul3A_120 = arith.muli %add3A_108, %mul3A_119 : i32
        %add3A_121 = arith.addi %mul3A_34, %mul3A_120 : i32
        %scan3A_122 = arith.constant 0 : i32
        %scan3A_123 = arith.constant 0 : i32
        %scan3A_124 = arith.constant 8 : i32
        %scan3A_125 = arith.addi %scan3A_123, %scan3A_124 : i32
        %scan3A_126 = arith.constant 1 : i32
        %scan3A_127 = scf.for %scan3A_136 = %scan3A_123 to %scan3A_125 step %scan3A_126 iter_args(%scan3A_137 = %scan3A_122) -> (i32)  : i32 {
          %scan3A_138 = arith.constant 0 : i32
          %scan3A_139 = arith.constant 0 : i32
          %scan3A_140 = arith.constant 7 : i32
          %scan3A_141 = arith.addi %scan3A_139, %scan3A_140 : i32
          %scan3A_142 = arith.constant 1 : i32
          %scan3A_143 = scf.for %scan3A_146 = %scan3A_139 to %scan3A_141 step %scan3A_142 iter_args(%scan3A_147 = %scan3A_138) -> (i32)  : i32 {
            %get3A = arith.index_cast %scan3A_136 : i32 to index
            %get3A_148 = memref.load %arg24[%get3A] : memref<8xf32, #tpu.memory_space<smem>>
            %mul3A_149 = arith.constant 3 : i32
            %mul3A_150 = arith.muli %scan3A_146, %mul3A_149 : i32
            %add3A_151 = arith.constant 0 : i32
            %add3A_152 = arith.addi %mul3A_150, %add3A_151 : i32
            %mul3A_153 = arith.constant 128 : i32
            %mul3A_154 = arith.muli %add3A_152, %mul3A_153 : i32
            %add3A_155 = arith.constant 0 : i32
            %add3A_156 = arith.addi %mul3A_154, %add3A_155 : i32
            %get3A_157 = arith.index_cast %scan3A_136 : i32 to index
            %get3A_158 = arith.index_cast %add3A_156 : i32 to index
            %get3A_159 = tpu.vector_load %arg9[%get3A_157, %get3A_158] {strides = array<i32>} : memref<8x2688xf32, #tpu.memory_space<vmem>>, vector<16xf32>,
            %add3A_160 = arith.constant 0 : i32
            %add3A_161 = arith.addi %mul3A_150, %add3A_160 : i32
            %mul3A_162 = arith.constant 128 : i32
            %mul3A_163 = arith.muli %add3A_161, %mul3A_162 : i32
            %add3A_164 = arith.constant 16 : i32
            %add3A_165 = arith.addi %mul3A_163, %add3A_164 : i32
            %get3A_166 = arith.index_cast %scan3A_136 : i32 to index
            %get3A_167 = arith.index_cast %add3A_165 : i32 to index
            %get3A_168 = tpu.vector_load %arg9[%get3A_166, %get3A_167] {strides = array<i32>} : memref<8x2688xf32, #tpu.memory_space<vmem>>, vector<16xf32>,
            %add3A_169 = arith.constant 0 : i32
            %add3A_170 = arith.addi %mul3A_150, %add3A_169 : i32
            %mul3A_171 = arith.constant 128 : i32
            %mul3A_172 = arith.muli %add3A_170, %mul3A_171 : i32
            %add3A_173 = arith.constant 32 : i32
            %add3A_174 = arith.addi %mul3A_172, %add3A_173 : i32
            %get3A_175 = arith.index_cast %scan3A_136 : i32 to index
            %get3A_176 = arith.index_cast %add3A_174 : i32 to index
            %get3A_177 = tpu.vector_load %arg9[%get3A_175, %get3A_176] {strides = array<i32>} : memref<8x2688xf32, #tpu.memory_space<vmem>>, vector<16xf32>,
            %add3A_178 = arith.constant 0 : i32
            %add3A_179 = arith.addi %mul3A_150, %add3A_178 : i32
            %mul3A_180 = arith.constant 128 : i32
            %mul3A_181 = arith.muli %add3A_179, %mul3A_180 : i32
            %add3A_182 = arith.constant 48 : i32
            %add3A_183 = arith.addi %mul3A_181, %add3A_182 : i32
            %get3A_184 = arith.index_cast %scan3A_136 : i32 to index
            %get3A_185 = arith.index_cast %add3A_183 : i32 to index
            %get3A_186 = tpu.vector_load %arg9[%get3A_184, %get3A_185] {strides = array<i32>} : memref<8x2688xf32, #tpu.memory_space<vmem>>, vector<16xf32>,
            %add3A_187 = arith.constant 0 : i32
            %add3A_188 = arith.addi %mul3A_150, %add3A_187 : i32
            %mul3A_189 = arith.constant 128 : i32
            %mul3A_190 = arith.muli %add3A_188, %mul3A_189 : i32
            %add3A_191 = arith.constant 64 : i32
            %add3A_192 = arith.addi %mul3A_190, %add3A_191 : i32
            %get3A_193 = arith.index_cast %scan3A_136 : i32 to index
            %get3A_194 = arith.index_cast %add3A_192 : i32 to index
            %get3A_195 = tpu.vector_load %arg9[%get3A_193, %get3A_194] {strides = array<i32>} : memref<8x2688xf32, #tpu.memory_space<vmem>>, vector<16xf32>,
            %add3A_196 = arith.constant 0 : i32
            %add3A_197 = arith.addi %mul3A_150, %add3A_196 : i32
            %mul3A_198 = arith.constant 128 : i32
            %mul3A_199 = arith.muli %add3A_197, %mul3A_198 : i32
            %add3A_200 = arith.constant 80 : i32
            %add3A_201 = arith.addi %mul3A_199, %add3A_200 : i32
            %get3A_202 = arith.index_cast %scan3A_136 : i32 to index
            %get3A_203 = arith.index_cast %add3A_201 : i32 to index
            %get3A_204 = tpu.vector_load %arg9[%get3A_202, %get3A_203] {strides = array<i32>} : memref<8x2688xf32, #tpu.memory_space<vmem>>, vector<16xf32>,
            %add3A_205 = arith.constant 0 : i32
            %add3A_206 = arith.addi %mul3A_150, %add3A_205 : i32
            %mul3A_207 = arith.constant 128 : i32
            %mul3A_208 = arith.muli %add3A_206, %mul3A_207 : i32
            %add3A_209 = arith.constant 96 : i32
            %add3A_210 = arith.addi %mul3A_208, %add3A_209 : i32
            %get3A_211 = arith.index_cast %scan3A_136 : i32 to index
            %get3A_212 = arith.index_cast %add3A_210 : i32 to index
            %get3A_213 = tpu.vector_load %arg9[%get3A_211, %get3A_212] {strides = array<i32>} : memref<8x2688xf32, #tpu.memory_space<vmem>>, vector<16xf32>,
            %add3A_214 = arith.constant 0 : i32
            %add3A_215 = arith.addi %mul3A_150, %add3A_214 : i32
            %mul3A_216 = arith.constant 128 : i32
            %mul3A_217 = arith.muli %add3A_215, %mul3A_216 : i32
            %add3A_218 = arith.constant 112 : i32
            %add3A_219 = arith.addi %mul3A_217, %add3A_218 : i32
            %get3A_220 = arith.index_cast %scan3A_136 : i32 to index
            %get3A_221 = arith.index_cast %add3A_219 : i32 to index
            %get3A_222 = tpu.vector_load %arg9[%get3A_220, %get3A_221] {strides = array<i32>} : memref<8x2688xf32, #tpu.memory_space<vmem>>, vector<16xf32>,
            %add3A_223 = arith.constant 1 : i32
            %add3A_224 = arith.addi %mul3A_150, %add3A_223 : i32
            %mul3A_225 = arith.constant 128 : i32
            %mul3A_226 = arith.muli %add3A_224, %mul3A_225 : i32
            %add3A_227 = arith.constant 0 : i32
            %add3A_228 = arith.addi %mul3A_226, %add3A_227 : i32
            %get3A_229 = arith.index_cast %scan3A_136 : i32 to index
            %get3A_230 = arith.index_cast %add3A_228 : i32 to index
            %get3A_231 = tpu.vector_load %arg9[%get3A_229, %get3A_230] {strides = array<i32>} : memref<8x2688xf32, #tpu.memory_space<vmem>>, vector<16xf32>,
            %add3A_232 = arith.constant 1 : i32
            %add3A_233 = arith.addi %mul3A_150, %add3A_232 : i32
            %mul3A_234 = arith.constant 128 : i32
            %mul3A_235 = arith.muli %add3A_233, %mul3A_234 : i32
            %add3A_236 = arith.constant 16 : i32
            %add3A_237 = arith.addi %mul3A_235, %add3A_236 : i32
            %get3A_238 = arith.index_cast %scan3A_136 : i32 to index
            %get3A_239 = arith.index_cast %add3A_237 : i32 to index
            %get3A_240 = tpu.vector_load %arg9[%get3A_238, %get3A_239] {strides = array<i32>} : memref<8x2688xf32, #tpu.memory_space<vmem>>, vector<16xf32>,
            %add3A_241 = arith.constant 1 : i32
            %add3A_242 = arith.addi %mul3A_150, %add3A_241 : i32
            %mul3A_243 = arith.constant 128 : i32
            %mul3A_244 = arith.muli %add3A_242, %mul3A_243 : i32
            %add3A_245 = arith.constant 32 : i32
            %add3A_246 = arith.addi %mul3A_244, %add3A_245 : i32
            %get3A_247 = arith.index_cast %scan3A_136 : i32 to index
            %get3A_248 = arith.index_cast %add3A_246 : i32 to index
            %get3A_249 = tpu.vector_load %arg9[%get3A_247, %get3A_248] {strides = array<i32>} : memref<8x2688xf32, #tpu.memory_space<vmem>>, vector<16xf32>,
            %add3A_250 = arith.constant 1 : i32
            %add3A_251 = arith.addi %mul3A_150, %add3A_250 : i32
            %mul3A_252 = arith.constant 128 : i32
            %mul3A_253 = arith.muli %add3A_251, %mul3A_252 : i32
            %add3A_254 = arith.constant 48 : i32
            %add3A_255 = arith.addi %mul3A_253, %add3A_254 : i32
            %get3A_256 = arith.index_cast %scan3A_136 : i32 to index
            %get3A_257 = arith.index_cast %add3A_255 : i32 to index
            %get3A_258 = tpu.vector_load %arg9[%get3A_256, %get3A_257] {strides = array<i32>} : memref<8x2688xf32, #tpu.memory_space<vmem>>, vector<16xf32>,
            %add3A_259 = arith.constant 1 : i32
            %add3A_260 = arith.addi %mul3A_150, %add3A_259 : i32
            %mul3A_261 = arith.constant 128 : i32
            %mul3A_262 = arith.muli %add3A_260, %mul3A_261 : i32
            %add3A_263 = arith.constant 64 : i32
            %add3A_264 = arith.addi %mul3A_262, %add3A_263 : i32
            %get3A_265 = arith.index_cast %scan3A_136 : i32 to index
            %get3A_266 = arith.index_cast %add3A_264 : i32 to index
            %get3A_267 = tpu.vector_load %arg9[%get3A_265, %get3A_266] {strides = array<i32>} : memref<8x2688xf32, #tpu.memory_space<vmem>>, vector<16xf32>,
            %add3A_268 = arith.constant 1 : i32
            %add3A_269 = arith.addi %mul3A_150, %add3A_268 : i32
            %mul3A_270 = arith.constant 128 : i32
            %mul3A_271 = arith.muli %add3A_269, %mul3A_270 : i32
            %add3A_272 = arith.constant 80 : i32
            %add3A_273 = arith.addi %mul3A_271, %add3A_272 : i32
            %get3A_274 = arith.index_cast %scan3A_136 : i32 to index
            %get3A_275 = arith.index_cast %add3A_273 : i32 to index
            %get3A_276 = tpu.vector_load %arg9[%get3A_274, %get3A_275] {strides = array<i32>} : memref<8x2688xf32, #tpu.memory_space<vmem>>, vector<16xf32>,
            %add3A_277 = arith.constant 1 : i32
            %add3A_278 = arith.addi %mul3A_150, %add3A_277 : i32
            %mul3A_279 = arith.constant 128 : i32
            %mul3A_280 = arith.muli %add3A_278, %mul3A_279 : i32
            %add3A_281 = arith.constant 96 : i32
            %add3A_282 = arith.addi %mul3A_280, %add3A_281 : i32
            %get3A_283 = arith.index_cast %scan3A_136 : i32 to index
            %get3A_284 = arith.index_cast %add3A_282 : i32 to index
            %get3A_285 = tpu.vector_load %arg9[%get3A_283, %get3A_284] {strides = array<i32>} : memref<8x2688xf32, #tpu.memory_space<vmem>>, vector<16xf32>,
            %add3A_286 = arith.constant 1 : i32
            %add3A_287 = arith.addi %mul3A_150, %add3A_286 : i32
            %mul3A_288 = arith.constant 128 : i32
            %mul3A_289 = arith.muli %add3A_287, %mul3A_288 : i32
            %add3A_290 = arith.constant 112 : i32
            %add3A_291 = arith.addi %mul3A_289, %add3A_290 : i32
            %get3A_292 = arith.index_cast %scan3A_136 : i32 to index
            %get3A_293 = arith.index_cast %add3A_291 : i32 to index
            %get3A_294 = tpu.vector_load %arg9[%get3A_292, %get3A_293] {strides = array<i32>} : memref<8x2688xf32, #tpu.memory_space<vmem>>, vector<16xf32>,
            %add3A_295 = arith.constant 2 : i32
            %add3A_296 = arith.addi %mul3A_150, %add3A_295 : i32
            %mul3A_297 = arith.constant 128 : i32
            %mul3A_298 = arith.muli %add3A_296, %mul3A_297 : i32
            %add3A_299 = arith.constant 0 : i32
            %add3A_300 = arith.addi %mul3A_298, %add3A_299 : i32
            %get3A_301 = arith.index_cast %scan3A_136 : i32 to index
            %get3A_302 = arith.index_cast %add3A_300 : i32 to index
            %get3A_303 = tpu.vector_load %arg9[%get3A_301, %get3A_302] {strides = array<i32>} : memref<8x2688xf32, #tpu.memory_space<vmem>>, vector<16xf32>,
            %add3A_304 = arith.constant 2 : i32
            %add3A_305 = arith.addi %mul3A_150, %add3A_304 : i32
            %mul3A_306 = arith.constant 128 : i32
            %mul3A_307 = arith.muli %add3A_305, %mul3A_306 : i32
            %add3A_308 = arith.constant 16 : i32
            %add3A_309 = arith.addi %mul3A_307, %add3A_308 : i32
            %get3A_310 = arith.index_cast %scan3A_136 : i32 to index
            %get3A_311 = arith.index_cast %add3A_309 : i32 to index
            %get3A_312 = tpu.vector_load %arg9[%get3A_310, %get3A_311] {strides = array<i32>} : memref<8x2688xf32, #tpu.memory_space<vmem>>, vector<16xf32>,
            %add3A_313 = arith.constant 2 : i32
            %add3A_314 = arith.addi %mul3A_150, %add3A_313 : i32
            %mul3A_315 = arith.constant 128 : i32
            %mul3A_316 = arith.muli %add3A_314, %mul3A_315 : i32
            %add3A_317 = arith.constant 32 : i32
            %add3A_318 = arith.addi %mul3A_316, %add3A_317 : i32
            %get3A_319 = arith.index_cast %scan3A_136 : i32 to index
            %get3A_320 = arith.index_cast %add3A_318 : i32 to index
            %get3A_321 = tpu.vector_load %arg9[%get3A_319, %get3A_320] {strides = array<i32>} : memref<8x2688xf32, #tpu.memory_space<vmem>>, vector<16xf32>,
            %add3A_322 = arith.constant 2 : i32
            %add3A_323 = arith.addi %mul3A_150, %add3A_322 : i32
            %mul3A_324 = arith.constant 128 : i32
            %mul3A_325 = arith.muli %add3A_323, %mul3A_324 : i32
            %add3A_326 = arith.constant 48 : i32
            %add3A_327 = arith.addi %mul3A_325, %add3A_326 : i32
            %get3A_328 = arith.index_cast %scan3A_136 : i32 to index
            %get3A_329 = arith.index_cast %add3A_327 : i32 to index
            %get3A_330 = tpu.vector_load %arg9[%get3A_328, %get3A_329] {strides = array<i32>} : memref<8x2688xf32, #tpu.memory_space<vmem>>, vector<16xf32>,
            %add3A_331 = arith.constant 2 : i32
            %add3A_332 = arith.addi %mul3A_150, %add3A_331 : i32
            %mul3A_333 = arith.constant 128 : i32
            %mul3A_334 = arith.muli %add3A_332, %mul3A_333 : i32
            %add3A_335 = arith.constant 64 : i32
            %add3A_336 = arith.addi %mul3A_334, %add3A_335 : i32
            %get3A_337 = arith.index_cast %scan3A_136 : i32 to index
            %get3A_338 = arith.index_cast %add3A_336 : i32 to index
            %get3A_339 = tpu.vector_load %arg9[%get3A_337, %get3A_338] {strides = array<i32>} : memref<8x2688xf32, #tpu.memory_space<vmem>>, vector<16xf32>,
            %add3A_340 = arith.constant 2 : i32
            %add3A_341 = arith.addi %mul3A_150, %add3A_340 : i32
            %mul3A_342 = arith.constant 128 : i32
            %mul3A_343 = arith.muli %add3A_341, %mul3A_342 : i32
            %add3A_344 = arith.constant 80 : i32
            %add3A_345 = arith.addi %mul3A_343, %add3A_344 : i32
            %get3A_346 = arith.index_cast %scan3A_136 : i32 to index
            %get3A_347 = arith.index_cast %add3A_345 : i32 to index
            %get3A_348 = tpu.vector_load %arg9[%get3A_346, %get3A_347] {strides = array<i32>} : memref<8x2688xf32, #tpu.memory_space<vmem>>, vector<16xf32>,
            %add3A_349 = arith.constant 2 : i32
            %add3A_350 = arith.addi %mul3A_150, %add3A_349 : i32
            %mul3A_351 = arith.constant 128 : i32
            %mul3A_352 = arith.muli %add3A_350, %mul3A_351 : i32
            %add3A_353 = arith.constant 96 : i32
            %add3A_354 = arith.addi %mul3A_352, %add3A_353 : i32
            %get3A_355 = arith.index_cast %scan3A_136 : i32 to index
            %get3A_356 = arith.index_cast %add3A_354 : i32 to index
            %get3A_357 = tpu.vector_load %arg9[%get3A_355, %get3A_356] {strides = array<i32>} : memref<8x2688xf32, #tpu.memory_space<vmem>>, vector<16xf32>,
            %add3A_358 = arith.constant 2 : i32
            %add3A_359 = arith.addi %mul3A_150, %add3A_358 : i32
            %mul3A_360 = arith.constant 128 : i32
            %mul3A_361 = arith.muli %add3A_359, %mul3A_360 : i32
            %add3A_362 = arith.constant 112 : i32
            %add3A_363 = arith.addi %mul3A_361, %add3A_362 : i32
            %get3A_364 = arith.index_cast %scan3A_136 : i32 to index
            %get3A_365 = arith.index_cast %add3A_363 : i32 to index
            %get3A_366 = tpu.vector_load %arg9[%get3A_364, %get3A_365] {strides = array<i32>} : memref<8x2688xf32, #tpu.memory_space<vmem>>, vector<16xf32>,
            %max3A = arith.maximumf %get3A_159, %get3A_168 : vector<16xf32>
            %max3A_367 = arith.maximumf %get3A_177, %get3A_186 : vector<16xf32>
            %max3A_368 = arith.maximumf %get3A_195, %get3A_204 : vector<16xf32>
            %max3A_369 = arith.maximumf %get3A_213, %get3A_222 : vector<16xf32>
            %max3A_370 = arith.maximumf %get3A_231, %get3A_240 : vector<16xf32>
            %max3A_371 = arith.maximumf %get3A_249, %get3A_258 : vector<16xf32>
            %max3A_372 = arith.maximumf %get3A_267, %get3A_276 : vector<16xf32>
            %max3A_373 = arith.maximumf %get3A_285, %get3A_294 : vector<16xf32>
            %max3A_374 = arith.maximumf %get3A_303, %get3A_312 : vector<16xf32>
            %max3A_375 = arith.maximumf %get3A_321, %get3A_330 : vector<16xf32>
            %max3A_376 = arith.maximumf %get3A_339, %get3A_348 : vector<16xf32>
            %max3A_377 = arith.maximumf %get3A_357, %get3A_366 : vector<16xf32>
            %max3A_378 = arith.maximumf %max3A, %max3A_367 : vector<16xf32>
            %max3A_379 = arith.maximumf %max3A_368, %max3A_369 : vector<16xf32>
            %max3A_380 = arith.maximumf %max3A_370, %max3A_371 : vector<16xf32>
            %max3A_381 = arith.maximumf %max3A_372, %max3A_373 : vector<16xf32>
            %max3A_382 = arith.maximumf %max3A_374, %max3A_375 : vector<16xf32>
            %max3A_383 = arith.maximumf %max3A_376, %max3A_377 : vector<16xf32>
            %max3A_384 = arith.maximumf %max3A_378, %max3A_379 : vector<16xf32>
            %max3A_385 = arith.maximumf %max3A_380, %max3A_381 : vector<16xf32>
            %max3A_386 = arith.maximumf %max3A_382, %max3A_383 : vector<16xf32>
            %max3A_387 = arith.maximumf %max3A_384, %max3A_385 : vector<16xf32>
            %max3A_388 = arith.maximumf %max3A_387, %max3A_386 : vector<16xf32>
            %reduce_max3A = arith.constant true
            %reduce_max3A_389 = vector.broadcast %reduce_max3A : i1 to vector<16xi1>
            %reduce_max3A_390 = tpu.scan <max>, %max3A_388 masked %reduce_max3A_389 : vector<16xf32>, vector<16xi1> -> vector<16xf32>
            %reduce_max3A_391 = vector.extract %reduce_max3A_390[15] : f32 from vector<16xf32>
            %gt3A = arith.cmpf ogt, %reduce_max3A_391, %get3A_148 : f32
            %convert_element_type3A_392 = arith.extui %gt3A : i1 to i32
            %cond3A_393 = arith.constant 0 : i32
            %cond3A_394 = arith.cmpi ne, %convert_element_type3A_392, %cond3A_393 : i32
            scf.if %cond3A_394 {
              %get3A_396 = arith.index_cast %scan3A_136 : i32 to index
              %get3A_397 = memref.load %arg23[%get3A_396] : memref<8xi32, #tpu.memory_space<smem>>
              %broadcast_in_dim3A = vector.broadcast %get3A_397 : i32 to vector<16xi32>
              %broadcast_in_dim3A_398 = vector.broadcast %get3A_148 : f32 to vector<16xf32>
              %add3A_399 = arith.constant 0 : i32
              %add3A_400 = arith.addi %mul3A_150, %add3A_399 : i32
              %mul3A_401 = arith.constant 128 : i32
              %mul3A_402 = arith.muli %add3A_400, %mul3A_401 : i32
              %add3A_403 = arith.constant 0 : i32
              %add3A_404 = arith.addi %mul3A_402, %add3A_403 : i32
              %get3A_405 = arith.index_cast %scan3A_136 : i32 to index
              %get3A_406 = arith.index_cast %add3A_404 : i32 to index
              %get3A_407 = tpu.vector_load %arg9[%get3A_405, %get3A_406] {strides = array<i32>} : memref<8x2688xf32, #tpu.memory_space<vmem>>, vector<16xf32>,
              %add3A_408 = arith.constant 0 : i32
              %add3A_409 = arith.addi %mul3A_150, %add3A_408 : i32
              %mul3A_410 = arith.constant 128 : i32
              %mul3A_411 = arith.muli %add3A_409, %mul3A_410 : i32
              %add3A_412 = arith.addi %add3A_121, %mul3A_411 : i32
              %add3A_413 = arith.constant 0 : i32
              %add3A_414 = arith.addi %add3A_412, %add3A_413 : i32
              %broadcast_in_dim3A_415 = vector.broadcast %add3A_414 : i32 to vector<16xi32>
              %add3A_416 = arith.addi %broadcast_in_dim3A_415, %iota3A : vector<16xi32>
              %gt3A_417 = arith.cmpf ogt, %get3A_407, %broadcast_in_dim3A_398 : vector<16xf32>
              %convert_element_type3A_418 = arith.extui %gt3A_417 : vector<16xi1> to vector<16xi32>
              %broadcast_in_dim3A_419 = arith.constant true
              %broadcast_in_dim3A_420 = vector.broadcast %broadcast_in_dim3A_419 : i1 to vector<16xi1>
              %masked_cumsum3A = tpu.scan <sum>, %convert_element_type3A_418 masked %broadcast_in_dim3A_420 : vector<16xi32>, vector<16xi1> -> vector<16xi32>
              %mul3A_421 = arith.constant 640 : i32
              %mul3A_422 = arith.muli %scan3A_136, %mul3A_421 : i32
              %broadcast_in_dim3A_423 = vector.broadcast %mul3A_422 : i32 to vector<16xi32>
              %add3A_424 = arith.addi %broadcast_in_dim3A_423, %broadcast_in_dim3A : vector<16xi32>
              %add3A_425 = arith.addi %add3A_424, %masked_cumsum3A : vector<16xi32>
              %sub3A_426 = arith.constant 1 : i32
              %sub3A_427 = vector.broadcast %sub3A_426 : i32 to vector<16xi32>
              %sub3A_428 = arith.subi %add3A_425, %sub3A_427 : vector<16xi32>
              tpu.vector_store_idx %arg11[%sub3A_428], %get3A_407 masked %gt3A_417 : memref<5120xf32, #tpu.memory_space<vmem>>[vector<16xi32>], vector<16xf32>, vector<16xi1>
              tpu.vector_store_idx %arg12[%sub3A_428], %add3A_416 masked %gt3A_417 : memref<5120xi32, #tpu.memory_space<vmem>>[vector<16xi32>], vector<16xi32>, vector<16xi1>
              %all_reduce_population_count3A = tpu.all_reduce %gt3A_417 {dim = 0 : i64, kind = #tpu.reduction_kind<sum>} : vector<16xi1> -> vector<16xi32>
              %add3A_429 = arith.addi %broadcast_in_dim3A, %all_reduce_population_count3A : vector<16xi32>
              %add3A_430 = arith.constant 0 : i32
              %add3A_431 = arith.addi %mul3A_150, %add3A_430 : i32
              %mul3A_432 = arith.constant 128 : i32
              %mul3A_433 = arith.muli %add3A_431, %mul3A_432 : i32
              %add3A_434 = arith.constant 16 : i32
              %add3A_435 = arith.addi %mul3A_433, %add3A_434 : i32
              %get3A_436 = arith.index_cast %scan3A_136 : i32 to index
              %get3A_437 = arith.index_cast %add3A_435 : i32 to index
              %get3A_438 = tpu.vector_load %arg9[%get3A_436, %get3A_437] {strides = array<i32>} : memref<8x2688xf32, #tpu.memory_space<vmem>>, vector<16xf32>,
              %add3A_439 = arith.constant 0 : i32
              %add3A_440 = arith.addi %mul3A_150, %add3A_439 : i32
              %mul3A_441 = arith.constant 128 : i32
              %mul3A_442 = arith.muli %add3A_440, %mul3A_441 : i32
              %add3A_443 = arith.addi %add3A_121, %mul3A_442 : i32
              %add3A_444 = arith.constant 16 : i32
              %add3A_445 = arith.addi %add3A_443, %add3A_444 : i32
              %broadcast_in_dim3A_446 = vector.broadcast %add3A_445 : i32 to vector<16xi32>
              %add3A_447 = arith.addi %broadcast_in_dim3A_446, %iota3A : vector<16xi32>
              %gt3A_448 = arith.cmpf ogt, %get3A_438, %broadcast_in_dim3A_398 : vector<16xf32>
              %convert_element_type3A_449 = arith.extui %gt3A_448 : vector<16xi1> to vector<16xi32>
              %broadcast_in_dim3A_450 = arith.constant true
              %broadcast_in_dim3A_451 = vector.broadcast %broadcast_in_dim3A_450 : i1 to vector<16xi1>
              %masked_cumsum3A_452 = tpu.scan <sum>, %convert_element_type3A_449 masked %broadcast_in_dim3A_451 : vector<16xi32>, vector<16xi1> -> vector<16xi32>
              %mul3A_453 = arith.constant 640 : i32
              %mul3A_454 = arith.muli %scan3A_136, %mul3A_453 : i32
              %broadcast_in_dim3A_455 = vector.broadcast %mul3A_454 : i32 to vector<16xi32>
              %add3A_456 = arith.addi %broadcast_in_dim3A_455, %add3A_429 : vector<16xi32>
              %add3A_457 = arith.addi %add3A_456, %masked_cumsum3A_452 : vector<16xi32>
              %sub3A_458 = arith.constant 1 : i32
              %sub3A_459 = vector.broadcast %sub3A_458 : i32 to vector<16xi32>
              %sub3A_460 = arith.subi %add3A_457, %sub3A_459 : vector<16xi32>
              tpu.vector_store_idx %arg11[%sub3A_460], %get3A_438 masked %gt3A_448 : memref<5120xf32, #tpu.memory_space<vmem>>[vector<16xi32>], vector<16xf32>, vector<16xi1>
              tpu.vector_store_idx %arg12[%sub3A_460], %add3A_447 masked %gt3A_448 : memref<5120xi32, #tpu.memory_space<vmem>>[vector<16xi32>], vector<16xi32>, vector<16xi1>
              %all_reduce_population_count3A_461 = tpu.all_reduce %gt3A_448 {dim = 0 : i64, kind = #tpu.reduction_kind<sum>} : vector<16xi1> -> vector<16xi32>
              %add3A_462 = arith.addi %add3A_429, %all_reduce_population_count3A_461 : vector<16xi32>
              %add3A_463 = arith.constant 0 : i32
              %add3A_464 = arith.addi %mul3A_150, %add3A_463 : i32
              %mul3A_465 = arith.constant 128 : i32
              %mul3A_466 = arith.muli %add3A_464, %mul3A_465 : i32
              %add3A_467 = arith.constant 32 : i32
              %add3A_468 = arith.addi %mul3A_466, %add3A_467 : i32
              %get3A_469 = arith.index_cast %scan3A_136 : i32 to index
              %get3A_470 = arith.index_cast %add3A_468 : i32 to index
              %get3A_471 = tpu.vector_load %arg9[%get3A_469, %get3A_470] {strides = array<i32>} : memref<8x2688xf32, #tpu.memory_space<vmem>>, vector<16xf32>,
              %add3A_472 = arith.constant 0 : i32
              %add3A_473 = arith.addi %mul3A_150, %add3A_472 : i32
              %mul3A_474 = arith.constant 128 : i32
              %mul3A_475 = arith.muli %add3A_473, %mul3A_474 : i32
              %add3A_476 = arith.addi %add3A_121, %mul3A_475 : i32
              %add3A_477 = arith.constant 32 : i32
              %add3A_478 = arith.addi %add3A_476, %add3A_477 : i32
              %broadcast_in_dim3A_479 = vector.broadcast %add3A_478 : i32 to vector<16xi32>
              %add3A_480 = arith.addi %broadcast_in_dim3A_479, %iota3A : vector<16xi32>
              %gt3A_481 = arith.cmpf ogt, %get3A_471, %broadcast_in_dim3A_398 : vector<16xf32>
              %convert_element_type3A_482 = arith.extui %gt3A_481 : vector<16xi1> to vector<16xi32>
              %broadcast_in_dim3A_483 = arith.constant true
              %broadcast_in_dim3A_484 = vector.broadcast %broadcast_in_dim3A_483 : i1 to vector<16xi1>
              %masked_cumsum3A_485 = tpu.scan <sum>, %convert_element_type3A_482 masked %broadcast_in_dim3A_484 : vector<16xi32>, vector<16xi1> -> vector<16xi32>
              %mul3A_486 = arith.constant 640 : i32
              %mul3A_487 = arith.muli %scan3A_136, %mul3A_486 : i32
              %broadcast_in_dim3A_488 = vector.broadcast %mul3A_487 : i32 to vector<16xi32>
              %add3A_489 = arith.addi %broadcast_in_dim3A_488, %add3A_462 : vector<16xi32>
              %add3A_490 = arith.addi %add3A_489, %masked_cumsum3A_485 : vector<16xi32>
              %sub3A_491 = arith.constant 1 : i32
              %sub3A_492 = vector.broadcast %sub3A_491 : i32 to vector<16xi32>
              %sub3A_493 = arith.subi %add3A_490, %sub3A_492 : vector<16xi32>
              tpu.vector_store_idx %arg11[%sub3A_493], %get3A_471 masked %gt3A_481 : memref<5120xf32, #tpu.memory_space<vmem>>[vector<16xi32>], vector<16xf32>, vector<16xi1>
              tpu.vector_store_idx %arg12[%sub3A_493], %add3A_480 masked %gt3A_481 : memref<5120xi32, #tpu.memory_space<vmem>>[vector<16xi32>], vector<16xi32>, vector<16xi1>
              %all_reduce_population_count3A_494 = tpu.all_reduce %gt3A_481 {dim = 0 : i64, kind = #tpu.reduction_kind<sum>} : vector<16xi1> -> vector<16xi32>
              %add3A_495 = arith.addi %add3A_462, %all_reduce_population_count3A_494 : vector<16xi32>
              %add3A_496 = arith.constant 0 : i32
              %add3A_497 = arith.addi %mul3A_150, %add3A_496 : i32
              %mul3A_498 = arith.constant 128 : i32
              %mul3A_499 = arith.muli %add3A_497, %mul3A_498 : i32
              %add3A_500 = arith.constant 48 : i32
              %add3A_501 = arith.addi %mul3A_499, %add3A_500 : i32
              %get3A_502 = arith.index_cast %scan3A_136 : i32 to index
              %get3A_503 = arith.index_cast %add3A_501 : i32 to index
              %get3A_504 = tpu.vector_load %arg9[%get3A_502, %get3A_503] {strides = array<i32>} : memref<8x2688xf32, #tpu.memory_space<vmem>>, vector<16xf32>,
              %add3A_505 = arith.constant 0 : i32
              %add3A_506 = arith.addi %mul3A_150, %add3A_505 : i32
              %mul3A_507 = arith.constant 128 : i32
              %mul3A_508 = arith.muli %add3A_506, %mul3A_507 : i32
              %add3A_509 = arith.addi %add3A_121, %mul3A_508 : i32
              %add3A_510 = arith.constant 48 : i32
              %add3A_511 = arith.addi %add3A_509, %add3A_510 : i32
              %broadcast_in_dim3A_512 = vector.broadcast %add3A_511 : i32 to vector<16xi32>
              %add3A_513 = arith.addi %broadcast_in_dim3A_512, %iota3A : vector<16xi32>
              %gt3A_514 = arith.cmpf ogt, %get3A_504, %broadcast_in_dim3A_398 : vector<16xf32>
              %convert_element_type3A_515 = arith.extui %gt3A_514 : vector<16xi1> to vector<16xi32>
              %broadcast_in_dim3A_516 = arith.constant true
              %broadcast_in_dim3A_517 = vector.broadcast %broadcast_in_dim3A_516 : i1 to vector<16xi1>
              %masked_cumsum3A_518 = tpu.scan <sum>, %convert_element_type3A_515 masked %broadcast_in_dim3A_517 : vector<16xi32>, vector<16xi1> -> vector<16xi32>
              %mul3A_519 = arith.constant 640 : i32
              %mul3A_520 = arith.muli %scan3A_136, %mul3A_519 : i32
              %broadcast_in_dim3A_521 = vector.broadcast %mul3A_520 : i32 to vector<16xi32>
              %add3A_522 = arith.addi %broadcast_in_dim3A_521, %add3A_495 : vector<16xi32>
              %add3A_523 = arith.addi %add3A_522, %masked_cumsum3A_518 : vector<16xi32>
              %sub3A_524 = arith.constant 1 : i32
              %sub3A_525 = vector.broadcast %sub3A_524 : i32 to vector<16xi32>
              %sub3A_526 = arith.subi %add3A_523, %sub3A_525 : vector<16xi32>
              tpu.vector_store_idx %arg11[%sub3A_526], %get3A_504 masked %gt3A_514 : memref<5120xf32, #tpu.memory_space<vmem>>[vector<16xi32>], vector<16xf32>, vector<16xi1>
              tpu.vector_store_idx %arg12[%sub3A_526], %add3A_513 masked %gt3A_514 : memref<5120xi32, #tpu.memory_space<vmem>>[vector<16xi32>], vector<16xi32>, vector<16xi1>
              %all_reduce_population_count3A_527 = tpu.all_reduce %gt3A_514 {dim = 0 : i64, kind = #tpu.reduction_kind<sum>} : vector<16xi1> -> vector<16xi32>
              %add3A_528 = arith.addi %add3A_495, %all_reduce_population_count3A_527 : vector<16xi32>
              %add3A_529 = arith.constant 0 : i32
              %add3A_530 = arith.addi %mul3A_150, %add3A_529 : i32
              %mul3A_531 = arith.constant 128 : i32
              %mul3A_532 = arith.muli %add3A_530, %mul3A_531 : i32
              %add3A_533 = arith.constant 64 : i32
              %add3A_534 = arith.addi %mul3A_532, %add3A_533 : i32
              %get3A_535 = arith.index_cast %scan3A_136 : i32 to index
              %get3A_536 = arith.index_cast %add3A_534 : i32 to index
              %get3A_537 = tpu.vector_load %arg9[%get3A_535, %get3A_536] {strides = array<i32>} : memref<8x2688xf32, #tpu.memory_space<vmem>>, vector<16xf32>,
              %add3A_538 = arith.constant 0 : i32
              %add3A_539 = arith.addi %mul3A_150, %add3A_538 : i32
              %mul3A_540 = arith.constant 128 : i32
              %mul3A_541 = arith.muli %add3A_539, %mul3A_540 : i32
              %add3A_542 = arith.addi %add3A_121, %mul3A_541 : i32
              %add3A_543 = arith.constant 64 : i32
              %add3A_544 = arith.addi %add3A_542, %add3A_543 : i32
              %broadcast_in_dim3A_545 = vector.broadcast %add3A_544 : i32 to vector<16xi32>
              %add3A_546 = arith.addi %broadcast_in_dim3A_545, %iota3A : vector<16xi32>
              %gt3A_547 = arith.cmpf ogt, %get3A_537, %broadcast_in_dim3A_398 : vector<16xf32>
              %convert_element_type3A_548 = arith.extui %gt3A_547 : vector<16xi1> to vector<16xi32>
              %broadcast_in_dim3A_549 = arith.constant true
              %broadcast_in_dim3A_550 = vector.broadcast %broadcast_in_dim3A_549 : i1 to vector<16xi1>
              %masked_cumsum3A_551 = tpu.scan <sum>, %convert_element_type3A_548 masked %broadcast_in_dim3A_550 : vector<16xi32>, vector<16xi1> -> vector<16xi32>
              %mul3A_552 = arith.constant 640 : i32
              %mul3A_553 = arith.muli %scan3A_136, %mul3A_552 : i32
              %broadcast_in_dim3A_554 = vector.broadcast %mul3A_553 : i32 to vector<16xi32>
              %add3A_555 = arith.addi %broadcast_in_dim3A_554, %add3A_528 : vector<16xi32>
              %add3A_556 = arith.addi %add3A_555, %masked_cumsum3A_551 : vector<16xi32>
              %sub3A_557 = arith.constant 1 : i32
              %sub3A_558 = vector.broadcast %sub3A_557 : i32 to vector<16xi32>
              %sub3A_559 = arith.subi %add3A_556, %sub3A_558 : vector<16xi32>
              tpu.vector_store_idx %arg11[%sub3A_559], %get3A_537 masked %gt3A_547 : memref<5120xf32, #tpu.memory_space<vmem>>[vector<16xi32>], vector<16xf32>, vector<16xi1>
              tpu.vector_store_idx %arg12[%sub3A_559], %add3A_546 masked %gt3A_547 : memref<5120xi32, #tpu.memory_space<vmem>>[vector<16xi32>], vector<16xi32>, vector<16xi1>
              %all_reduce_population_count3A_560 = tpu.all_reduce %gt3A_547 {dim = 0 : i64, kind = #tpu.reduction_kind<sum>} : vector<16xi1> -> vector<16xi32>
              %add3A_561 = arith.addi %add3A_528, %all_reduce_population_count3A_560 : vector<16xi32>
              %add3A_562 = arith.constant 0 : i32
              %add3A_563 = arith.addi %mul3A_150, %add3A_562 : i32
              %mul3A_564 = arith.constant 128 : i32
              %mul3A_565 = arith.muli %add3A_563, %mul3A_564 : i32
              %add3A_566 = arith.constant 80 : i32
              %add3A_567 = arith.addi %mul3A_565, %add3A_566 : i32
              %get3A_568 = arith.index_cast %scan3A_136 : i32 to index
              %get3A_569 = arith.index_cast %add3A_567 : i32 to index
              %get3A_570 = tpu.vector_load %arg9[%get3A_568, %get3A_569] {strides = array<i32>} : memref<8x2688xf32, #tpu.memory_space<vmem>>, vector<16xf32>,
              %add3A_571 = arith.constant 0 : i32
              %add3A_572 = arith.addi %mul3A_150, %add3A_571 : i32
              %mul3A_573 = arith.constant 128 : i32
              %mul3A_574 = arith.muli %add3A_572, %mul3A_573 : i32
              %add3A_575 = arith.addi %add3A_121, %mul3A_574 : i32
              %add3A_576 = arith.constant 80 : i32
              %add3A_577 = arith.addi %add3A_575, %add3A_576 : i32
              %broadcast_in_dim3A_578 = vector.broadcast %add3A_577 : i32 to vector<16xi32>
              %add3A_579 = arith.addi %broadcast_in_dim3A_578, %iota3A : vector<16xi32>
              %gt3A_580 = arith.cmpf ogt, %get3A_570, %broadcast_in_dim3A_398 : vector<16xf32>
              %convert_element_type3A_581 = arith.extui %gt3A_580 : vector<16xi1> to vector<16xi32>
              %broadcast_in_dim3A_582 = arith.constant true
              %broadcast_in_dim3A_583 = vector.broadcast %broadcast_in_dim3A_582 : i1 to vector<16xi1>
              %masked_cumsum3A_584 = tpu.scan <sum>, %convert_element_type3A_581 masked %broadcast_in_dim3A_583 : vector<16xi32>, vector<16xi1> -> vector<16xi32>
              %mul3A_585 = arith.constant 640 : i32
              %mul3A_586 = arith.muli %scan3A_136, %mul3A_585 : i32
              %broadcast_in_dim3A_587 = vector.broadcast %mul3A_586 : i32 to vector<16xi32>
              %add3A_588 = arith.addi %broadcast_in_dim3A_587, %add3A_561 : vector<16xi32>
              %add3A_589 = arith.addi %add3A_588, %masked_cumsum3A_584 : vector<16xi32>
              %sub3A_590 = arith.constant 1 : i32
              %sub3A_591 = vector.broadcast %sub3A_590 : i32 to vector<16xi32>
              %sub3A_592 = arith.subi %add3A_589, %sub3A_591 : vector<16xi32>
              tpu.vector_store_idx %arg11[%sub3A_592], %get3A_570 masked %gt3A_580 : memref<5120xf32, #tpu.memory_space<vmem>>[vector<16xi32>], vector<16xf32>, vector<16xi1>
              tpu.vector_store_idx %arg12[%sub3A_592], %add3A_579 masked %gt3A_580 : memref<5120xi32, #tpu.memory_space<vmem>>[vector<16xi32>], vector<16xi32>, vector<16xi1>
              %all_reduce_population_count3A_593 = tpu.all_reduce %gt3A_580 {dim = 0 : i64, kind = #tpu.reduction_kind<sum>} : vector<16xi1> -> vector<16xi32>
              %add3A_594 = arith.addi %add3A_561, %all_reduce_population_count3A_593 : vector<16xi32>
              %add3A_595 = arith.constant 0 : i32
              %add3A_596 = arith.addi %mul3A_150, %add3A_595 : i32
              %mul3A_597 = arith.constant 128 : i32
              %mul3A_598 = arith.muli %add3A_596, %mul3A_597 : i32
              %add3A_599 = arith.constant 96 : i32
              %add3A_600 = arith.addi %mul3A_598, %add3A_599 : i32
              %get3A_601 = arith.index_cast %scan3A_136 : i32 to index
              %get3A_602 = arith.index_cast %add3A_600 : i32 to index
              %get3A_603 = tpu.vector_load %arg9[%get3A_601, %get3A_602] {strides = array<i32>} : memref<8x2688xf32, #tpu.memory_space<vmem>>, vector<16xf32>,
              %add3A_604 = arith.constant 0 : i32
              %add3A_605 = arith.addi %mul3A_150, %add3A_604 : i32
              %mul3A_606 = arith.constant 128 : i32
              %mul3A_607 = arith.muli %add3A_605, %mul3A_606 : i32
              %add3A_608 = arith.addi %add3A_121, %mul3A_607 : i32
              %add3A_609 = arith.constant 96 : i32
              %add3A_610 = arith.addi %add3A_608, %add3A_609 : i32
              %broadcast_in_dim3A_611 = vector.broadcast %add3A_610 : i32 to vector<16xi32>
              %add3A_612 = arith.addi %broadcast_in_dim3A_611, %iota3A : vector<16xi32>
              %gt3A_613 = arith.cmpf ogt, %get3A_603, %broadcast_in_dim3A_398 : vector<16xf32>
              %convert_element_type3A_614 = arith.extui %gt3A_613 : vector<16xi1> to vector<16xi32>
              %broadcast_in_dim3A_615 = arith.constant true
              %broadcast_in_dim3A_616 = vector.broadcast %broadcast_in_dim3A_615 : i1 to vector<16xi1>
              %masked_cumsum3A_617 = tpu.scan <sum>, %convert_element_type3A_614 masked %broadcast_in_dim3A_616 : vector<16xi32>, vector<16xi1> -> vector<16xi32>
              %mul3A_618 = arith.constant 640 : i32
              %mul3A_619 = arith.muli %scan3A_136, %mul3A_618 : i32
              %broadcast_in_dim3A_620 = vector.broadcast %mul3A_619 : i32 to vector<16xi32>
              %add3A_621 = arith.addi %broadcast_in_dim3A_620, %add3A_594 : vector<16xi32>
              %add3A_622 = arith.addi %add3A_621, %masked_cumsum3A_617 : vector<16xi32>
              %sub3A_623 = arith.constant 1 : i32
              %sub3A_624 = vector.broadcast %sub3A_623 : i32 to vector<16xi32>
              %sub3A_625 = arith.subi %add3A_622, %sub3A_624 : vector<16xi32>
              tpu.vector_store_idx %arg11[%sub3A_625], %get3A_603 masked %gt3A_613 : memref<5120xf32, #tpu.memory_space<vmem>>[vector<16xi32>], vector<16xf32>, vector<16xi1>
              tpu.vector_store_idx %arg12[%sub3A_625], %add3A_612 masked %gt3A_613 : memref<5120xi32, #tpu.memory_space<vmem>>[vector<16xi32>], vector<16xi32>, vector<16xi1>
              %all_reduce_population_count3A_626 = tpu.all_reduce %gt3A_613 {dim = 0 : i64, kind = #tpu.reduction_kind<sum>} : vector<16xi1> -> vector<16xi32>
              %add3A_627 = arith.addi %add3A_594, %all_reduce_population_count3A_626 : vector<16xi32>
              %add3A_628 = arith.constant 0 : i32
              %add3A_629 = arith.addi %mul3A_150, %add3A_628 : i32
              %mul3A_630 = arith.constant 128 : i32
              %mul3A_631 = arith.muli %add3A_629, %mul3A_630 : i32
              %add3A_632 = arith.constant 112 : i32
              %add3A_633 = arith.addi %mul3A_631, %add3A_632 : i32
              %get3A_634 = arith.index_cast %scan3A_136 : i32 to index
              %get3A_635 = arith.index_cast %add3A_633 : i32 to index
              %get3A_636 = tpu.vector_load %arg9[%get3A_634, %get3A_635] {strides = array<i32>} : memref<8x2688xf32, #tpu.memory_space<vmem>>, vector<16xf32>,
              %add3A_637 = arith.constant 0 : i32
              %add3A_638 = arith.addi %mul3A_150, %add3A_637 : i32
              %mul3A_639 = arith.constant 128 : i32
              %mul3A_640 = arith.muli %add3A_638, %mul3A_639 : i32
              %add3A_641 = arith.addi %add3A_121, %mul3A_640 : i32
              %add3A_642 = arith.constant 112 : i32
              %add3A_643 = arith.addi %add3A_641, %add3A_642 : i32
              %broadcast_in_dim3A_644 = vector.broadcast %add3A_643 : i32 to vector<16xi32>
              %add3A_645 = arith.addi %broadcast_in_dim3A_644, %iota3A : vector<16xi32>
              %gt3A_646 = arith.cmpf ogt, %get3A_636, %broadcast_in_dim3A_398 : vector<16xf32>
              %convert_element_type3A_647 = arith.extui %gt3A_646 : vector<16xi1> to vector<16xi32>
              %broadcast_in_dim3A_648 = arith.constant true
              %broadcast_in_dim3A_649 = vector.broadcast %broadcast_in_dim3A_648 : i1 to vector<16xi1>
              %masked_cumsum3A_650 = tpu.scan <sum>, %convert_element_type3A_647 masked %broadcast_in_dim3A_649 : vector<16xi32>, vector<16xi1> -> vector<16xi32>
              %mul3A_651 = arith.constant 640 : i32
              %mul3A_652 = arith.muli %scan3A_136, %mul3A_651 : i32
              %broadcast_in_dim3A_653 = vector.broadcast %mul3A_652 : i32 to vector<16xi32>
              %add3A_654 = arith.addi %broadcast_in_dim3A_653, %add3A_627 : vector<16xi32>
              %add3A_655 = arith.addi %add3A_654, %masked_cumsum3A_650 : vector<16xi32>
              %sub3A_656 = arith.constant 1 : i32
              %sub3A_657 = vector.broadcast %sub3A_656 : i32 to vector<16xi32>
              %sub3A_658 = arith.subi %add3A_655, %sub3A_657 : vector<16xi32>
              tpu.vector_store_idx %arg11[%sub3A_658], %get3A_636 masked %gt3A_646 : memref<5120xf32, #tpu.memory_space<vmem>>[vector<16xi32>], vector<16xf32>, vector<16xi1>
              tpu.vector_store_idx %arg12[%sub3A_658], %add3A_645 masked %gt3A_646 : memref<5120xi32, #tpu.memory_space<vmem>>[vector<16xi32>], vector<16xi32>, vector<16xi1>
              %all_reduce_population_count3A_659 = tpu.all_reduce %gt3A_646 {dim = 0 : i64, kind = #tpu.reduction_kind<sum>} : vector<16xi1> -> vector<16xi32>
              %add3A_660 = arith.addi %add3A_627, %all_reduce_population_count3A_659 : vector<16xi32>
              %add3A_661 = arith.constant 1 : i32
              %add3A_662 = arith.addi %mul3A_150, %add3A_661 : i32
              %mul3A_663 = arith.constant 128 : i32
              %mul3A_664 = arith.muli %add3A_662, %mul3A_663 : i32
              %add3A_665 = arith.constant 0 : i32
              %add3A_666 = arith.addi %mul3A_664, %add3A_665 : i32
              %get3A_667 = arith.index_cast %scan3A_136 : i32 to index
              %get3A_668 = arith.index_cast %add3A_666 : i32 to index
              %get3A_669 = tpu.vector_load %arg9[%get3A_667, %get3A_668] {strides = array<i32>} : memref<8x2688xf32, #tpu.memory_space<vmem>>, vector<16xf32>,
              %add3A_670 = arith.constant 1 : i32
              %add3A_671 = arith.addi %mul3A_150, %add3A_670 : i32
              %mul3A_672 = arith.constant 128 : i32
              %mul3A_673 = arith.muli %add3A_671, %mul3A_672 : i32
              %add3A_674 = arith.addi %add3A_121, %mul3A_673 : i32
              %add3A_675 = arith.constant 0 : i32
              %add3A_676 = arith.addi %add3A_674, %add3A_675 : i32
              %broadcast_in_dim3A_677 = vector.broadcast %add3A_676 : i32 to vector<16xi32>
              %add3A_678 = arith.addi %broadcast_in_dim3A_677, %iota3A : vector<16xi32>
              %gt3A_679 = arith.cmpf ogt, %get3A_669, %broadcast_in_dim3A_398 : vector<16xf32>
              %convert_element_type3A_680 = arith.extui %gt3A_679 : vector<16xi1> to vector<16xi32>
              %broadcast_in_dim3A_681 = arith.constant true
              %broadcast_in_dim3A_682 = vector.broadcast %broadcast_in_dim3A_681 : i1 to vector<16xi1>
              %masked_cumsum3A_683 = tpu.scan <sum>, %convert_element_type3A_680 masked %broadcast_in_dim3A_682 : vector<16xi32>, vector<16xi1> -> vector<16xi32>
              %mul3A_684 = arith.constant 640 : i32
              %mul3A_685 = arith.muli %scan3A_136, %mul3A_684 : i32
              %broadcast_in_dim3A_686 = vector.broadcast %mul3A_685 : i32 to vector<16xi32>
              %add3A_687 = arith.addi %broadcast_in_dim3A_686, %add3A_660 : vector<16xi32>
              %add3A_688 = arith.addi %add3A_687, %masked_cumsum3A_683 : vector<16xi32>
              %sub3A_689 = arith.constant 1 : i32
              %sub3A_690 = vector.broadcast %sub3A_689 : i32 to vector<16xi32>
              %sub3A_691 = arith.subi %add3A_688, %sub3A_690 : vector<16xi32>
              tpu.vector_store_idx %arg11[%sub3A_691], %get3A_669 masked %gt3A_679 : memref<5120xf32, #tpu.memory_space<vmem>>[vector<16xi32>], vector<16xf32>, vector<16xi1>
              tpu.vector_store_idx %arg12[%sub3A_691], %add3A_678 masked %gt3A_679 : memref<5120xi32, #tpu.memory_space<vmem>>[vector<16xi32>], vector<16xi32>, vector<16xi1>
              %all_reduce_population_count3A_692 = tpu.all_reduce %gt3A_679 {dim = 0 : i64, kind = #tpu.reduction_kind<sum>} : vector<16xi1> -> vector<16xi32>
              %add3A_693 = arith.addi %add3A_660, %all_reduce_population_count3A_692 : vector<16xi32>
              %add3A_694 = arith.constant 1 : i32
              %add3A_695 = arith.addi %mul3A_150, %add3A_694 : i32
              %mul3A_696 = arith.constant 128 : i32
              %mul3A_697 = arith.muli %add3A_695, %mul3A_696 : i32
              %add3A_698 = arith.constant 16 : i32
              %add3A_699 = arith.addi %mul3A_697, %add3A_698 : i32
              %get3A_700 = arith.index_cast %scan3A_136 : i32 to index
              %get3A_701 = arith.index_cast %add3A_699 : i32 to index
              %get3A_702 = tpu.vector_load %arg9[%get3A_700, %get3A_701] {strides = array<i32>} : memref<8x2688xf32, #tpu.memory_space<vmem>>, vector<16xf32>,
              %add3A_703 = arith.constant 1 : i32
              %add3A_704 = arith.addi %mul3A_150, %add3A_703 : i32
              %mul3A_705 = arith.constant 128 : i32
              %mul3A_706 = arith.muli %add3A_704, %mul3A_705 : i32
              %add3A_707 = arith.addi %add3A_121, %mul3A_706 : i32
              %add3A_708 = arith.constant 16 : i32
              %add3A_709 = arith.addi %add3A_707, %add3A_708 : i32
              %broadcast_in_dim3A_710 = vector.broadcast %add3A_709 : i32 to vector<16xi32>
              %add3A_711 = arith.addi %broadcast_in_dim3A_710, %iota3A : vector<16xi32>
              %gt3A_712 = arith.cmpf ogt, %get3A_702, %broadcast_in_dim3A_398 : vector<16xf32>
              %convert_element_type3A_713 = arith.extui %gt3A_712 : vector<16xi1> to vector<16xi32>
              %broadcast_in_dim3A_714 = arith.constant true
              %broadcast_in_dim3A_715 = vector.broadcast %broadcast_in_dim3A_714 : i1 to vector<16xi1>
              %masked_cumsum3A_716 = tpu.scan <sum>, %convert_element_type3A_713 masked %broadcast_in_dim3A_715 : vector<16xi32>, vector<16xi1> -> vector<16xi32>
              %mul3A_717 = arith.constant 640 : i32
              %mul3A_718 = arith.muli %scan3A_136, %mul3A_717 : i32
              %broadcast_in_dim3A_719 = vector.broadcast %mul3A_718 : i32 to vector<16xi32>
              %add3A_720 = arith.addi %broadcast_in_dim3A_719, %add3A_693 : vector<16xi32>
              %add3A_721 = arith.addi %add3A_720, %masked_cumsum3A_716 : vector<16xi32>
              %sub3A_722 = arith.constant 1 : i32
              %sub3A_723 = vector.broadcast %sub3A_722 : i32 to vector<16xi32>
              %sub3A_724 = arith.subi %add3A_721, %sub3A_723 : vector<16xi32>
              tpu.vector_store_idx %arg11[%sub3A_724], %get3A_702 masked %gt3A_712 : memref<5120xf32, #tpu.memory_space<vmem>>[vector<16xi32>], vector<16xf32>, vector<16xi1>
              tpu.vector_store_idx %arg12[%sub3A_724], %add3A_711 masked %gt3A_712 : memref<5120xi32, #tpu.memory_space<vmem>>[vector<16xi32>], vector<16xi32>, vector<16xi1>
              %all_reduce_population_count3A_725 = tpu.all_reduce %gt3A_712 {dim = 0 : i64, kind = #tpu.reduction_kind<sum>} : vector<16xi1> -> vector<16xi32>
              %add3A_726 = arith.addi %add3A_693, %all_reduce_population_count3A_725 : vector<16xi32>
              %add3A_727 = arith.constant 1 : i32
              %add3A_728 = arith.addi %mul3A_150, %add3A_727 : i32
              %mul3A_729 = arith.constant 128 : i32
              %mul3A_730 = arith.muli %add3A_728, %mul3A_729 : i32
              %add3A_731 = arith.constant 32 : i32
              %add3A_732 = arith.addi %mul3A_730, %add3A_731 : i32
              %get3A_733 = arith.index_cast %scan3A_136 : i32 to index
              %get3A_734 = arith.index_cast %add3A_732 : i32 to index
              %get3A_735 = tpu.vector_load %arg9[%get3A_733, %get3A_734] {strides = array<i32>} : memref<8x2688xf32, #tpu.memory_space<vmem>>, vector<16xf32>,
              %add3A_736 = arith.constant 1 : i32
              %add3A_737 = arith.addi %mul3A_150, %add3A_736 : i32
              %mul3A_738 = arith.constant 128 : i32
              %mul3A_739 = arith.muli %add3A_737, %mul3A_738 : i32
              %add3A_740 = arith.addi %add3A_121, %mul3A_739 : i32
              %add3A_741 = arith.constant 32 : i32
              %add3A_742 = arith.addi %add3A_740, %add3A_741 : i32
              %broadcast_in_dim3A_743 = vector.broadcast %add3A_742 : i32 to vector<16xi32>
              %add3A_744 = arith.addi %broadcast_in_dim3A_743, %iota3A : vector<16xi32>
              %gt3A_745 = arith.cmpf ogt, %get3A_735, %broadcast_in_dim3A_398 : vector<16xf32>
              %convert_element_type3A_746 = arith.extui %gt3A_745 : vector<16xi1> to vector<16xi32>
              %broadcast_in_dim3A_747 = arith.constant true
              %broadcast_in_dim3A_748 = vector.broadcast %broadcast_in_dim3A_747 : i1 to vector<16xi1>
              %masked_cumsum3A_749 = tpu.scan <sum>, %convert_element_type3A_746 masked %broadcast_in_dim3A_748 : vector<16xi32>, vector<16xi1> -> vector<16xi32>
              %mul3A_750 = arith.constant 640 : i32
              %mul3A_751 = arith.muli %scan3A_136, %mul3A_750 : i32
              %broadcast_in_dim3A_752 = vector.broadcast %mul3A_751 : i32 to vector<16xi32>
              %add3A_753 = arith.addi %broadcast_in_dim3A_752, %add3A_726 : vector<16xi32>
              %add3A_754 = arith.addi %add3A_753, %masked_cumsum3A_749 : vector<16xi32>
              %sub3A_755 = arith.constant 1 : i32
              %sub3A_756 = vector.broadcast %sub3A_755 : i32 to vector<16xi32>
              %sub3A_757 = arith.subi %add3A_754, %sub3A_756 : vector<16xi32>
              tpu.vector_store_idx %arg11[%sub3A_757], %get3A_735 masked %gt3A_745 : memref<5120xf32, #tpu.memory_space<vmem>>[vector<16xi32>], vector<16xf32>, vector<16xi1>
              tpu.vector_store_idx %arg12[%sub3A_757], %add3A_744 masked %gt3A_745 : memref<5120xi32, #tpu.memory_space<vmem>>[vector<16xi32>], vector<16xi32>, vector<16xi1>
              %all_reduce_population_count3A_758 = tpu.all_reduce %gt3A_745 {dim = 0 : i64, kind = #tpu.reduction_kind<sum>} : vector<16xi1> -> vector<16xi32>
              %add3A_759 = arith.addi %add3A_726, %all_reduce_population_count3A_758 : vector<16xi32>
              %add3A_760 = arith.constant 1 : i32
              %add3A_761 = arith.addi %mul3A_150, %add3A_760 : i32
              %mul3A_762 = arith.constant 128 : i32
              %mul3A_763 = arith.muli %add3A_761, %mul3A_762 : i32
              %add3A_764 = arith.constant 48 : i32
              %add3A_765 = arith.addi %mul3A_763, %add3A_764 : i32
              %get3A_766 = arith.index_cast %scan3A_136 : i32 to index
              %get3A_767 = arith.index_cast %add3A_765 : i32 to index
              %get3A_768 = tpu.vector_load %arg9[%get3A_766, %get3A_767] {strides = array<i32>} : memref<8x2688xf32, #tpu.memory_space<vmem>>, vector<16xf32>,
              %add3A_769 = arith.constant 1 : i32
              %add3A_770 = arith.addi %mul3A_150, %add3A_769 : i32
              %mul3A_771 = arith.constant 128 : i32
              %mul3A_772 = arith.muli %add3A_770, %mul3A_771 : i32
              %add3A_773 = arith.addi %add3A_121, %mul3A_772 : i32
              %add3A_774 = arith.constant 48 : i32
              %add3A_775 = arith.addi %add3A_773, %add3A_774 : i32
              %broadcast_in_dim3A_776 = vector.broadcast %add3A_775 : i32 to vector<16xi32>
              %add3A_777 = arith.addi %broadcast_in_dim3A_776, %iota3A : vector<16xi32>
              %gt3A_778 = arith.cmpf ogt, %get3A_768, %broadcast_in_dim3A_398 : vector<16xf32>
              %convert_element_type3A_779 = arith.extui %gt3A_778 : vector<16xi1> to vector<16xi32>
              %broadcast_in_dim3A_780 = arith.constant true
              %broadcast_in_dim3A_781 = vector.broadcast %broadcast_in_dim3A_780 : i1 to vector<16xi1>
              %masked_cumsum3A_782 = tpu.scan <sum>, %convert_element_type3A_779 masked %broadcast_in_dim3A_781 : vector<16xi32>, vector<16xi1> -> vector<16xi32>
              %mul3A_783 = arith.constant 640 : i32
              %mul3A_784 = arith.muli %scan3A_136, %mul3A_783 : i32
              %broadcast_in_dim3A_785 = vector.broadcast %mul3A_784 : i32 to vector<16xi32>
              %add3A_786 = arith.addi %broadcast_in_dim3A_785, %add3A_759 : vector<16xi32>
              %add3A_787 = arith.addi %add3A_786, %masked_cumsum3A_782 : vector<16xi32>
              %sub3A_788 = arith.constant 1 : i32
              %sub3A_789 = vector.broadcast %sub3A_788 : i32 to vector<16xi32>
              %sub3A_790 = arith.subi %add3A_787, %sub3A_789 : vector<16xi32>
              tpu.vector_store_idx %arg11[%sub3A_790], %get3A_768 masked %gt3A_778 : memref<5120xf32, #tpu.memory_space<vmem>>[vector<16xi32>], vector<16xf32>, vector<16xi1>
              tpu.vector_store_idx %arg12[%sub3A_790], %add3A_777 masked %gt3A_778 : memref<5120xi32, #tpu.memory_space<vmem>>[vector<16xi32>], vector<16xi32>, vector<16xi1>
              %all_reduce_population_count3A_791 = tpu.all_reduce %gt3A_778 {dim = 0 : i64, kind = #tpu.reduction_kind<sum>} : vector<16xi1> -> vector<16xi32>
              %add3A_792 = arith.addi %add3A_759, %all_reduce_population_count3A_791 : vector<16xi32>
              %add3A_793 = arith.constant 1 : i32
              %add3A_794 = arith.addi %mul3A_150, %add3A_793 : i32
              %mul3A_795 = arith.constant 128 : i32
              %mul3A_796 = arith.muli %add3A_794, %mul3A_795 : i32
              %add3A_797 = arith.constant 64 : i32
              %add3A_798 = arith.addi %mul3A_796, %add3A_797 : i32
              %get3A_799 = arith.index_cast %scan3A_136 : i32 to index
              %get3A_800 = arith.index_cast %add3A_798 : i32 to index
              %get3A_801 = tpu.vector_load %arg9[%get3A_799, %get3A_800] {strides = array<i32>} : memref<8x2688xf32, #tpu.memory_space<vmem>>, vector<16xf32>,
              %add3A_802 = arith.constant 1 : i32
              %add3A_803 = arith.addi %mul3A_150, %add3A_802 : i32
              %mul3A_804 = arith.constant 128 : i32
              %mul3A_805 = arith.muli %add3A_803, %mul3A_804 : i32
              %add3A_806 = arith.addi %add3A_121, %mul3A_805 : i32
              %add3A_807 = arith.constant 64 : i32
              %add3A_808 = arith.addi %add3A_806, %add3A_807 : i32
              %broadcast_in_dim3A_809 = vector.broadcast %add3A_808 : i32 to vector<16xi32>
              %add3A_810 = arith.addi %broadcast_in_dim3A_809, %iota3A : vector<16xi32>
              %gt3A_811 = arith.cmpf ogt, %get3A_801, %broadcast_in_dim3A_398 : vector<16xf32>
              %convert_element_type3A_812 = arith.extui %gt3A_811 : vector<16xi1> to vector<16xi32>
              %broadcast_in_dim3A_813 = arith.constant true
              %broadcast_in_dim3A_814 = vector.broadcast %broadcast_in_dim3A_813 : i1 to vector<16xi1>
              %masked_cumsum3A_815 = tpu.scan <sum>, %convert_element_type3A_812 masked %broadcast_in_dim3A_814 : vector<16xi32>, vector<16xi1> -> vector<16xi32>
              %mul3A_816 = arith.constant 640 : i32
              %mul3A_817 = arith.muli %scan3A_136, %mul3A_816 : i32
              %broadcast_in_dim3A_818 = vector.broadcast %mul3A_817 : i32 to vector<16xi32>
              %add3A_819 = arith.addi %broadcast_in_dim3A_818, %add3A_792 : vector<16xi32>
              %add3A_820 = arith.addi %add3A_819, %masked_cumsum3A_815 : vector<16xi32>
              %sub3A_821 = arith.constant 1 : i32
              %sub3A_822 = vector.broadcast %sub3A_821 : i32 to vector<16xi32>
              %sub3A_823 = arith.subi %add3A_820, %sub3A_822 : vector<16xi32>
              tpu.vector_store_idx %arg11[%sub3A_823], %get3A_801 masked %gt3A_811 : memref<5120xf32, #tpu.memory_space<vmem>>[vector<16xi32>], vector<16xf32>, vector<16xi1>
              tpu.vector_store_idx %arg12[%sub3A_823], %add3A_810 masked %gt3A_811 : memref<5120xi32, #tpu.memory_space<vmem>>[vector<16xi32>], vector<16xi32>, vector<16xi1>
              %all_reduce_population_count3A_824 = tpu.all_reduce %gt3A_811 {dim = 0 : i64, kind = #tpu.reduction_kind<sum>} : vector<16xi1> -> vector<16xi32>
              %add3A_825 = arith.addi %add3A_792, %all_reduce_population_count3A_824 : vector<16xi32>
              %add3A_826 = arith.constant 1 : i32
              %add3A_827 = arith.addi %mul3A_150, %add3A_826 : i32
              %mul3A_828 = arith.constant 128 : i32
              %mul3A_829 = arith.muli %add3A_827, %mul3A_828 : i32
              %add3A_830 = arith.constant 80 : i32
              %add3A_831 = arith.addi %mul3A_829, %add3A_830 : i32
              %get3A_832 = arith.index_cast %scan3A_136 : i32 to index
              %get3A_833 = arith.index_cast %add3A_831 : i32 to index
              %get3A_834 = tpu.vector_load %arg9[%get3A_832, %get3A_833] {strides = array<i32>} : memref<8x2688xf32, #tpu.memory_space<vmem>>, vector<16xf32>,
              %add3A_835 = arith.constant 1 : i32
              %add3A_836 = arith.addi %mul3A_150, %add3A_835 : i32
              %mul3A_837 = arith.constant 128 : i32
              %mul3A_838 = arith.muli %add3A_836, %mul3A_837 : i32
              %add3A_839 = arith.addi %add3A_121, %mul3A_838 : i32
              %add3A_840 = arith.constant 80 : i32
              %add3A_841 = arith.addi %add3A_839, %add3A_840 : i32
              %broadcast_in_dim3A_842 = vector.broadcast %add3A_841 : i32 to vector<16xi32>
              %add3A_843 = arith.addi %broadcast_in_dim3A_842, %iota3A : vector<16xi32>
              %gt3A_844 = arith.cmpf ogt, %get3A_834, %broadcast_in_dim3A_398 : vector<16xf32>
              %convert_element_type3A_845 = arith.extui %gt3A_844 : vector<16xi1> to vector<16xi32>
              %broadcast_in_dim3A_846 = arith.constant true
              %broadcast_in_dim3A_847 = vector.broadcast %broadcast_in_dim3A_846 : i1 to vector<16xi1>
              %masked_cumsum3A_848 = tpu.scan <sum>, %convert_element_type3A_845 masked %broadcast_in_dim3A_847 : vector<16xi32>, vector<16xi1> -> vector<16xi32>
              %mul3A_849 = arith.constant 640 : i32
              %mul3A_850 = arith.muli %scan3A_136, %mul3A_849 : i32
              %broadcast_in_dim3A_851 = vector.broadcast %mul3A_850 : i32 to vector<16xi32>
              %add3A_852 = arith.addi %broadcast_in_dim3A_851, %add3A_825 : vector<16xi32>
              %add3A_853 = arith.addi %add3A_852, %masked_cumsum3A_848 : vector<16xi32>
              %sub3A_854 = arith.constant 1 : i32
              %sub3A_855 = vector.broadcast %sub3A_854 : i32 to vector<16xi32>
              %sub3A_856 = arith.subi %add3A_853, %sub3A_855 : vector<16xi32>
              tpu.vector_store_idx %arg11[%sub3A_856], %get3A_834 masked %gt3A_844 : memref<5120xf32, #tpu.memory_space<vmem>>[vector<16xi32>], vector<16xf32>, vector<16xi1>
              tpu.vector_store_idx %arg12[%sub3A_856], %add3A_843 masked %gt3A_844 : memref<5120xi32, #tpu.memory_space<vmem>>[vector<16xi32>], vector<16xi32>, vector<16xi1>
              %all_reduce_population_count3A_857 = tpu.all_reduce %gt3A_844 {dim = 0 : i64, kind = #tpu.reduction_kind<sum>} : vector<16xi1> -> vector<16xi32>
              %add3A_858 = arith.addi %add3A_825, %all_reduce_population_count3A_857 : vector<16xi32>
              %add3A_859 = arith.constant 1 : i32
              %add3A_860 = arith.addi %mul3A_150, %add3A_859 : i32
              %mul3A_861 = arith.constant 128 : i32
              %mul3A_862 = arith.muli %add3A_860, %mul3A_861 : i32
              %add3A_863 = arith.constant 96 : i32
              %add3A_864 = arith.addi %mul3A_862, %add3A_863 : i32
              %get3A_865 = arith.index_cast %scan3A_136 : i32 to index
              %get3A_866 = arith.index_cast %add3A_864 : i32 to index
              %get3A_867 = tpu.vector_load %arg9[%get3A_865, %get3A_866] {strides = array<i32>} : memref<8x2688xf32, #tpu.memory_space<vmem>>, vector<16xf32>,
              %add3A_868 = arith.constant 1 : i32
              %add3A_869 = arith.addi %mul3A_150, %add3A_868 : i32
              %mul3A_870 = arith.constant 128 : i32
              %mul3A_871 = arith.muli %add3A_869, %mul3A_870 : i32
              %add3A_872 = arith.addi %add3A_121, %mul3A_871 : i32
              %add3A_873 = arith.constant 96 : i32
              %add3A_874 = arith.addi %add3A_872, %add3A_873 : i32
              %broadcast_in_dim3A_875 = vector.broadcast %add3A_874 : i32 to vector<16xi32>
              %add3A_876 = arith.addi %broadcast_in_dim3A_875, %iota3A : vector<16xi32>
              %gt3A_877 = arith.cmpf ogt, %get3A_867, %broadcast_in_dim3A_398 : vector<16xf32>
              %convert_element_type3A_878 = arith.extui %gt3A_877 : vector<16xi1> to vector<16xi32>
              %broadcast_in_dim3A_879 = arith.constant true
              %broadcast_in_dim3A_880 = vector.broadcast %broadcast_in_dim3A_879 : i1 to vector<16xi1>
              %masked_cumsum3A_881 = tpu.scan <sum>, %convert_element_type3A_878 masked %broadcast_in_dim3A_880 : vector<16xi32>, vector<16xi1> -> vector<16xi32>
              %mul3A_882 = arith.constant 640 : i32
              %mul3A_883 = arith.muli %scan3A_136, %mul3A_882 : i32
              %broadcast_in_dim3A_884 = vector.broadcast %mul3A_883 : i32 to vector<16xi32>
              %add3A_885 = arith.addi %broadcast_in_dim3A_884, %add3A_858 : vector<16xi32>
              %add3A_886 = arith.addi %add3A_885, %masked_cumsum3A_881 : vector<16xi32>
              %sub3A_887 = arith.constant 1 : i32
              %sub3A_888 = vector.broadcast %sub3A_887 : i32 to vector<16xi32>
              %sub3A_889 = arith.subi %add3A_886, %sub3A_888 : vector<16xi32>
              tpu.vector_store_idx %arg11[%sub3A_889], %get3A_867 masked %gt3A_877 : memref<5120xf32, #tpu.memory_space<vmem>>[vector<16xi32>], vector<16xf32>, vector<16xi1>
              tpu.vector_store_idx %arg12[%sub3A_889], %add3A_876 masked %gt3A_877 : memref<5120xi32, #tpu.memory_space<vmem>>[vector<16xi32>], vector<16xi32>, vector<16xi1>
              %all_reduce_population_count3A_890 = tpu.all_reduce %gt3A_877 {dim = 0 : i64, kind = #tpu.reduction_kind<sum>} : vector<16xi1> -> vector<16xi32>
              %add3A_891 = arith.addi %add3A_858, %all_reduce_population_count3A_890 : vector<16xi32>
              %add3A_892 = arith.constant 1 : i32
              %add3A_893 = arith.addi %mul3A_150, %add3A_892 : i32
              %mul3A_894 = arith.constant 128 : i32
              %mul3A_895 = arith.muli %add3A_893, %mul3A_894 : i32
              %add3A_896 = arith.constant 112 : i32
              %add3A_897 = arith.addi %mul3A_895, %add3A_896 : i32
              %get3A_898 = arith.index_cast %scan3A_136 : i32 to index
              %get3A_899 = arith.index_cast %add3A_897 : i32 to index
              %get3A_900 = tpu.vector_load %arg9[%get3A_898, %get3A_899] {strides = array<i32>} : memref<8x2688xf32, #tpu.memory_space<vmem>>, vector<16xf32>,
              %add3A_901 = arith.constant 1 : i32
              %add3A_902 = arith.addi %mul3A_150, %add3A_901 : i32
              %mul3A_903 = arith.constant 128 : i32
              %mul3A_904 = arith.muli %add3A_902, %mul3A_903 : i32
              %add3A_905 = arith.addi %add3A_121, %mul3A_904 : i32
              %add3A_906 = arith.constant 112 : i32
              %add3A_907 = arith.addi %add3A_905, %add3A_906 : i32
              %broadcast_in_dim3A_908 = vector.broadcast %add3A_907 : i32 to vector<16xi32>
              %add3A_909 = arith.addi %broadcast_in_dim3A_908, %iota3A : vector<16xi32>
              %gt3A_910 = arith.cmpf ogt, %get3A_900, %broadcast_in_dim3A_398 : vector<16xf32>
              %convert_element_type3A_911 = arith.extui %gt3A_910 : vector<16xi1> to vector<16xi32>
              %broadcast_in_dim3A_912 = arith.constant true
              %broadcast_in_dim3A_913 = vector.broadcast %broadcast_in_dim3A_912 : i1 to vector<16xi1>
              %masked_cumsum3A_914 = tpu.scan <sum>, %convert_element_type3A_911 masked %broadcast_in_dim3A_913 : vector<16xi32>, vector<16xi1> -> vector<16xi32>
              %mul3A_915 = arith.constant 640 : i32
              %mul3A_916 = arith.muli %scan3A_136, %mul3A_915 : i32
              %broadcast_in_dim3A_917 = vector.broadcast %mul3A_916 : i32 to vector<16xi32>
              %add3A_918 = arith.addi %broadcast_in_dim3A_917, %add3A_891 : vector<16xi32>
              %add3A_919 = arith.addi %add3A_918, %masked_cumsum3A_914 : vector<16xi32>
              %sub3A_920 = arith.constant 1 : i32
              %sub3A_921 = vector.broadcast %sub3A_920 : i32 to vector<16xi32>
              %sub3A_922 = arith.subi %add3A_919, %sub3A_921 : vector<16xi32>
              tpu.vector_store_idx %arg11[%sub3A_922], %get3A_900 masked %gt3A_910 : memref<5120xf32, #tpu.memory_space<vmem>>[vector<16xi32>], vector<16xf32>, vector<16xi1>
              tpu.vector_store_idx %arg12[%sub3A_922], %add3A_909 masked %gt3A_910 : memref<5120xi32, #tpu.memory_space<vmem>>[vector<16xi32>], vector<16xi32>, vector<16xi1>
              %all_reduce_population_count3A_923 = tpu.all_reduce %gt3A_910 {dim = 0 : i64, kind = #tpu.reduction_kind<sum>} : vector<16xi1> -> vector<16xi32>
              %add3A_924 = arith.addi %add3A_891, %all_reduce_population_count3A_923 : vector<16xi32>
              %add3A_925 = arith.constant 2 : i32
              %add3A_926 = arith.addi %mul3A_150, %add3A_925 : i32
              %mul3A_927 = arith.constant 128 : i32
              %mul3A_928 = arith.muli %add3A_926, %mul3A_927 : i32
              %add3A_929 = arith.constant 0 : i32
              %add3A_930 = arith.addi %mul3A_928, %add3A_929 : i32
              %get3A_931 = arith.index_cast %scan3A_136 : i32 to index
              %get3A_932 = arith.index_cast %add3A_930 : i32 to index
              %get3A_933 = tpu.vector_load %arg9[%get3A_931, %get3A_932] {strides = array<i32>} : memref<8x2688xf32, #tpu.memory_space<vmem>>, vector<16xf32>,
              %add3A_934 = arith.constant 2 : i32
              %add3A_935 = arith.addi %mul3A_150, %add3A_934 : i32
              %mul3A_936 = arith.constant 128 : i32
              %mul3A_937 = arith.muli %add3A_935, %mul3A_936 : i32
              %add3A_938 = arith.addi %add3A_121, %mul3A_937 : i32
              %add3A_939 = arith.constant 0 : i32
              %add3A_940 = arith.addi %add3A_938, %add3A_939 : i32
              %broadcast_in_dim3A_941 = vector.broadcast %add3A_940 : i32 to vector<16xi32>
              %add3A_942 = arith.addi %broadcast_in_dim3A_941, %iota3A : vector<16xi32>
              %gt3A_943 = arith.cmpf ogt, %get3A_933, %broadcast_in_dim3A_398 : vector<16xf32>
              %convert_element_type3A_944 = arith.extui %gt3A_943 : vector<16xi1> to vector<16xi32>
              %broadcast_in_dim3A_945 = arith.constant true
              %broadcast_in_dim3A_946 = vector.broadcast %broadcast_in_dim3A_945 : i1 to vector<16xi1>
              %masked_cumsum3A_947 = tpu.scan <sum>, %convert_element_type3A_944 masked %broadcast_in_dim3A_946 : vector<16xi32>, vector<16xi1> -> vector<16xi32>
              %mul3A_948 = arith.constant 640 : i32
              %mul3A_949 = arith.muli %scan3A_136, %mul3A_948 : i32
              %broadcast_in_dim3A_950 = vector.broadcast %mul3A_949 : i32 to vector<16xi32>
              %add3A_951 = arith.addi %broadcast_in_dim3A_950, %add3A_924 : vector<16xi32>
              %add3A_952 = arith.addi %add3A_951, %masked_cumsum3A_947 : vector<16xi32>
              %sub3A_953 = arith.constant 1 : i32
              %sub3A_954 = vector.broadcast %sub3A_953 : i32 to vector<16xi32>
              %sub3A_955 = arith.subi %add3A_952, %sub3A_954 : vector<16xi32>
              tpu.vector_store_idx %arg11[%sub3A_955], %get3A_933 masked %gt3A_943 : memref<5120xf32, #tpu.memory_space<vmem>>[vector<16xi32>], vector<16xf32>, vector<16xi1>
              tpu.vector_store_idx %arg12[%sub3A_955], %add3A_942 masked %gt3A_943 : memref<5120xi32, #tpu.memory_space<vmem>>[vector<16xi32>], vector<16xi32>, vector<16xi1>
              %all_reduce_population_count3A_956 = tpu.all_reduce %gt3A_943 {dim = 0 : i64, kind = #tpu.reduction_kind<sum>} : vector<16xi1> -> vector<16xi32>
              %add3A_957 = arith.addi %add3A_924, %all_reduce_population_count3A_956 : vector<16xi32>
              %add3A_958 = arith.constant 2 : i32
              %add3A_959 = arith.addi %mul3A_150, %add3A_958 : i32
              %mul3A_960 = arith.constant 128 : i32
              %mul3A_961 = arith.muli %add3A_959, %mul3A_960 : i32
              %add3A_962 = arith.constant 16 : i32
              %add3A_963 = arith.addi %mul3A_961, %add3A_962 : i32
              %get3A_964 = arith.index_cast %scan3A_136 : i32 to index
              %get3A_965 = arith.index_cast %add3A_963 : i32 to index
              %get3A_966 = tpu.vector_load %arg9[%get3A_964, %get3A_965] {strides = array<i32>} : memref<8x2688xf32, #tpu.memory_space<vmem>>, vector<16xf32>,
              %add3A_967 = arith.constant 2 : i32
              %add3A_968 = arith.addi %mul3A_150, %add3A_967 : i32
              %mul3A_969 = arith.constant 128 : i32
              %mul3A_970 = arith.muli %add3A_968, %mul3A_969 : i32
              %add3A_971 = arith.addi %add3A_121, %mul3A_970 : i32
              %add3A_972 = arith.constant 16 : i32
              %add3A_973 = arith.addi %add3A_971, %add3A_972 : i32
              %broadcast_in_dim3A_974 = vector.broadcast %add3A_973 : i32 to vector<16xi32>
              %add3A_975 = arith.addi %broadcast_in_dim3A_974, %iota3A : vector<16xi32>
              %gt3A_976 = arith.cmpf ogt, %get3A_966, %broadcast_in_dim3A_398 : vector<16xf32>
              %convert_element_type3A_977 = arith.extui %gt3A_976 : vector<16xi1> to vector<16xi32>
              %broadcast_in_dim3A_978 = arith.constant true
              %broadcast_in_dim3A_979 = vector.broadcast %broadcast_in_dim3A_978 : i1 to vector<16xi1>
              %masked_cumsum3A_980 = tpu.scan <sum>, %convert_element_type3A_977 masked %broadcast_in_dim3A_979 : vector<16xi32>, vector<16xi1> -> vector<16xi32>
              %mul3A_981 = arith.constant 640 : i32
              %mul3A_982 = arith.muli %scan3A_136, %mul3A_981 : i32
              %broadcast_in_dim3A_983 = vector.broadcast %mul3A_982 : i32 to vector<16xi32>
              %add3A_984 = arith.addi %broadcast_in_dim3A_983, %add3A_957 : vector<16xi32>
              %add3A_985 = arith.addi %add3A_984, %masked_cumsum3A_980 : vector<16xi32>
              %sub3A_986 = arith.constant 1 : i32
              %sub3A_987 = vector.broadcast %sub3A_986 : i32 to vector<16xi32>
              %sub3A_988 = arith.subi %add3A_985, %sub3A_987 : vector<16xi32>
              tpu.vector_store_idx %arg11[%sub3A_988], %get3A_966 masked %gt3A_976 : memref<5120xf32, #tpu.memory_space<vmem>>[vector<16xi32>], vector<16xf32>, vector<16xi1>
              tpu.vector_store_idx %arg12[%sub3A_988], %add3A_975 masked %gt3A_976 : memref<5120xi32, #tpu.memory_space<vmem>>[vector<16xi32>], vector<16xi32>, vector<16xi1>
              %all_reduce_population_count3A_989 = tpu.all_reduce %gt3A_976 {dim = 0 : i64, kind = #tpu.reduction_kind<sum>} : vector<16xi1> -> vector<16xi32>
              %add3A_990 = arith.addi %add3A_957, %all_reduce_population_count3A_989 : vector<16xi32>
              %add3A_991 = arith.constant 2 : i32
              %add3A_992 = arith.addi %mul3A_150, %add3A_991 : i32
              %mul3A_993 = arith.constant 128 : i32
              %mul3A_994 = arith.muli %add3A_992, %mul3A_993 : i32
              %add3A_995 = arith.constant 32 : i32
              %add3A_996 = arith.addi %mul3A_994, %add3A_995 : i32
              %get3A_997 = arith.index_cast %scan3A_136 : i32 to index
              %get3A_998 = arith.index_cast %add3A_996 : i32 to index
              %get3A_999 = tpu.vector_load %arg9[%get3A_997, %get3A_998] {strides = array<i32>} : memref<8x2688xf32, #tpu.memory_space<vmem>>, vector<16xf32>,
              %add3A_1000 = arith.constant 2 : i32
              %add3A_1001 = arith.addi %mul3A_150, %add3A_1000 : i32
              %mul3A_1002 = arith.constant 128 : i32
              %mul3A_1003 = arith.muli %add3A_1001, %mul3A_1002 : i32
              %add3A_1004 = arith.addi %add3A_121, %mul3A_1003 : i32
              %add3A_1005 = arith.constant 32 : i32
              %add3A_1006 = arith.addi %add3A_1004, %add3A_1005 : i32
              %broadcast_in_dim3A_1007 = vector.broadcast %add3A_1006 : i32 to vector<16xi32>
              %add3A_1008 = arith.addi %broadcast_in_dim3A_1007, %iota3A : vector<16xi32>
              %gt3A_1009 = arith.cmpf ogt, %get3A_999, %broadcast_in_dim3A_398 : vector<16xf32>
              %convert_element_type3A_1010 = arith.extui %gt3A_1009 : vector<16xi1> to vector<16xi32>
              %broadcast_in_dim3A_1011 = arith.constant true
              %broadcast_in_dim3A_1012 = vector.broadcast %broadcast_in_dim3A_1011 : i1 to vector<16xi1>
              %masked_cumsum3A_1013 = tpu.scan <sum>, %convert_element_type3A_1010 masked %broadcast_in_dim3A_1012 : vector<16xi32>, vector<16xi1> -> vector<16xi32>
              %mul3A_1014 = arith.constant 640 : i32
              %mul3A_1015 = arith.muli %scan3A_136, %mul3A_1014 : i32
              %broadcast_in_dim3A_1016 = vector.broadcast %mul3A_1015 : i32 to vector<16xi32>
              %add3A_1017 = arith.addi %broadcast_in_dim3A_1016, %add3A_990 : vector<16xi32>
              %add3A_1018 = arith.addi %add3A_1017, %masked_cumsum3A_1013 : vector<16xi32>
              %sub3A_1019 = arith.constant 1 : i32
              %sub3A_1020 = vector.broadcast %sub3A_1019 : i32 to vector<16xi32>
              %sub3A_1021 = arith.subi %add3A_1018, %sub3A_1020 : vector<16xi32>
              tpu.vector_store_idx %arg11[%sub3A_1021], %get3A_999 masked %gt3A_1009 : memref<5120xf32, #tpu.memory_space<vmem>>[vector<16xi32>], vector<16xf32>, vector<16xi1>
              tpu.vector_store_idx %arg12[%sub3A_1021], %add3A_1008 masked %gt3A_1009 : memref<5120xi32, #tpu.memory_space<vmem>>[vector<16xi32>], vector<16xi32>, vector<16xi1>
              %all_reduce_population_count3A_1022 = tpu.all_reduce %gt3A_1009 {dim = 0 : i64, kind = #tpu.reduction_kind<sum>} : vector<16xi1> -> vector<16xi32>
              %add3A_1023 = arith.addi %add3A_990, %all_reduce_population_count3A_1022 : vector<16xi32>
              %add3A_1024 = arith.constant 2 : i32
              %add3A_1025 = arith.addi %mul3A_150, %add3A_1024 : i32
              %mul3A_1026 = arith.constant 128 : i32
              %mul3A_1027 = arith.muli %add3A_1025, %mul3A_1026 : i32
              %add3A_1028 = arith.constant 48 : i32
              %add3A_1029 = arith.addi %mul3A_1027, %add3A_1028 : i32
              %get3A_1030 = arith.index_cast %scan3A_136 : i32 to index
              %get3A_1031 = arith.index_cast %add3A_1029 : i32 to index
              %get3A_1032 = tpu.vector_load %arg9[%get3A_1030, %get3A_1031] {strides = array<i32>} : memref<8x2688xf32, #tpu.memory_space<vmem>>, vector<16xf32>,
              %add3A_1033 = arith.constant 2 : i32
              %add3A_1034 = arith.addi %mul3A_150, %add3A_1033 : i32
              %mul3A_1035 = arith.constant 128 : i32
              %mul3A_1036 = arith.muli %add3A_1034, %mul3A_1035 : i32
              %add3A_1037 = arith.addi %add3A_121, %mul3A_1036 : i32
              %add3A_1038 = arith.constant 48 : i32
              %add3A_1039 = arith.addi %add3A_1037, %add3A_1038 : i32
              %broadcast_in_dim3A_1040 = vector.broadcast %add3A_1039 : i32 to vector<16xi32>
              %add3A_1041 = arith.addi %broadcast_in_dim3A_1040, %iota3A : vector<16xi32>
              %gt3A_1042 = arith.cmpf ogt, %get3A_1032, %broadcast_in_dim3A_398 : vector<16xf32>
              %convert_element_type3A_1043 = arith.extui %gt3A_1042 : vector<16xi1> to vector<16xi32>
              %broadcast_in_dim3A_1044 = arith.constant true
              %broadcast_in_dim3A_1045 = vector.broadcast %broadcast_in_dim3A_1044 : i1 to vector<16xi1>
              %masked_cumsum3A_1046 = tpu.scan <sum>, %convert_element_type3A_1043 masked %broadcast_in_dim3A_1045 : vector<16xi32>, vector<16xi1> -> vector<16xi32>
              %mul3A_1047 = arith.constant 640 : i32
              %mul3A_1048 = arith.muli %scan3A_136, %mul3A_1047 : i32
              %broadcast_in_dim3A_1049 = vector.broadcast %mul3A_1048 : i32 to vector<16xi32>
              %add3A_1050 = arith.addi %broadcast_in_dim3A_1049, %add3A_1023 : vector<16xi32>
              %add3A_1051 = arith.addi %add3A_1050, %masked_cumsum3A_1046 : vector<16xi32>
              %sub3A_1052 = arith.constant 1 : i32
              %sub3A_1053 = vector.broadcast %sub3A_1052 : i32 to vector<16xi32>
              %sub3A_1054 = arith.subi %add3A_1051, %sub3A_1053 : vector<16xi32>
              tpu.vector_store_idx %arg11[%sub3A_1054], %get3A_1032 masked %gt3A_1042 : memref<5120xf32, #tpu.memory_space<vmem>>[vector<16xi32>], vector<16xf32>, vector<16xi1>
              tpu.vector_store_idx %arg12[%sub3A_1054], %add3A_1041 masked %gt3A_1042 : memref<5120xi32, #tpu.memory_space<vmem>>[vector<16xi32>], vector<16xi32>, vector<16xi1>
              %all_reduce_population_count3A_1055 = tpu.all_reduce %gt3A_1042 {dim = 0 : i64, kind = #tpu.reduction_kind<sum>} : vector<16xi1> -> vector<16xi32>
              %add3A_1056 = arith.addi %add3A_1023, %all_reduce_population_count3A_1055 : vector<16xi32>
              %add3A_1057 = arith.constant 2 : i32
              %add3A_1058 = arith.addi %mul3A_150, %add3A_1057 : i32
              %mul3A_1059 = arith.constant 128 : i32
              %mul3A_1060 = arith.muli %add3A_1058, %mul3A_1059 : i32
              %add3A_1061 = arith.constant 64 : i32
              %add3A_1062 = arith.addi %mul3A_1060, %add3A_1061 : i32
              %get3A_1063 = arith.index_cast %scan3A_136 : i32 to index
              %get3A_1064 = arith.index_cast %add3A_1062 : i32 to index
              %get3A_1065 = tpu.vector_load %arg9[%get3A_1063, %get3A_1064] {strides = array<i32>} : memref<8x2688xf32, #tpu.memory_space<vmem>>, vector<16xf32>,
              %add3A_1066 = arith.constant 2 : i32
              %add3A_1067 = arith.addi %mul3A_150, %add3A_1066 : i32
              %mul3A_1068 = arith.constant 128 : i32
              %mul3A_1069 = arith.muli %add3A_1067, %mul3A_1068 : i32
              %add3A_1070 = arith.addi %add3A_121, %mul3A_1069 : i32
              %add3A_1071 = arith.constant 64 : i32
              %add3A_1072 = arith.addi %add3A_1070, %add3A_1071 : i32
              %broadcast_in_dim3A_1073 = vector.broadcast %add3A_1072 : i32 to vector<16xi32>
              %add3A_1074 = arith.addi %broadcast_in_dim3A_1073, %iota3A : vector<16xi32>
              %gt3A_1075 = arith.cmpf ogt, %get3A_1065, %broadcast_in_dim3A_398 : vector<16xf32>
              %convert_element_type3A_1076 = arith.extui %gt3A_1075 : vector<16xi1> to vector<16xi32>
              %broadcast_in_dim3A_1077 = arith.constant true
              %broadcast_in_dim3A_1078 = vector.broadcast %broadcast_in_dim3A_1077 : i1 to vector<16xi1>
              %masked_cumsum3A_1079 = tpu.scan <sum>, %convert_element_type3A_1076 masked %broadcast_in_dim3A_1078 : vector<16xi32>, vector<16xi1> -> vector<16xi32>
              %mul3A_1080 = arith.constant 640 : i32
              %mul3A_1081 = arith.muli %scan3A_136, %mul3A_1080 : i32
              %broadcast_in_dim3A_1082 = vector.broadcast %mul3A_1081 : i32 to vector<16xi32>
              %add3A_1083 = arith.addi %broadcast_in_dim3A_1082, %add3A_1056 : vector<16xi32>
              %add3A_1084 = arith.addi %add3A_1083, %masked_cumsum3A_1079 : vector<16xi32>
              %sub3A_1085 = arith.constant 1 : i32
              %sub3A_1086 = vector.broadcast %sub3A_1085 : i32 to vector<16xi32>
              %sub3A_1087 = arith.subi %add3A_1084, %sub3A_1086 : vector<16xi32>
              tpu.vector_store_idx %arg11[%sub3A_1087], %get3A_1065 masked %gt3A_1075 : memref<5120xf32, #tpu.memory_space<vmem>>[vector<16xi32>], vector<16xf32>, vector<16xi1>
              tpu.vector_store_idx %arg12[%sub3A_1087], %add3A_1074 masked %gt3A_1075 : memref<5120xi32, #tpu.memory_space<vmem>>[vector<16xi32>], vector<16xi32>, vector<16xi1>
              %all_reduce_population_count3A_1088 = tpu.all_reduce %gt3A_1075 {dim = 0 : i64, kind = #tpu.reduction_kind<sum>} : vector<16xi1> -> vector<16xi32>
              %add3A_1089 = arith.addi %add3A_1056, %all_reduce_population_count3A_1088 : vector<16xi32>
              %add3A_1090 = arith.constant 2 : i32
              %add3A_1091 = arith.addi %mul3A_150, %add3A_1090 : i32
              %mul3A_1092 = arith.constant 128 : i32
              %mul3A_1093 = arith.muli %add3A_1091, %mul3A_1092 : i32
              %add3A_1094 = arith.constant 80 : i32
              %add3A_1095 = arith.addi %mul3A_1093, %add3A_1094 : i32
              %get3A_1096 = arith.index_cast %scan3A_136 : i32 to index
              %get3A_1097 = arith.index_cast %add3A_1095 : i32 to index
              %get3A_1098 = tpu.vector_load %arg9[%get3A_1096, %get3A_1097] {strides = array<i32>} : memref<8x2688xf32, #tpu.memory_space<vmem>>, vector<16xf32>,
              %add3A_1099 = arith.constant 2 : i32
              %add3A_1100 = arith.addi %mul3A_150, %add3A_1099 : i32
              %mul3A_1101 = arith.constant 128 : i32
              %mul3A_1102 = arith.muli %add3A_1100, %mul3A_1101 : i32
              %add3A_1103 = arith.addi %add3A_121, %mul3A_1102 : i32
              %add3A_1104 = arith.constant 80 : i32
              %add3A_1105 = arith.addi %add3A_1103, %add3A_1104 : i32
              %broadcast_in_dim3A_1106 = vector.broadcast %add3A_1105 : i32 to vector<16xi32>
              %add3A_1107 = arith.addi %broadcast_in_dim3A_1106, %iota3A : vector<16xi32>
              %gt3A_1108 = arith.cmpf ogt, %get3A_1098, %broadcast_in_dim3A_398 : vector<16xf32>
              %convert_element_type3A_1109 = arith.extui %gt3A_1108 : vector<16xi1> to vector<16xi32>
              %broadcast_in_dim3A_1110 = arith.constant true
              %broadcast_in_dim3A_1111 = vector.broadcast %broadcast_in_dim3A_1110 : i1 to vector<16xi1>
              %masked_cumsum3A_1112 = tpu.scan <sum>, %convert_element_type3A_1109 masked %broadcast_in_dim3A_1111 : vector<16xi32>, vector<16xi1> -> vector<16xi32>
              %mul3A_1113 = arith.constant 640 : i32
              %mul3A_1114 = arith.muli %scan3A_136, %mul3A_1113 : i32
              %broadcast_in_dim3A_1115 = vector.broadcast %mul3A_1114 : i32 to vector<16xi32>
              %add3A_1116 = arith.addi %broadcast_in_dim3A_1115, %add3A_1089 : vector<16xi32>
              %add3A_1117 = arith.addi %add3A_1116, %masked_cumsum3A_1112 : vector<16xi32>
              %sub3A_1118 = arith.constant 1 : i32
              %sub3A_1119 = vector.broadcast %sub3A_1118 : i32 to vector<16xi32>
              %sub3A_1120 = arith.subi %add3A_1117, %sub3A_1119 : vector<16xi32>
              tpu.vector_store_idx %arg11[%sub3A_1120], %get3A_1098 masked %gt3A_1108 : memref<5120xf32, #tpu.memory_space<vmem>>[vector<16xi32>], vector<16xf32>, vector<16xi1>
              tpu.vector_store_idx %arg12[%sub3A_1120], %add3A_1107 masked %gt3A_1108 : memref<5120xi32, #tpu.memory_space<vmem>>[vector<16xi32>], vector<16xi32>, vector<16xi1>
              %all_reduce_population_count3A_1121 = tpu.all_reduce %gt3A_1108 {dim = 0 : i64, kind = #tpu.reduction_kind<sum>} : vector<16xi1> -> vector<16xi32>
              %add3A_1122 = arith.addi %add3A_1089, %all_reduce_population_count3A_1121 : vector<16xi32>
              %add3A_1123 = arith.constant 2 : i32
              %add3A_1124 = arith.addi %mul3A_150, %add3A_1123 : i32
              %mul3A_1125 = arith.constant 128 : i32
              %mul3A_1126 = arith.muli %add3A_1124, %mul3A_1125 : i32
              %add3A_1127 = arith.constant 96 : i32
              %add3A_1128 = arith.addi %mul3A_1126, %add3A_1127 : i32
              %get3A_1129 = arith.index_cast %scan3A_136 : i32 to index
              %get3A_1130 = arith.index_cast %add3A_1128 : i32 to index
              %get3A_1131 = tpu.vector_load %arg9[%get3A_1129, %get3A_1130] {strides = array<i32>} : memref<8x2688xf32, #tpu.memory_space<vmem>>, vector<16xf32>,
              %add3A_1132 = arith.constant 2 : i32
              %add3A_1133 = arith.addi %mul3A_150, %add3A_1132 : i32
              %mul3A_1134 = arith.constant 128 : i32
              %mul3A_1135 = arith.muli %add3A_1133, %mul3A_1134 : i32
              %add3A_1136 = arith.addi %add3A_121, %mul3A_1135 : i32
              %add3A_1137 = arith.constant 96 : i32
              %add3A_1138 = arith.addi %add3A_1136, %add3A_1137 : i32
              %broadcast_in_dim3A_1139 = vector.broadcast %add3A_1138 : i32 to vector<16xi32>
              %add3A_1140 = arith.addi %broadcast_in_dim3A_1139, %iota3A : vector<16xi32>
              %gt3A_1141 = arith.cmpf ogt, %get3A_1131, %broadcast_in_dim3A_398 : vector<16xf32>
              %convert_element_type3A_1142 = arith.extui %gt3A_1141 : vector<16xi1> to vector<16xi32>
              %broadcast_in_dim3A_1143 = arith.constant true
              %broadcast_in_dim3A_1144 = vector.broadcast %broadcast_in_dim3A_1143 : i1 to vector<16xi1>
              %masked_cumsum3A_1145 = tpu.scan <sum>, %convert_element_type3A_1142 masked %broadcast_in_dim3A_1144 : vector<16xi32>, vector<16xi1> -> vector<16xi32>
              %mul3A_1146 = arith.constant 640 : i32
              %mul3A_1147 = arith.muli %scan3A_136, %mul3A_1146 : i32
              %broadcast_in_dim3A_1148 = vector.broadcast %mul3A_1147 : i32 to vector<16xi32>
              %add3A_1149 = arith.addi %broadcast_in_dim3A_1148, %add3A_1122 : vector<16xi32>
              %add3A_1150 = arith.addi %add3A_1149, %masked_cumsum3A_1145 : vector<16xi32>
              %sub3A_1151 = arith.constant 1 : i32
              %sub3A_1152 = vector.broadcast %sub3A_1151 : i32 to vector<16xi32>
              %sub3A_1153 = arith.subi %add3A_1150, %sub3A_1152 : vector<16xi32>
              tpu.vector_store_idx %arg11[%sub3A_1153], %get3A_1131 masked %gt3A_1141 : memref<5120xf32, #tpu.memory_space<vmem>>[vector<16xi32>], vector<16xf32>, vector<16xi1>
              tpu.vector_store_idx %arg12[%sub3A_1153], %add3A_1140 masked %gt3A_1141 : memref<5120xi32, #tpu.memory_space<vmem>>[vector<16xi32>], vector<16xi32>, vector<16xi1>
              %all_reduce_population_count3A_1154 = tpu.all_reduce %gt3A_1141 {dim = 0 : i64, kind = #tpu.reduction_kind<sum>} : vector<16xi1> -> vector<16xi32>
              %add3A_1155 = arith.addi %add3A_1122, %all_reduce_population_count3A_1154 : vector<16xi32>
              %add3A_1156 = arith.constant 2 : i32
              %add3A_1157 = arith.addi %mul3A_150, %add3A_1156 : i32
              %mul3A_1158 = arith.constant 128 : i32
              %mul3A_1159 = arith.muli %add3A_1157, %mul3A_1158 : i32
              %add3A_1160 = arith.constant 112 : i32
              %add3A_1161 = arith.addi %mul3A_1159, %add3A_1160 : i32
              %get3A_1162 = arith.index_cast %scan3A_136 : i32 to index
              %get3A_1163 = arith.index_cast %add3A_1161 : i32 to index
              %get3A_1164 = tpu.vector_load %arg9[%get3A_1162, %get3A_1163] {strides = array<i32>} : memref<8x2688xf32, #tpu.memory_space<vmem>>, vector<16xf32>,
              %add3A_1165 = arith.constant 2 : i32
              %add3A_1166 = arith.addi %mul3A_150, %add3A_1165 : i32
              %mul3A_1167 = arith.constant 128 : i32
              %mul3A_1168 = arith.muli %add3A_1166, %mul3A_1167 : i32
              %add3A_1169 = arith.addi %add3A_121, %mul3A_1168 : i32
              %add3A_1170 = arith.constant 112 : i32
              %add3A_1171 = arith.addi %add3A_1169, %add3A_1170 : i32
              %broadcast_in_dim3A_1172 = vector.broadcast %add3A_1171 : i32 to vector<16xi32>
              %add3A_1173 = arith.addi %broadcast_in_dim3A_1172, %iota3A : vector<16xi32>
              %gt3A_1174 = arith.cmpf ogt, %get3A_1164, %broadcast_in_dim3A_398 : vector<16xf32>
              %convert_element_type3A_1175 = arith.extui %gt3A_1174 : vector<16xi1> to vector<16xi32>
              %broadcast_in_dim3A_1176 = arith.constant true
              %broadcast_in_dim3A_1177 = vector.broadcast %broadcast_in_dim3A_1176 : i1 to vector<16xi1>
              %masked_cumsum3A_1178 = tpu.scan <sum>, %convert_element_type3A_1175 masked %broadcast_in_dim3A_1177 : vector<16xi32>, vector<16xi1> -> vector<16xi32>
              %mul3A_1179 = arith.constant 640 : i32
              %mul3A_1180 = arith.muli %scan3A_136, %mul3A_1179 : i32
              %broadcast_in_dim3A_1181 = vector.broadcast %mul3A_1180 : i32 to vector<16xi32>
              %add3A_1182 = arith.addi %broadcast_in_dim3A_1181, %add3A_1155 : vector<16xi32>
              %add3A_1183 = arith.addi %add3A_1182, %masked_cumsum3A_1178 : vector<16xi32>
              %sub3A_1184 = arith.constant 1 : i32
              %sub3A_1185 = vector.broadcast %sub3A_1184 : i32 to vector<16xi32>
              %sub3A_1186 = arith.subi %add3A_1183, %sub3A_1185 : vector<16xi32>
              tpu.vector_store_idx %arg11[%sub3A_1186], %get3A_1164 masked %gt3A_1174 : memref<5120xf32, #tpu.memory_space<vmem>>[vector<16xi32>], vector<16xf32>, vector<16xi1>
              tpu.vector_store_idx %arg12[%sub3A_1186], %add3A_1173 masked %gt3A_1174 : memref<5120xi32, #tpu.memory_space<vmem>>[vector<16xi32>], vector<16xi32>, vector<16xi1>
              %all_reduce_population_count3A_1187 = tpu.all_reduce %gt3A_1174 {dim = 0 : i64, kind = #tpu.reduction_kind<sum>} : vector<16xi1> -> vector<16xi32>
              %add3A_1188 = arith.addi %add3A_1155, %all_reduce_population_count3A_1187 : vector<16xi32>
              %reduce_max3A_1189 = arith.constant true
              %reduce_max3A_1190 = vector.broadcast %reduce_max3A_1189 : i1 to vector<16xi1>
              %reduce_max3A_1191 = arith.constant -2147483648 : i32
              %reduce_max3A_1192 = vector.broadcast %reduce_max3A_1191 : i32 to vector<16xi32>
              %reduce_max3A_1193 = arith.xori %add3A_1188, %reduce_max3A_1192 : vector<16xi32>
              %reduce_max3A_1194 = tpu.scan <max>, %reduce_max3A_1193 masked %reduce_max3A_1190 : vector<16xi32>, vector<16xi1> -> vector<16xi32>
              %reduce_max3A_1195 = arith.xori %reduce_max3A_1194, %reduce_max3A_1192 : vector<16xi32>
              %reduce_max3A_1196 = vector.extract %reduce_max3A_1195[15] : i32 from vector<16xi32>
              %swap3A = arith.index_cast %scan3A_136 : i32 to index
              %swap3A_1197 = memref.load %arg23[%swap3A] : memref<8xi32, #tpu.memory_space<smem>>
              memref.store %reduce_max3A_1196, %arg23[%swap3A] : memref<8xi32, #tpu.memory_space<smem>>
              %ge3A = arith.constant 256 : i32
              %ge3A_1198 = arith.cmpi sge, %reduce_max3A_1196, %ge3A : i32
              %convert_element_type3A_1199 = arith.extui %ge3A_1198 : i1 to i32
              %cond3A_1200 = arith.constant 0 : i32
              %cond3A_1201 = arith.cmpi ne, %convert_element_type3A_1199, %cond3A_1200 : i32
              scf.if %cond3A_1201 {
                %mul3A_1202 = arith.constant 640 : i32
                %mul3A_1203 = arith.muli %scan3A_136, %mul3A_1202 : i32
                %get3A_1204 = arith.index_cast %scan3A_136 : i32 to index
                %get3A_1205 = memref.load %arg23[%get3A_1204] : memref<8xi32, #tpu.memory_space<smem>>
                %add3A_1206 = arith.constant 15 : i32
                %add3A_1207 = arith.addi %get3A_1205, %add3A_1206 : i32
                %jit3A_1208 = arith.constant 16 : i32
                %div3A_1209 = arith.divsi %add3A_1207, %jit3A_1208 : i32
                %sign3A_1210 = arith.constant 0 : i32
                %sign3A_1211 = arith.cmpi sgt, %add3A_1207, %sign3A_1210 : i32
                %sign3A_1212 = arith.extui %sign3A_1211 : i1 to i32
                %sign3A_1213 = arith.constant 0 : i32
                %sign3A_1214 = arith.cmpi slt, %add3A_1207, %sign3A_1213 : i32
                %sign3A_1215 = arith.extui %sign3A_1214 : i1 to i32
                %sign3A_1216 = arith.subi %sign3A_1212, %sign3A_1215 : i32
                %sign3A_1217 = arith.constant 0 : i32
                %sign3A_1218 = arith.cmpi sgt, %jit3A_1208, %sign3A_1217 : i32
                %sign3A_1219 = arith.extui %sign3A_1218 : i1 to i32
                %sign3A_1220 = arith.constant 0 : i32
                %sign3A_1221 = arith.cmpi slt, %jit3A_1208, %sign3A_1220 : i32
                %sign3A_1222 = arith.extui %sign3A_1221 : i1 to i32
                %sign3A_1223 = arith.subi %sign3A_1219, %sign3A_1222 : i32
                %ne3A_1224 = arith.cmpi ne, %sign3A_1216, %sign3A_1223 : i32
                %rem3A_1225 = arith.remsi %add3A_1207, %jit3A_1208 : i32
                %ne3A_1226 = arith.constant 0 : i32
                %ne3A_1227 = arith.cmpi ne, %rem3A_1225, %ne3A_1226 : i32
                %and3A_1228 = arith.andi %ne3A_1224, %ne3A_1227 : i1
                %sub3A_1229 = arith.constant 1 : i32
                %sub3A_1230 = arith.subi %div3A_1209, %sub3A_1229 : i32
                %select_n3A_1231 = arith.select %and3A_1228, %sub3A_1230, %div3A_1209 : i32
                %iota3A_1232 = tpu.iota {dimensions = array<i32: 0>} : vector<16xi32>
                %while3A = arith.constant 0 : i32
                %while3A_1233 = arith.constant 0 : i32
                %while3A_1234 = arith.subi %select_n3A_1231, %while3A : i32
                %while3A_1235 = arith.addi %while3A, %while3A_1234 : i32
                %while3A_1236 = arith.constant 1 : i32
                %while3A_1237 = arith.divsi %while3A_1234, %while3A_1236 : i32
                %while3A_1238 = arith.muli %while3A_1237, %while3A_1236 : i32
                %while3A_1239 = arith.addi %while3A, %while3A_1238 : i32
                %while3A_1240 = arith.constant 1 : i32
                %while3A_1241 = scf.for %while3A_1312 = %while3A to %while3A_1239 step %while3A_1240 iter_args(%while3A_1313 = %while3A_1233) -> (i32)  : i32 {
                  %mul3A_1314 = arith.constant 16 : i32
                  %mul3A_1315 = arith.muli %while3A_1312, %mul3A_1314 : i32
                  %add3A_1316 = arith.addi %mul3A_1203, %mul3A_1315 : i32
                  %get3A_1317 = arith.index_cast %add3A_1316 : i32 to index
                  %get3A_1318 = tpu.vector_load %arg11[%get3A_1317] {strides = array<i32>} : memref<5120xf32, #tpu.memory_space<vmem>>, vector<16xf32>,
                  %bitcast3A = vector.bitcast %get3A_1318 : vector<16xf32> to vector<16xi32>
                  %lt3A_1319 = arith.constant -2147483648 : i32
                  %lt3A_1320 = vector.broadcast %lt3A_1319 : i32 to vector<16xi32>
                  %lt3A_1321 = arith.cmpi ult, %bitcast3A, %lt3A_1320 : vector<16xi32>
                  %add3A_1322 = arith.constant -2147483648 : i32
                  %add3A_1323 = vector.broadcast %add3A_1322 : i32 to vector<16xi32>
                  %add3A_1324 = arith.addi %bitcast3A, %add3A_1323 : vector<16xi32>
                  %not3A = arith.constant dense<-1> : vector<16xi32>
                  %not3A_1325 = arith.xori %bitcast3A, %not3A : vector<16xi32>
                  %select_n3A_1326 = arith.select %lt3A_1321, %add3A_1324, %not3A_1325 : vector<16xi1>, vector<16xi32>
                  %mul3A_1327 = arith.constant 16 : i32
                  %mul3A_1328 = arith.muli %while3A_1312, %mul3A_1327 : i32
                  %add3A_1329 = vector.broadcast %mul3A_1328 : i32 to vector<16xi32>
                  %add3A_1330 = arith.addi %add3A_1329, %iota3A_1232 : vector<16xi32>
                  %broadcast_in_dim3A_1331 = vector.broadcast %get3A_1205 : i32 to vector<16xi32>
                  %lt3A_1332 = arith.cmpi slt, %add3A_1330, %broadcast_in_dim3A_1331 : vector<16xi32>
                  %jit3A_1333 = arith.constant 0 : i32
                  %broadcast_in_dim3A_1334 = vector.broadcast %jit3A_1333 : i32 to vector<16xi32>
                  %select_n3A_1335 = arith.select %lt3A_1332, %select_n3A_1326, %broadcast_in_dim3A_1334 : vector<16xi1>, vector<16xi32>
                  %mul3A_1336 = arith.constant 16 : i32
                  %mul3A_1337 = arith.muli %while3A_1312, %mul3A_1336 : i32
                  %add3A_1338 = arith.addi %mul3A_1203, %mul3A_1337 : i32
                  %swap3A_1339 = arith.index_cast %add3A_1338 : i32 to index
                  %swap3A_1340 = tpu.vector_load %arg13[%swap3A_1339] {strides = array<i32>} : memref<5120xi32, #tpu.memory_space<vmem>>, vector<16xi32>,
                  tpu.vector_store %arg13[%swap3A_1339], %select_n3A_1335 {strides = array<i32>} : memref<5120xi32, #tpu.memory_space<vmem>>, vector<16xi32>,
                  %while3A_1341 = arith.constant 0 : i32
                  scf.yield %while3A_1341 : i32
                }
                %while3A_1242 = arith.constant 1 : i32
                %while3A_1243 = scf.for %while3A_1312 = %while3A_1239 to %while3A_1235 step %while3A_1242 iter_args(%while3A_1313 = %while3A_1241) -> (i32)  : i32 {
                  %mul3A_1314 = arith.constant 16 : i32
                  %mul3A_1315 = arith.muli %while3A_1312, %mul3A_1314 : i32
                  %add3A_1316 = arith.addi %mul3A_1203, %mul3A_1315 : i32
                  %get3A_1317 = arith.index_cast %add3A_1316 : i32 to index
                  %get3A_1318 = tpu.vector_load %arg11[%get3A_1317] {strides = array<i32>} : memref<5120xf32, #tpu.memory_space<vmem>>, vector<16xf32>,
                  %bitcast3A = vector.bitcast %get3A_1318 : vector<16xf32> to vector<16xi32>
                  %lt3A_1319 = arith.constant -2147483648 : i32
                  %lt3A_1320 = vector.broadcast %lt3A_1319 : i32 to vector<16xi32>
                  %lt3A_1321 = arith.cmpi ult, %bitcast3A, %lt3A_1320 : vector<16xi32>
                  %add3A_1322 = arith.constant -2147483648 : i32
                  %add3A_1323 = vector.broadcast %add3A_1322 : i32 to vector<16xi32>
                  %add3A_1324 = arith.addi %bitcast3A, %add3A_1323 : vector<16xi32>
                  %not3A = arith.constant dense<-1> : vector<16xi32>
                  %not3A_1325 = arith.xori %bitcast3A, %not3A : vector<16xi32>
                  %select_n3A_1326 = arith.select %lt3A_1321, %add3A_1324, %not3A_1325 : vector<16xi1>, vector<16xi32>
                  %mul3A_1327 = arith.constant 16 : i32
                  %mul3A_1328 = arith.muli %while3A_1312, %mul3A_1327 : i32
                  %add3A_1329 = vector.broadcast %mul3A_1328 : i32 to vector<16xi32>
                  %add3A_1330 = arith.addi %add3A_1329, %iota3A_1232 : vector<16xi32>
                  %broadcast_in_dim3A_1331 = vector.broadcast %get3A_1205 : i32 to vector<16xi32>
                  %lt3A_1332 = arith.cmpi slt, %add3A_1330, %broadcast_in_dim3A_1331 : vector<16xi32>
                  %jit3A_1333 = arith.constant 0 : i32
                  %broadcast_in_dim3A_1334 = vector.broadcast %jit3A_1333 : i32 to vector<16xi32>
                  %select_n3A_1335 = arith.select %lt3A_1332, %select_n3A_1326, %broadcast_in_dim3A_1334 : vector<16xi1>, vector<16xi32>
                  %mul3A_1336 = arith.constant 16 : i32
                  %mul3A_1337 = arith.muli %while3A_1312, %mul3A_1336 : i32
                  %add3A_1338 = arith.addi %mul3A_1203, %mul3A_1337 : i32
                  %swap3A_1339 = arith.index_cast %add3A_1338 : i32 to index
                  %swap3A_1340 = tpu.vector_load %arg13[%swap3A_1339] {strides = array<i32>} : memref<5120xi32, #tpu.memory_space<vmem>>, vector<16xi32>,
                  tpu.vector_store %arg13[%swap3A_1339], %select_n3A_1335 {strides = array<i32>} : memref<5120xi32, #tpu.memory_space<vmem>>, vector<16xi32>,
                  %while3A_1341 = arith.constant 0 : i32
                  scf.yield %while3A_1341 : i32
                }
                %scan3A_1244 = arith.constant 0 : i32
                %scan3A_1245 = arith.constant 0 : i32
                %scan3A_1246 = arith.constant 32 : i32
                %scan3A_1247 = arith.addi %scan3A_1245, %scan3A_1246 : i32
                %scan3A_1248 = arith.constant 1 : i32
                %scan3A_1249 = scf.for %scan3A_1312 = %scan3A_1245 to %scan3A_1247 step %scan3A_1248 iter_args(%scan3A_1313 = %scan3A_1244) -> (i32)  : i32 {
                  %sub3A_1314 = arith.constant 31 : i32
                  %sub3A_1315 = arith.subi %sub3A_1314, %scan3A_1312 : i32
                  %shift_left3A = arith.constant 1 : i32
                  %shift_left3A_1316 = arith.shli %shift_left3A, %sub3A_1315 : i32
                  %or3A = arith.ori %scan3A_1313, %shift_left3A_1316 : i32
                  %broadcast_in_dim3A_1317 = vector.broadcast %or3A : i32 to vector<16xi32>
                  %broadcast_in_dim3A_1318 = arith.constant 0 : i32
                  %broadcast_in_dim3A_1319 = vector.broadcast %broadcast_in_dim3A_1318 : i32 to vector<16xi32>
                  %while3A_1320 = arith.constant 0 : i32
                  %while3A_1321 = arith.subi %select_n3A_1231, %while3A_1320 : i32
                  %while3A_1322 = arith.addi %while3A_1320, %while3A_1321 : i32
                  %while3A_1323 = arith.constant 1 : i32
                  %while3A_1324 = arith.divsi %while3A_1321, %while3A_1323 : i32
                  %while3A_1325 = arith.muli %while3A_1324, %while3A_1323 : i32
                  %while3A_1326 = arith.addi %while3A_1320, %while3A_1325 : i32
                  %while3A_1327 = arith.constant 1 : i32
                  %while3A_1328 = scf.for %while3A_1342 = %while3A_1320 to %while3A_1326 step %while3A_1327 iter_args(%while3A_1343 = %broadcast_in_dim3A_1319) -> (vector<16xi32>)  : i32 {
                    %mul3A_1344 = arith.constant 16 : i32
                    %mul3A_1345 = arith.muli %while3A_1342, %mul3A_1344 : i32
                    %add3A_1346 = arith.addi %mul3A_1203, %mul3A_1345 : i32
                    %get3A_1347 = arith.index_cast %add3A_1346 : i32 to index
                    %get3A_1348 = tpu.vector_load %arg13[%get3A_1347] {strides = array<i32>} : memref<5120xi32, #tpu.memory_space<vmem>>, vector<16xi32>,
                    %ge3A_1349 = arith.cmpi uge, %get3A_1348, %broadcast_in_dim3A_1317 : vector<16xi32>
                    %all_reduce_population_count3A_1350 = tpu.all_reduce %ge3A_1349 {dim = 0 : i64, kind = #tpu.reduction_kind<sum>} : vector<16xi1> -> vector<16xi32>
                    %add3A_1351 = arith.addi %while3A_1343, %all_reduce_population_count3A_1350 : vector<16xi32>
                    scf.yield %add3A_1351 : vector<16xi32>
                  }
                  %while3A_1329 = arith.constant 1 : i32
                  %while3A_1330 = scf.for %while3A_1342 = %while3A_1326 to %while3A_1322 step %while3A_1329 iter_args(%while3A_1343 = %while3A_1328) -> (vector<16xi32>)  : i32 {
                    %mul3A_1344 = arith.constant 16 : i32
                    %mul3A_1345 = arith.muli %while3A_1342, %mul3A_1344 : i32
                    %add3A_1346 = arith.addi %mul3A_1203, %mul3A_1345 : i32
                    %get3A_1347 = arith.index_cast %add3A_1346 : i32 to index
                    %get3A_1348 = tpu.vector_load %arg13[%get3A_1347] {strides = array<i32>} : memref<5120xi32, #tpu.memory_space<vmem>>, vector<16xi32>,
                    %ge3A_1349 = arith.cmpi uge, %get3A_1348, %broadcast_in_dim3A_1317 : vector<16xi32>
                    %all_reduce_population_count3A_1350 = tpu.all_reduce %ge3A_1349 {dim = 0 : i64, kind = #tpu.reduction_kind<sum>} : vector<16xi1> -> vector<16xi32>
                    %add3A_1351 = arith.addi %while3A_1343, %all_reduce_population_count3A_1350 : vector<16xi32>
                    scf.yield %add3A_1351 : vector<16xi32>
                  }
                  %reduce_max3A_1331 = arith.constant true
                  %reduce_max3A_1332 = vector.broadcast %reduce_max3A_1331 : i1 to vector<16xi1>
                  %reduce_max3A_1333 = arith.constant -2147483648 : i32
                  %reduce_max3A_1334 = vector.broadcast %reduce_max3A_1333 : i32 to vector<16xi32>
                  %reduce_max3A_1335 = arith.xori %while3A_1330, %reduce_max3A_1334 : vector<16xi32>
                  %reduce_max3A_1336 = tpu.scan <max>, %reduce_max3A_1335 masked %reduce_max3A_1332 : vector<16xi32>, vector<16xi1> -> vector<16xi32>
                  %reduce_max3A_1337 = arith.xori %reduce_max3A_1336, %reduce_max3A_1334 : vector<16xi32>
                  %reduce_max3A_1338 = vector.extract %reduce_max3A_1337[15] : i32 from vector<16xi32>
                  %ge3A_1339 = arith.constant 64 : i32
                  %ge3A_1340 = arith.cmpi sge, %reduce_max3A_1338, %ge3A_1339 : i32
                  %select_n3A_1341 = arith.select %ge3A_1340, %or3A, %scan3A_1313 : i32
                  scf.yield %select_n3A_1341 : i32
                }
                %scan3A_1250 = arith.constant 32 : i32
                %broadcast_in_dim3A_1251 = vector.broadcast %scan3A_1249 : i32 to vector<16xi32>
                %broadcast_in_dim3A_1252 = arith.constant 0 : i32
                %broadcast_in_dim3A_1253 = vector.broadcast %broadcast_in_dim3A_1252 : i32 to vector<16xi32>
                %while3A_1254 = arith.constant 0 : i32
                %while3A_1255 = arith.subi %select_n3A_1231, %while3A_1254 : i32
                %while3A_1256 = arith.addi %while3A_1254, %while3A_1255 : i32
                %while3A_1257 = arith.constant 1 : i32
                %while3A_1258 = arith.divsi %while3A_1255, %while3A_1257 : i32
                %while3A_1259 = arith.muli %while3A_1258, %while3A_1257 : i32
                %while3A_1260 = arith.addi %while3A_1254, %while3A_1259 : i32
                %while3A_1261 = arith.constant 1 : i32
                %while3A_1262 = scf.for %while3A_1312 = %while3A_1254 to %while3A_1260 step %while3A_1261 iter_args(%while3A_1313 = %broadcast_in_dim3A_1253) -> (vector<16xi32>)  : i32 {
                  %mul3A_1314 = arith.constant 16 : i32
                  %mul3A_1315 = arith.muli %while3A_1312, %mul3A_1314 : i32
                  %add3A_1316 = arith.addi %mul3A_1203, %mul3A_1315 : i32
                  %get3A_1317 = arith.index_cast %add3A_1316 : i32 to index
                  %get3A_1318 = tpu.vector_load %arg13[%get3A_1317] {strides = array<i32>} : memref<5120xi32, #tpu.memory_space<vmem>>, vector<16xi32>,
                  %gt3A_1319 = arith.cmpi ugt, %get3A_1318, %broadcast_in_dim3A_1251 : vector<16xi32>
                  %all_reduce_population_count3A_1320 = tpu.all_reduce %gt3A_1319 {dim = 0 : i64, kind = #tpu.reduction_kind<sum>} : vector<16xi1> -> vector<16xi32>
                  %add3A_1321 = arith.addi %while3A_1313, %all_reduce_population_count3A_1320 : vector<16xi32>
                  scf.yield %add3A_1321 : vector<16xi32>
                }
                %while3A_1263 = arith.constant 1 : i32
                %while3A_1264 = scf.for %while3A_1312 = %while3A_1260 to %while3A_1256 step %while3A_1263 iter_args(%while3A_1313 = %while3A_1262) -> (vector<16xi32>)  : i32 {
                  %mul3A_1314 = arith.constant 16 : i32
                  %mul3A_1315 = arith.muli %while3A_1312, %mul3A_1314 : i32
                  %add3A_1316 = arith.addi %mul3A_1203, %mul3A_1315 : i32
                  %get3A_1317 = arith.index_cast %add3A_1316 : i32 to index
                  %get3A_1318 = tpu.vector_load %arg13[%get3A_1317] {strides = array<i32>} : memref<5120xi32, #tpu.memory_space<vmem>>, vector<16xi32>,
                  %gt3A_1319 = arith.cmpi ugt, %get3A_1318, %broadcast_in_dim3A_1251 : vector<16xi32>
                  %all_reduce_population_count3A_1320 = tpu.all_reduce %gt3A_1319 {dim = 0 : i64, kind = #tpu.reduction_kind<sum>} : vector<16xi1> -> vector<16xi32>
                  %add3A_1321 = arith.addi %while3A_1313, %all_reduce_population_count3A_1320 : vector<16xi32>
                  scf.yield %add3A_1321 : vector<16xi32>
                }
                %reduce_max3A_1265 = arith.constant true
                %reduce_max3A_1266 = vector.broadcast %reduce_max3A_1265 : i1 to vector<16xi1>
                %reduce_max3A_1267 = arith.constant -2147483648 : i32
                %reduce_max3A_1268 = vector.broadcast %reduce_max3A_1267 : i32 to vector<16xi32>
                %reduce_max3A_1269 = arith.xori %while3A_1264, %reduce_max3A_1268 : vector<16xi32>
                %reduce_max3A_1270 = tpu.scan <max>, %reduce_max3A_1269 masked %reduce_max3A_1266 : vector<16xi32>, vector<16xi1> -> vector<16xi32>
                %reduce_max3A_1271 = arith.xori %reduce_max3A_1270, %reduce_max3A_1268 : vector<16xi32>
                %reduce_max3A_1272 = vector.extract %reduce_max3A_1271[15] : i32 from vector<16xi32>
                %sub3A_1273 = arith.constant 64 : i32
                %sub3A_1274 = arith.subi %sub3A_1273, %reduce_max3A_1272 : i32
                %while3A_1275 = arith.constant 0 : i32
                %while3A_1276 = arith.constant 0 : i32
                %while3A_1277 = arith.constant 0 : i32
                %while3A_1278 = arith.subi %select_n3A_1231, %while3A_1275 : i32
                %while3A_1279 = arith.addi %while3A_1275, %while3A_1278 : i32
                %while3A_1280 = arith.constant 1 : i32
                %while3A_1281 = arith.divsi %while3A_1278, %while3A_1280 : i32
                %while3A_1282 = arith.muli %while3A_1281, %while3A_1280 : i32
                %while3A_1283 = arith.addi %while3A_1275, %while3A_1282 : i32
                %while3A_1284 = arith.constant 1 : i32
                %while3A_1285:2 = scf.for %while3A_1312 = %while3A_1275 to %while3A_1283 step %while3A_1284 iter_args(%while3A_1313 = %while3A_1276, %while3A_1314 = %while3A_1277) -> (i32, i32)  : i32 {
                  %mul3A_1315 = arith.constant 16 : i32
                  %mul3A_1316 = arith.muli %while3A_1312, %mul3A_1315 : i32
                  %add3A_1317 = arith.addi %mul3A_1203, %mul3A_1316 : i32
                  %get3A_1318 = arith.index_cast %add3A_1317 : i32 to index
                  %get3A_1319 = tpu.vector_load %arg13[%get3A_1318] {strides = array<i32>} : memref<5120xi32, #tpu.memory_space<vmem>>, vector<16xi32>,
                  %gt3A_1320 = arith.cmpi ugt, %get3A_1319, %broadcast_in_dim3A_1251 : vector<16xi32>
                  %eq3A_1321 = arith.cmpi eq, %get3A_1319, %broadcast_in_dim3A_1251 : vector<16xi32>
                  %convert_element_type3A_1322 = arith.extui %eq3A_1321 : vector<16xi1> to vector<16xi32>
                  %broadcast_in_dim3A_1323 = arith.constant true
                  %broadcast_in_dim3A_1324 = vector.broadcast %broadcast_in_dim3A_1323 : i1 to vector<16xi1>
                  %masked_cumsum3A_1325 = tpu.scan <sum>, %convert_element_type3A_1322 masked %broadcast_in_dim3A_1324 : vector<16xi32>, vector<16xi1> -> vector<16xi32>
                  %broadcast_in_dim3A_1326 = vector.broadcast %while3A_1314 : i32 to vector<16xi32>
                  %add3A_1327 = arith.addi %broadcast_in_dim3A_1326, %masked_cumsum3A_1325 : vector<16xi32>
                  %broadcast_in_dim3A_1328 = vector.broadcast %sub3A_1274 : i32 to vector<16xi32>
                  %le3A = arith.cmpi sle, %add3A_1327, %broadcast_in_dim3A_1328 : vector<16xi32>
                  %and3A_1329 = arith.andi %eq3A_1321, %le3A : vector<16xi1>
                  %or3A = arith.ori %gt3A_1320, %and3A_1329 : vector<16xi1>
                  %convert_element_type3A_1330 = arith.extui %or3A : vector<16xi1> to vector<16xi32>
                  %broadcast_in_dim3A_1331 = arith.constant true
                  %broadcast_in_dim3A_1332 = vector.broadcast %broadcast_in_dim3A_1331 : i1 to vector<16xi1>
                  %masked_cumsum3A_1333 = tpu.scan <sum>, %convert_element_type3A_1330 masked %broadcast_in_dim3A_1332 : vector<16xi32>, vector<16xi1> -> vector<16xi32>
                  %add3A_1334 = arith.addi %mul3A_1203, %while3A_1313 : i32
                  %broadcast_in_dim3A_1335 = vector.broadcast %add3A_1334 : i32 to vector<16xi32>
                  %add3A_1336 = arith.addi %broadcast_in_dim3A_1335, %masked_cumsum3A_1333 : vector<16xi32>
                  %sub3A_1337 = arith.constant 1 : i32
                  %sub3A_1338 = vector.broadcast %sub3A_1337 : i32 to vector<16xi32>
                  %sub3A_1339 = arith.subi %add3A_1336, %sub3A_1338 : vector<16xi32>
                  %mul3A_1340 = arith.constant 16 : i32
                  %mul3A_1341 = arith.muli %while3A_1312, %mul3A_1340 : i32
                  %add3A_1342 = arith.addi %mul3A_1203, %mul3A_1341 : i32
                  %get3A_1343 = arith.index_cast %add3A_1342 : i32 to index
                  %get3A_1344 = tpu.vector_load %arg11[%get3A_1343] {strides = array<i32>} : memref<5120xf32, #tpu.memory_space<vmem>>, vector<16xf32>,
                  %mul3A_1345 = arith.constant 16 : i32
                  %mul3A_1346 = arith.muli %while3A_1312, %mul3A_1345 : i32
                  %add3A_1347 = arith.addi %mul3A_1203, %mul3A_1346 : i32
                  %get3A_1348 = arith.index_cast %add3A_1347 : i32 to index
                  %get3A_1349 = tpu.vector_load %arg12[%get3A_1348] {strides = array<i32>} : memref<5120xi32, #tpu.memory_space<vmem>>, vector<16xi32>,
                  tpu.vector_store_idx %arg11[%sub3A_1339], %get3A_1344 masked %or3A : memref<5120xf32, #tpu.memory_space<vmem>>[vector<16xi32>], vector<16xf32>, vector<16xi1>
                  tpu.vector_store_idx %arg12[%sub3A_1339], %get3A_1349 masked %or3A : memref<5120xi32, #tpu.memory_space<vmem>>[vector<16xi32>], vector<16xi32>, vector<16xi1>
                  %all_reduce_population_count3A_1350 = tpu.all_reduce %or3A {dim = 0 : i64, kind = #tpu.reduction_kind<sum>} : vector<16xi1> -> vector<16xi32>
                  %reduce_max3A_1351 = arith.constant true
                  %reduce_max3A_1352 = vector.broadcast %reduce_max3A_1351 : i1 to vector<16xi1>
                  %reduce_max3A_1353 = arith.constant -2147483648 : i32
                  %reduce_max3A_1354 = vector.broadcast %reduce_max3A_1353 : i32 to vector<16xi32>
                  %reduce_max3A_1355 = arith.xori %all_reduce_population_count3A_1350, %reduce_max3A_1354 : vector<16xi32>
                  %reduce_max3A_1356 = tpu.scan <max>, %reduce_max3A_1355 masked %reduce_max3A_1352 : vector<16xi32>, vector<16xi1> -> vector<16xi32>
                  %reduce_max3A_1357 = arith.xori %reduce_max3A_1356, %reduce_max3A_1354 : vector<16xi32>
                  %reduce_max3A_1358 = vector.extract %reduce_max3A_1357[15] : i32 from vector<16xi32>
                  %add3A_1359 = arith.addi %while3A_1313, %reduce_max3A_1358 : i32
                  %all_reduce_population_count3A_1360 = tpu.all_reduce %and3A_1329 {dim = 0 : i64, kind = #tpu.reduction_kind<sum>} : vector<16xi1> -> vector<16xi32>
                  %reduce_max3A_1361 = arith.constant true
                  %reduce_max3A_1362 = vector.broadcast %reduce_max3A_1361 : i1 to vector<16xi1>
                  %reduce_max3A_1363 = arith.constant -2147483648 : i32
                  %reduce_max3A_1364 = vector.broadcast %reduce_max3A_1363 : i32 to vector<16xi32>
                  %reduce_max3A_1365 = arith.xori %all_reduce_population_count3A_1360, %reduce_max3A_1364 : vector<16xi32>
                  %reduce_max3A_1366 = tpu.scan <max>, %reduce_max3A_1365 masked %reduce_max3A_1362 : vector<16xi32>, vector<16xi1> -> vector<16xi32>
                  %reduce_max3A_1367 = arith.xori %reduce_max3A_1366, %reduce_max3A_1364 : vector<16xi32>
                  %reduce_max3A_1368 = vector.extract %reduce_max3A_1367[15] : i32 from vector<16xi32>
                  %add3A_1369 = arith.addi %while3A_1314, %reduce_max3A_1368 : i32
                  scf.yield %add3A_1359, %add3A_1369 : i32, i32
                }
                %while3A_1286 = arith.constant 1 : i32
                %while3A_1287:2 = scf.for %while3A_1312 = %while3A_1283 to %while3A_1279 step %while3A_1286 iter_args(%while3A_1313 = %while3A_1285#0, %while3A_1314 = %while3A_1285#1) -> (i32, i32)  : i32 {
                  %mul3A_1315 = arith.constant 16 : i32
                  %mul3A_1316 = arith.muli %while3A_1312, %mul3A_1315 : i32
                  %add3A_1317 = arith.addi %mul3A_1203, %mul3A_1316 : i32
                  %get3A_1318 = arith.index_cast %add3A_1317 : i32 to index
                  %get3A_1319 = tpu.vector_load %arg13[%get3A_1318] {strides = array<i32>} : memref<5120xi32, #tpu.memory_space<vmem>>, vector<16xi32>,
                  %gt3A_1320 = arith.cmpi ugt, %get3A_1319, %broadcast_in_dim3A_1251 : vector<16xi32>
                  %eq3A_1321 = arith.cmpi eq, %get3A_1319, %broadcast_in_dim3A_1251 : vector<16xi32>
                  %convert_element_type3A_1322 = arith.extui %eq3A_1321 : vector<16xi1> to vector<16xi32>
                  %broadcast_in_dim3A_1323 = arith.constant true
                  %broadcast_in_dim3A_1324 = vector.broadcast %broadcast_in_dim3A_1323 : i1 to vector<16xi1>
                  %masked_cumsum3A_1325 = tpu.scan <sum>, %convert_element_type3A_1322 masked %broadcast_in_dim3A_1324 : vector<16xi32>, vector<16xi1> -> vector<16xi32>
                  %broadcast_in_dim3A_1326 = vector.broadcast %while3A_1314 : i32 to vector<16xi32>
                  %add3A_1327 = arith.addi %broadcast_in_dim3A_1326, %masked_cumsum3A_1325 : vector<16xi32>
                  %broadcast_in_dim3A_1328 = vector.broadcast %sub3A_1274 : i32 to vector<16xi32>
                  %le3A = arith.cmpi sle, %add3A_1327, %broadcast_in_dim3A_1328 : vector<16xi32>
                  %and3A_1329 = arith.andi %eq3A_1321, %le3A : vector<16xi1>
                  %or3A = arith.ori %gt3A_1320, %and3A_1329 : vector<16xi1>
                  %convert_element_type3A_1330 = arith.extui %or3A : vector<16xi1> to vector<16xi32>
                  %broadcast_in_dim3A_1331 = arith.constant true
                  %broadcast_in_dim3A_1332 = vector.broadcast %broadcast_in_dim3A_1331 : i1 to vector<16xi1>
                  %masked_cumsum3A_1333 = tpu.scan <sum>, %convert_element_type3A_1330 masked %broadcast_in_dim3A_1332 : vector<16xi32>, vector<16xi1> -> vector<16xi32>
                  %add3A_1334 = arith.addi %mul3A_1203, %while3A_1313 : i32
                  %broadcast_in_dim3A_1335 = vector.broadcast %add3A_1334 : i32 to vector<16xi32>
                  %add3A_1336 = arith.addi %broadcast_in_dim3A_1335, %masked_cumsum3A_1333 : vector<16xi32>
                  %sub3A_1337 = arith.constant 1 : i32
                  %sub3A_1338 = vector.broadcast %sub3A_1337 : i32 to vector<16xi32>
                  %sub3A_1339 = arith.subi %add3A_1336, %sub3A_1338 : vector<16xi32>
                  %mul3A_1340 = arith.constant 16 : i32
                  %mul3A_1341 = arith.muli %while3A_1312, %mul3A_1340 : i32
                  %add3A_1342 = arith.addi %mul3A_1203, %mul3A_1341 : i32
                  %get3A_1343 = arith.index_cast %add3A_1342 : i32 to index
                  %get3A_1344 = tpu.vector_load %arg11[%get3A_1343] {strides = array<i32>} : memref<5120xf32, #tpu.memory_space<vmem>>, vector<16xf32>,
                  %mul3A_1345 = arith.constant 16 : i32
                  %mul3A_1346 = arith.muli %while3A_1312, %mul3A_1345 : i32
                  %add3A_1347 = arith.addi %mul3A_1203, %mul3A_1346 : i32
                  %get3A_1348 = arith.index_cast %add3A_1347 : i32 to index
                  %get3A_1349 = tpu.vector_load %arg12[%get3A_1348] {strides = array<i32>} : memref<5120xi32, #tpu.memory_space<vmem>>, vector<16xi32>,
                  tpu.vector_store_idx %arg11[%sub3A_1339], %get3A_1344 masked %or3A : memref<5120xf32, #tpu.memory_space<vmem>>[vector<16xi32>], vector<16xf32>, vector<16xi1>
                  tpu.vector_store_idx %arg12[%sub3A_1339], %get3A_1349 masked %or3A : memref<5120xi32, #tpu.memory_space<vmem>>[vector<16xi32>], vector<16xi32>, vector<16xi1>
                  %all_reduce_population_count3A_1350 = tpu.all_reduce %or3A {dim = 0 : i64, kind = #tpu.reduction_kind<sum>} : vector<16xi1> -> vector<16xi32>
                  %reduce_max3A_1351 = arith.constant true
                  %reduce_max3A_1352 = vector.broadcast %reduce_max3A_1351 : i1 to vector<16xi1>
                  %reduce_max3A_1353 = arith.constant -2147483648 : i32
                  %reduce_max3A_1354 = vector.broadcast %reduce_max3A_1353 : i32 to vector<16xi32>
                  %reduce_max3A_1355 = arith.xori %all_reduce_population_count3A_1350, %reduce_max3A_1354 : vector<16xi32>
                  %reduce_max3A_1356 = tpu.scan <max>, %reduce_max3A_1355 masked %reduce_max3A_1352 : vector<16xi32>, vector<16xi1> -> vector<16xi32>
                  %reduce_max3A_1357 = arith.xori %reduce_max3A_1356, %reduce_max3A_1354 : vector<16xi32>
                  %reduce_max3A_1358 = vector.extract %reduce_max3A_1357[15] : i32 from vector<16xi32>
                  %add3A_1359 = arith.addi %while3A_1313, %reduce_max3A_1358 : i32
                  %all_reduce_population_count3A_1360 = tpu.all_reduce %and3A_1329 {dim = 0 : i64, kind = #tpu.reduction_kind<sum>} : vector<16xi1> -> vector<16xi32>
                  %reduce_max3A_1361 = arith.constant true
                  %reduce_max3A_1362 = vector.broadcast %reduce_max3A_1361 : i1 to vector<16xi1>
                  %reduce_max3A_1363 = arith.constant -2147483648 : i32
                  %reduce_max3A_1364 = vector.broadcast %reduce_max3A_1363 : i32 to vector<16xi32>
                  %reduce_max3A_1365 = arith.xori %all_reduce_population_count3A_1360, %reduce_max3A_1364 : vector<16xi32>
                  %reduce_max3A_1366 = tpu.scan <max>, %reduce_max3A_1365 masked %reduce_max3A_1362 : vector<16xi32>, vector<16xi1> -> vector<16xi32>
                  %reduce_max3A_1367 = arith.xori %reduce_max3A_1366, %reduce_max3A_1364 : vector<16xi32>
                  %reduce_max3A_1368 = vector.extract %reduce_max3A_1367[15] : i32 from vector<16xi32>
                  %add3A_1369 = arith.addi %while3A_1314, %reduce_max3A_1368 : i32
                  scf.yield %add3A_1359, %add3A_1369 : i32, i32
                }
                %get3A_1288 = arith.index_cast %mul3A_1203 : i32 to index
                %get3A_1289 = tpu.vector_load %arg11[%get3A_1288] {strides = array<i32>} : memref<5120xf32, #tpu.memory_space<vmem>>, vector<16xf32>,
                %add3A_1290 = arith.constant 16 : i32
                %add3A_1291 = arith.addi %mul3A_1203, %add3A_1290 : i32
                %get3A_1292 = arith.index_cast %add3A_1291 : i32 to index
                %get3A_1293 = tpu.vector_load %arg11[%get3A_1292] {strides = array<i32>} : memref<5120xf32, #tpu.memory_space<vmem>>, vector<16xf32>,
                %min3A = arith.minimumf %get3A_1289, %get3A_1293 : vector<16xf32>
                %add3A_1294 = arith.constant 32 : i32
                %add3A_1295 = arith.addi %mul3A_1203, %add3A_1294 : i32
                %get3A_1296 = arith.index_cast %add3A_1295 : i32 to index
                %get3A_1297 = tpu.vector_load %arg11[%get3A_1296] {strides = array<i32>} : memref<5120xf32, #tpu.memory_space<vmem>>, vector<16xf32>,
                %add3A_1298 = arith.constant 48 : i32
                %add3A_1299 = arith.addi %mul3A_1203, %add3A_1298 : i32
                %get3A_1300 = arith.index_cast %add3A_1299 : i32 to index
                %get3A_1301 = tpu.vector_load %arg11[%get3A_1300] {strides = array<i32>} : memref<5120xf32, #tpu.memory_space<vmem>>, vector<16xf32>,
                %min3A_1302 = arith.minimumf %get3A_1297, %get3A_1301 : vector<16xf32>
                %min3A_1303 = arith.minimumf %min3A, %min3A_1302 : vector<16xf32>
                %reduce_min3A = arith.constant true
                %reduce_min3A_1304 = vector.broadcast %reduce_min3A : i1 to vector<16xi1>
                %reduce_min3A_1305 = tpu.scan <min>, %min3A_1303 masked %reduce_min3A_1304 : vector<16xf32>, vector<16xi1> -> vector<16xf32>
                %reduce_min3A_1306 = vector.extract %reduce_min3A_1305[15] : f32 from vector<16xf32>
                %swap3A_1307 = arith.constant 64 : i32
                %swap3A_1308 = arith.index_cast %scan3A_136 : i32 to index
                %swap3A_1309 = memref.load %arg23[%swap3A_1308] : memref<8xi32, #tpu.memory_space<smem>>
                memref.store %swap3A_1307, %arg23[%swap3A_1308] : memref<8xi32, #tpu.memory_space<smem>>
                %swap3A_1310 = arith.index_cast %scan3A_136 : i32 to index
                %swap3A_1311 = memref.load %arg24[%swap3A_1310] : memref<8xf32, #tpu.memory_space<smem>>
                memref.store %reduce_min3A_1306, %arg24[%swap3A_1310] : memref<8xf32, #tpu.memory_space<smem>>
              } else {
              }
            } else {
            }
            %scan3A_395 = arith.constant 0 : i32
            scf.yield %scan3A_395 : i32
          }
          %scan3A_144 = arith.constant 7 : i32
          %scan3A_145 = arith.constant 0 : i32
          scf.yield %scan3A_145 : i32
        }
        %scan3A_128 = arith.constant 8 : i32
        %add3A_129 = arith.constant 2 : i32
        %add3A_130 = arith.addi %add3A_108, %add3A_129 : i32
        %lt3A_131 = arith.constant 93 : i32
        %lt3A_132 = arith.cmpi slt, %add3A_130, %lt3A_131 : i32
        %convert_element_type3A_133 = arith.extui %lt3A_132 : i1 to i32
        %cond3A_134 = arith.constant 0 : i32
        %cond3A_135 = arith.cmpi ne, %convert_element_type3A_133, %cond3A_134 : i32
        scf.if %cond3A_135 {
          %add3A_136 = arith.constant 2 : i32
          %add3A_137 = arith.addi %add3A_108, %add3A_136 : i32
          %mul3A_138 = arith.constant 2688 : i32
          %mul3A_139 = arith.muli %add3A_137, %mul3A_138 : i32
          %add3A_140 = arith.addi %mul3A_34, %mul3A_139 : i32
          %multiple_of3A_141 = tpu.assume_multiple %add3A_140, 128 : i32
          %dma_start3A_142 = tpu.memref_slice %arg2[%multiple_of3A, %multiple_of3A_141] : memref<64x1000000xf32, #tpu.memory_space<hbm>> -> memref<8x2688xf32, #tpu.memory_space<hbm>>
          %dma_start3A_143 = tpu.memref_slice %arg2[%multiple_of3A, %multiple_of3A_141] : memref<64x1000000xf32, #tpu.memory_space<hbm>> -> memref<8x2688xf32, #tpu.memory_space<hbm>>
          tpu.enqueue_dma source(%dma_start3A_143 : memref<8x2688xf32, #tpu.memory_space<hbm>>) target(%arg9 : memref<8x2688xf32, #tpu.memory_space<vmem>>) target_semaphore(%arg26 : memref<!tpu.dma_semaphore, #tpu.memory_space<semaphore_mem>>)
        } else {
        }
      } else {
      }
      %scan3A_114 = arith.constant 0 : i32
      scf.yield %scan3A_114 : i32
    }
    %scan3A_59 = arith.constant 47 : i32
    %eq3A_60 = arith.constant 3 : i32
    %eq3A_61 = arith.cmpi eq, %select_n3A_30, %eq3A_60 : i32
    %convert_element_type3A = arith.extui %eq3A_61 : i1 to i32
    %cond3A = arith.constant 0 : i32
    %cond3A_62 = arith.cmpi ne, %convert_element_type3A, %cond3A : i32
    scf.if %cond3A_62 {
      "tpu.region"() ({
        %run_scoped3A = tpu.sem_alloc : memref<!tpu.dma_semaphore, #tpu.memory_space<semaphore_mem>>
        %dma_start3A_88 = arith.constant 999936 : i32
        %dma_start3A_89 = tpu.memref_slice %arg2[%multiple_of3A, %dma_start3A_88] : memref<64x1000000xf32, #tpu.memory_space<hbm>> -> memref<8x64xf32, #tpu.memory_space<hbm>>
        %dma_start3A_90 = arith.constant 999936 : i32
        %dma_start3A_91 = tpu.memref_slice %arg2[%multiple_of3A, %dma_start3A_90] : memref<64x1000000xf32, #tpu.memory_space<hbm>> -> memref<8x64xf32, #tpu.memory_space<hbm>>
        tpu.enqueue_dma source(%dma_start3A_91 : memref<8x64xf32, #tpu.memory_space<hbm>>) target(%arg10 : memref<8x64xf32, #tpu.memory_space<vmem>>) target_semaphore(%run_scoped3A : memref<!tpu.dma_semaphore, #tpu.memory_space<semaphore_mem>>)
        %dma_wait3A = arith.constant 999936 : i32
        %dma_wait3A_92 = tpu.memref_slice %arg2[%multiple_of3A, %dma_wait3A] : memref<64x1000000xf32, #tpu.memory_space<hbm>> -> memref<8x64xf32, #tpu.memory_space<hbm>>
        %dma_wait3A_93 = arith.constant 999936 : i32
        %dma_wait3A_94 = tpu.memref_slice %arg2[%multiple_of3A, %dma_wait3A_93] : memref<64x1000000xf32, #tpu.memory_space<hbm>> -> memref<8x64xf32, #tpu.memory_space<hbm>>
        tpu.wait_dma2 semaphore(%run_scoped3A : memref<!tpu.dma_semaphore, #tpu.memory_space<semaphore_mem>>) src(%dma_wait3A_94 : memref<8x64xf32, #tpu.memory_space<hbm>>) dst(%arg10 : memref<8x64xf32, #tpu.memory_space<vmem>>)
        tpu.yield
      }) : () -> ()
      %scan3A_81 = arith.constant 0 : i32
      %scan3A_82 = arith.constant 0 : i32
      %scan3A_83 = arith.constant 8 : i32
      %scan3A_84 = arith.addi %scan3A_82, %scan3A_83 : i32
      %scan3A_85 = arith.constant 1 : i32
      %scan3A_86 = scf.for %scan3A_88 = %scan3A_82 to %scan3A_84 step %scan3A_85 iter_args(%scan3A_89 = %scan3A_81) -> (i32)  : i32 {
        %get3A = arith.index_cast %scan3A_88 : i32 to index
        %get3A_90 = memref.load %arg23[%get3A] : memref<8xi32, #tpu.memory_space<smem>>
        %broadcast_in_dim3A = vector.broadcast %get3A_90 : i32 to vector<16xi32>
        %get3A_91 = arith.index_cast %scan3A_88 : i32 to index
        %get3A_92 = memref.load %arg24[%get3A_91] : memref<8xf32, #tpu.memory_space<smem>>
        %broadcast_in_dim3A_93 = vector.broadcast %get3A_92 : f32 to vector<16xf32>
        %get3A_94 = arith.index_cast %scan3A_88 : i32 to index
        %get3A_95 = arith.constant 0 : index
        %get3A_96 = tpu.vector_load %arg10[%get3A_94, %get3A_95] {strides = array<i32>} : memref<8x64xf32, #tpu.memory_space<vmem>>, vector<16xf32>,
        %broadcast_in_dim3A_97 = arith.constant 999936 : i32
        %broadcast_in_dim3A_98 = vector.broadcast %broadcast_in_dim3A_97 : i32 to vector<16xi32>
        %add3A_99 = arith.addi %broadcast_in_dim3A_98, %iota3A : vector<16xi32>
        %gt3A = arith.cmpf ogt, %get3A_96, %broadcast_in_dim3A_93 : vector<16xf32>
        %convert_element_type3A_100 = arith.extui %gt3A : vector<16xi1> to vector<16xi32>
        %broadcast_in_dim3A_101 = arith.constant true
        %broadcast_in_dim3A_102 = vector.broadcast %broadcast_in_dim3A_101 : i1 to vector<16xi1>
        %masked_cumsum3A = tpu.scan <sum>, %convert_element_type3A_100 masked %broadcast_in_dim3A_102 : vector<16xi32>, vector<16xi1> -> vector<16xi32>
        %mul3A_103 = arith.constant 640 : i32
        %mul3A_104 = arith.muli %scan3A_88, %mul3A_103 : i32
        %broadcast_in_dim3A_105 = vector.broadcast %mul3A_104 : i32 to vector<16xi32>
        %add3A_106 = arith.addi %broadcast_in_dim3A_105, %broadcast_in_dim3A : vector<16xi32>
        %add3A_107 = arith.addi %add3A_106, %masked_cumsum3A : vector<16xi32>
        %sub3A_108 = arith.constant 1 : i32
        %sub3A_109 = vector.broadcast %sub3A_108 : i32 to vector<16xi32>
        %sub3A_110 = arith.subi %add3A_107, %sub3A_109 : vector<16xi32>
        tpu.vector_store_idx %arg11[%sub3A_110], %get3A_96 masked %gt3A : memref<5120xf32, #tpu.memory_space<vmem>>[vector<16xi32>], vector<16xf32>, vector<16xi1>
        tpu.vector_store_idx %arg12[%sub3A_110], %add3A_99 masked %gt3A : memref<5120xi32, #tpu.memory_space<vmem>>[vector<16xi32>], vector<16xi32>, vector<16xi1>
        %all_reduce_population_count3A = tpu.all_reduce %gt3A {dim = 0 : i64, kind = #tpu.reduction_kind<sum>} : vector<16xi1> -> vector<16xi32>
        %add3A_111 = arith.addi %broadcast_in_dim3A, %all_reduce_population_count3A : vector<16xi32>
        %get3A_112 = arith.index_cast %scan3A_88 : i32 to index
        %get3A_113 = arith.constant 16 : index
        %get3A_114 = tpu.vector_load %arg10[%get3A_112, %get3A_113] {strides = array<i32>} : memref<8x64xf32, #tpu.memory_space<vmem>>, vector<16xf32>,
        %broadcast_in_dim3A_115 = arith.constant 999952 : i32
        %broadcast_in_dim3A_116 = vector.broadcast %broadcast_in_dim3A_115 : i32 to vector<16xi32>
        %add3A_117 = arith.addi %broadcast_in_dim3A_116, %iota3A : vector<16xi32>
        %gt3A_118 = arith.cmpf ogt, %get3A_114, %broadcast_in_dim3A_93 : vector<16xf32>
        %convert_element_type3A_119 = arith.extui %gt3A_118 : vector<16xi1> to vector<16xi32>
        %broadcast_in_dim3A_120 = arith.constant true
        %broadcast_in_dim3A_121 = vector.broadcast %broadcast_in_dim3A_120 : i1 to vector<16xi1>
        %masked_cumsum3A_122 = tpu.scan <sum>, %convert_element_type3A_119 masked %broadcast_in_dim3A_121 : vector<16xi32>, vector<16xi1> -> vector<16xi32>
        %mul3A_123 = arith.constant 640 : i32
        %mul3A_124 = arith.muli %scan3A_88, %mul3A_123 : i32
        %broadcast_in_dim3A_125 = vector.broadcast %mul3A_124 : i32 to vector<16xi32>
        %add3A_126 = arith.addi %broadcast_in_dim3A_125, %add3A_111 : vector<16xi32>
        %add3A_127 = arith.addi %add3A_126, %masked_cumsum3A_122 : vector<16xi32>
        %sub3A_128 = arith.constant 1 : i32
        %sub3A_129 = vector.broadcast %sub3A_128 : i32 to vector<16xi32>
        %sub3A_130 = arith.subi %add3A_127, %sub3A_129 : vector<16xi32>
        tpu.vector_store_idx %arg11[%sub3A_130], %get3A_114 masked %gt3A_118 : memref<5120xf32, #tpu.memory_space<vmem>>[vector<16xi32>], vector<16xf32>, vector<16xi1>
        tpu.vector_store_idx %arg12[%sub3A_130], %add3A_117 masked %gt3A_118 : memref<5120xi32, #tpu.memory_space<vmem>>[vector<16xi32>], vector<16xi32>, vector<16xi1>
        %all_reduce_population_count3A_131 = tpu.all_reduce %gt3A_118 {dim = 0 : i64, kind = #tpu.reduction_kind<sum>} : vector<16xi1> -> vector<16xi32>
        %add3A_132 = arith.addi %add3A_111, %all_reduce_population_count3A_131 : vector<16xi32>
        %get3A_133 = arith.index_cast %scan3A_88 : i32 to index
        %get3A_134 = arith.constant 32 : index
        %get3A_135 = tpu.vector_load %arg10[%get3A_133, %get3A_134] {strides = array<i32>} : memref<8x64xf32, #tpu.memory_space<vmem>>, vector<16xf32>,
        %broadcast_in_dim3A_136 = arith.constant 999968 : i32
        %broadcast_in_dim3A_137 = vector.broadcast %broadcast_in_dim3A_136 : i32 to vector<16xi32>
        %add3A_138 = arith.addi %broadcast_in_dim3A_137, %iota3A : vector<16xi32>
        %gt3A_139 = arith.cmpf ogt, %get3A_135, %broadcast_in_dim3A_93 : vector<16xf32>
        %convert_element_type3A_140 = arith.extui %gt3A_139 : vector<16xi1> to vector<16xi32>
        %broadcast_in_dim3A_141 = arith.constant true
        %broadcast_in_dim3A_142 = vector.broadcast %broadcast_in_dim3A_141 : i1 to vector<16xi1>
        %masked_cumsum3A_143 = tpu.scan <sum>, %convert_element_type3A_140 masked %broadcast_in_dim3A_142 : vector<16xi32>, vector<16xi1> -> vector<16xi32>
        %mul3A_144 = arith.constant 640 : i32
        %mul3A_145 = arith.muli %scan3A_88, %mul3A_144 : i32
        %broadcast_in_dim3A_146 = vector.broadcast %mul3A_145 : i32 to vector<16xi32>
        %add3A_147 = arith.addi %broadcast_in_dim3A_146, %add3A_132 : vector<16xi32>
        %add3A_148 = arith.addi %add3A_147, %masked_cumsum3A_143 : vector<16xi32>
        %sub3A_149 = arith.constant 1 : i32
        %sub3A_150 = vector.broadcast %sub3A_149 : i32 to vector<16xi32>
        %sub3A_151 = arith.subi %add3A_148, %sub3A_150 : vector<16xi32>
        tpu.vector_store_idx %arg11[%sub3A_151], %get3A_135 masked %gt3A_139 : memref<5120xf32, #tpu.memory_space<vmem>>[vector<16xi32>], vector<16xf32>, vector<16xi1>
        tpu.vector_store_idx %arg12[%sub3A_151], %add3A_138 masked %gt3A_139 : memref<5120xi32, #tpu.memory_space<vmem>>[vector<16xi32>], vector<16xi32>, vector<16xi1>
        %all_reduce_population_count3A_152 = tpu.all_reduce %gt3A_139 {dim = 0 : i64, kind = #tpu.reduction_kind<sum>} : vector<16xi1> -> vector<16xi32>
        %add3A_153 = arith.addi %add3A_132, %all_reduce_population_count3A_152 : vector<16xi32>
        %get3A_154 = arith.index_cast %scan3A_88 : i32 to index
        %get3A_155 = arith.constant 48 : index
        %get3A_156 = tpu.vector_load %arg10[%get3A_154, %get3A_155] {strides = array<i32>} : memref<8x64xf32, #tpu.memory_space<vmem>>, vector<16xf32>,
        %broadcast_in_dim3A_157 = arith.constant 999984 : i32
        %broadcast_in_dim3A_158 = vector.broadcast %broadcast_in_dim3A_157 : i32 to vector<16xi32>
        %add3A_159 = arith.addi %broadcast_in_dim3A_158, %iota3A : vector<16xi32>
        %gt3A_160 = arith.cmpf ogt, %get3A_156, %broadcast_in_dim3A_93 : vector<16xf32>
        %convert_element_type3A_161 = arith.extui %gt3A_160 : vector<16xi1> to vector<16xi32>
        %broadcast_in_dim3A_162 = arith.constant true
        %broadcast_in_dim3A_163 = vector.broadcast %broadcast_in_dim3A_162 : i1 to vector<16xi1>
        %masked_cumsum3A_164 = tpu.scan <sum>, %convert_element_type3A_161 masked %broadcast_in_dim3A_163 : vector<16xi32>, vector<16xi1> -> vector<16xi32>
        %mul3A_165 = arith.constant 640 : i32
        %mul3A_166 = arith.muli %scan3A_88, %mul3A_165 : i32
        %broadcast_in_dim3A_167 = vector.broadcast %mul3A_166 : i32 to vector<16xi32>
        %add3A_168 = arith.addi %broadcast_in_dim3A_167, %add3A_153 : vector<16xi32>
        %add3A_169 = arith.addi %add3A_168, %masked_cumsum3A_164 : vector<16xi32>
        %sub3A_170 = arith.constant 1 : i32
        %sub3A_171 = vector.broadcast %sub3A_170 : i32 to vector<16xi32>
        %sub3A_172 = arith.subi %add3A_169, %sub3A_171 : vector<16xi32>
        tpu.vector_store_idx %arg11[%sub3A_172], %get3A_156 masked %gt3A_160 : memref<5120xf32, #tpu.memory_space<vmem>>[vector<16xi32>], vector<16xf32>, vector<16xi1>
        tpu.vector_store_idx %arg12[%sub3A_172], %add3A_159 masked %gt3A_160 : memref<5120xi32, #tpu.memory_space<vmem>>[vector<16xi32>], vector<16xi32>, vector<16xi1>
        %all_reduce_population_count3A_173 = tpu.all_reduce %gt3A_160 {dim = 0 : i64, kind = #tpu.reduction_kind<sum>} : vector<16xi1> -> vector<16xi32>
        %add3A_174 = arith.addi %add3A_153, %all_reduce_population_count3A_173 : vector<16xi32>
        %reduce_max3A = arith.constant true
        %reduce_max3A_175 = vector.broadcast %reduce_max3A : i1 to vector<16xi1>
        %reduce_max3A_176 = arith.constant -2147483648 : i32
        %reduce_max3A_177 = vector.broadcast %reduce_max3A_176 : i32 to vector<16xi32>
        %reduce_max3A_178 = arith.xori %add3A_174, %reduce_max3A_177 : vector<16xi32>
        %reduce_max3A_179 = tpu.scan <max>, %reduce_max3A_178 masked %reduce_max3A_175 : vector<16xi32>, vector<16xi1> -> vector<16xi32>
        %reduce_max3A_180 = arith.xori %reduce_max3A_179, %reduce_max3A_177 : vector<16xi32>
        %reduce_max3A_181 = vector.extract %reduce_max3A_180[15] : i32 from vector<16xi32>
        %swap3A = arith.index_cast %scan3A_88 : i32 to index
        %swap3A_182 = memref.load %arg23[%swap3A] : memref<8xi32, #tpu.memory_space<smem>>
        memref.store %reduce_max3A_181, %arg23[%swap3A] : memref<8xi32, #tpu.memory_space<smem>>
        %scan3A_183 = arith.constant 0 : i32
        scf.yield %scan3A_183 : i32
      }
      %scan3A_87 = arith.constant 8 : i32
    } else {
    }
    %scan3A_63 = arith.constant 0 : i32
    %scan3A_64 = arith.constant 0 : i32
    %scan3A_65 = arith.constant 8 : i32
    %scan3A_66 = arith.addi %scan3A_64, %scan3A_65 : i32
    %scan3A_67 = arith.constant 1 : i32
    %scan3A_68 = scf.for %scan3A_81 = %scan3A_64 to %scan3A_66 step %scan3A_67 iter_args(%scan3A_82 = %scan3A_63) -> (i32)  : i32 {
      %mul3A_83 = arith.constant 640 : i32
      %mul3A_84 = arith.muli %scan3A_81, %mul3A_83 : i32
      %get3A = arith.index_cast %scan3A_81 : i32 to index
      %get3A_85 = memref.load %arg23[%get3A] : memref<8xi32, #tpu.memory_space<smem>>
      %add3A_86 = arith.constant 15 : i32
      %add3A_87 = arith.addi %get3A_85, %add3A_86 : i32
      %jit3A_88 = arith.constant 16 : i32
      %div3A_89 = arith.divsi %add3A_87, %jit3A_88 : i32
      %sign3A_90 = arith.constant 0 : i32
      %sign3A_91 = arith.cmpi sgt, %add3A_87, %sign3A_90 : i32
      %sign3A_92 = arith.extui %sign3A_91 : i1 to i32
      %sign3A_93 = arith.constant 0 : i32
      %sign3A_94 = arith.cmpi slt, %add3A_87, %sign3A_93 : i32
      %sign3A_95 = arith.extui %sign3A_94 : i1 to i32
      %sign3A_96 = arith.subi %sign3A_92, %sign3A_95 : i32
      %sign3A_97 = arith.constant 0 : i32
      %sign3A_98 = arith.cmpi sgt, %jit3A_88, %sign3A_97 : i32
      %sign3A_99 = arith.extui %sign3A_98 : i1 to i32
      %sign3A_100 = arith.constant 0 : i32
      %sign3A_101 = arith.cmpi slt, %jit3A_88, %sign3A_100 : i32
      %sign3A_102 = arith.extui %sign3A_101 : i1 to i32
      %sign3A_103 = arith.subi %sign3A_99, %sign3A_102 : i32
      %ne3A_104 = arith.cmpi ne, %sign3A_96, %sign3A_103 : i32
      %rem3A_105 = arith.remsi %add3A_87, %jit3A_88 : i32
      %ne3A_106 = arith.constant 0 : i32
      %ne3A_107 = arith.cmpi ne, %rem3A_105, %ne3A_106 : i32
      %and3A_108 = arith.andi %ne3A_104, %ne3A_107 : i1
      %sub3A_109 = arith.constant 1 : i32
      %sub3A_110 = arith.subi %div3A_89, %sub3A_109 : i32
      %select_n3A_111 = arith.select %and3A_108, %sub3A_110, %div3A_89 : i32
      %iota3A_112 = tpu.iota {dimensions = array<i32: 0>} : vector<16xi32>
      %while3A = arith.constant 0 : i32
      %while3A_113 = arith.constant 0 : i32
      %while3A_114 = arith.subi %select_n3A_111, %while3A : i32
      %while3A_115 = arith.addi %while3A, %while3A_114 : i32
      %while3A_116 = arith.constant 1 : i32
      %while3A_117 = arith.divsi %while3A_114, %while3A_116 : i32
      %while3A_118 = arith.muli %while3A_117, %while3A_116 : i32
      %while3A_119 = arith.addi %while3A, %while3A_118 : i32
      %while3A_120 = arith.constant 1 : i32
      %while3A_121 = scf.for %while3A_262 = %while3A to %while3A_119 step %while3A_120 iter_args(%while3A_263 = %while3A_113) -> (i32)  : i32 {
        %mul3A_264 = arith.constant 16 : i32
        %mul3A_265 = arith.muli %while3A_262, %mul3A_264 : i32
        %add3A_266 = arith.addi %mul3A_84, %mul3A_265 : i32
        %get3A_267 = arith.index_cast %add3A_266 : i32 to index
        %get3A_268 = tpu.vector_load %arg11[%get3A_267] {strides = array<i32>} : memref<5120xf32, #tpu.memory_space<vmem>>, vector<16xf32>,
        %bitcast3A = vector.bitcast %get3A_268 : vector<16xf32> to vector<16xi32>
        %lt3A_269 = arith.constant -2147483648 : i32
        %lt3A_270 = vector.broadcast %lt3A_269 : i32 to vector<16xi32>
        %lt3A_271 = arith.cmpi ult, %bitcast3A, %lt3A_270 : vector<16xi32>
        %add3A_272 = arith.constant -2147483648 : i32
        %add3A_273 = vector.broadcast %add3A_272 : i32 to vector<16xi32>
        %add3A_274 = arith.addi %bitcast3A, %add3A_273 : vector<16xi32>
        %not3A = arith.constant dense<-1> : vector<16xi32>
        %not3A_275 = arith.xori %bitcast3A, %not3A : vector<16xi32>
        %select_n3A_276 = arith.select %lt3A_271, %add3A_274, %not3A_275 : vector<16xi1>, vector<16xi32>
        %mul3A_277 = arith.constant 16 : i32
        %mul3A_278 = arith.muli %while3A_262, %mul3A_277 : i32
        %add3A_279 = vector.broadcast %mul3A_278 : i32 to vector<16xi32>
        %add3A_280 = arith.addi %add3A_279, %iota3A_112 : vector<16xi32>
        %broadcast_in_dim3A_281 = vector.broadcast %get3A_85 : i32 to vector<16xi32>
        %lt3A_282 = arith.cmpi slt, %add3A_280, %broadcast_in_dim3A_281 : vector<16xi32>
        %jit3A_283 = arith.constant 0 : i32
        %broadcast_in_dim3A_284 = vector.broadcast %jit3A_283 : i32 to vector<16xi32>
        %select_n3A_285 = arith.select %lt3A_282, %select_n3A_276, %broadcast_in_dim3A_284 : vector<16xi1>, vector<16xi32>
        %mul3A_286 = arith.constant 16 : i32
        %mul3A_287 = arith.muli %while3A_262, %mul3A_286 : i32
        %add3A_288 = arith.addi %mul3A_84, %mul3A_287 : i32
        %swap3A_289 = arith.index_cast %add3A_288 : i32 to index
        %swap3A_290 = tpu.vector_load %arg13[%swap3A_289] {strides = array<i32>} : memref<5120xi32, #tpu.memory_space<vmem>>, vector<16xi32>,
        tpu.vector_store %arg13[%swap3A_289], %select_n3A_285 {strides = array<i32>} : memref<5120xi32, #tpu.memory_space<vmem>>, vector<16xi32>,
        %while3A_291 = arith.constant 0 : i32
        scf.yield %while3A_291 : i32
      }
      %while3A_122 = arith.constant 1 : i32
      %while3A_123 = scf.for %while3A_262 = %while3A_119 to %while3A_115 step %while3A_122 iter_args(%while3A_263 = %while3A_121) -> (i32)  : i32 {
        %mul3A_264 = arith.constant 16 : i32
        %mul3A_265 = arith.muli %while3A_262, %mul3A_264 : i32
        %add3A_266 = arith.addi %mul3A_84, %mul3A_265 : i32
        %get3A_267 = arith.index_cast %add3A_266 : i32 to index
        %get3A_268 = tpu.vector_load %arg11[%get3A_267] {strides = array<i32>} : memref<5120xf32, #tpu.memory_space<vmem>>, vector<16xf32>,
        %bitcast3A = vector.bitcast %get3A_268 : vector<16xf32> to vector<16xi32>
        %lt3A_269 = arith.constant -2147483648 : i32
        %lt3A_270 = vector.broadcast %lt3A_269 : i32 to vector<16xi32>
        %lt3A_271 = arith.cmpi ult, %bitcast3A, %lt3A_270 : vector<16xi32>
        %add3A_272 = arith.constant -2147483648 : i32
        %add3A_273 = vector.broadcast %add3A_272 : i32 to vector<16xi32>
        %add3A_274 = arith.addi %bitcast3A, %add3A_273 : vector<16xi32>
        %not3A = arith.constant dense<-1> : vector<16xi32>
        %not3A_275 = arith.xori %bitcast3A, %not3A : vector<16xi32>
        %select_n3A_276 = arith.select %lt3A_271, %add3A_274, %not3A_275 : vector<16xi1>, vector<16xi32>
        %mul3A_277 = arith.constant 16 : i32
        %mul3A_278 = arith.muli %while3A_262, %mul3A_277 : i32
        %add3A_279 = vector.broadcast %mul3A_278 : i32 to vector<16xi32>
        %add3A_280 = arith.addi %add3A_279, %iota3A_112 : vector<16xi32>
        %broadcast_in_dim3A_281 = vector.broadcast %get3A_85 : i32 to vector<16xi32>
        %lt3A_282 = arith.cmpi slt, %add3A_280, %broadcast_in_dim3A_281 : vector<16xi32>
        %jit3A_283 = arith.constant 0 : i32
        %broadcast_in_dim3A_284 = vector.broadcast %jit3A_283 : i32 to vector<16xi32>
        %select_n3A_285 = arith.select %lt3A_282, %select_n3A_276, %broadcast_in_dim3A_284 : vector<16xi1>, vector<16xi32>
        %mul3A_286 = arith.constant 16 : i32
        %mul3A_287 = arith.muli %while3A_262, %mul3A_286 : i32
        %add3A_288 = arith.addi %mul3A_84, %mul3A_287 : i32
        %swap3A_289 = arith.index_cast %add3A_288 : i32 to index
        %swap3A_290 = tpu.vector_load %arg13[%swap3A_289] {strides = array<i32>} : memref<5120xi32, #tpu.memory_space<vmem>>, vector<16xi32>,
        tpu.vector_store %arg13[%swap3A_289], %select_n3A_285 {strides = array<i32>} : memref<5120xi32, #tpu.memory_space<vmem>>, vector<16xi32>,
        %while3A_291 = arith.constant 0 : i32
        scf.yield %while3A_291 : i32
      }
      %scan3A_124 = arith.constant 0 : i32
      %scan3A_125 = arith.constant 0 : i32
      %scan3A_126 = arith.constant 32 : i32
      %scan3A_127 = arith.addi %scan3A_125, %scan3A_126 : i32
      %scan3A_128 = arith.constant 1 : i32
      %scan3A_129 = scf.for %scan3A_262 = %scan3A_125 to %scan3A_127 step %scan3A_128 iter_args(%scan3A_263 = %scan3A_124) -> (i32)  : i32 {
        %sub3A_264 = arith.constant 31 : i32
        %sub3A_265 = arith.subi %sub3A_264, %scan3A_262 : i32
        %shift_left3A = arith.constant 1 : i32
        %shift_left3A_266 = arith.shli %shift_left3A, %sub3A_265 : i32
        %or3A = arith.ori %scan3A_263, %shift_left3A_266 : i32
        %broadcast_in_dim3A_267 = vector.broadcast %or3A : i32 to vector<16xi32>
        %broadcast_in_dim3A_268 = arith.constant 0 : i32
        %broadcast_in_dim3A_269 = vector.broadcast %broadcast_in_dim3A_268 : i32 to vector<16xi32>
        %while3A_270 = arith.constant 0 : i32
        %while3A_271 = arith.subi %select_n3A_111, %while3A_270 : i32
        %while3A_272 = arith.addi %while3A_270, %while3A_271 : i32
        %while3A_273 = arith.constant 1 : i32
        %while3A_274 = arith.divsi %while3A_271, %while3A_273 : i32
        %while3A_275 = arith.muli %while3A_274, %while3A_273 : i32
        %while3A_276 = arith.addi %while3A_270, %while3A_275 : i32
        %while3A_277 = arith.constant 1 : i32
        %while3A_278 = scf.for %while3A_291 = %while3A_270 to %while3A_276 step %while3A_277 iter_args(%while3A_292 = %broadcast_in_dim3A_269) -> (vector<16xi32>)  : i32 {
          %mul3A_293 = arith.constant 16 : i32
          %mul3A_294 = arith.muli %while3A_291, %mul3A_293 : i32
          %add3A_295 = arith.addi %mul3A_84, %mul3A_294 : i32
          %get3A_296 = arith.index_cast %add3A_295 : i32 to index
          %get3A_297 = tpu.vector_load %arg13[%get3A_296] {strides = array<i32>} : memref<5120xi32, #tpu.memory_space<vmem>>, vector<16xi32>,
          %ge3A_298 = arith.cmpi uge, %get3A_297, %broadcast_in_dim3A_267 : vector<16xi32>
          %all_reduce_population_count3A = tpu.all_reduce %ge3A_298 {dim = 0 : i64, kind = #tpu.reduction_kind<sum>} : vector<16xi1> -> vector<16xi32>
          %add3A_299 = arith.addi %while3A_292, %all_reduce_population_count3A : vector<16xi32>
          scf.yield %add3A_299 : vector<16xi32>
        }
        %while3A_279 = arith.constant 1 : i32
        %while3A_280 = scf.for %while3A_291 = %while3A_276 to %while3A_272 step %while3A_279 iter_args(%while3A_292 = %while3A_278) -> (vector<16xi32>)  : i32 {
          %mul3A_293 = arith.constant 16 : i32
          %mul3A_294 = arith.muli %while3A_291, %mul3A_293 : i32
          %add3A_295 = arith.addi %mul3A_84, %mul3A_294 : i32
          %get3A_296 = arith.index_cast %add3A_295 : i32 to index
          %get3A_297 = tpu.vector_load %arg13[%get3A_296] {strides = array<i32>} : memref<5120xi32, #tpu.memory_space<vmem>>, vector<16xi32>,
          %ge3A_298 = arith.cmpi uge, %get3A_297, %broadcast_in_dim3A_267 : vector<16xi32>
          %all_reduce_population_count3A = tpu.all_reduce %ge3A_298 {dim = 0 : i64, kind = #tpu.reduction_kind<sum>} : vector<16xi1> -> vector<16xi32>
          %add3A_299 = arith.addi %while3A_292, %all_reduce_population_count3A : vector<16xi32>
          scf.yield %add3A_299 : vector<16xi32>
        }
        %reduce_max3A_281 = arith.constant true
        %reduce_max3A_282 = vector.broadcast %reduce_max3A_281 : i1 to vector<16xi1>
        %reduce_max3A_283 = arith.constant -2147483648 : i32
        %reduce_max3A_284 = vector.broadcast %reduce_max3A_283 : i32 to vector<16xi32>
        %reduce_max3A_285 = arith.xori %while3A_280, %reduce_max3A_284 : vector<16xi32>
        %reduce_max3A_286 = tpu.scan <max>, %reduce_max3A_285 masked %reduce_max3A_282 : vector<16xi32>, vector<16xi1> -> vector<16xi32>
        %reduce_max3A_287 = arith.xori %reduce_max3A_286, %reduce_max3A_284 : vector<16xi32>
        %reduce_max3A_288 = vector.extract %reduce_max3A_287[15] : i32 from vector<16xi32>
        %ge3A = arith.constant 64 : i32
        %ge3A_289 = arith.cmpi sge, %reduce_max3A_288, %ge3A : i32
        %select_n3A_290 = arith.select %ge3A_289, %or3A, %scan3A_263 : i32
        scf.yield %select_n3A_290 : i32
      }
      %scan3A_130 = arith.constant 32 : i32
      %broadcast_in_dim3A = vector.broadcast %scan3A_129 : i32 to vector<16xi32>
      %broadcast_in_dim3A_131 = arith.constant 0 : i32
      %broadcast_in_dim3A_132 = vector.broadcast %broadcast_in_dim3A_131 : i32 to vector<16xi32>
      %while3A_133 = arith.constant 0 : i32
      %while3A_134 = arith.subi %select_n3A_111, %while3A_133 : i32
      %while3A_135 = arith.addi %while3A_133, %while3A_134 : i32
      %while3A_136 = arith.constant 1 : i32
      %while3A_137 = arith.divsi %while3A_134, %while3A_136 : i32
      %while3A_138 = arith.muli %while3A_137, %while3A_136 : i32
      %while3A_139 = arith.addi %while3A_133, %while3A_138 : i32
      %while3A_140 = arith.constant 1 : i32
      %while3A_141 = scf.for %while3A_262 = %while3A_133 to %while3A_139 step %while3A_140 iter_args(%while3A_263 = %broadcast_in_dim3A_132) -> (vector<16xi32>)  : i32 {
        %mul3A_264 = arith.constant 16 : i32
        %mul3A_265 = arith.muli %while3A_262, %mul3A_264 : i32
        %add3A_266 = arith.addi %mul3A_84, %mul3A_265 : i32
        %get3A_267 = arith.index_cast %add3A_266 : i32 to index
        %get3A_268 = tpu.vector_load %arg13[%get3A_267] {strides = array<i32>} : memref<5120xi32, #tpu.memory_space<vmem>>, vector<16xi32>,
        %gt3A = arith.cmpi ugt, %get3A_268, %broadcast_in_dim3A : vector<16xi32>
        %all_reduce_population_count3A = tpu.all_reduce %gt3A {dim = 0 : i64, kind = #tpu.reduction_kind<sum>} : vector<16xi1> -> vector<16xi32>
        %add3A_269 = arith.addi %while3A_263, %all_reduce_population_count3A : vector<16xi32>
        scf.yield %add3A_269 : vector<16xi32>
      }
      %while3A_142 = arith.constant 1 : i32
      %while3A_143 = scf.for %while3A_262 = %while3A_139 to %while3A_135 step %while3A_142 iter_args(%while3A_263 = %while3A_141) -> (vector<16xi32>)  : i32 {
        %mul3A_264 = arith.constant 16 : i32
        %mul3A_265 = arith.muli %while3A_262, %mul3A_264 : i32
        %add3A_266 = arith.addi %mul3A_84, %mul3A_265 : i32
        %get3A_267 = arith.index_cast %add3A_266 : i32 to index
        %get3A_268 = tpu.vector_load %arg13[%get3A_267] {strides = array<i32>} : memref<5120xi32, #tpu.memory_space<vmem>>, vector<16xi32>,
        %gt3A = arith.cmpi ugt, %get3A_268, %broadcast_in_dim3A : vector<16xi32>
        %all_reduce_population_count3A = tpu.all_reduce %gt3A {dim = 0 : i64, kind = #tpu.reduction_kind<sum>} : vector<16xi1> -> vector<16xi32>
        %add3A_269 = arith.addi %while3A_263, %all_reduce_population_count3A : vector<16xi32>
        scf.yield %add3A_269 : vector<16xi32>
      }
      %reduce_max3A = arith.constant true
      %reduce_max3A_144 = vector.broadcast %reduce_max3A : i1 to vector<16xi1>
      %reduce_max3A_145 = arith.constant -2147483648 : i32
      %reduce_max3A_146 = vector.broadcast %reduce_max3A_145 : i32 to vector<16xi32>
      %reduce_max3A_147 = arith.xori %while3A_143, %reduce_max3A_146 : vector<16xi32>
      %reduce_max3A_148 = tpu.scan <max>, %reduce_max3A_147 masked %reduce_max3A_144 : vector<16xi32>, vector<16xi1> -> vector<16xi32>
      %reduce_max3A_149 = arith.xori %reduce_max3A_148, %reduce_max3A_146 : vector<16xi32>
      %reduce_max3A_150 = vector.extract %reduce_max3A_149[15] : i32 from vector<16xi32>
      %sub3A_151 = arith.constant 64 : i32
      %sub3A_152 = arith.subi %sub3A_151, %reduce_max3A_150 : i32
      %while3A_153 = arith.constant 0 : i32
      %while3A_154 = arith.constant 0 : i32
      %while3A_155 = arith.constant 0 : i32
      %while3A_156 = arith.subi %select_n3A_111, %while3A_153 : i32
      %while3A_157 = arith.addi %while3A_153, %while3A_156 : i32
      %while3A_158 = arith.constant 1 : i32
      %while3A_159 = arith.divsi %while3A_156, %while3A_158 : i32
      %while3A_160 = arith.muli %while3A_159, %while3A_158 : i32
      %while3A_161 = arith.addi %while3A_153, %while3A_160 : i32
      %while3A_162 = arith.constant 1 : i32
      %while3A_163:2 = scf.for %while3A_262 = %while3A_153 to %while3A_161 step %while3A_162 iter_args(%while3A_263 = %while3A_154, %while3A_264 = %while3A_155) -> (i32, i32)  : i32 {
        %mul3A_265 = arith.constant 16 : i32
        %mul3A_266 = arith.muli %while3A_262, %mul3A_265 : i32
        %add3A_267 = arith.addi %mul3A_84, %mul3A_266 : i32
        %get3A_268 = arith.index_cast %add3A_267 : i32 to index
        %get3A_269 = tpu.vector_load %arg13[%get3A_268] {strides = array<i32>} : memref<5120xi32, #tpu.memory_space<vmem>>, vector<16xi32>,
        %gt3A = arith.cmpi ugt, %get3A_269, %broadcast_in_dim3A : vector<16xi32>
        %eq3A_270 = arith.cmpi eq, %get3A_269, %broadcast_in_dim3A : vector<16xi32>
        %convert_element_type3A_271 = arith.extui %eq3A_270 : vector<16xi1> to vector<16xi32>
        %broadcast_in_dim3A_272 = arith.constant true
        %broadcast_in_dim3A_273 = vector.broadcast %broadcast_in_dim3A_272 : i1 to vector<16xi1>
        %masked_cumsum3A = tpu.scan <sum>, %convert_element_type3A_271 masked %broadcast_in_dim3A_273 : vector<16xi32>, vector<16xi1> -> vector<16xi32>
        %broadcast_in_dim3A_274 = vector.broadcast %while3A_264 : i32 to vector<16xi32>
        %add3A_275 = arith.addi %broadcast_in_dim3A_274, %masked_cumsum3A : vector<16xi32>
        %broadcast_in_dim3A_276 = vector.broadcast %sub3A_152 : i32 to vector<16xi32>
        %le3A = arith.cmpi sle, %add3A_275, %broadcast_in_dim3A_276 : vector<16xi32>
        %and3A_277 = arith.andi %eq3A_270, %le3A : vector<16xi1>
        %or3A = arith.ori %gt3A, %and3A_277 : vector<16xi1>
        %convert_element_type3A_278 = arith.extui %or3A : vector<16xi1> to vector<16xi32>
        %broadcast_in_dim3A_279 = arith.constant true
        %broadcast_in_dim3A_280 = vector.broadcast %broadcast_in_dim3A_279 : i1 to vector<16xi1>
        %masked_cumsum3A_281 = tpu.scan <sum>, %convert_element_type3A_278 masked %broadcast_in_dim3A_280 : vector<16xi32>, vector<16xi1> -> vector<16xi32>
        %add3A_282 = arith.addi %mul3A_84, %while3A_263 : i32
        %broadcast_in_dim3A_283 = vector.broadcast %add3A_282 : i32 to vector<16xi32>
        %add3A_284 = arith.addi %broadcast_in_dim3A_283, %masked_cumsum3A_281 : vector<16xi32>
        %sub3A_285 = arith.constant 1 : i32
        %sub3A_286 = vector.broadcast %sub3A_285 : i32 to vector<16xi32>
        %sub3A_287 = arith.subi %add3A_284, %sub3A_286 : vector<16xi32>
        %mul3A_288 = arith.constant 16 : i32
        %mul3A_289 = arith.muli %while3A_262, %mul3A_288 : i32
        %add3A_290 = arith.addi %mul3A_84, %mul3A_289 : i32
        %get3A_291 = arith.index_cast %add3A_290 : i32 to index
        %get3A_292 = tpu.vector_load %arg11[%get3A_291] {strides = array<i32>} : memref<5120xf32, #tpu.memory_space<vmem>>, vector<16xf32>,
        %mul3A_293 = arith.constant 16 : i32
        %mul3A_294 = arith.muli %while3A_262, %mul3A_293 : i32
        %add3A_295 = arith.addi %mul3A_84, %mul3A_294 : i32
        %get3A_296 = arith.index_cast %add3A_295 : i32 to index
        %get3A_297 = tpu.vector_load %arg12[%get3A_296] {strides = array<i32>} : memref<5120xi32, #tpu.memory_space<vmem>>, vector<16xi32>,
        tpu.vector_store_idx %arg11[%sub3A_287], %get3A_292 masked %or3A : memref<5120xf32, #tpu.memory_space<vmem>>[vector<16xi32>], vector<16xf32>, vector<16xi1>
        tpu.vector_store_idx %arg12[%sub3A_287], %get3A_297 masked %or3A : memref<5120xi32, #tpu.memory_space<vmem>>[vector<16xi32>], vector<16xi32>, vector<16xi1>
        %all_reduce_population_count3A = tpu.all_reduce %or3A {dim = 0 : i64, kind = #tpu.reduction_kind<sum>} : vector<16xi1> -> vector<16xi32>
        %reduce_max3A_298 = arith.constant true
        %reduce_max3A_299 = vector.broadcast %reduce_max3A_298 : i1 to vector<16xi1>
        %reduce_max3A_300 = arith.constant -2147483648 : i32
        %reduce_max3A_301 = vector.broadcast %reduce_max3A_300 : i32 to vector<16xi32>
        %reduce_max3A_302 = arith.xori %all_reduce_population_count3A, %reduce_max3A_301 : vector<16xi32>
        %reduce_max3A_303 = tpu.scan <max>, %reduce_max3A_302 masked %reduce_max3A_299 : vector<16xi32>, vector<16xi1> -> vector<16xi32>
        %reduce_max3A_304 = arith.xori %reduce_max3A_303, %reduce_max3A_301 : vector<16xi32>
        %reduce_max3A_305 = vector.extract %reduce_max3A_304[15] : i32 from vector<16xi32>
        %add3A_306 = arith.addi %while3A_263, %reduce_max3A_305 : i32
        %all_reduce_population_count3A_307 = tpu.all_reduce %and3A_277 {dim = 0 : i64, kind = #tpu.reduction_kind<sum>} : vector<16xi1> -> vector<16xi32>
        %reduce_max3A_308 = arith.constant true
        %reduce_max3A_309 = vector.broadcast %reduce_max3A_308 : i1 to vector<16xi1>
        %reduce_max3A_310 = arith.constant -2147483648 : i32
        %reduce_max3A_311 = vector.broadcast %reduce_max3A_310 : i32 to vector<16xi32>
        %reduce_max3A_312 = arith.xori %all_reduce_population_count3A_307, %reduce_max3A_311 : vector<16xi32>
        %reduce_max3A_313 = tpu.scan <max>, %reduce_max3A_312 masked %reduce_max3A_309 : vector<16xi32>, vector<16xi1> -> vector<16xi32>
        %reduce_max3A_314 = arith.xori %reduce_max3A_313, %reduce_max3A_311 : vector<16xi32>
        %reduce_max3A_315 = vector.extract %reduce_max3A_314[15] : i32 from vector<16xi32>
        %add3A_316 = arith.addi %while3A_264, %reduce_max3A_315 : i32
        scf.yield %add3A_306, %add3A_316 : i32, i32
      }
      %while3A_164 = arith.constant 1 : i32
      %while3A_165:2 = scf.for %while3A_262 = %while3A_161 to %while3A_157 step %while3A_164 iter_args(%while3A_263 = %while3A_163#0, %while3A_264 = %while3A_163#1) -> (i32, i32)  : i32 {
        %mul3A_265 = arith.constant 16 : i32
        %mul3A_266 = arith.muli %while3A_262, %mul3A_265 : i32
        %add3A_267 = arith.addi %mul3A_84, %mul3A_266 : i32
        %get3A_268 = arith.index_cast %add3A_267 : i32 to index
        %get3A_269 = tpu.vector_load %arg13[%get3A_268] {strides = array<i32>} : memref<5120xi32, #tpu.memory_space<vmem>>, vector<16xi32>,
        %gt3A = arith.cmpi ugt, %get3A_269, %broadcast_in_dim3A : vector<16xi32>
        %eq3A_270 = arith.cmpi eq, %get3A_269, %broadcast_in_dim3A : vector<16xi32>
        %convert_element_type3A_271 = arith.extui %eq3A_270 : vector<16xi1> to vector<16xi32>
        %broadcast_in_dim3A_272 = arith.constant true
        %broadcast_in_dim3A_273 = vector.broadcast %broadcast_in_dim3A_272 : i1 to vector<16xi1>
        %masked_cumsum3A = tpu.scan <sum>, %convert_element_type3A_271 masked %broadcast_in_dim3A_273 : vector<16xi32>, vector<16xi1> -> vector<16xi32>
        %broadcast_in_dim3A_274 = vector.broadcast %while3A_264 : i32 to vector<16xi32>
        %add3A_275 = arith.addi %broadcast_in_dim3A_274, %masked_cumsum3A : vector<16xi32>
        %broadcast_in_dim3A_276 = vector.broadcast %sub3A_152 : i32 to vector<16xi32>
        %le3A = arith.cmpi sle, %add3A_275, %broadcast_in_dim3A_276 : vector<16xi32>
        %and3A_277 = arith.andi %eq3A_270, %le3A : vector<16xi1>
        %or3A = arith.ori %gt3A, %and3A_277 : vector<16xi1>
        %convert_element_type3A_278 = arith.extui %or3A : vector<16xi1> to vector<16xi32>
        %broadcast_in_dim3A_279 = arith.constant true
        %broadcast_in_dim3A_280 = vector.broadcast %broadcast_in_dim3A_279 : i1 to vector<16xi1>
        %masked_cumsum3A_281 = tpu.scan <sum>, %convert_element_type3A_278 masked %broadcast_in_dim3A_280 : vector<16xi32>, vector<16xi1> -> vector<16xi32>
        %add3A_282 = arith.addi %mul3A_84, %while3A_263 : i32
        %broadcast_in_dim3A_283 = vector.broadcast %add3A_282 : i32 to vector<16xi32>
        %add3A_284 = arith.addi %broadcast_in_dim3A_283, %masked_cumsum3A_281 : vector<16xi32>
        %sub3A_285 = arith.constant 1 : i32
        %sub3A_286 = vector.broadcast %sub3A_285 : i32 to vector<16xi32>
        %sub3A_287 = arith.subi %add3A_284, %sub3A_286 : vector<16xi32>
        %mul3A_288 = arith.constant 16 : i32
        %mul3A_289 = arith.muli %while3A_262, %mul3A_288 : i32
        %add3A_290 = arith.addi %mul3A_84, %mul3A_289 : i32
        %get3A_291 = arith.index_cast %add3A_290 : i32 to index
        %get3A_292 = tpu.vector_load %arg11[%get3A_291] {strides = array<i32>} : memref<5120xf32, #tpu.memory_space<vmem>>, vector<16xf32>,
        %mul3A_293 = arith.constant 16 : i32
        %mul3A_294 = arith.muli %while3A_262, %mul3A_293 : i32
        %add3A_295 = arith.addi %mul3A_84, %mul3A_294 : i32
        %get3A_296 = arith.index_cast %add3A_295 : i32 to index
        %get3A_297 = tpu.vector_load %arg12[%get3A_296] {strides = array<i32>} : memref<5120xi32, #tpu.memory_space<vmem>>, vector<16xi32>,
        tpu.vector_store_idx %arg11[%sub3A_287], %get3A_292 masked %or3A : memref<5120xf32, #tpu.memory_space<vmem>>[vector<16xi32>], vector<16xf32>, vector<16xi1>
        tpu.vector_store_idx %arg12[%sub3A_287], %get3A_297 masked %or3A : memref<5120xi32, #tpu.memory_space<vmem>>[vector<16xi32>], vector<16xi32>, vector<16xi1>
        %all_reduce_population_count3A = tpu.all_reduce %or3A {dim = 0 : i64, kind = #tpu.reduction_kind<sum>} : vector<16xi1> -> vector<16xi32>
        %reduce_max3A_298 = arith.constant true
        %reduce_max3A_299 = vector.broadcast %reduce_max3A_298 : i1 to vector<16xi1>
        %reduce_max3A_300 = arith.constant -2147483648 : i32
        %reduce_max3A_301 = vector.broadcast %reduce_max3A_300 : i32 to vector<16xi32>
        %reduce_max3A_302 = arith.xori %all_reduce_population_count3A, %reduce_max3A_301 : vector<16xi32>
        %reduce_max3A_303 = tpu.scan <max>, %reduce_max3A_302 masked %reduce_max3A_299 : vector<16xi32>, vector<16xi1> -> vector<16xi32>
        %reduce_max3A_304 = arith.xori %reduce_max3A_303, %reduce_max3A_301 : vector<16xi32>
        %reduce_max3A_305 = vector.extract %reduce_max3A_304[15] : i32 from vector<16xi32>
        %add3A_306 = arith.addi %while3A_263, %reduce_max3A_305 : i32
        %all_reduce_population_count3A_307 = tpu.all_reduce %and3A_277 {dim = 0 : i64, kind = #tpu.reduction_kind<sum>} : vector<16xi1> -> vector<16xi32>
        %reduce_max3A_308 = arith.constant true
        %reduce_max3A_309 = vector.broadcast %reduce_max3A_308 : i1 to vector<16xi1>
        %reduce_max3A_310 = arith.constant -2147483648 : i32
        %reduce_max3A_311 = vector.broadcast %reduce_max3A_310 : i32 to vector<16xi32>
        %reduce_max3A_312 = arith.xori %all_reduce_population_count3A_307, %reduce_max3A_311 : vector<16xi32>
        %reduce_max3A_313 = tpu.scan <max>, %reduce_max3A_312 masked %reduce_max3A_309 : vector<16xi32>, vector<16xi1> -> vector<16xi32>
        %reduce_max3A_314 = arith.xori %reduce_max3A_313, %reduce_max3A_311 : vector<16xi32>
        %reduce_max3A_315 = vector.extract %reduce_max3A_314[15] : i32 from vector<16xi32>
        %add3A_316 = arith.addi %while3A_264, %reduce_max3A_315 : i32
        scf.yield %add3A_306, %add3A_316 : i32, i32
      }
      %get3A_166 = arith.index_cast %mul3A_84 : i32 to index
      %get3A_167 = tpu.vector_load %arg11[%get3A_166] {strides = array<i32>} : memref<5120xf32, #tpu.memory_space<vmem>>, vector<16xf32>,
      %add3A_168 = arith.constant 16 : i32
      %add3A_169 = arith.addi %mul3A_84, %add3A_168 : i32
      %get3A_170 = arith.index_cast %add3A_169 : i32 to index
      %get3A_171 = tpu.vector_load %arg11[%get3A_170] {strides = array<i32>} : memref<5120xf32, #tpu.memory_space<vmem>>, vector<16xf32>,
      %min3A = arith.minimumf %get3A_167, %get3A_171 : vector<16xf32>
      %add3A_172 = arith.constant 32 : i32
      %add3A_173 = arith.addi %mul3A_84, %add3A_172 : i32
      %get3A_174 = arith.index_cast %add3A_173 : i32 to index
      %get3A_175 = tpu.vector_load %arg11[%get3A_174] {strides = array<i32>} : memref<5120xf32, #tpu.memory_space<vmem>>, vector<16xf32>,
      %add3A_176 = arith.constant 48 : i32
      %add3A_177 = arith.addi %mul3A_84, %add3A_176 : i32
      %get3A_178 = arith.index_cast %add3A_177 : i32 to index
      %get3A_179 = tpu.vector_load %arg11[%get3A_178] {strides = array<i32>} : memref<5120xf32, #tpu.memory_space<vmem>>, vector<16xf32>,
      %min3A_180 = arith.minimumf %get3A_175, %get3A_179 : vector<16xf32>
      %min3A_181 = arith.minimumf %min3A, %min3A_180 : vector<16xf32>
      %reduce_min3A = arith.constant true
      %reduce_min3A_182 = vector.broadcast %reduce_min3A : i1 to vector<16xi1>
      %reduce_min3A_183 = tpu.scan <min>, %min3A_181 masked %reduce_min3A_182 : vector<16xf32>, vector<16xi1> -> vector<16xf32>
      %reduce_min3A_184 = vector.extract %reduce_min3A_183[15] : f32 from vector<16xf32>
      %swap3A = arith.constant 64 : i32
      %swap3A_185 = arith.index_cast %scan3A_81 : i32 to index
      %swap3A_186 = memref.load %arg23[%swap3A_185] : memref<8xi32, #tpu.memory_space<smem>>
      memref.store %swap3A, %arg23[%swap3A_185] : memref<8xi32, #tpu.memory_space<smem>>
      %swap3A_187 = arith.index_cast %scan3A_81 : i32 to index
      %swap3A_188 = memref.load %arg24[%swap3A_187] : memref<8xf32, #tpu.memory_space<smem>>
      memref.store %reduce_min3A_184, %arg24[%swap3A_187] : memref<8xf32, #tpu.memory_space<smem>>
      %mul3A_189 = arith.constant 640 : i32
      %mul3A_190 = arith.muli %scan3A_81, %mul3A_189 : i32
      %add3A_191 = arith.constant 0 : i32
      %add3A_192 = arith.addi %mul3A_190, %add3A_191 : i32
      %get3A_193 = arith.index_cast %add3A_192 : i32 to index
      %get3A_194 = tpu.vector_load %arg11[%get3A_193] {strides = array<i32>} : memref<5120xf32, #tpu.memory_space<vmem>>, vector<16xf32>,
      %swap3A_195 = arith.index_cast %scan3A_81 : i32 to index
      %swap3A_196 = arith.constant 0 : index
      %swap3A_197 = tpu.vector_load %arg14[%swap3A_195, %swap3A_196] {strides = array<i32>} : memref<8x64xf32, #tpu.memory_space<vmem>>, vector<16xf32>,
      tpu.vector_store %arg14[%swap3A_195, %swap3A_196], %get3A_194 {strides = array<i32>} : memref<8x64xf32, #tpu.memory_space<vmem>>, vector<16xf32>,
      %mul3A_198 = arith.constant 640 : i32
      %mul3A_199 = arith.muli %scan3A_81, %mul3A_198 : i32
      %add3A_200 = arith.constant 0 : i32
      %add3A_201 = arith.addi %mul3A_199, %add3A_200 : i32
      %get3A_202 = arith.index_cast %add3A_201 : i32 to index
      %get3A_203 = tpu.vector_load %arg12[%get3A_202] {strides = array<i32>} : memref<5120xi32, #tpu.memory_space<vmem>>, vector<16xi32>,
      %swap3A_204 = arith.index_cast %scan3A_81 : i32 to index
      %swap3A_205 = arith.constant 0 : index
      %swap3A_206 = tpu.vector_load %arg15[%swap3A_204, %swap3A_205] {strides = array<i32>} : memref<8x64xi32, #tpu.memory_space<vmem>>, vector<16xi32>,
      tpu.vector_store %arg15[%swap3A_204, %swap3A_205], %get3A_203 {strides = array<i32>} : memref<8x64xi32, #tpu.memory_space<vmem>>, vector<16xi32>,
      %mul3A_207 = arith.constant 640 : i32
      %mul3A_208 = arith.muli %scan3A_81, %mul3A_207 : i32
      %add3A_209 = arith.constant 16 : i32
      %add3A_210 = arith.addi %mul3A_208, %add3A_209 : i32
      %get3A_211 = arith.index_cast %add3A_210 : i32 to index
      %get3A_212 = tpu.vector_load %arg11[%get3A_211] {strides = array<i32>} : memref<5120xf32, #tpu.memory_space<vmem>>, vector<16xf32>,
      %swap3A_213 = arith.index_cast %scan3A_81 : i32 to index
      %swap3A_214 = arith.constant 16 : index
      %swap3A_215 = tpu.vector_load %arg14[%swap3A_213, %swap3A_214] {strides = array<i32>} : memref<8x64xf32, #tpu.memory_space<vmem>>, vector<16xf32>,
      tpu.vector_store %arg14[%swap3A_213, %swap3A_214], %get3A_212 {strides = array<i32>} : memref<8x64xf32, #tpu.memory_space<vmem>>, vector<16xf32>,
      %mul3A_216 = arith.constant 640 : i32
      %mul3A_217 = arith.muli %scan3A_81, %mul3A_216 : i32
      %add3A_218 = arith.constant 16 : i32
      %add3A_219 = arith.addi %mul3A_217, %add3A_218 : i32
      %get3A_220 = arith.index_cast %add3A_219 : i32 to index
      %get3A_221 = tpu.vector_load %arg12[%get3A_220] {strides = array<i32>} : memref<5120xi32, #tpu.memory_space<vmem>>, vector<16xi32>,
      %swap3A_222 = arith.index_cast %scan3A_81 : i32 to index
      %swap3A_223 = arith.constant 16 : index
      %swap3A_224 = tpu.vector_load %arg15[%swap3A_222, %swap3A_223] {strides = array<i32>} : memref<8x64xi32, #tpu.memory_space<vmem>>, vector<16xi32>,
      tpu.vector_store %arg15[%swap3A_222, %swap3A_223], %get3A_221 {strides = array<i32>} : memref<8x64xi32, #tpu.memory_space<vmem>>, vector<16xi32>,
      %mul3A_225 = arith.constant 640 : i32
      %mul3A_226 = arith.muli %scan3A_81, %mul3A_225 : i32
      %add3A_227 = arith.constant 32 : i32
      %add3A_228 = arith.addi %mul3A_226, %add3A_227 : i32
      %get3A_229 = arith.index_cast %add3A_228 : i32 to index
      %get3A_230 = tpu.vector_load %arg11[%get3A_229] {strides = array<i32>} : memref<5120xf32, #tpu.memory_space<vmem>>, vector<16xf32>,
      %swap3A_231 = arith.index_cast %scan3A_81 : i32 to index
      %swap3A_232 = arith.constant 32 : index
      %swap3A_233 = tpu.vector_load %arg14[%swap3A_231, %swap3A_232] {strides = array<i32>} : memref<8x64xf32, #tpu.memory_space<vmem>>, vector<16xf32>,
      tpu.vector_store %arg14[%swap3A_231, %swap3A_232], %get3A_230 {strides = array<i32>} : memref<8x64xf32, #tpu.memory_space<vmem>>, vector<16xf32>,
      %mul3A_234 = arith.constant 640 : i32
      %mul3A_235 = arith.muli %scan3A_81, %mul3A_234 : i32
      %add3A_236 = arith.constant 32 : i32
      %add3A_237 = arith.addi %mul3A_235, %add3A_236 : i32
      %get3A_238 = arith.index_cast %add3A_237 : i32 to index
      %get3A_239 = tpu.vector_load %arg12[%get3A_238] {strides = array<i32>} : memref<5120xi32, #tpu.memory_space<vmem>>, vector<16xi32>,
      %swap3A_240 = arith.index_cast %scan3A_81 : i32 to index
      %swap3A_241 = arith.constant 32 : index
      %swap3A_242 = tpu.vector_load %arg15[%swap3A_240, %swap3A_241] {strides = array<i32>} : memref<8x64xi32, #tpu.memory_space<vmem>>, vector<16xi32>,
      tpu.vector_store %arg15[%swap3A_240, %swap3A_241], %get3A_239 {strides = array<i32>} : memref<8x64xi32, #tpu.memory_space<vmem>>, vector<16xi32>,
      %mul3A_243 = arith.constant 640 : i32
      %mul3A_244 = arith.muli %scan3A_81, %mul3A_243 : i32
      %add3A_245 = arith.constant 48 : i32
      %add3A_246 = arith.addi %mul3A_244, %add3A_245 : i32
      %get3A_247 = arith.index_cast %add3A_246 : i32 to index
      %get3A_248 = tpu.vector_load %arg11[%get3A_247] {strides = array<i32>} : memref<5120xf32, #tpu.memory_space<vmem>>, vector<16xf32>,
      %swap3A_249 = arith.index_cast %scan3A_81 : i32 to index
      %swap3A_250 = arith.constant 48 : index
      %swap3A_251 = tpu.vector_load %arg14[%swap3A_249, %swap3A_250] {strides = array<i32>} : memref<8x64xf32, #tpu.memory_space<vmem>>, vector<16xf32>,
      tpu.vector_store %arg14[%swap3A_249, %swap3A_250], %get3A_248 {strides = array<i32>} : memref<8x64xf32, #tpu.memory_space<vmem>>, vector<16xf32>,
      %mul3A_252 = arith.constant 640 : i32
      %mul3A_253 = arith.muli %scan3A_81, %mul3A_252 : i32
      %add3A_254 = arith.constant 48 : i32
      %add3A_255 = arith.addi %mul3A_253, %add3A_254 : i32
      %get3A_256 = arith.index_cast %add3A_255 : i32 to index
      %get3A_257 = tpu.vector_load %arg12[%get3A_256] {strides = array<i32>} : memref<5120xi32, #tpu.memory_space<vmem>>, vector<16xi32>,
      %swap3A_258 = arith.index_cast %scan3A_81 : i32 to index
      %swap3A_259 = arith.constant 48 : index
      %swap3A_260 = tpu.vector_load %arg15[%swap3A_258, %swap3A_259] {strides = array<i32>} : memref<8x64xi32, #tpu.memory_space<vmem>>, vector<16xi32>,
      tpu.vector_store %arg15[%swap3A_258, %swap3A_259], %get3A_257 {strides = array<i32>} : memref<8x64xi32, #tpu.memory_space<vmem>>, vector<16xi32>,
      %scan3A_261 = arith.constant 0 : i32
      scf.yield %scan3A_261 : i32
    }
    %scan3A_69 = arith.constant 8 : i32
    %mul3A_70 = arith.constant 32 : i32
    %mul3A_71 = arith.muli %add3A, %mul3A_70 : i32
    %mul3A_72 = arith.constant 8 : i32
    %mul3A_73 = arith.muli %select_n3A_30, %mul3A_72 : i32
    %add3A_74 = arith.addi %mul3A_71, %mul3A_73 : i32
    %multiple_of3A_75 = tpu.assume_multiple %add3A_74, 8 : i32
    "tpu.region"() ({
      %run_scoped3A = tpu.sem_alloc : memref<!tpu.dma_semaphore, #tpu.memory_space<semaphore_mem>>
      %dma_start3A_81 = arith.constant 0 : i32
      %dma_start3A_82 = tpu.memref_slice %arg6[%multiple_of3A_75, %dma_start3A_81] : memref<256x64xf32, #tpu.memory_space<hbm>> -> memref<8x64xf32, #tpu.memory_space<hbm>>
      %dma_start3A_83 = arith.constant 0 : i32
      %dma_start3A_84 = tpu.memref_slice %arg6[%multiple_of3A_75, %dma_start3A_83] : memref<256x64xf32, #tpu.memory_space<hbm>> -> memref<8x64xf32, #tpu.memory_space<hbm>>
      tpu.enqueue_dma source(%arg14 : memref<8x64xf32, #tpu.memory_space<vmem>>) target(%dma_start3A_84 : memref<8x64xf32, #tpu.memory_space<hbm>>) target_semaphore(%run_scoped3A : memref<!tpu.dma_semaphore, #tpu.memory_space<semaphore_mem>>)
      %dma_wait3A = arith.constant 0 : i32
      %dma_wait3A_85 = tpu.memref_slice %arg6[%multiple_of3A_75, %dma_wait3A] : memref<256x64xf32, #tpu.memory_space<hbm>> -> memref<8x64xf32, #tpu.memory_space<hbm>>
      %dma_wait3A_86 = arith.constant 0 : i32
      %dma_wait3A_87 = tpu.memref_slice %arg6[%multiple_of3A_75, %dma_wait3A_86] : memref<256x64xf32, #tpu.memory_space<hbm>> -> memref<8x64xf32, #tpu.memory_space<hbm>>
      tpu.wait_dma2 semaphore(%run_scoped3A : memref<!tpu.dma_semaphore, #tpu.memory_space<semaphore_mem>>) src(%arg14 : memref<8x64xf32, #tpu.memory_space<vmem>>) dst(%dma_wait3A_87 : memref<8x64xf32, #tpu.memory_space<hbm>>)
      tpu.yield
    }) : () -> ()
    "tpu.region"() ({
      %run_scoped3A = tpu.sem_alloc : memref<!tpu.dma_semaphore, #tpu.memory_space<semaphore_mem>>
      %dma_start3A_81 = arith.constant 0 : i32
      %dma_start3A_82 = tpu.memref_slice %arg7[%multiple_of3A_75, %dma_start3A_81] : memref<256x64xi32, #tpu.memory_space<hbm>> -> memref<8x64xi32, #tpu.memory_space<hbm>>
      %dma_start3A_83 = arith.constant 0 : i32
      %dma_start3A_84 = tpu.memref_slice %arg7[%multiple_of3A_75, %dma_start3A_83] : memref<256x64xi32, #tpu.memory_space<hbm>> -> memref<8x64xi32, #tpu.memory_space<hbm>>
      tpu.enqueue_dma source(%arg15 : memref<8x64xi32, #tpu.memory_space<vmem>>) target(%dma_start3A_84 : memref<8x64xi32, #tpu.memory_space<hbm>>) target_semaphore(%run_scoped3A : memref<!tpu.dma_semaphore, #tpu.memory_space<semaphore_mem>>)
      %dma_wait3A = arith.constant 0 : i32
      %dma_wait3A_85 = tpu.memref_slice %arg7[%multiple_of3A_75, %dma_wait3A] : memref<256x64xi32, #tpu.memory_space<hbm>> -> memref<8x64xi32, #tpu.memory_space<hbm>>
      %dma_wait3A_86 = arith.constant 0 : i32
      %dma_wait3A_87 = tpu.memref_slice %arg7[%multiple_of3A_75, %dma_wait3A_86] : memref<256x64xi32, #tpu.memory_space<hbm>> -> memref<8x64xi32, #tpu.memory_space<hbm>>
      tpu.wait_dma2 semaphore(%run_scoped3A : memref<!tpu.dma_semaphore, #tpu.memory_space<semaphore_mem>>) src(%arg15 : memref<8x64xi32, #tpu.memory_space<vmem>>) dst(%dma_wait3A_87 : memref<8x64xi32, #tpu.memory_space<hbm>>)
      tpu.yield
    }) : () -> ()
    %barrier3A = arith.constant 0 : index
    tpu.barrier barrier_id(%barrier3A)
    %eq3A_76 = arith.constant 0 : i32
    %eq3A_77 = arith.cmpi eq, %select_n3A_30, %eq3A_76 : i32
    %convert_element_type3A_78 = arith.extui %eq3A_77 : i1 to i32
    %cond3A_79 = arith.constant 0 : i32
    %cond3A_80 = arith.cmpi ne, %convert_element_type3A_78, %cond3A_79 : i32
    scf.if %cond3A_80 {
      %mul3A_81 = arith.constant 32 : i32
      %mul3A_82 = arith.muli %add3A, %mul3A_81 : i32
      %add3A_83 = arith.constant 0 : i32
      %add3A_84 = arith.addi %mul3A_82, %add3A_83 : i32
      %multiple_of3A_85 = tpu.assume_multiple %add3A_84, 8 : i32
      "tpu.region"() ({
        %run_scoped3A = tpu.sem_alloc : memref<!tpu.dma_semaphore, #tpu.memory_space<semaphore_mem>>
        %dma_start3A_108 = arith.constant 0 : i32
        %dma_start3A_109 = arith.constant 0 : i32
        %dma_start3A_110 = tpu.memref_slice %arg16[%dma_start3A_108, %dma_start3A_109] : memref<32x64xf32, #tpu.memory_space<vmem>> -> memref<8x64xf32, #tpu.memory_space<vmem>>
        %dma_start3A_111 = arith.constant 0 : i32
        %dma_start3A_112 = tpu.memref_slice %arg6[%multiple_of3A_85, %dma_start3A_111] : memref<256x64xf32, #tpu.memory_space<hbm>> -> memref<8x64xf32, #tpu.memory_space<hbm>>
        %dma_start3A_113 = arith.constant 0 : i32
        %dma_start3A_114 = arith.constant 0 : i32
        %dma_start3A_115 = tpu.memref_slice %arg16[%dma_start3A_113, %dma_start3A_114] : memref<32x64xf32, #tpu.memory_space<vmem>> -> memref<8x64xf32, #tpu.memory_space<vmem>>
        %dma_start3A_116 = arith.constant 0 : i32
        %dma_start3A_117 = tpu.memref_slice %arg6[%multiple_of3A_85, %dma_start3A_116] : memref<256x64xf32, #tpu.memory_space<hbm>> -> memref<8x64xf32, #tpu.memory_space<hbm>>
        tpu.enqueue_dma source(%dma_start3A_117 : memref<8x64xf32, #tpu.memory_space<hbm>>) target(%dma_start3A_115 : memref<8x64xf32, #tpu.memory_space<vmem>>) target_semaphore(%run_scoped3A : memref<!tpu.dma_semaphore, #tpu.memory_space<semaphore_mem>>)
        %dma_wait3A = arith.constant 0 : i32
        %dma_wait3A_118 = arith.constant 0 : i32
        %dma_wait3A_119 = tpu.memref_slice %arg16[%dma_wait3A, %dma_wait3A_118] : memref<32x64xf32, #tpu.memory_space<vmem>> -> memref<8x64xf32, #tpu.memory_space<vmem>>
        %dma_wait3A_120 = arith.constant 0 : i32
        %dma_wait3A_121 = tpu.memref_slice %arg6[%multiple_of3A_85, %dma_wait3A_120] : memref<256x64xf32, #tpu.memory_space<hbm>> -> memref<8x64xf32, #tpu.memory_space<hbm>>
        %dma_wait3A_122 = arith.constant 0 : i32
        %dma_wait3A_123 = arith.constant 0 : i32
        %dma_wait3A_124 = tpu.memref_slice %arg16[%dma_wait3A_122, %dma_wait3A_123] : memref<32x64xf32, #tpu.memory_space<vmem>> -> memref<8x64xf32, #tpu.memory_space<vmem>>
        %dma_wait3A_125 = arith.constant 0 : i32
        %dma_wait3A_126 = tpu.memref_slice %arg6[%multiple_of3A_85, %dma_wait3A_125] : memref<256x64xf32, #tpu.memory_space<hbm>> -> memref<8x64xf32, #tpu.memory_space<hbm>>
        tpu.wait_dma2 semaphore(%run_scoped3A : memref<!tpu.dma_semaphore, #tpu.memory_space<semaphore_mem>>) src(%dma_wait3A_126 : memref<8x64xf32, #tpu.memory_space<hbm>>) dst(%dma_wait3A_124 : memref<8x64xf32, #tpu.memory_space<vmem>>)
        tpu.yield
      }) : () -> ()
      "tpu.region"() ({
        %run_scoped3A = tpu.sem_alloc : memref<!tpu.dma_semaphore, #tpu.memory_space<semaphore_mem>>
        %dma_start3A_108 = arith.constant 0 : i32
        %dma_start3A_109 = arith.constant 0 : i32
        %dma_start3A_110 = tpu.memref_slice %arg17[%dma_start3A_108, %dma_start3A_109] : memref<32x64xi32, #tpu.memory_space<vmem>> -> memref<8x64xi32, #tpu.memory_space<vmem>>
        %dma_start3A_111 = arith.constant 0 : i32
        %dma_start3A_112 = tpu.memref_slice %arg7[%multiple_of3A_85, %dma_start3A_111] : memref<256x64xi32, #tpu.memory_space<hbm>> -> memref<8x64xi32, #tpu.memory_space<hbm>>
        %dma_start3A_113 = arith.constant 0 : i32
        %dma_start3A_114 = arith.constant 0 : i32
        %dma_start3A_115 = tpu.memref_slice %arg17[%dma_start3A_113, %dma_start3A_114] : memref<32x64xi32, #tpu.memory_space<vmem>> -> memref<8x64xi32, #tpu.memory_space<vmem>>
        %dma_start3A_116 = arith.constant 0 : i32
        %dma_start3A_117 = tpu.memref_slice %arg7[%multiple_of3A_85, %dma_start3A_116] : memref<256x64xi32, #tpu.memory_space<hbm>> -> memref<8x64xi32, #tpu.memory_space<hbm>>
        tpu.enqueue_dma source(%dma_start3A_117 : memref<8x64xi32, #tpu.memory_space<hbm>>) target(%dma_start3A_115 : memref<8x64xi32, #tpu.memory_space<vmem>>) target_semaphore(%run_scoped3A : memref<!tpu.dma_semaphore, #tpu.memory_space<semaphore_mem>>)
        %dma_wait3A = arith.constant 0 : i32
        %dma_wait3A_118 = arith.constant 0 : i32
        %dma_wait3A_119 = tpu.memref_slice %arg17[%dma_wait3A, %dma_wait3A_118] : memref<32x64xi32, #tpu.memory_space<vmem>> -> memref<8x64xi32, #tpu.memory_space<vmem>>
        %dma_wait3A_120 = arith.constant 0 : i32
        %dma_wait3A_121 = tpu.memref_slice %arg7[%multiple_of3A_85, %dma_wait3A_120] : memref<256x64xi32, #tpu.memory_space<hbm>> -> memref<8x64xi32, #tpu.memory_space<hbm>>
        %dma_wait3A_122 = arith.constant 0 : i32
        %dma_wait3A_123 = arith.constant 0 : i32
        %dma_wait3A_124 = tpu.memref_slice %arg17[%dma_wait3A_122, %dma_wait3A_123] : memref<32x64xi32, #tpu.memory_space<vmem>> -> memref<8x64xi32, #tpu.memory_space<vmem>>
        %dma_wait3A_125 = arith.constant 0 : i32
        %dma_wait3A_126 = tpu.memref_slice %arg7[%multiple_of3A_85, %dma_wait3A_125] : memref<256x64xi32, #tpu.memory_space<hbm>> -> memref<8x64xi32, #tpu.memory_space<hbm>>
        tpu.wait_dma2 semaphore(%run_scoped3A : memref<!tpu.dma_semaphore, #tpu.memory_space<semaphore_mem>>) src(%dma_wait3A_126 : memref<8x64xi32, #tpu.memory_space<hbm>>) dst(%dma_wait3A_124 : memref<8x64xi32, #tpu.memory_space<vmem>>)
        tpu.yield
      }) : () -> ()
      %mul3A_86 = arith.constant 32 : i32
      %mul3A_87 = arith.muli %add3A, %mul3A_86 : i32
      %add3A_88 = arith.constant 8 : i32
      %add3A_89 = arith.addi %mul3A_87, %add3A_88 : i32
      %multiple_of3A_90 = tpu.assume_multiple %add3A_89, 8 : i32
      "tpu.region"() ({
        %run_scoped3A = tpu.sem_alloc : memref<!tpu.dma_semaphore, #tpu.memory_space<semaphore_mem>>
        %dma_start3A_108 = arith.constant 8 : i32
        %dma_start3A_109 = arith.constant 0 : i32
        %dma_start3A_110 = tpu.memref_slice %arg16[%dma_start3A_108, %dma_start3A_109] : memref<32x64xf32, #tpu.memory_space<vmem>> -> memref<8x64xf32, #tpu.memory_space<vmem>>
        %dma_start3A_111 = arith.constant 0 : i32
        %dma_start3A_112 = tpu.memref_slice %arg6[%multiple_of3A_90, %dma_start3A_111] : memref<256x64xf32, #tpu.memory_space<hbm>> -> memref<8x64xf32, #tpu.memory_space<hbm>>
        %dma_start3A_113 = arith.constant 8 : i32
        %dma_start3A_114 = arith.constant 0 : i32
        %dma_start3A_115 = tpu.memref_slice %arg16[%dma_start3A_113, %dma_start3A_114] : memref<32x64xf32, #tpu.memory_space<vmem>> -> memref<8x64xf32, #tpu.memory_space<vmem>>
        %dma_start3A_116 = arith.constant 0 : i32
        %dma_start3A_117 = tpu.memref_slice %arg6[%multiple_of3A_90, %dma_start3A_116] : memref<256x64xf32, #tpu.memory_space<hbm>> -> memref<8x64xf32, #tpu.memory_space<hbm>>
        tpu.enqueue_dma source(%dma_start3A_117 : memref<8x64xf32, #tpu.memory_space<hbm>>) target(%dma_start3A_115 : memref<8x64xf32, #tpu.memory_space<vmem>>) target_semaphore(%run_scoped3A : memref<!tpu.dma_semaphore, #tpu.memory_space<semaphore_mem>>)
        %dma_wait3A = arith.constant 8 : i32
        %dma_wait3A_118 = arith.constant 0 : i32
        %dma_wait3A_119 = tpu.memref_slice %arg16[%dma_wait3A, %dma_wait3A_118] : memref<32x64xf32, #tpu.memory_space<vmem>> -> memref<8x64xf32, #tpu.memory_space<vmem>>
        %dma_wait3A_120 = arith.constant 0 : i32
        %dma_wait3A_121 = tpu.memref_slice %arg6[%multiple_of3A_90, %dma_wait3A_120] : memref<256x64xf32, #tpu.memory_space<hbm>> -> memref<8x64xf32, #tpu.memory_space<hbm>>
        %dma_wait3A_122 = arith.constant 8 : i32
        %dma_wait3A_123 = arith.constant 0 : i32
        %dma_wait3A_124 = tpu.memref_slice %arg16[%dma_wait3A_122, %dma_wait3A_123] : memref<32x64xf32, #tpu.memory_space<vmem>> -> memref<8x64xf32, #tpu.memory_space<vmem>>
        %dma_wait3A_125 = arith.constant 0 : i32
        %dma_wait3A_126 = tpu.memref_slice %arg6[%multiple_of3A_90, %dma_wait3A_125] : memref<256x64xf32, #tpu.memory_space<hbm>> -> memref<8x64xf32, #tpu.memory_space<hbm>>
        tpu.wait_dma2 semaphore(%run_scoped3A : memref<!tpu.dma_semaphore, #tpu.memory_space<semaphore_mem>>) src(%dma_wait3A_126 : memref<8x64xf32, #tpu.memory_space<hbm>>) dst(%dma_wait3A_124 : memref<8x64xf32, #tpu.memory_space<vmem>>)
        tpu.yield
      }) : () -> ()
      "tpu.region"() ({
        %run_scoped3A = tpu.sem_alloc : memref<!tpu.dma_semaphore, #tpu.memory_space<semaphore_mem>>
        %dma_start3A_108 = arith.constant 8 : i32
        %dma_start3A_109 = arith.constant 0 : i32
        %dma_start3A_110 = tpu.memref_slice %arg17[%dma_start3A_108, %dma_start3A_109] : memref<32x64xi32, #tpu.memory_space<vmem>> -> memref<8x64xi32, #tpu.memory_space<vmem>>
        %dma_start3A_111 = arith.constant 0 : i32
        %dma_start3A_112 = tpu.memref_slice %arg7[%multiple_of3A_90, %dma_start3A_111] : memref<256x64xi32, #tpu.memory_space<hbm>> -> memref<8x64xi32, #tpu.memory_space<hbm>>
        %dma_start3A_113 = arith.constant 8 : i32
        %dma_start3A_114 = arith.constant 0 : i32
        %dma_start3A_115 = tpu.memref_slice %arg17[%dma_start3A_113, %dma_start3A_114] : memref<32x64xi32, #tpu.memory_space<vmem>> -> memref<8x64xi32, #tpu.memory_space<vmem>>
        %dma_start3A_116 = arith.constant 0 : i32
        %dma_start3A_117 = tpu.memref_slice %arg7[%multiple_of3A_90, %dma_start3A_116] : memref<256x64xi32, #tpu.memory_space<hbm>> -> memref<8x64xi32, #tpu.memory_space<hbm>>
        tpu.enqueue_dma source(%dma_start3A_117 : memref<8x64xi32, #tpu.memory_space<hbm>>) target(%dma_start3A_115 : memref<8x64xi32, #tpu.memory_space<vmem>>) target_semaphore(%run_scoped3A : memref<!tpu.dma_semaphore, #tpu.memory_space<semaphore_mem>>)
        %dma_wait3A = arith.constant 8 : i32
        %dma_wait3A_118 = arith.constant 0 : i32
        %dma_wait3A_119 = tpu.memref_slice %arg17[%dma_wait3A, %dma_wait3A_118] : memref<32x64xi32, #tpu.memory_space<vmem>> -> memref<8x64xi32, #tpu.memory_space<vmem>>
        %dma_wait3A_120 = arith.constant 0 : i32
        %dma_wait3A_121 = tpu.memref_slice %arg7[%multiple_of3A_90, %dma_wait3A_120] : memref<256x64xi32, #tpu.memory_space<hbm>> -> memref<8x64xi32, #tpu.memory_space<hbm>>
        %dma_wait3A_122 = arith.constant 8 : i32
        %dma_wait3A_123 = arith.constant 0 : i32
        %dma_wait3A_124 = tpu.memref_slice %arg17[%dma_wait3A_122, %dma_wait3A_123] : memref<32x64xi32, #tpu.memory_space<vmem>> -> memref<8x64xi32, #tpu.memory_space<vmem>>
        %dma_wait3A_125 = arith.constant 0 : i32
        %dma_wait3A_126 = tpu.memref_slice %arg7[%multiple_of3A_90, %dma_wait3A_125] : memref<256x64xi32, #tpu.memory_space<hbm>> -> memref<8x64xi32, #tpu.memory_space<hbm>>
        tpu.wait_dma2 semaphore(%run_scoped3A : memref<!tpu.dma_semaphore, #tpu.memory_space<semaphore_mem>>) src(%dma_wait3A_126 : memref<8x64xi32, #tpu.memory_space<hbm>>) dst(%dma_wait3A_124 : memref<8x64xi32, #tpu.memory_space<vmem>>)
        tpu.yield
      }) : () -> ()
      %mul3A_91 = arith.constant 32 : i32
      %mul3A_92 = arith.muli %add3A, %mul3A_91 : i32
      %add3A_93 = arith.constant 16 : i32
      %add3A_94 = arith.addi %mul3A_92, %add3A_93 : i32
      %multiple_of3A_95 = tpu.assume_multiple %add3A_94, 8 : i32
      "tpu.region"() ({
        %run_scoped3A = tpu.sem_alloc : memref<!tpu.dma_semaphore, #tpu.memory_space<semaphore_mem>>
        %dma_start3A_108 = arith.constant 16 : i32
        %dma_start3A_109 = arith.constant 0 : i32
        %dma_start3A_110 = tpu.memref_slice %arg16[%dma_start3A_108, %dma_start3A_109] : memref<32x64xf32, #tpu.memory_space<vmem>> -> memref<8x64xf32, #tpu.memory_space<vmem>>
        %dma_start3A_111 = arith.constant 0 : i32
        %dma_start3A_112 = tpu.memref_slice %arg6[%multiple_of3A_95, %dma_start3A_111] : memref<256x64xf32, #tpu.memory_space<hbm>> -> memref<8x64xf32, #tpu.memory_space<hbm>>
        %dma_start3A_113 = arith.constant 16 : i32
        %dma_start3A_114 = arith.constant 0 : i32
        %dma_start3A_115 = tpu.memref_slice %arg16[%dma_start3A_113, %dma_start3A_114] : memref<32x64xf32, #tpu.memory_space<vmem>> -> memref<8x64xf32, #tpu.memory_space<vmem>>
        %dma_start3A_116 = arith.constant 0 : i32
        %dma_start3A_117 = tpu.memref_slice %arg6[%multiple_of3A_95, %dma_start3A_116] : memref<256x64xf32, #tpu.memory_space<hbm>> -> memref<8x64xf32, #tpu.memory_space<hbm>>
        tpu.enqueue_dma source(%dma_start3A_117 : memref<8x64xf32, #tpu.memory_space<hbm>>) target(%dma_start3A_115 : memref<8x64xf32, #tpu.memory_space<vmem>>) target_semaphore(%run_scoped3A : memref<!tpu.dma_semaphore, #tpu.memory_space<semaphore_mem>>)
        %dma_wait3A = arith.constant 16 : i32
        %dma_wait3A_118 = arith.constant 0 : i32
        %dma_wait3A_119 = tpu.memref_slice %arg16[%dma_wait3A, %dma_wait3A_118] : memref<32x64xf32, #tpu.memory_space<vmem>> -> memref<8x64xf32, #tpu.memory_space<vmem>>
        %dma_wait3A_120 = arith.constant 0 : i32
        %dma_wait3A_121 = tpu.memref_slice %arg6[%multiple_of3A_95, %dma_wait3A_120] : memref<256x64xf32, #tpu.memory_space<hbm>> -> memref<8x64xf32, #tpu.memory_space<hbm>>
        %dma_wait3A_122 = arith.constant 16 : i32
        %dma_wait3A_123 = arith.constant 0 : i32
        %dma_wait3A_124 = tpu.memref_slice %arg16[%dma_wait3A_122, %dma_wait3A_123] : memref<32x64xf32, #tpu.memory_space<vmem>> -> memref<8x64xf32, #tpu.memory_space<vmem>>
        %dma_wait3A_125 = arith.constant 0 : i32
        %dma_wait3A_126 = tpu.memref_slice %arg6[%multiple_of3A_95, %dma_wait3A_125] : memref<256x64xf32, #tpu.memory_space<hbm>> -> memref<8x64xf32, #tpu.memory_space<hbm>>
        tpu.wait_dma2 semaphore(%run_scoped3A : memref<!tpu.dma_semaphore, #tpu.memory_space<semaphore_mem>>) src(%dma_wait3A_126 : memref<8x64xf32, #tpu.memory_space<hbm>>) dst(%dma_wait3A_124 : memref<8x64xf32, #tpu.memory_space<vmem>>)
        tpu.yield
      }) : () -> ()
      "tpu.region"() ({
        %run_scoped3A = tpu.sem_alloc : memref<!tpu.dma_semaphore, #tpu.memory_space<semaphore_mem>>
        %dma_start3A_108 = arith.constant 16 : i32
        %dma_start3A_109 = arith.constant 0 : i32
        %dma_start3A_110 = tpu.memref_slice %arg17[%dma_start3A_108, %dma_start3A_109] : memref<32x64xi32, #tpu.memory_space<vmem>> -> memref<8x64xi32, #tpu.memory_space<vmem>>
        %dma_start3A_111 = arith.constant 0 : i32
        %dma_start3A_112 = tpu.memref_slice %arg7[%multiple_of3A_95, %dma_start3A_111] : memref<256x64xi32, #tpu.memory_space<hbm>> -> memref<8x64xi32, #tpu.memory_space<hbm>>
        %dma_start3A_113 = arith.constant 16 : i32
        %dma_start3A_114 = arith.constant 0 : i32
        %dma_start3A_115 = tpu.memref_slice %arg17[%dma_start3A_113, %dma_start3A_114] : memref<32x64xi32, #tpu.memory_space<vmem>> -> memref<8x64xi32, #tpu.memory_space<vmem>>
        %dma_start3A_116 = arith.constant 0 : i32
        %dma_start3A_117 = tpu.memref_slice %arg7[%multiple_of3A_95, %dma_start3A_116] : memref<256x64xi32, #tpu.memory_space<hbm>> -> memref<8x64xi32, #tpu.memory_space<hbm>>
        tpu.enqueue_dma source(%dma_start3A_117 : memref<8x64xi32, #tpu.memory_space<hbm>>) target(%dma_start3A_115 : memref<8x64xi32, #tpu.memory_space<vmem>>) target_semaphore(%run_scoped3A : memref<!tpu.dma_semaphore, #tpu.memory_space<semaphore_mem>>)
        %dma_wait3A = arith.constant 16 : i32
        %dma_wait3A_118 = arith.constant 0 : i32
        %dma_wait3A_119 = tpu.memref_slice %arg17[%dma_wait3A, %dma_wait3A_118] : memref<32x64xi32, #tpu.memory_space<vmem>> -> memref<8x64xi32, #tpu.memory_space<vmem>>
        %dma_wait3A_120 = arith.constant 0 : i32
        %dma_wait3A_121 = tpu.memref_slice %arg7[%multiple_of3A_95, %dma_wait3A_120] : memref<256x64xi32, #tpu.memory_space<hbm>> -> memref<8x64xi32, #tpu.memory_space<hbm>>
        %dma_wait3A_122 = arith.constant 16 : i32
        %dma_wait3A_123 = arith.constant 0 : i32
        %dma_wait3A_124 = tpu.memref_slice %arg17[%dma_wait3A_122, %dma_wait3A_123] : memref<32x64xi32, #tpu.memory_space<vmem>> -> memref<8x64xi32, #tpu.memory_space<vmem>>
        %dma_wait3A_125 = arith.constant 0 : i32
        %dma_wait3A_126 = tpu.memref_slice %arg7[%multiple_of3A_95, %dma_wait3A_125] : memref<256x64xi32, #tpu.memory_space<hbm>> -> memref<8x64xi32, #tpu.memory_space<hbm>>
        tpu.wait_dma2 semaphore(%run_scoped3A : memref<!tpu.dma_semaphore, #tpu.memory_space<semaphore_mem>>) src(%dma_wait3A_126 : memref<8x64xi32, #tpu.memory_space<hbm>>) dst(%dma_wait3A_124 : memref<8x64xi32, #tpu.memory_space<vmem>>)
        tpu.yield
      }) : () -> ()
      %mul3A_96 = arith.constant 32 : i32
      %mul3A_97 = arith.muli %add3A, %mul3A_96 : i32
      %add3A_98 = arith.constant 24 : i32
      %add3A_99 = arith.addi %mul3A_97, %add3A_98 : i32
      %multiple_of3A_100 = tpu.assume_multiple %add3A_99, 8 : i32
      "tpu.region"() ({
        %run_scoped3A = tpu.sem_alloc : memref<!tpu.dma_semaphore, #tpu.memory_space<semaphore_mem>>
        %dma_start3A_108 = arith.constant 24 : i32
        %dma_start3A_109 = arith.constant 0 : i32
        %dma_start3A_110 = tpu.memref_slice %arg16[%dma_start3A_108, %dma_start3A_109] : memref<32x64xf32, #tpu.memory_space<vmem>> -> memref<8x64xf32, #tpu.memory_space<vmem>>
        %dma_start3A_111 = arith.constant 0 : i32
        %dma_start3A_112 = tpu.memref_slice %arg6[%multiple_of3A_100, %dma_start3A_111] : memref<256x64xf32, #tpu.memory_space<hbm>> -> memref<8x64xf32, #tpu.memory_space<hbm>>
        %dma_start3A_113 = arith.constant 24 : i32
        %dma_start3A_114 = arith.constant 0 : i32
        %dma_start3A_115 = tpu.memref_slice %arg16[%dma_start3A_113, %dma_start3A_114] : memref<32x64xf32, #tpu.memory_space<vmem>> -> memref<8x64xf32, #tpu.memory_space<vmem>>
        %dma_start3A_116 = arith.constant 0 : i32
        %dma_start3A_117 = tpu.memref_slice %arg6[%multiple_of3A_100, %dma_start3A_116] : memref<256x64xf32, #tpu.memory_space<hbm>> -> memref<8x64xf32, #tpu.memory_space<hbm>>
        tpu.enqueue_dma source(%dma_start3A_117 : memref<8x64xf32, #tpu.memory_space<hbm>>) target(%dma_start3A_115 : memref<8x64xf32, #tpu.memory_space<vmem>>) target_semaphore(%run_scoped3A : memref<!tpu.dma_semaphore, #tpu.memory_space<semaphore_mem>>)
        %dma_wait3A = arith.constant 24 : i32
        %dma_wait3A_118 = arith.constant 0 : i32
        %dma_wait3A_119 = tpu.memref_slice %arg16[%dma_wait3A, %dma_wait3A_118] : memref<32x64xf32, #tpu.memory_space<vmem>> -> memref<8x64xf32, #tpu.memory_space<vmem>>
        %dma_wait3A_120 = arith.constant 0 : i32
        %dma_wait3A_121 = tpu.memref_slice %arg6[%multiple_of3A_100, %dma_wait3A_120] : memref<256x64xf32, #tpu.memory_space<hbm>> -> memref<8x64xf32, #tpu.memory_space<hbm>>
        %dma_wait3A_122 = arith.constant 24 : i32
        %dma_wait3A_123 = arith.constant 0 : i32
        %dma_wait3A_124 = tpu.memref_slice %arg16[%dma_wait3A_122, %dma_wait3A_123] : memref<32x64xf32, #tpu.memory_space<vmem>> -> memref<8x64xf32, #tpu.memory_space<vmem>>
        %dma_wait3A_125 = arith.constant 0 : i32
        %dma_wait3A_126 = tpu.memref_slice %arg6[%multiple_of3A_100, %dma_wait3A_125] : memref<256x64xf32, #tpu.memory_space<hbm>> -> memref<8x64xf32, #tpu.memory_space<hbm>>
        tpu.wait_dma2 semaphore(%run_scoped3A : memref<!tpu.dma_semaphore, #tpu.memory_space<semaphore_mem>>) src(%dma_wait3A_126 : memref<8x64xf32, #tpu.memory_space<hbm>>) dst(%dma_wait3A_124 : memref<8x64xf32, #tpu.memory_space<vmem>>)
        tpu.yield
      }) : () -> ()
      "tpu.region"() ({
        %run_scoped3A = tpu.sem_alloc : memref<!tpu.dma_semaphore, #tpu.memory_space<semaphore_mem>>
        %dma_start3A_108 = arith.constant 24 : i32
        %dma_start3A_109 = arith.constant 0 : i32
        %dma_start3A_110 = tpu.memref_slice %arg17[%dma_start3A_108, %dma_start3A_109] : memref<32x64xi32, #tpu.memory_space<vmem>> -> memref<8x64xi32, #tpu.memory_space<vmem>>
        %dma_start3A_111 = arith.constant 0 : i32
        %dma_start3A_112 = tpu.memref_slice %arg7[%multiple_of3A_100, %dma_start3A_111] : memref<256x64xi32, #tpu.memory_space<hbm>> -> memref<8x64xi32, #tpu.memory_space<hbm>>
        %dma_start3A_113 = arith.constant 24 : i32
        %dma_start3A_114 = arith.constant 0 : i32
        %dma_start3A_115 = tpu.memref_slice %arg17[%dma_start3A_113, %dma_start3A_114] : memref<32x64xi32, #tpu.memory_space<vmem>> -> memref<8x64xi32, #tpu.memory_space<vmem>>
        %dma_start3A_116 = arith.constant 0 : i32
        %dma_start3A_117 = tpu.memref_slice %arg7[%multiple_of3A_100, %dma_start3A_116] : memref<256x64xi32, #tpu.memory_space<hbm>> -> memref<8x64xi32, #tpu.memory_space<hbm>>
        tpu.enqueue_dma source(%dma_start3A_117 : memref<8x64xi32, #tpu.memory_space<hbm>>) target(%dma_start3A_115 : memref<8x64xi32, #tpu.memory_space<vmem>>) target_semaphore(%run_scoped3A : memref<!tpu.dma_semaphore, #tpu.memory_space<semaphore_mem>>)
        %dma_wait3A = arith.constant 24 : i32
        %dma_wait3A_118 = arith.constant 0 : i32
        %dma_wait3A_119 = tpu.memref_slice %arg17[%dma_wait3A, %dma_wait3A_118] : memref<32x64xi32, #tpu.memory_space<vmem>> -> memref<8x64xi32, #tpu.memory_space<vmem>>
        %dma_wait3A_120 = arith.constant 0 : i32
        %dma_wait3A_121 = tpu.memref_slice %arg7[%multiple_of3A_100, %dma_wait3A_120] : memref<256x64xi32, #tpu.memory_space<hbm>> -> memref<8x64xi32, #tpu.memory_space<hbm>>
        %dma_wait3A_122 = arith.constant 24 : i32
        %dma_wait3A_123 = arith.constant 0 : i32
        %dma_wait3A_124 = tpu.memref_slice %arg17[%dma_wait3A_122, %dma_wait3A_123] : memref<32x64xi32, #tpu.memory_space<vmem>> -> memref<8x64xi32, #tpu.memory_space<vmem>>
        %dma_wait3A_125 = arith.constant 0 : i32
        %dma_wait3A_126 = tpu.memref_slice %arg7[%multiple_of3A_100, %dma_wait3A_125] : memref<256x64xi32, #tpu.memory_space<hbm>> -> memref<8x64xi32, #tpu.memory_space<hbm>>
        tpu.wait_dma2 semaphore(%run_scoped3A : memref<!tpu.dma_semaphore, #tpu.memory_space<semaphore_mem>>) src(%dma_wait3A_126 : memref<8x64xi32, #tpu.memory_space<hbm>>) dst(%dma_wait3A_124 : memref<8x64xi32, #tpu.memory_space<vmem>>)
        tpu.yield
      }) : () -> ()
      "tpu.region"() ({
        %run_scoped3A = tpu.sem_alloc : memref<!tpu.dma_semaphore, #tpu.memory_space<semaphore_mem>>
        %dma_start3A_108 = arith.constant 0 : i32
        %dma_start3A_109 = tpu.memref_slice %arg3[%multiple_of3A, %dma_start3A_108] : memref<64x64xf32, #tpu.memory_space<hbm>> -> memref<8x64xf32, #tpu.memory_space<hbm>>
        %dma_start3A_110 = arith.constant 0 : i32
        %dma_start3A_111 = tpu.memref_slice %arg3[%multiple_of3A, %dma_start3A_110] : memref<64x64xf32, #tpu.memory_space<hbm>> -> memref<8x64xf32, #tpu.memory_space<hbm>>
        tpu.enqueue_dma source(%dma_start3A_111 : memref<8x64xf32, #tpu.memory_space<hbm>>) target(%arg22 : memref<8x64xf32, #tpu.memory_space<vmem>>) target_semaphore(%run_scoped3A : memref<!tpu.dma_semaphore, #tpu.memory_space<semaphore_mem>>)
        %dma_wait3A = arith.constant 0 : i32
        %dma_wait3A_112 = tpu.memref_slice %arg3[%multiple_of3A, %dma_wait3A] : memref<64x64xf32, #tpu.memory_space<hbm>> -> memref<8x64xf32, #tpu.memory_space<hbm>>
        %dma_wait3A_113 = arith.constant 0 : i32
        %dma_wait3A_114 = tpu.memref_slice %arg3[%multiple_of3A, %dma_wait3A_113] : memref<64x64xf32, #tpu.memory_space<hbm>> -> memref<8x64xf32, #tpu.memory_space<hbm>>
        tpu.wait_dma2 semaphore(%run_scoped3A : memref<!tpu.dma_semaphore, #tpu.memory_space<semaphore_mem>>) src(%dma_wait3A_114 : memref<8x64xf32, #tpu.memory_space<hbm>>) dst(%arg22 : memref<8x64xf32, #tpu.memory_space<vmem>>)
        tpu.yield
      }) : () -> ()
      %scan3A_101 = arith.constant 0 : i32
      %scan3A_102 = arith.constant 0 : i32
      %scan3A_103 = arith.constant 8 : i32
      %scan3A_104 = arith.addi %scan3A_102, %scan3A_103 : i32
      %scan3A_105 = arith.constant 1 : i32
      %scan3A_106 = scf.for %scan3A_108 = %scan3A_102 to %scan3A_104 step %scan3A_105 iter_args(%scan3A_109 = %scan3A_101) -> (i32)  : i32 {
        %scan3A_110 = arith.constant 0 : i32
        %scan3A_111 = arith.constant 0 : i32
        %scan3A_112 = arith.constant 16 : i32
        %scan3A_113 = arith.addi %scan3A_111, %scan3A_112 : i32
        %scan3A_114 = arith.constant 1 : i32
        %scan3A_115 = scf.for %scan3A_351 = %scan3A_111 to %scan3A_113 step %scan3A_114 iter_args(%scan3A_352 = %scan3A_110) -> (i32)  : i32 {
          %jit3A_353 = arith.constant 4 : i32
          %div3A_354 = arith.divsi %scan3A_351, %jit3A_353 : i32
          %sign3A_355 = arith.constant 0 : i32
          %sign3A_356 = arith.cmpi sgt, %scan3A_351, %sign3A_355 : i32
          %sign3A_357 = arith.extui %sign3A_356 : i1 to i32
          %sign3A_358 = arith.constant 0 : i32
          %sign3A_359 = arith.cmpi slt, %scan3A_351, %sign3A_358 : i32
          %sign3A_360 = arith.extui %sign3A_359 : i1 to i32
          %sign3A_361 = arith.subi %sign3A_357, %sign3A_360 : i32
          %sign3A_362 = arith.constant 0 : i32
          %sign3A_363 = arith.cmpi sgt, %jit3A_353, %sign3A_362 : i32
          %sign3A_364 = arith.extui %sign3A_363 : i1 to i32
          %sign3A_365 = arith.constant 0 : i32
          %sign3A_366 = arith.cmpi slt, %jit3A_353, %sign3A_365 : i32
          %sign3A_367 = arith.extui %sign3A_366 : i1 to i32
          %sign3A_368 = arith.subi %sign3A_364, %sign3A_367 : i32
          %ne3A_369 = arith.cmpi ne, %sign3A_361, %sign3A_368 : i32
          %rem3A_370 = arith.remsi %scan3A_351, %jit3A_353 : i32
          %ne3A_371 = arith.constant 0 : i32
          %ne3A_372 = arith.cmpi ne, %rem3A_370, %ne3A_371 : i32
          %and3A_373 = arith.andi %ne3A_369, %ne3A_372 : i1
          %sub3A_374 = arith.constant 1 : i32
          %sub3A_375 = arith.subi %div3A_354, %sub3A_374 : i32
          %select_n3A_376 = arith.select %and3A_373, %sub3A_375, %div3A_354 : i32
          %jit3A_377 = arith.constant 4 : i32
          %eq3A_378 = arith.constant 0 : i32
          %eq3A_379 = arith.cmpi eq, %jit3A_377, %eq3A_378 : i32
          %jit3A_380 = arith.constant 1 : i32
          %select_n3A_381 = arith.select %eq3A_379, %jit3A_380, %jit3A_377 : i32
          %rem3A_382 = arith.remsi %scan3A_351, %select_n3A_381 : i32
          %ne3A_383 = arith.constant 0 : i32
          %ne3A_384 = arith.cmpi ne, %rem3A_382, %ne3A_383 : i32
          %lt3A_385 = arith.constant 0 : i32
          %lt3A_386 = arith.cmpi slt, %rem3A_382, %lt3A_385 : i32
          %lt3A_387 = arith.constant 0 : i32
          %lt3A_388 = arith.cmpi slt, %select_n3A_381, %lt3A_387 : i32
          %ne3A_389 = arith.xori %lt3A_386, %lt3A_388 : i1
          %and3A_390 = arith.andi %ne3A_389, %ne3A_384 : i1
          %add3A_391 = arith.addi %rem3A_382, %select_n3A_381 : i32
          %select_n3A_392 = arith.select %and3A_390, %add3A_391, %rem3A_382 : i32
          %mul3A_393 = arith.constant 8 : i32
          %mul3A_394 = arith.muli %select_n3A_376, %mul3A_393 : i32
          %add3A_395 = arith.addi %mul3A_394, %scan3A_108 : i32
          %mul3A_396 = arith.constant 16 : i32
          %mul3A_397 = arith.muli %select_n3A_392, %mul3A_396 : i32
          %get3A_398 = arith.index_cast %add3A_395 : i32 to index
          %get3A_399 = arith.index_cast %mul3A_397 : i32 to index
          %get3A_400 = tpu.vector_load %arg16[%get3A_398, %get3A_399] {strides = array<i32>} : memref<32x64xf32, #tpu.memory_space<vmem>>, vector<16xf32>,
          %mul3A_401 = arith.constant 16 : i32
          %mul3A_402 = arith.muli %scan3A_351, %mul3A_401 : i32
          %swap3A_403 = arith.index_cast %mul3A_402 : i32 to index
          %swap3A_404 = tpu.vector_load %arg11[%swap3A_403] {strides = array<i32>} : memref<5120xf32, #tpu.memory_space<vmem>>, vector<16xf32>,
          tpu.vector_store %arg11[%swap3A_403], %get3A_400 {strides = array<i32>} : memref<5120xf32, #tpu.memory_space<vmem>>, vector<16xf32>,
          %mul3A_405 = arith.constant 8 : i32
          %mul3A_406 = arith.muli %select_n3A_376, %mul3A_405 : i32
          %add3A_407 = arith.addi %mul3A_406, %scan3A_108 : i32
          %mul3A_408 = arith.constant 16 : i32
          %mul3A_409 = arith.muli %select_n3A_392, %mul3A_408 : i32
          %get3A_410 = arith.index_cast %add3A_407 : i32 to index
          %get3A_411 = arith.index_cast %mul3A_409 : i32 to index
          %get3A_412 = tpu.vector_load %arg17[%get3A_410, %get3A_411] {strides = array<i32>} : memref<32x64xi32, #tpu.memory_space<vmem>>, vector<16xi32>,
          %mul3A_413 = arith.constant 16 : i32
          %mul3A_414 = arith.muli %scan3A_351, %mul3A_413 : i32
          %swap3A_415 = arith.index_cast %mul3A_414 : i32 to index
          %swap3A_416 = tpu.vector_load %arg12[%swap3A_415] {strides = array<i32>} : memref<5120xi32, #tpu.memory_space<vmem>>, vector<16xi32>,
          tpu.vector_store %arg12[%swap3A_415], %get3A_412 {strides = array<i32>} : memref<5120xi32, #tpu.memory_space<vmem>>, vector<16xi32>,
          %scan3A_417 = arith.constant 0 : i32
          scf.yield %scan3A_417 : i32
        }
        %scan3A_116 = arith.constant 16 : i32
        %add3A_117 = arith.constant 256 : i32
        %add3A_118 = arith.constant 15 : i32
        %add3A_119 = arith.addi %add3A_117, %add3A_118 : i32
        %jit3A_120 = arith.constant 16 : i32
        %div3A_121 = arith.divsi %add3A_119, %jit3A_120 : i32
        %sign3A_122 = arith.constant 0 : i32
        %sign3A_123 = arith.cmpi sgt, %add3A_119, %sign3A_122 : i32
        %sign3A_124 = arith.extui %sign3A_123 : i1 to i32
        %sign3A_125 = arith.constant 0 : i32
        %sign3A_126 = arith.cmpi slt, %add3A_119, %sign3A_125 : i32
        %sign3A_127 = arith.extui %sign3A_126 : i1 to i32
        %sign3A_128 = arith.subi %sign3A_124, %sign3A_127 : i32
        %sign3A_129 = arith.constant 0 : i32
        %sign3A_130 = arith.cmpi sgt, %jit3A_120, %sign3A_129 : i32
        %sign3A_131 = arith.extui %sign3A_130 : i1 to i32
        %sign3A_132 = arith.constant 0 : i32
        %sign3A_133 = arith.cmpi slt, %jit3A_120, %sign3A_132 : i32
        %sign3A_134 = arith.extui %sign3A_133 : i1 to i32
        %sign3A_135 = arith.subi %sign3A_131, %sign3A_134 : i32
        %ne3A_136 = arith.cmpi ne, %sign3A_128, %sign3A_135 : i32
        %rem3A_137 = arith.remsi %add3A_119, %jit3A_120 : i32
        %ne3A_138 = arith.constant 0 : i32
        %ne3A_139 = arith.cmpi ne, %rem3A_137, %ne3A_138 : i32
        %and3A_140 = arith.andi %ne3A_136, %ne3A_139 : i1
        %sub3A_141 = arith.constant 1 : i32
        %sub3A_142 = arith.subi %div3A_121, %sub3A_141 : i32
        %select_n3A_143 = arith.select %and3A_140, %sub3A_142, %div3A_121 : i32
        %iota3A_144 = tpu.iota {dimensions = array<i32: 0>} : vector<16xi32>
        %while3A = arith.constant 256 : i32
        %while3A_145 = arith.constant 0 : i32
        %while3A_146 = arith.constant 0 : i32
        %while3A_147 = arith.subi %select_n3A_143, %while3A_145 : i32
        %while3A_148 = arith.addi %while3A_145, %while3A_147 : i32
        %while3A_149 = arith.constant 1 : i32
        %while3A_150 = arith.divsi %while3A_147, %while3A_149 : i32
        %while3A_151 = arith.muli %while3A_150, %while3A_149 : i32
        %while3A_152 = arith.addi %while3A_145, %while3A_151 : i32
        %while3A_153 = arith.constant 1 : i32
        %while3A_154 = scf.for %while3A_351 = %while3A_145 to %while3A_152 step %while3A_153 iter_args(%while3A_352 = %while3A_146) -> (i32)  : i32 {
          %mul3A_353 = arith.constant 16 : i32
          %mul3A_354 = arith.muli %while3A_351, %mul3A_353 : i32
          %add3A_355 = arith.constant 0 : i32
          %add3A_356 = arith.addi %add3A_355, %mul3A_354 : i32
          %get3A_357 = arith.index_cast %add3A_356 : i32 to index
          %get3A_358 = tpu.vector_load %arg11[%get3A_357] {strides = array<i32>} : memref<5120xf32, #tpu.memory_space<vmem>>, vector<16xf32>,
          %bitcast3A = vector.bitcast %get3A_358 : vector<16xf32> to vector<16xi32>
          %lt3A_359 = arith.constant -2147483648 : i32
          %lt3A_360 = vector.broadcast %lt3A_359 : i32 to vector<16xi32>
          %lt3A_361 = arith.cmpi ult, %bitcast3A, %lt3A_360 : vector<16xi32>
          %add3A_362 = arith.constant -2147483648 : i32
          %add3A_363 = vector.broadcast %add3A_362 : i32 to vector<16xi32>
          %add3A_364 = arith.addi %bitcast3A, %add3A_363 : vector<16xi32>
          %not3A = arith.constant dense<-1> : vector<16xi32>
          %not3A_365 = arith.xori %bitcast3A, %not3A : vector<16xi32>
          %select_n3A_366 = arith.select %lt3A_361, %add3A_364, %not3A_365 : vector<16xi1>, vector<16xi32>
          %mul3A_367 = arith.constant 16 : i32
          %mul3A_368 = arith.muli %while3A_351, %mul3A_367 : i32
          %add3A_369 = vector.broadcast %mul3A_368 : i32 to vector<16xi32>
          %add3A_370 = arith.addi %add3A_369, %iota3A_144 : vector<16xi32>
          %broadcast_in_dim3A_371 = vector.broadcast %while3A : i32 to vector<16xi32>
          %lt3A_372 = arith.cmpi slt, %add3A_370, %broadcast_in_dim3A_371 : vector<16xi32>
          %jit3A_373 = arith.constant 0 : i32
          %broadcast_in_dim3A_374 = vector.broadcast %jit3A_373 : i32 to vector<16xi32>
          %select_n3A_375 = arith.select %lt3A_372, %select_n3A_366, %broadcast_in_dim3A_374 : vector<16xi1>, vector<16xi32>
          %mul3A_376 = arith.constant 16 : i32
          %mul3A_377 = arith.muli %while3A_351, %mul3A_376 : i32
          %add3A_378 = arith.constant 0 : i32
          %add3A_379 = arith.addi %add3A_378, %mul3A_377 : i32
          %swap3A_380 = arith.index_cast %add3A_379 : i32 to index
          %swap3A_381 = tpu.vector_load %arg13[%swap3A_380] {strides = array<i32>} : memref<5120xi32, #tpu.memory_space<vmem>>, vector<16xi32>,
          tpu.vector_store %arg13[%swap3A_380], %select_n3A_375 {strides = array<i32>} : memref<5120xi32, #tpu.memory_space<vmem>>, vector<16xi32>,
          %while3A_382 = arith.constant 0 : i32
          scf.yield %while3A_382 : i32
        }
        %while3A_155 = arith.constant 1 : i32
        %while3A_156 = scf.for %while3A_351 = %while3A_152 to %while3A_148 step %while3A_155 iter_args(%while3A_352 = %while3A_154) -> (i32)  : i32 {
          %mul3A_353 = arith.constant 16 : i32
          %mul3A_354 = arith.muli %while3A_351, %mul3A_353 : i32
          %add3A_355 = arith.constant 0 : i32
          %add3A_356 = arith.addi %add3A_355, %mul3A_354 : i32
          %get3A_357 = arith.index_cast %add3A_356 : i32 to index
          %get3A_358 = tpu.vector_load %arg11[%get3A_357] {strides = array<i32>} : memref<5120xf32, #tpu.memory_space<vmem>>, vector<16xf32>,
          %bitcast3A = vector.bitcast %get3A_358 : vector<16xf32> to vector<16xi32>
          %lt3A_359 = arith.constant -2147483648 : i32
          %lt3A_360 = vector.broadcast %lt3A_359 : i32 to vector<16xi32>
          %lt3A_361 = arith.cmpi ult, %bitcast3A, %lt3A_360 : vector<16xi32>
          %add3A_362 = arith.constant -2147483648 : i32
          %add3A_363 = vector.broadcast %add3A_362 : i32 to vector<16xi32>
          %add3A_364 = arith.addi %bitcast3A, %add3A_363 : vector<16xi32>
          %not3A = arith.constant dense<-1> : vector<16xi32>
          %not3A_365 = arith.xori %bitcast3A, %not3A : vector<16xi32>
          %select_n3A_366 = arith.select %lt3A_361, %add3A_364, %not3A_365 : vector<16xi1>, vector<16xi32>
          %mul3A_367 = arith.constant 16 : i32
          %mul3A_368 = arith.muli %while3A_351, %mul3A_367 : i32
          %add3A_369 = vector.broadcast %mul3A_368 : i32 to vector<16xi32>
          %add3A_370 = arith.addi %add3A_369, %iota3A_144 : vector<16xi32>
          %broadcast_in_dim3A_371 = vector.broadcast %while3A : i32 to vector<16xi32>
          %lt3A_372 = arith.cmpi slt, %add3A_370, %broadcast_in_dim3A_371 : vector<16xi32>
          %jit3A_373 = arith.constant 0 : i32
          %broadcast_in_dim3A_374 = vector.broadcast %jit3A_373 : i32 to vector<16xi32>
          %select_n3A_375 = arith.select %lt3A_372, %select_n3A_366, %broadcast_in_dim3A_374 : vector<16xi1>, vector<16xi32>
          %mul3A_376 = arith.constant 16 : i32
          %mul3A_377 = arith.muli %while3A_351, %mul3A_376 : i32
          %add3A_378 = arith.constant 0 : i32
          %add3A_379 = arith.addi %add3A_378, %mul3A_377 : i32
          %swap3A_380 = arith.index_cast %add3A_379 : i32 to index
          %swap3A_381 = tpu.vector_load %arg13[%swap3A_380] {strides = array<i32>} : memref<5120xi32, #tpu.memory_space<vmem>>, vector<16xi32>,
          tpu.vector_store %arg13[%swap3A_380], %select_n3A_375 {strides = array<i32>} : memref<5120xi32, #tpu.memory_space<vmem>>, vector<16xi32>,
          %while3A_382 = arith.constant 0 : i32
          scf.yield %while3A_382 : i32
        }
        %scan3A_157 = arith.constant 0 : i32
        %scan3A_158 = arith.constant 0 : i32
        %scan3A_159 = arith.constant 32 : i32
        %scan3A_160 = arith.addi %scan3A_158, %scan3A_159 : i32
        %scan3A_161 = arith.constant 1 : i32
        %scan3A_162 = scf.for %scan3A_351 = %scan3A_158 to %scan3A_160 step %scan3A_161 iter_args(%scan3A_352 = %scan3A_157) -> (i32)  : i32 {
          %sub3A_353 = arith.constant 31 : i32
          %sub3A_354 = arith.subi %sub3A_353, %scan3A_351 : i32
          %shift_left3A = arith.constant 1 : i32
          %shift_left3A_355 = arith.shli %shift_left3A, %sub3A_354 : i32
          %or3A = arith.ori %scan3A_352, %shift_left3A_355 : i32
          %broadcast_in_dim3A_356 = vector.broadcast %or3A : i32 to vector<16xi32>
          %broadcast_in_dim3A_357 = arith.constant 0 : i32
          %broadcast_in_dim3A_358 = vector.broadcast %broadcast_in_dim3A_357 : i32 to vector<16xi32>
          %while3A_359 = arith.constant 0 : i32
          %while3A_360 = arith.subi %select_n3A_143, %while3A_359 : i32
          %while3A_361 = arith.addi %while3A_359, %while3A_360 : i32
          %while3A_362 = arith.constant 1 : i32
          %while3A_363 = arith.divsi %while3A_360, %while3A_362 : i32
          %while3A_364 = arith.muli %while3A_363, %while3A_362 : i32
          %while3A_365 = arith.addi %while3A_359, %while3A_364 : i32
          %while3A_366 = arith.constant 1 : i32
          %while3A_367 = scf.for %while3A_380 = %while3A_359 to %while3A_365 step %while3A_366 iter_args(%while3A_381 = %broadcast_in_dim3A_358) -> (vector<16xi32>)  : i32 {
            %mul3A_382 = arith.constant 16 : i32
            %mul3A_383 = arith.muli %while3A_380, %mul3A_382 : i32
            %add3A_384 = arith.constant 0 : i32
            %add3A_385 = arith.addi %add3A_384, %mul3A_383 : i32
            %get3A_386 = arith.index_cast %add3A_385 : i32 to index
            %get3A_387 = tpu.vector_load %arg13[%get3A_386] {strides = array<i32>} : memref<5120xi32, #tpu.memory_space<vmem>>, vector<16xi32>,
            %ge3A_388 = arith.cmpi uge, %get3A_387, %broadcast_in_dim3A_356 : vector<16xi32>
            %all_reduce_population_count3A = tpu.all_reduce %ge3A_388 {dim = 0 : i64, kind = #tpu.reduction_kind<sum>} : vector<16xi1> -> vector<16xi32>
            %add3A_389 = arith.addi %while3A_381, %all_reduce_population_count3A : vector<16xi32>
            scf.yield %add3A_389 : vector<16xi32>
          }
          %while3A_368 = arith.constant 1 : i32
          %while3A_369 = scf.for %while3A_380 = %while3A_365 to %while3A_361 step %while3A_368 iter_args(%while3A_381 = %while3A_367) -> (vector<16xi32>)  : i32 {
            %mul3A_382 = arith.constant 16 : i32
            %mul3A_383 = arith.muli %while3A_380, %mul3A_382 : i32
            %add3A_384 = arith.constant 0 : i32
            %add3A_385 = arith.addi %add3A_384, %mul3A_383 : i32
            %get3A_386 = arith.index_cast %add3A_385 : i32 to index
            %get3A_387 = tpu.vector_load %arg13[%get3A_386] {strides = array<i32>} : memref<5120xi32, #tpu.memory_space<vmem>>, vector<16xi32>,
            %ge3A_388 = arith.cmpi uge, %get3A_387, %broadcast_in_dim3A_356 : vector<16xi32>
            %all_reduce_population_count3A = tpu.all_reduce %ge3A_388 {dim = 0 : i64, kind = #tpu.reduction_kind<sum>} : vector<16xi1> -> vector<16xi32>
            %add3A_389 = arith.addi %while3A_381, %all_reduce_population_count3A : vector<16xi32>
            scf.yield %add3A_389 : vector<16xi32>
          }
          %reduce_max3A_370 = arith.constant true
          %reduce_max3A_371 = vector.broadcast %reduce_max3A_370 : i1 to vector<16xi1>
          %reduce_max3A_372 = arith.constant -2147483648 : i32
          %reduce_max3A_373 = vector.broadcast %reduce_max3A_372 : i32 to vector<16xi32>
          %reduce_max3A_374 = arith.xori %while3A_369, %reduce_max3A_373 : vector<16xi32>
          %reduce_max3A_375 = tpu.scan <max>, %reduce_max3A_374 masked %reduce_max3A_371 : vector<16xi32>, vector<16xi1> -> vector<16xi32>
          %reduce_max3A_376 = arith.xori %reduce_max3A_375, %reduce_max3A_373 : vector<16xi32>
          %reduce_max3A_377 = vector.extract %reduce_max3A_376[15] : i32 from vector<16xi32>
          %ge3A = arith.constant 64 : i32
          %ge3A_378 = arith.cmpi sge, %reduce_max3A_377, %ge3A : i32
          %select_n3A_379 = arith.select %ge3A_378, %or3A, %scan3A_352 : i32
          scf.yield %select_n3A_379 : i32
        }
        %scan3A_163 = arith.constant 32 : i32
        %broadcast_in_dim3A = vector.broadcast %scan3A_162 : i32 to vector<16xi32>
        %broadcast_in_dim3A_164 = arith.constant 0 : i32
        %broadcast_in_dim3A_165 = vector.broadcast %broadcast_in_dim3A_164 : i32 to vector<16xi32>
        %while3A_166 = arith.constant 0 : i32
        %while3A_167 = arith.subi %select_n3A_143, %while3A_166 : i32
        %while3A_168 = arith.addi %while3A_166, %while3A_167 : i32
        %while3A_169 = arith.constant 1 : i32
        %while3A_170 = arith.divsi %while3A_167, %while3A_169 : i32
        %while3A_171 = arith.muli %while3A_170, %while3A_169 : i32
        %while3A_172 = arith.addi %while3A_166, %while3A_171 : i32
        %while3A_173 = arith.constant 1 : i32
        %while3A_174 = scf.for %while3A_351 = %while3A_166 to %while3A_172 step %while3A_173 iter_args(%while3A_352 = %broadcast_in_dim3A_165) -> (vector<16xi32>)  : i32 {
          %mul3A_353 = arith.constant 16 : i32
          %mul3A_354 = arith.muli %while3A_351, %mul3A_353 : i32
          %add3A_355 = arith.constant 0 : i32
          %add3A_356 = arith.addi %add3A_355, %mul3A_354 : i32
          %get3A_357 = arith.index_cast %add3A_356 : i32 to index
          %get3A_358 = tpu.vector_load %arg13[%get3A_357] {strides = array<i32>} : memref<5120xi32, #tpu.memory_space<vmem>>, vector<16xi32>,
          %gt3A = arith.cmpi ugt, %get3A_358, %broadcast_in_dim3A : vector<16xi32>
          %all_reduce_population_count3A = tpu.all_reduce %gt3A {dim = 0 : i64, kind = #tpu.reduction_kind<sum>} : vector<16xi1> -> vector<16xi32>
          %add3A_359 = arith.addi %while3A_352, %all_reduce_population_count3A : vector<16xi32>
          scf.yield %add3A_359 : vector<16xi32>
        }
        %while3A_175 = arith.constant 1 : i32
        %while3A_176 = scf.for %while3A_351 = %while3A_172 to %while3A_168 step %while3A_175 iter_args(%while3A_352 = %while3A_174) -> (vector<16xi32>)  : i32 {
          %mul3A_353 = arith.constant 16 : i32
          %mul3A_354 = arith.muli %while3A_351, %mul3A_353 : i32
          %add3A_355 = arith.constant 0 : i32
          %add3A_356 = arith.addi %add3A_355, %mul3A_354 : i32
          %get3A_357 = arith.index_cast %add3A_356 : i32 to index
          %get3A_358 = tpu.vector_load %arg13[%get3A_357] {strides = array<i32>} : memref<5120xi32, #tpu.memory_space<vmem>>, vector<16xi32>,
          %gt3A = arith.cmpi ugt, %get3A_358, %broadcast_in_dim3A : vector<16xi32>
          %all_reduce_population_count3A = tpu.all_reduce %gt3A {dim = 0 : i64, kind = #tpu.reduction_kind<sum>} : vector<16xi1> -> vector<16xi32>
          %add3A_359 = arith.addi %while3A_352, %all_reduce_population_count3A : vector<16xi32>
          scf.yield %add3A_359 : vector<16xi32>
        }
        %reduce_max3A = arith.constant true
        %reduce_max3A_177 = vector.broadcast %reduce_max3A : i1 to vector<16xi1>
        %reduce_max3A_178 = arith.constant -2147483648 : i32
        %reduce_max3A_179 = vector.broadcast %reduce_max3A_178 : i32 to vector<16xi32>
        %reduce_max3A_180 = arith.xori %while3A_176, %reduce_max3A_179 : vector<16xi32>
        %reduce_max3A_181 = tpu.scan <max>, %reduce_max3A_180 masked %reduce_max3A_177 : vector<16xi32>, vector<16xi1> -> vector<16xi32>
        %reduce_max3A_182 = arith.xori %reduce_max3A_181, %reduce_max3A_179 : vector<16xi32>
        %reduce_max3A_183 = vector.extract %reduce_max3A_182[15] : i32 from vector<16xi32>
        %sub3A_184 = arith.constant 64 : i32
        %sub3A_185 = arith.subi %sub3A_184, %reduce_max3A_183 : i32
        %while3A_186 = arith.constant 0 : i32
        %while3A_187 = arith.constant 0 : i32
        %while3A_188 = arith.constant 0 : i32
        %while3A_189 = arith.subi %select_n3A_143, %while3A_186 : i32
        %while3A_190 = arith.addi %while3A_186, %while3A_189 : i32
        %while3A_191 = arith.constant 1 : i32
        %while3A_192 = arith.divsi %while3A_189, %while3A_191 : i32
        %while3A_193 = arith.muli %while3A_192, %while3A_191 : i32
        %while3A_194 = arith.addi %while3A_186, %while3A_193 : i32
        %while3A_195 = arith.constant 1 : i32
        %while3A_196:2 = scf.for %while3A_351 = %while3A_186 to %while3A_194 step %while3A_195 iter_args(%while3A_352 = %while3A_187, %while3A_353 = %while3A_188) -> (i32, i32)  : i32 {
          %mul3A_354 = arith.constant 16 : i32
          %mul3A_355 = arith.muli %while3A_351, %mul3A_354 : i32
          %add3A_356 = arith.constant 0 : i32
          %add3A_357 = arith.addi %add3A_356, %mul3A_355 : i32
          %get3A_358 = arith.index_cast %add3A_357 : i32 to index
          %get3A_359 = tpu.vector_load %arg13[%get3A_358] {strides = array<i32>} : memref<5120xi32, #tpu.memory_space<vmem>>, vector<16xi32>,
          %gt3A = arith.cmpi ugt, %get3A_359, %broadcast_in_dim3A : vector<16xi32>
          %eq3A_360 = arith.cmpi eq, %get3A_359, %broadcast_in_dim3A : vector<16xi32>
          %convert_element_type3A_361 = arith.extui %eq3A_360 : vector<16xi1> to vector<16xi32>
          %broadcast_in_dim3A_362 = arith.constant true
          %broadcast_in_dim3A_363 = vector.broadcast %broadcast_in_dim3A_362 : i1 to vector<16xi1>
          %masked_cumsum3A = tpu.scan <sum>, %convert_element_type3A_361 masked %broadcast_in_dim3A_363 : vector<16xi32>, vector<16xi1> -> vector<16xi32>
          %broadcast_in_dim3A_364 = vector.broadcast %while3A_353 : i32 to vector<16xi32>
          %add3A_365 = arith.addi %broadcast_in_dim3A_364, %masked_cumsum3A : vector<16xi32>
          %broadcast_in_dim3A_366 = vector.broadcast %sub3A_185 : i32 to vector<16xi32>
          %le3A = arith.cmpi sle, %add3A_365, %broadcast_in_dim3A_366 : vector<16xi32>
          %and3A_367 = arith.andi %eq3A_360, %le3A : vector<16xi1>
          %or3A = arith.ori %gt3A, %and3A_367 : vector<16xi1>
          %convert_element_type3A_368 = arith.extui %or3A : vector<16xi1> to vector<16xi32>
          %broadcast_in_dim3A_369 = arith.constant true
          %broadcast_in_dim3A_370 = vector.broadcast %broadcast_in_dim3A_369 : i1 to vector<16xi1>
          %masked_cumsum3A_371 = tpu.scan <sum>, %convert_element_type3A_368 masked %broadcast_in_dim3A_370 : vector<16xi32>, vector<16xi1> -> vector<16xi32>
          %add3A_372 = arith.constant 0 : i32
          %add3A_373 = arith.addi %add3A_372, %while3A_352 : i32
          %broadcast_in_dim3A_374 = vector.broadcast %add3A_373 : i32 to vector<16xi32>
          %add3A_375 = arith.addi %broadcast_in_dim3A_374, %masked_cumsum3A_371 : vector<16xi32>
          %sub3A_376 = arith.constant 1 : i32
          %sub3A_377 = vector.broadcast %sub3A_376 : i32 to vector<16xi32>
          %sub3A_378 = arith.subi %add3A_375, %sub3A_377 : vector<16xi32>
          %mul3A_379 = arith.constant 16 : i32
          %mul3A_380 = arith.muli %while3A_351, %mul3A_379 : i32
          %add3A_381 = arith.constant 0 : i32
          %add3A_382 = arith.addi %add3A_381, %mul3A_380 : i32
          %get3A_383 = arith.index_cast %add3A_382 : i32 to index
          %get3A_384 = tpu.vector_load %arg11[%get3A_383] {strides = array<i32>} : memref<5120xf32, #tpu.memory_space<vmem>>, vector<16xf32>,
          %mul3A_385 = arith.constant 16 : i32
          %mul3A_386 = arith.muli %while3A_351, %mul3A_385 : i32
          %add3A_387 = arith.constant 0 : i32
          %add3A_388 = arith.addi %add3A_387, %mul3A_386 : i32
          %get3A_389 = arith.index_cast %add3A_388 : i32 to index
          %get3A_390 = tpu.vector_load %arg12[%get3A_389] {strides = array<i32>} : memref<5120xi32, #tpu.memory_space<vmem>>, vector<16xi32>,
          tpu.vector_store_idx %arg11[%sub3A_378], %get3A_384 masked %or3A : memref<5120xf32, #tpu.memory_space<vmem>>[vector<16xi32>], vector<16xf32>, vector<16xi1>
          tpu.vector_store_idx %arg12[%sub3A_378], %get3A_390 masked %or3A : memref<5120xi32, #tpu.memory_space<vmem>>[vector<16xi32>], vector<16xi32>, vector<16xi1>
          %all_reduce_population_count3A = tpu.all_reduce %or3A {dim = 0 : i64, kind = #tpu.reduction_kind<sum>} : vector<16xi1> -> vector<16xi32>
          %reduce_max3A_391 = arith.constant true
          %reduce_max3A_392 = vector.broadcast %reduce_max3A_391 : i1 to vector<16xi1>
          %reduce_max3A_393 = arith.constant -2147483648 : i32
          %reduce_max3A_394 = vector.broadcast %reduce_max3A_393 : i32 to vector<16xi32>
          %reduce_max3A_395 = arith.xori %all_reduce_population_count3A, %reduce_max3A_394 : vector<16xi32>
          %reduce_max3A_396 = tpu.scan <max>, %reduce_max3A_395 masked %reduce_max3A_392 : vector<16xi32>, vector<16xi1> -> vector<16xi32>
          %reduce_max3A_397 = arith.xori %reduce_max3A_396, %reduce_max3A_394 : vector<16xi32>
          %reduce_max3A_398 = vector.extract %reduce_max3A_397[15] : i32 from vector<16xi32>
          %add3A_399 = arith.addi %while3A_352, %reduce_max3A_398 : i32
          %all_reduce_population_count3A_400 = tpu.all_reduce %and3A_367 {dim = 0 : i64, kind = #tpu.reduction_kind<sum>} : vector<16xi1> -> vector<16xi32>
          %reduce_max3A_401 = arith.constant true
          %reduce_max3A_402 = vector.broadcast %reduce_max3A_401 : i1 to vector<16xi1>
          %reduce_max3A_403 = arith.constant -2147483648 : i32
          %reduce_max3A_404 = vector.broadcast %reduce_max3A_403 : i32 to vector<16xi32>
          %reduce_max3A_405 = arith.xori %all_reduce_population_count3A_400, %reduce_max3A_404 : vector<16xi32>
          %reduce_max3A_406 = tpu.scan <max>, %reduce_max3A_405 masked %reduce_max3A_402 : vector<16xi32>, vector<16xi1> -> vector<16xi32>
          %reduce_max3A_407 = arith.xori %reduce_max3A_406, %reduce_max3A_404 : vector<16xi32>
          %reduce_max3A_408 = vector.extract %reduce_max3A_407[15] : i32 from vector<16xi32>
          %add3A_409 = arith.addi %while3A_353, %reduce_max3A_408 : i32
          scf.yield %add3A_399, %add3A_409 : i32, i32
        }
        %while3A_197 = arith.constant 1 : i32
        %while3A_198:2 = scf.for %while3A_351 = %while3A_194 to %while3A_190 step %while3A_197 iter_args(%while3A_352 = %while3A_196#0, %while3A_353 = %while3A_196#1) -> (i32, i32)  : i32 {
          %mul3A_354 = arith.constant 16 : i32
          %mul3A_355 = arith.muli %while3A_351, %mul3A_354 : i32
          %add3A_356 = arith.constant 0 : i32
          %add3A_357 = arith.addi %add3A_356, %mul3A_355 : i32
          %get3A_358 = arith.index_cast %add3A_357 : i32 to index
          %get3A_359 = tpu.vector_load %arg13[%get3A_358] {strides = array<i32>} : memref<5120xi32, #tpu.memory_space<vmem>>, vector<16xi32>,
          %gt3A = arith.cmpi ugt, %get3A_359, %broadcast_in_dim3A : vector<16xi32>
          %eq3A_360 = arith.cmpi eq, %get3A_359, %broadcast_in_dim3A : vector<16xi32>
          %convert_element_type3A_361 = arith.extui %eq3A_360 : vector<16xi1> to vector<16xi32>
          %broadcast_in_dim3A_362 = arith.constant true
          %broadcast_in_dim3A_363 = vector.broadcast %broadcast_in_dim3A_362 : i1 to vector<16xi1>
          %masked_cumsum3A = tpu.scan <sum>, %convert_element_type3A_361 masked %broadcast_in_dim3A_363 : vector<16xi32>, vector<16xi1> -> vector<16xi32>
          %broadcast_in_dim3A_364 = vector.broadcast %while3A_353 : i32 to vector<16xi32>
          %add3A_365 = arith.addi %broadcast_in_dim3A_364, %masked_cumsum3A : vector<16xi32>
          %broadcast_in_dim3A_366 = vector.broadcast %sub3A_185 : i32 to vector<16xi32>
          %le3A = arith.cmpi sle, %add3A_365, %broadcast_in_dim3A_366 : vector<16xi32>
          %and3A_367 = arith.andi %eq3A_360, %le3A : vector<16xi1>
          %or3A = arith.ori %gt3A, %and3A_367 : vector<16xi1>
          %convert_element_type3A_368 = arith.extui %or3A : vector<16xi1> to vector<16xi32>
          %broadcast_in_dim3A_369 = arith.constant true
          %broadcast_in_dim3A_370 = vector.broadcast %broadcast_in_dim3A_369 : i1 to vector<16xi1>
          %masked_cumsum3A_371 = tpu.scan <sum>, %convert_element_type3A_368 masked %broadcast_in_dim3A_370 : vector<16xi32>, vector<16xi1> -> vector<16xi32>
          %add3A_372 = arith.constant 0 : i32
          %add3A_373 = arith.addi %add3A_372, %while3A_352 : i32
          %broadcast_in_dim3A_374 = vector.broadcast %add3A_373 : i32 to vector<16xi32>
          %add3A_375 = arith.addi %broadcast_in_dim3A_374, %masked_cumsum3A_371 : vector<16xi32>
          %sub3A_376 = arith.constant 1 : i32
          %sub3A_377 = vector.broadcast %sub3A_376 : i32 to vector<16xi32>
          %sub3A_378 = arith.subi %add3A_375, %sub3A_377 : vector<16xi32>
          %mul3A_379 = arith.constant 16 : i32
          %mul3A_380 = arith.muli %while3A_351, %mul3A_379 : i32
          %add3A_381 = arith.constant 0 : i32
          %add3A_382 = arith.addi %add3A_381, %mul3A_380 : i32
          %get3A_383 = arith.index_cast %add3A_382 : i32 to index
          %get3A_384 = tpu.vector_load %arg11[%get3A_383] {strides = array<i32>} : memref<5120xf32, #tpu.memory_space<vmem>>, vector<16xf32>,
          %mul3A_385 = arith.constant 16 : i32
          %mul3A_386 = arith.muli %while3A_351, %mul3A_385 : i32
          %add3A_387 = arith.constant 0 : i32
          %add3A_388 = arith.addi %add3A_387, %mul3A_386 : i32
          %get3A_389 = arith.index_cast %add3A_388 : i32 to index
          %get3A_390 = tpu.vector_load %arg12[%get3A_389] {strides = array<i32>} : memref<5120xi32, #tpu.memory_space<vmem>>, vector<16xi32>,
          tpu.vector_store_idx %arg11[%sub3A_378], %get3A_384 masked %or3A : memref<5120xf32, #tpu.memory_space<vmem>>[vector<16xi32>], vector<16xf32>, vector<16xi1>
          tpu.vector_store_idx %arg12[%sub3A_378], %get3A_390 masked %or3A : memref<5120xi32, #tpu.memory_space<vmem>>[vector<16xi32>], vector<16xi32>, vector<16xi1>
          %all_reduce_population_count3A = tpu.all_reduce %or3A {dim = 0 : i64, kind = #tpu.reduction_kind<sum>} : vector<16xi1> -> vector<16xi32>
          %reduce_max3A_391 = arith.constant true
          %reduce_max3A_392 = vector.broadcast %reduce_max3A_391 : i1 to vector<16xi1>
          %reduce_max3A_393 = arith.constant -2147483648 : i32
          %reduce_max3A_394 = vector.broadcast %reduce_max3A_393 : i32 to vector<16xi32>
          %reduce_max3A_395 = arith.xori %all_reduce_population_count3A, %reduce_max3A_394 : vector<16xi32>
          %reduce_max3A_396 = tpu.scan <max>, %reduce_max3A_395 masked %reduce_max3A_392 : vector<16xi32>, vector<16xi1> -> vector<16xi32>
          %reduce_max3A_397 = arith.xori %reduce_max3A_396, %reduce_max3A_394 : vector<16xi32>
          %reduce_max3A_398 = vector.extract %reduce_max3A_397[15] : i32 from vector<16xi32>
          %add3A_399 = arith.addi %while3A_352, %reduce_max3A_398 : i32
          %all_reduce_population_count3A_400 = tpu.all_reduce %and3A_367 {dim = 0 : i64, kind = #tpu.reduction_kind<sum>} : vector<16xi1> -> vector<16xi32>
          %reduce_max3A_401 = arith.constant true
          %reduce_max3A_402 = vector.broadcast %reduce_max3A_401 : i1 to vector<16xi1>
          %reduce_max3A_403 = arith.constant -2147483648 : i32
          %reduce_max3A_404 = vector.broadcast %reduce_max3A_403 : i32 to vector<16xi32>
          %reduce_max3A_405 = arith.xori %all_reduce_population_count3A_400, %reduce_max3A_404 : vector<16xi32>
          %reduce_max3A_406 = tpu.scan <max>, %reduce_max3A_405 masked %reduce_max3A_402 : vector<16xi32>, vector<16xi1> -> vector<16xi32>
          %reduce_max3A_407 = arith.xori %reduce_max3A_406, %reduce_max3A_404 : vector<16xi32>
          %reduce_max3A_408 = vector.extract %reduce_max3A_407[15] : i32 from vector<16xi32>
          %add3A_409 = arith.addi %while3A_353, %reduce_max3A_408 : i32
          scf.yield %add3A_399, %add3A_409 : i32, i32
        }
        %get3A = arith.constant 0 : index
        %get3A_199 = tpu.vector_load %arg11[%get3A] {strides = array<i32>} : memref<5120xf32, #tpu.memory_space<vmem>>, vector<16xf32>,
        %get3A_200 = arith.constant 16 : index
        %get3A_201 = tpu.vector_load %arg11[%get3A_200] {strides = array<i32>} : memref<5120xf32, #tpu.memory_space<vmem>>, vector<16xf32>,
        %min3A = arith.minimumf %get3A_199, %get3A_201 : vector<16xf32>
        %get3A_202 = arith.constant 32 : index
        %get3A_203 = tpu.vector_load %arg11[%get3A_202] {strides = array<i32>} : memref<5120xf32, #tpu.memory_space<vmem>>, vector<16xf32>,
        %get3A_204 = arith.constant 48 : index
        %get3A_205 = tpu.vector_load %arg11[%get3A_204] {strides = array<i32>} : memref<5120xf32, #tpu.memory_space<vmem>>, vector<16xf32>,
        %min3A_206 = arith.minimumf %get3A_203, %get3A_205 : vector<16xf32>
        %min3A_207 = arith.minimumf %min3A, %min3A_206 : vector<16xf32>
        %reduce_min3A = arith.constant true
        %reduce_min3A_208 = vector.broadcast %reduce_min3A : i1 to vector<16xi1>
        %reduce_min3A_209 = tpu.scan <min>, %min3A_207 masked %reduce_min3A_208 : vector<16xf32>, vector<16xi1> -> vector<16xf32>
        %reduce_min3A_210 = vector.extract %reduce_min3A_209[15] : f32 from vector<16xf32>
        %scan3A_211 = arith.constant 0 : i32
        %scan3A_212 = arith.constant 0 : i32
        %scan3A_213 = arith.constant 64 : i32
        %scan3A_214 = arith.addi %scan3A_212, %scan3A_213 : i32
        %scan3A_215 = arith.constant 1 : i32
        %scan3A_216 = scf.for %scan3A_351 = %scan3A_212 to %scan3A_214 step %scan3A_215 iter_args(%scan3A_352 = %scan3A_211) -> (i32)  : i32 {
          %get3A_353 = arith.constant 0 : index
          %get3A_354 = tpu.vector_load %arg11[%get3A_353] {strides = array<i32>} : memref<5120xf32, #tpu.memory_space<vmem>>, vector<16xf32>,
          %get3A_355 = arith.constant 16 : index
          %get3A_356 = tpu.vector_load %arg11[%get3A_355] {strides = array<i32>} : memref<5120xf32, #tpu.memory_space<vmem>>, vector<16xf32>,
          %max3A_357 = arith.maximumf %get3A_354, %get3A_356 : vector<16xf32>
          %get3A_358 = arith.constant 32 : index
          %get3A_359 = tpu.vector_load %arg11[%get3A_358] {strides = array<i32>} : memref<5120xf32, #tpu.memory_space<vmem>>, vector<16xf32>,
          %get3A_360 = arith.constant 48 : index
          %get3A_361 = tpu.vector_load %arg11[%get3A_360] {strides = array<i32>} : memref<5120xf32, #tpu.memory_space<vmem>>, vector<16xf32>,
          %max3A_362 = arith.maximumf %get3A_359, %get3A_361 : vector<16xf32>
          %max3A_363 = arith.maximumf %max3A_357, %max3A_362 : vector<16xf32>
          %reduce_max3A_364 = arith.constant true
          %reduce_max3A_365 = vector.broadcast %reduce_max3A_364 : i1 to vector<16xi1>
          %reduce_max3A_366 = tpu.scan <max>, %max3A_363 masked %reduce_max3A_365 : vector<16xf32>, vector<16xi1> -> vector<16xf32>
          %reduce_max3A_367 = vector.extract %reduce_max3A_366[15] : f32 from vector<16xf32>
          %broadcast_in_dim3A_368 = vector.broadcast %reduce_max3A_367 : f32 to vector<16xf32>
          %broadcast_in_dim3A_369 = arith.constant 1073741824 : i32
          %broadcast_in_dim3A_370 = vector.broadcast %broadcast_in_dim3A_369 : i32 to vector<16xi32>
          %get3A_371 = arith.constant 0 : index
          %get3A_372 = tpu.vector_load %arg11[%get3A_371] {strides = array<i32>} : memref<5120xf32, #tpu.memory_space<vmem>>, vector<16xf32>,
          %eq3A_373 = arith.cmpf oeq, %get3A_372, %broadcast_in_dim3A_368 : vector<16xf32>
          %broadcast_in_dim3A_374 = arith.constant 0 : i32
          %broadcast_in_dim3A_375 = vector.broadcast %broadcast_in_dim3A_374 : i32 to vector<16xi32>
          %add3A_376 = arith.addi %broadcast_in_dim3A_375, %iota3A : vector<16xi32>
          %broadcast_in_dim3A_377 = arith.constant 1073741824 : i32
          %broadcast_in_dim3A_378 = vector.broadcast %broadcast_in_dim3A_377 : i32 to vector<16xi32>
          %select_n3A_379 = arith.select %eq3A_373, %add3A_376, %broadcast_in_dim3A_378 : vector<16xi1>, vector<16xi32>
          %min3A_380 = arith.minsi %broadcast_in_dim3A_370, %select_n3A_379 : vector<16xi32>
          %get3A_381 = arith.constant 16 : index
          %get3A_382 = tpu.vector_load %arg11[%get3A_381] {strides = array<i32>} : memref<5120xf32, #tpu.memory_space<vmem>>, vector<16xf32>,
          %eq3A_383 = arith.cmpf oeq, %get3A_382, %broadcast_in_dim3A_368 : vector<16xf32>
          %broadcast_in_dim3A_384 = arith.constant 16 : i32
          %broadcast_in_dim3A_385 = vector.broadcast %broadcast_in_dim3A_384 : i32 to vector<16xi32>
          %add3A_386 = arith.addi %broadcast_in_dim3A_385, %iota3A : vector<16xi32>
          %broadcast_in_dim3A_387 = arith.constant 1073741824 : i32
          %broadcast_in_dim3A_388 = vector.broadcast %broadcast_in_dim3A_387 : i32 to vector<16xi32>
          %select_n3A_389 = arith.select %eq3A_383, %add3A_386, %broadcast_in_dim3A_388 : vector<16xi1>, vector<16xi32>
          %min3A_390 = arith.minsi %min3A_380, %select_n3A_389 : vector<16xi32>
          %get3A_391 = arith.constant 32 : index
          %get3A_392 = tpu.vector_load %arg11[%get3A_391] {strides = array<i32>} : memref<5120xf32, #tpu.memory_space<vmem>>, vector<16xf32>,
          %eq3A_393 = arith.cmpf oeq, %get3A_392, %broadcast_in_dim3A_368 : vector<16xf32>
          %broadcast_in_dim3A_394 = arith.constant 32 : i32
          %broadcast_in_dim3A_395 = vector.broadcast %broadcast_in_dim3A_394 : i32 to vector<16xi32>
          %add3A_396 = arith.addi %broadcast_in_dim3A_395, %iota3A : vector<16xi32>
          %broadcast_in_dim3A_397 = arith.constant 1073741824 : i32
          %broadcast_in_dim3A_398 = vector.broadcast %broadcast_in_dim3A_397 : i32 to vector<16xi32>
          %select_n3A_399 = arith.select %eq3A_393, %add3A_396, %broadcast_in_dim3A_398 : vector<16xi1>, vector<16xi32>
          %min3A_400 = arith.minsi %min3A_390, %select_n3A_399 : vector<16xi32>
          %get3A_401 = arith.constant 48 : index
          %get3A_402 = tpu.vector_load %arg11[%get3A_401] {strides = array<i32>} : memref<5120xf32, #tpu.memory_space<vmem>>, vector<16xf32>,
          %eq3A_403 = arith.cmpf oeq, %get3A_402, %broadcast_in_dim3A_368 : vector<16xf32>
          %broadcast_in_dim3A_404 = arith.constant 48 : i32
          %broadcast_in_dim3A_405 = vector.broadcast %broadcast_in_dim3A_404 : i32 to vector<16xi32>
          %add3A_406 = arith.addi %broadcast_in_dim3A_405, %iota3A : vector<16xi32>
          %broadcast_in_dim3A_407 = arith.constant 1073741824 : i32
          %broadcast_in_dim3A_408 = vector.broadcast %broadcast_in_dim3A_407 : i32 to vector<16xi32>
          %select_n3A_409 = arith.select %eq3A_403, %add3A_406, %broadcast_in_dim3A_408 : vector<16xi1>, vector<16xi32>
          %min3A_410 = arith.minsi %min3A_400, %select_n3A_409 : vector<16xi32>
          %reduce_min3A_411 = arith.constant true
          %reduce_min3A_412 = vector.broadcast %reduce_min3A_411 : i1 to vector<16xi1>
          %reduce_min3A_413 = arith.constant -2147483648 : i32
          %reduce_min3A_414 = vector.broadcast %reduce_min3A_413 : i32 to vector<16xi32>
          %reduce_min3A_415 = arith.xori %min3A_410, %reduce_min3A_414 : vector<16xi32>
          %reduce_min3A_416 = tpu.scan <min>, %reduce_min3A_415 masked %reduce_min3A_412 : vector<16xi32>, vector<16xi1> -> vector<16xi32>
          %reduce_min3A_417 = arith.xori %reduce_min3A_416, %reduce_min3A_414 : vector<16xi32>
          %reduce_min3A_418 = vector.extract %reduce_min3A_417[15] : i32 from vector<16xi32>
          %broadcast_in_dim3A_419 = vector.broadcast %reduce_min3A_418 : i32 to vector<16xi32>
          %broadcast_in_dim3A_420 = vector.broadcast %scan3A_351 : i32 to vector<16xi32>
          tpu.vector_store_idx %arg18[%broadcast_in_dim3A_420], %broadcast_in_dim3A_368 masked %eq3A_37 : memref<64xf32, #tpu.memory_space<vmem>>[vector<16xi32>], vector<16xf32>, vector<16xi1>
          %gather3A_421 = tpu.vector_load_idx %arg12[%broadcast_in_dim3A_419] : memref<5120xi32, #tpu.memory_space<vmem>>[vector<16xi32>], vector<16xi32>,
          tpu.vector_store_idx %arg19[%broadcast_in_dim3A_420], %gather3A_421 masked %eq3A_37 : memref<64xi32, #tpu.memory_space<vmem>>[vector<16xi32>], vector<16xi32>, vector<16xi1>
          %broadcast_in_dim3A_422 = arith.constant 0xFF800000 : f32
          %broadcast_in_dim3A_423 = vector.broadcast %broadcast_in_dim3A_422 : f32 to vector<16xf32>
          tpu.vector_store_idx %arg11[%broadcast_in_dim3A_419], %broadcast_in_dim3A_423 masked %eq3A_37 : memref<5120xf32, #tpu.memory_space<vmem>>[vector<16xi32>], vector<16xf32>, vector<16xi1>
          %scan3A_424 = arith.constant 0 : i32
          scf.yield %scan3A_424 : i32
        }
        %scan3A_217 = arith.constant 64 : i32
        %get3A_218 = arith.constant 0 : index
        %get3A_219 = tpu.vector_load %arg18[%get3A_218] {strides = array<i32>} : memref<64xf32, #tpu.memory_space<vmem>>, vector<16xf32>,
        %get3A_220 = arith.constant 16 : index
        %get3A_221 = tpu.vector_load %arg18[%get3A_220] {strides = array<i32>} : memref<64xf32, #tpu.memory_space<vmem>>, vector<16xf32>,
        %get3A_222 = arith.constant 32 : index
        %get3A_223 = tpu.vector_load %arg18[%get3A_222] {strides = array<i32>} : memref<64xf32, #tpu.memory_space<vmem>>, vector<16xf32>,
        %get3A_224 = arith.constant 48 : index
        %get3A_225 = tpu.vector_load %arg18[%get3A_224] {strides = array<i32>} : memref<64xf32, #tpu.memory_space<vmem>>, vector<16xf32>,
        %reduce_max3A_226 = arith.constant true
        %reduce_max3A_227 = vector.broadcast %reduce_max3A_226 : i1 to vector<16xi1>
        %reduce_max3A_228 = tpu.scan <max>, %get3A_219 masked %reduce_max3A_227 : vector<16xf32>, vector<16xi1> -> vector<16xf32>
        %reduce_max3A_229 = vector.extract %reduce_max3A_228[15] : f32 from vector<16xf32>
        %broadcast_in_dim3A_230 = vector.broadcast %reduce_max3A_229 : f32 to vector<16xf32>
        %sub3A_231 = arith.subf %get3A_219, %broadcast_in_dim3A_230 : vector<16xf32>
        %exp3A = math.exp %sub3A_231 : vector<16xf32>
        %sub3A_232 = arith.subf %get3A_221, %broadcast_in_dim3A_230 : vector<16xf32>
        %exp3A_233 = math.exp %sub3A_232 : vector<16xf32>
        %sub3A_234 = arith.subf %get3A_223, %broadcast_in_dim3A_230 : vector<16xf32>
        %exp3A_235 = math.exp %sub3A_234 : vector<16xf32>
        %sub3A_236 = arith.subf %get3A_225, %broadcast_in_dim3A_230 : vector<16xf32>
        %exp3A_237 = math.exp %sub3A_236 : vector<16xf32>
        %add3A_238 = arith.addf %exp3A, %exp3A_233 : vector<16xf32>
        %add3A_239 = arith.addf %add3A_238, %exp3A_235 : vector<16xf32>
        %add3A_240 = arith.addf %add3A_239, %exp3A_237 : vector<16xf32>
        %reduce_sum3A = arith.constant true
        %reduce_sum3A_241 = vector.broadcast %reduce_sum3A : i1 to vector<16xi1>
        %reduce_sum3A_242 = tpu.scan <sum>, %add3A_240 masked %reduce_sum3A_241 : vector<16xf32>, vector<16xi1> -> vector<16xf32>
        %reduce_sum3A_243 = vector.extract %reduce_sum3A_242[15] : f32 from vector<16xf32>
        %broadcast_in_dim3A_244 = vector.broadcast %reduce_sum3A_243 : f32 to vector<16xf32>
        %div3A_245 = arith.constant 1.000000e+00 : f32
        %div3A_246 = vector.broadcast %div3A_245 : f32 to vector<16xf32>
        %div3A_247 = arith.divf %div3A_246, %broadcast_in_dim3A_244 : vector<16xf32>
        %broadcast_in_dim3A_248 = arith.constant 0xFF800000 : f32
        %broadcast_in_dim3A_249 = vector.broadcast %broadcast_in_dim3A_248 : f32 to vector<16xf32>
        %mul3A_250 = arith.mulf %exp3A, %div3A_247 : vector<16xf32>
        %swap3A = arith.index_cast %scan3A_108 : i32 to index
        %swap3A_251 = arith.constant 0 : index
        %swap3A_252 = tpu.vector_load %arg20[%swap3A, %swap3A_251] {strides = array<i32>} : memref<8x64xf32, #tpu.memory_space<vmem>>, vector<16xf32>,
        tpu.vector_store %arg20[%swap3A, %swap3A_251], %mul3A_250 {strides = array<i32>} : memref<8x64xf32, #tpu.memory_space<vmem>>, vector<16xf32>,
        %add3A_253 = arith.constant 9.99999968E-21 : f32
        %add3A_254 = vector.broadcast %add3A_253 : f32 to vector<16xf32>
        %add3A_255 = arith.addf %mul3A_250, %add3A_254 : vector<16xf32>
        %get3A_256 = arith.index_cast %scan3A_108 : i32 to index
        %get3A_257 = arith.constant 0 : index
        %get3A_258 = tpu.vector_load %arg22[%get3A_256, %get3A_257] {strides = array<i32>} : memref<8x64xf32, #tpu.memory_space<vmem>>, vector<16xf32>,
        %mul3A_259 = arith.mulf %add3A_255, %get3A_258 : vector<16xf32>
        %max3A = arith.maximumf %broadcast_in_dim3A_249, %mul3A_259 : vector<16xf32>
        %mul3A_260 = arith.mulf %exp3A_233, %div3A_247 : vector<16xf32>
        %swap3A_261 = arith.index_cast %scan3A_108 : i32 to index
        %swap3A_262 = arith.constant 16 : index
        %swap3A_263 = tpu.vector_load %arg20[%swap3A_261, %swap3A_262] {strides = array<i32>} : memref<8x64xf32, #tpu.memory_space<vmem>>, vector<16xf32>,
        tpu.vector_store %arg20[%swap3A_261, %swap3A_262], %mul3A_260 {strides = array<i32>} : memref<8x64xf32, #tpu.memory_space<vmem>>, vector<16xf32>,
        %add3A_264 = arith.constant 9.99999968E-21 : f32
        %add3A_265 = vector.broadcast %add3A_264 : f32 to vector<16xf32>
        %add3A_266 = arith.addf %mul3A_260, %add3A_265 : vector<16xf32>
        %get3A_267 = arith.index_cast %scan3A_108 : i32 to index
        %get3A_268 = arith.constant 16 : index
        %get3A_269 = tpu.vector_load %arg22[%get3A_267, %get3A_268] {strides = array<i32>} : memref<8x64xf32, #tpu.memory_space<vmem>>, vector<16xf32>,
        %mul3A_270 = arith.mulf %add3A_266, %get3A_269 : vector<16xf32>
        %max3A_271 = arith.maximumf %max3A, %mul3A_270 : vector<16xf32>
        %mul3A_272 = arith.mulf %exp3A_235, %div3A_247 : vector<16xf32>
        %swap3A_273 = arith.index_cast %scan3A_108 : i32 to index
        %swap3A_274 = arith.constant 32 : index
        %swap3A_275 = tpu.vector_load %arg20[%swap3A_273, %swap3A_274] {strides = array<i32>} : memref<8x64xf32, #tpu.memory_space<vmem>>, vector<16xf32>,
        tpu.vector_store %arg20[%swap3A_273, %swap3A_274], %mul3A_272 {strides = array<i32>} : memref<8x64xf32, #tpu.memory_space<vmem>>, vector<16xf32>,
        %add3A_276 = arith.constant 9.99999968E-21 : f32
        %add3A_277 = vector.broadcast %add3A_276 : f32 to vector<16xf32>
        %add3A_278 = arith.addf %mul3A_272, %add3A_277 : vector<16xf32>
        %get3A_279 = arith.index_cast %scan3A_108 : i32 to index
        %get3A_280 = arith.constant 32 : index
        %get3A_281 = tpu.vector_load %arg22[%get3A_279, %get3A_280] {strides = array<i32>} : memref<8x64xf32, #tpu.memory_space<vmem>>, vector<16xf32>,
        %mul3A_282 = arith.mulf %add3A_278, %get3A_281 : vector<16xf32>
        %max3A_283 = arith.maximumf %max3A_271, %mul3A_282 : vector<16xf32>
        %mul3A_284 = arith.mulf %exp3A_237, %div3A_247 : vector<16xf32>
        %swap3A_285 = arith.index_cast %scan3A_108 : i32 to index
        %swap3A_286 = arith.constant 48 : index
        %swap3A_287 = tpu.vector_load %arg20[%swap3A_285, %swap3A_286] {strides = array<i32>} : memref<8x64xf32, #tpu.memory_space<vmem>>, vector<16xf32>,
        tpu.vector_store %arg20[%swap3A_285, %swap3A_286], %mul3A_284 {strides = array<i32>} : memref<8x64xf32, #tpu.memory_space<vmem>>, vector<16xf32>,
        %add3A_288 = arith.constant 9.99999968E-21 : f32
        %add3A_289 = vector.broadcast %add3A_288 : f32 to vector<16xf32>
        %add3A_290 = arith.addf %mul3A_284, %add3A_289 : vector<16xf32>
        %get3A_291 = arith.index_cast %scan3A_108 : i32 to index
        %get3A_292 = arith.constant 48 : index
        %get3A_293 = tpu.vector_load %arg22[%get3A_291, %get3A_292] {strides = array<i32>} : memref<8x64xf32, #tpu.memory_space<vmem>>, vector<16xf32>,
        %mul3A_294 = arith.mulf %add3A_290, %get3A_293 : vector<16xf32>
        %max3A_295 = arith.maximumf %max3A_283, %mul3A_294 : vector<16xf32>
        %reduce_max3A_296 = arith.constant true
        %reduce_max3A_297 = vector.broadcast %reduce_max3A_296 : i1 to vector<16xi1>
        %reduce_max3A_298 = tpu.scan <max>, %max3A_295 masked %reduce_max3A_297 : vector<16xf32>, vector<16xi1> -> vector<16xf32>
        %reduce_max3A_299 = vector.extract %reduce_max3A_298[15] : f32 from vector<16xf32>
        %broadcast_in_dim3A_300 = vector.broadcast %reduce_max3A_299 : f32 to vector<16xf32>
        %broadcast_in_dim3A_301 = arith.constant 1073741824 : i32
        %broadcast_in_dim3A_302 = vector.broadcast %broadcast_in_dim3A_301 : i32 to vector<16xi32>
        %eq3A_303 = arith.cmpf oeq, %mul3A_259, %broadcast_in_dim3A_300 : vector<16xf32>
        %broadcast_in_dim3A_304 = arith.constant 0 : i32
        %broadcast_in_dim3A_305 = vector.broadcast %broadcast_in_dim3A_304 : i32 to vector<16xi32>
        %add3A_306 = arith.addi %broadcast_in_dim3A_305, %iota3A : vector<16xi32>
        %broadcast_in_dim3A_307 = arith.constant 1073741824 : i32
        %broadcast_in_dim3A_308 = vector.broadcast %broadcast_in_dim3A_307 : i32 to vector<16xi32>
        %select_n3A_309 = arith.select %eq3A_303, %add3A_306, %broadcast_in_dim3A_308 : vector<16xi1>, vector<16xi32>
        %min3A_310 = arith.minsi %broadcast_in_dim3A_302, %select_n3A_309 : vector<16xi32>
        %eq3A_311 = arith.cmpf oeq, %mul3A_270, %broadcast_in_dim3A_300 : vector<16xf32>
        %broadcast_in_dim3A_312 = arith.constant 16 : i32
        %broadcast_in_dim3A_313 = vector.broadcast %broadcast_in_dim3A_312 : i32 to vector<16xi32>
        %add3A_314 = arith.addi %broadcast_in_dim3A_313, %iota3A : vector<16xi32>
        %broadcast_in_dim3A_315 = arith.constant 1073741824 : i32
        %broadcast_in_dim3A_316 = vector.broadcast %broadcast_in_dim3A_315 : i32 to vector<16xi32>
        %select_n3A_317 = arith.select %eq3A_311, %add3A_314, %broadcast_in_dim3A_316 : vector<16xi1>, vector<16xi32>
        %min3A_318 = arith.minsi %min3A_310, %select_n3A_317 : vector<16xi32>
        %eq3A_319 = arith.cmpf oeq, %mul3A_282, %broadcast_in_dim3A_300 : vector<16xf32>
        %broadcast_in_dim3A_320 = arith.constant 32 : i32
        %broadcast_in_dim3A_321 = vector.broadcast %broadcast_in_dim3A_320 : i32 to vector<16xi32>
        %add3A_322 = arith.addi %broadcast_in_dim3A_321, %iota3A : vector<16xi32>
        %broadcast_in_dim3A_323 = arith.constant 1073741824 : i32
        %broadcast_in_dim3A_324 = vector.broadcast %broadcast_in_dim3A_323 : i32 to vector<16xi32>
        %select_n3A_325 = arith.select %eq3A_319, %add3A_322, %broadcast_in_dim3A_324 : vector<16xi1>, vector<16xi32>
        %min3A_326 = arith.minsi %min3A_318, %select_n3A_325 : vector<16xi32>
        %eq3A_327 = arith.cmpf oeq, %mul3A_294, %broadcast_in_dim3A_300 : vector<16xf32>
        %broadcast_in_dim3A_328 = arith.constant 48 : i32
        %broadcast_in_dim3A_329 = vector.broadcast %broadcast_in_dim3A_328 : i32 to vector<16xi32>
        %add3A_330 = arith.addi %broadcast_in_dim3A_329, %iota3A : vector<16xi32>
        %broadcast_in_dim3A_331 = arith.constant 1073741824 : i32
        %broadcast_in_dim3A_332 = vector.broadcast %broadcast_in_dim3A_331 : i32 to vector<16xi32>
        %select_n3A_333 = arith.select %eq3A_327, %add3A_330, %broadcast_in_dim3A_332 : vector<16xi1>, vector<16xi32>
        %min3A_334 = arith.minsi %min3A_326, %select_n3A_333 : vector<16xi32>
        %reduce_min3A_335 = arith.constant true
        %reduce_min3A_336 = vector.broadcast %reduce_min3A_335 : i1 to vector<16xi1>
        %reduce_min3A_337 = arith.constant -2147483648 : i32
        %reduce_min3A_338 = vector.broadcast %reduce_min3A_337 : i32 to vector<16xi32>
        %reduce_min3A_339 = arith.xori %min3A_334, %reduce_min3A_338 : vector<16xi32>
        %reduce_min3A_340 = tpu.scan <min>, %reduce_min3A_339 masked %reduce_min3A_336 : vector<16xi32>, vector<16xi1> -> vector<16xi32>
        %reduce_min3A_341 = arith.xori %reduce_min3A_340, %reduce_min3A_338 : vector<16xi32>
        %reduce_min3A_342 = vector.extract %reduce_min3A_341[15] : i32 from vector<16xi32>
        %broadcast_in_dim3A_343 = vector.broadcast %reduce_min3A_342 : i32 to vector<16xi32>
        %gather3A = tpu.vector_load_idx %arg19[%broadcast_in_dim3A_343] : memref<64xi32, #tpu.memory_space<vmem>>[vector<16xi32>], vector<16xi32>,
        %jit3A_344 = arith.constant 0 : i32
        %broadcast_in_dim3A_345 = vector.broadcast %jit3A_344 : i32 to vector<16xi32>
        %select_n3A_346 = arith.select %eq3A_37, %gather3A, %broadcast_in_dim3A_345 : vector<16xi1>, vector<16xi32>
        %swap3A_347 = arith.index_cast %scan3A_108 : i32 to index
        %swap3A_348 = arith.constant 0 : index
        %swap3A_349 = tpu.vector_load %arg21[%swap3A_347, %swap3A_348] {strides = array<i32>} : memref<8x16xi32, #tpu.memory_space<vmem>>, vector<16xi32>,
        tpu.vector_store %arg21[%swap3A_347, %swap3A_348], %select_n3A_346 {strides = array<i32>} : memref<8x16xi32, #tpu.memory_space<vmem>>, vector<16xi32>,
        %scan3A_350 = arith.constant 0 : i32
        scf.yield %scan3A_350 : i32
      }
      %scan3A_107 = arith.constant 8 : i32
      "tpu.region"() ({
        %run_scoped3A = tpu.sem_alloc : memref<!tpu.dma_semaphore, #tpu.memory_space<semaphore_mem>>
        %dma_start3A_108 = arith.constant 0 : i32
        %dma_start3A_109 = tpu.memref_slice %arg4[%multiple_of3A, %dma_start3A_108] : memref<64x64xf32, #tpu.memory_space<hbm>> -> memref<8x64xf32, #tpu.memory_space<hbm>>
        %dma_start3A_110 = arith.constant 0 : i32
        %dma_start3A_111 = tpu.memref_slice %arg4[%multiple_of3A, %dma_start3A_110] : memref<64x64xf32, #tpu.memory_space<hbm>> -> memref<8x64xf32, #tpu.memory_space<hbm>>
        tpu.enqueue_dma source(%arg20 : memref<8x64xf32, #tpu.memory_space<vmem>>) target(%dma_start3A_111 : memref<8x64xf32, #tpu.memory_space<hbm>>) target_semaphore(%run_scoped3A : memref<!tpu.dma_semaphore, #tpu.memory_space<semaphore_mem>>)
        %dma_wait3A = arith.constant 0 : i32
        %dma_wait3A_112 = tpu.memref_slice %arg4[%multiple_of3A, %dma_wait3A] : memref<64x64xf32, #tpu.memory_space<hbm>> -> memref<8x64xf32, #tpu.memory_space<hbm>>
        %dma_wait3A_113 = arith.constant 0 : i32
        %dma_wait3A_114 = tpu.memref_slice %arg4[%multiple_of3A, %dma_wait3A_113] : memref<64x64xf32, #tpu.memory_space<hbm>> -> memref<8x64xf32, #tpu.memory_space<hbm>>
        tpu.wait_dma2 semaphore(%run_scoped3A : memref<!tpu.dma_semaphore, #tpu.memory_space<semaphore_mem>>) src(%arg20 : memref<8x64xf32, #tpu.memory_space<vmem>>) dst(%dma_wait3A_114 : memref<8x64xf32, #tpu.memory_space<hbm>>)
        tpu.yield
      }) : () -> ()
      "tpu.region"() ({
        %run_scoped3A = tpu.sem_alloc : memref<!tpu.dma_semaphore, #tpu.memory_space<semaphore_mem>>
        %dma_start3A_108 = arith.constant 0 : i32
        %dma_start3A_109 = tpu.memref_slice %arg5[%multiple_of3A, %dma_start3A_108] : memref<64x16xi32, #tpu.memory_space<hbm>> -> memref<8x16xi32, #tpu.memory_space<hbm>>
        %dma_start3A_110 = arith.constant 0 : i32
        %dma_start3A_111 = tpu.memref_slice %arg5[%multiple_of3A, %dma_start3A_110] : memref<64x16xi32, #tpu.memory_space<hbm>> -> memref<8x16xi32, #tpu.memory_space<hbm>>
        tpu.enqueue_dma source(%arg21 : memref<8x16xi32, #tpu.memory_space<vmem>>) target(%dma_start3A_111 : memref<8x16xi32, #tpu.memory_space<hbm>>) target_semaphore(%run_scoped3A : memref<!tpu.dma_semaphore, #tpu.memory_space<semaphore_mem>>)
        %dma_wait3A = arith.constant 0 : i32
        %dma_wait3A_112 = tpu.memref_slice %arg5[%multiple_of3A, %dma_wait3A] : memref<64x16xi32, #tpu.memory_space<hbm>> -> memref<8x16xi32, #tpu.memory_space<hbm>>
        %dma_wait3A_113 = arith.constant 0 : i32
        %dma_wait3A_114 = tpu.memref_slice %arg5[%multiple_of3A, %dma_wait3A_113] : memref<64x16xi32, #tpu.memory_space<hbm>> -> memref<8x16xi32, #tpu.memory_space<hbm>>
        tpu.wait_dma2 semaphore(%run_scoped3A : memref<!tpu.dma_semaphore, #tpu.memory_space<semaphore_mem>>) src(%arg21 : memref<8x16xi32, #tpu.memory_space<vmem>>) dst(%dma_wait3A_114 : memref<8x16xi32, #tpu.memory_space<hbm>>)
        tpu.yield
      }) : () -> ()
    } else {
    }
    return
  }
}

</mosaic_0001>

<sc_bundles>
// kernel: _run.3.cloned.1.call-start
scs
__scs_entry_jumppad:
0x0: {  	(pc) =	sbr.rel $0x88, $3  }
0x1: {  	(tag) =	ssettag $0x0;
	lr =	simm.s32 $0x1  }
0x2: {  	[smem:$0x3F9F] =	sst lr;
	_ =	strace $0xD0000000  }
0x3: {  	_ = 	snop  }
0x4: {  	_ = 	snop  }
0x5: {  	_ = 	snop  }
0x6: {  	_ = 	snop  }
0x7: {  	_ = 	snop  }
__scs_overlays_trampoline_lowered:
0x8: {  	[smem:$0x3FAE] =	sst s0  }
0x9: {  	[smem:$0x3FAF] =	sst s1  }
0xa: {  	[smem:$0x3FB0] =	sst s2  }
0xb: {  	[smem:$0x3FB1] =	sst s3  }
0xc: {  	[smem:$0x3FB2] =	sst s4  }
0xd: {  	[smem:$0x3FB3] =	sst s5  }
0xe: {  	[smem:$0x3FB4] =	sst s6  }
0xf: {  	[smem:$0x3FB5] =	sst s7  }
0x10: {  	[smem:$0x3FB6] =	sst s8  }
0x11: {  	[smem:$0x3FB7] =	sst s9;
	s0 =	simm.s32 @!p0 $0x0  }
0x12: {  	s1 =	sld [smem:$0x3F9D];
	s0 =	simm.s32 @p0 $0x1  }
0x13: {  	[smem:$0x3FB8] =	sst s0;
	s0 =	simm.s32 @!p1 $0x0  }
0x14: {  	s2 =	sld [smem:$0x3F9C];
	s0 =	simm.s32 @p1 $0x1  }
0x15: {  	[smem:$0x3FB9] =	sst s0;
	s0 =	simm.s32 @!p2 $0x0  }
0x16: {  	s3 =	sld [smem:$0x3FDB];
	s0 =	simm.s32 @p2 $0x1  }
0x17: {  	s4 =	simm.s32 $0x1BF5;
	[smem:$0x3FBB] =	sst s0  }
0x18: {  	s0 =	sld [smem:$0x3F9E];
	_ =	swait.ge [sflag:s4], $0x0  }
0x19: {  	s7 =	sld [smem:$0x3F9F]  }
0x1a: {  	s8 =	sadd.s32 $0xFFFFE003, lr  }
0x1b: {  	s9 =	sadd.s32 $0xFFFFFEF7, lr;
	s5 =	simm.s32 $0xFFFFFFFF;
	p2 =	slt.u32 s8, $0xFFFFF086  }
0x1c: {  	p1 =	slt.u32 s9, $0xF7A;
	s5 =	simm.s32 @!p2 $0x0  }
0x1d: {  	s5 =	simm.s32 @p1 $0x1;
	p0 =	seq.s32 s7, s2  }
0x1e: {  	s7 =	smul.u32 @!p0 $0xF7A, s2;
	p2 =	seq.s32 @!p0 s5, $0x0  }
0x1f: {  	s9 =	smul.u32 $0xF7A, s1;
	s8 =	simm.s32 @!p0 $0x1BF5;
	p2 =	por !p2, p0  }
0x20: {  	[sflag:s8] =	ssyncset.s32 @!p0 $0xFFFFF086;
	s6 =	sadd.s32 @!p0 s3, s7;
	s7 =	simm.s32 @!p0 $0x108  }
0x21: {  	s3 =	sadd.s32 s3, s9;
	s6 =	sadd.s32 @!p0 $0x88, s6;
	s7 =	simm.s32 @p2 $0x1082  }
0x22: {  	[simem:s7], [sflag:s8] =	dma.local @!p0 [hbm:s6], $0xF7A  }
0x23: {  	s9 =	sor.u32 $0xD0000000, s2;
	s6 =	simm.s32 $0x108;
	_ =	swait.ge @!p0 [sflag:s8], $0x0  }
0x24: {  	s3 =	sadd.s32 $0x88, s3;
	s6 =	simm.s32 @!p1 $0x1082;
	[sflag:s4] =	ssyncset.s32 $0xFFFFF086  }
0x25: {  	[simem:s6], [sflag:s4] =	dma.local [hbm:s3], $0xF7A  }
0x26: {  	[smem:$0x3F9F] =	sst s1;
	(tag) =	ssettag s2;
	_ =	strace s9  }
0x27: {  	s1 =	sld [smem:$0x3FAF]  }
0x28: {  	s2 =	sld [smem:$0x3FB0]  }
0x29: {  	s4 =	sld [smem:$0x3FB2]  }
0x2a: {  	p0 =	seq.s32 s5, $0x0;
	s5 =	sld [smem:$0x3FB3]  }
0x2b: {  	s6 =	sld [smem:$0x3FB4]  }
0x2c: {  	s7 =	sld [smem:$0x3FB5]  }
0x2d: {  	s3 =	simm.s32 $0x108;
	s8 =	sld [smem:$0x3FB6]  }
0x2e: {  	s3 =	simm.s32 @!p0 $0x1082;
	s9 =	sld [smem:$0x3FB7]  }
0x2f: {  	lr =	sadd.s32 s0, s3;
	s0 =	sld [smem:$0x3FAE]  }
0x30: {  	s3 =	sld [smem:$0x3FB1]  }
0x31: {  	[smem:$0x3FBA] =	sst s10  }
0x32: {  	s10 =	sld [smem:$0x3FB8];
	_ =	sdelay $0x3  }
0x33: {  	p0 =	seq.s32 s10, $0x1;
	s10 =	sld [smem:$0x3FBA];
	_ =	sdelay $0x3  }
0x34: {  	[smem:$0x3FBA] =	sst s10  }
0x35: {  	s10 =	sld [smem:$0x3FB9];
	_ =	sdelay $0x3  }
0x36: {  	p1 =	seq.s32 s10, $0x1;
	s10 =	sld [smem:$0x3FBA];
	_ =	sdelay $0x3  }
0x37: {  	[smem:$0x3FBA] =	sst s10  }
0x38: {  	s10 =	sld [smem:$0x3FBB]  }
0x39: {  	_ = 	snop;
	(pc) =	sbr.ind lr, $3  }
0x3a: {  	_ = 	snop  }
0x3b: {  	_ = 	snop  }
0x3c: {  	p2 =	seq.s32 s10, $0x1;
	s10 =	sld [smem:$0x3FBA]  }
0x3d: {  	_ =	shalt  }
0x3e: {  	_ =	shalt  }
0x3f: {  	_ =	shalt  }
0x40: {  	_ =	shalt  }
0x41: {  	_ =	shalt  }
0x42: {  	_ =	shalt  }
0x43: {  	_ =	shalt  }
0x44: {  	_ =	shalt  }
0x45: {  	_ =	shalt  }
0x46: {  	_ =	shalt  }
0x47: {  	_ =	shalt  }
0x48: {  	_ =	shalt  }
0x49: {  	_ =	shalt  }
0x4a: {  	_ =	shalt  }
0x4b: {  	_ =	shalt  }
0x4c: {  	_ =	shalt  }
0x4d: {  	_ =	shalt  }
0x4e: {  	_ =	shalt  }
0x4f: {  	_ =	shalt  }
0x50: {  	_ =	shalt  }
0x51: {  	_ =	shalt  }
0x52: {  	_ =	shalt  }
0x53: {  	_ =	shalt  }
0x54: {  	_ =	shalt  }
0x55: {  	_ =	shalt  }
0x56: {  	_ =	shalt  }
0x57: {  	_ =	shalt  }
0x58: {  	_ =	shalt  }
0x59: {  	_ =	shalt  }
0x5a: {  	_ =	shalt  }
0x5b: {  	_ =	shalt  }
0x5c: {  	_ =	shalt  }
0x5d: {  	_ =	shalt  }
0x5e: {  	_ =	shalt  }
0x5f: {  	_ =	shalt  }
0x60: {  	_ =	shalt  }
0x61: {  	_ =	shalt  }
0x62: {  	_ =	shalt  }
0x63: {  	_ =	shalt  }
0x64: {  	_ =	shalt  }
0x65: {  	_ =	shalt  }
0x66: {  	_ =	shalt  }
0x67: {  	_ =	shalt  }
0x68: {  	_ =	shalt  }
0x69: {  	_ =	shalt  }
0x6a: {  	_ =	shalt  }
0x6b: {  	_ =	shalt  }
0x6c: {  	_ =	shalt  }
0x6d: {  	_ =	shalt  }
0x6e: {  	_ =	shalt  }
0x6f: {  	_ =	shalt  }
0x70: {  	_ =	shalt  }
0x71: {  	_ =	shalt  }
0x72: {  	_ =	shalt  }
0x73: {  	_ =	shalt  }
0x74: {  	_ =	shalt  }
0x75: {  	_ =	shalt  }
0x76: {  	_ =	shalt  }
0x77: {  	_ =	shalt  }
0x78: {  	_ =	shalt  }
0x79: {  	_ =	shalt  }
0x7a: {  	_ =	shalt  }
0x7b: {  	_ =	shalt  }
0x7c: {  	_ =	shalt  }
0x7d: {  	_ =	shalt  }
0x7e: {  	_ =	shalt  }
0x7f: {  	_ =	shalt  }
0x80: {  	_ =	shalt  }
0x81: {  	_ =	shalt  }
0x82: {  	_ =	shalt  }
0x83: {  	_ =	shalt  }
0x84: {  	_ =	shalt  }
0x85: {  	_ =	shalt  }
0x86: {  	_ =	shalt  }
0x87: {  	_ =	shalt  }
.Lfunc_end0:
.L_simem_size_0:
called_computation_lowered:
.L_overlay_start_0:
0x88: {  	s2 =	sld [smem:$0x3FD9]  }
0x89: {  	s3 =	sld [smem:$0x3FFE];
	_ =	sdelay $0x1  }
0x8a: {  	s1 =	srdreg.scid  }
0x8b: {  	s0 =	sand.u32 $0x1, s1  }
0x8c: {  	s14 =	sshll.u32 s0, $0xA;
	s2 =	sadd.s32 s3, s2  }
0x8d: {  	s2 =	sadd.s32 s2, s14  }
0x8e: {  	[smem:$0x3FC6] =	sst s2  }
0x8f: {  	_ = 	snop  }
0x90: {  	s2 =	sld [smem:$0x3FD0];
	_ =	sdelay $0x1  }
0x91: {  	s15 =	sld [smem:$0x3FC9]  }
0x92: {  	s5 =	simm.s32 $0xA;
	s6 =	simm.s32 $0x10;
	s4 =	sld [smem:$0x3FC8]  }
0x93: {  	[smem:s6], [sflag:s5] =	dma.local [hbm:s2], $0x1  }
0x94: {  	_ =	swait.eq [sflag:s5], $0x1  }
0x95: {  	[sflag:s5] =	ssyncset.done $0x0  }
0x96: {  	s16 =	sld [smem:$0x10];
	[sflag:s5] =	ssyncadd.s32 $0xFFFFFFFF  }
0x97: {  	s17 =	sld [smem:$0x13];
	(tm) =	ssettm $0x1  }
0x98: {  	s18 =	sld [smem:$0x3FFB];
	_ =	sdelay $0x3  }
0x99: {  	_ =	strace s18  }
0x9a: {  	s6 =	sld [smem:$0x3FFC];
	_ =	sdelay $0x3  }
0x9b: {  	_ =	strace s6  }
0x9c: {  	s6 =	sld [smem:$0x3FFD];
	_ =	sdelay $0x3  }
0x9d: {  	_ =	strace s6  }
0x9e: {  	_ =	strace $0x8FFFFFFF  }
0x9f: {  	s19 =	sld [smem:$0x3FDB];
	_ =	sdelay $0x1  }
0xa0: {  	s7 =	simm.s32 $_scs_section_size  }
0xa1: {  	s8 =	simm.s32 $_size__tile_overlayer_lowered;
	s9 =	simm.s32 $_tile_overlayer_lowered  }
0xa2: {  	s22 =	simm.s32 $0x1BFF;
	s21 =	sshll.u32 s9, $0x1;
	s6 =	sadd.s32 s7, s19  }
0xa3: {  	s10 =	simm.s32 $0x0;
	s20 =	sshll.u32 s8, $0x1;
	s8 =	sadd.s32 s21, s6  }
0xa4: {  	[timem:s10], [sflag:s22] =	dma.local [hbm:s8], s20  }
0xa5: {  	_ =	swait.ge [sflag:s22], s20  }
0xa6: {  	s7 =	ssub.s32 $0x0, s20;
	[sflag:s22] =	ssyncset.done $0x0  }
0xa7: {  	[sflag:s22] =	ssyncadd.s32 s7;
	_ =	sdelay $0x1  }
0xa8: {  	s23 =	simm.s32 $0x1B8B  }
0xa9: {  	_ =	swait.ge [sflag:s23], $0x1  }
0xaa: {  	[sflag:s23] =	ssyncset.done $0x0  }
0xab: {  	s25 =	simm.s32 $0x1B8E;
	s24 =	sld [smem:$0x3FFE];
	[sflag:s23] =	ssyncadd.s32 $0xFFFFFFFF  }
0xac: {  	s26 =	simm.s32 $execute0_lowered;
	[smem:$0x3FD2] =	sst s25  }
0xad: {  	s8 =	sshll.u32 s26, $0x1;
	_ =	strace $0x80000046;
	[dreg:$0x1] =	wrdreg $0xFFFFFFFF  }
0xae: {  	s28 =	simm.s32 $_size_execute0_lowered;
	s6 =	sadd.s32 s6, s8;
	[dreg:$0x0] =	wrdreg $0x0  }
0xaf: {  	s8 =	sshll.u32 s28, $0x1;
	[dreg:$0x2] =	wrdreg s6  }
0xb0: {  	[dreg:$0x3] =	wrdreg s8  }
0xb1: {  	[dreg:$0x4] =	wrdreg $0xC0  }
0xb2: {  	_ =	task [dreg:s10], $0x5FFFF  }
0xb3: {  	[dreg:$0x1] =	wrdreg $0xFFFFFFFF  }
0xb4: {  	[dreg:$0x0] =	wrdreg $0x60  }
0xb5: {  	[dreg:$0x2] =	wrdreg s15  }
0xb6: {  	[dreg:$0x3] =	wrdreg s4  }
0xb7: {  	[dreg:$0x4] =	wrdreg s16  }
0xb8: {  	[dreg:$0x5] =	wrdreg s17  }
0xb9: {  	[dreg:$0x6] =	wrdreg s24  }
0xba: {  	[dreg:$0x7] =	wrdreg $0x9  }
0xbb: {  	_ =	task.clear_ibuf [dreg:s10], $0x8FFFF;
	_ =	strace $0x90000046  }
0xbc: {  	s29 =	simm.s32 $0x9;
	_ =	strace $0x80000048  }
0xbd: {  	_ =	swait.ge [sflag:s29], $0x1  }
0xbe: {  	[sflag:s29] =	ssyncadd.s32 $0xFFFFFFFF  }
0xbf: {  	_ =	strace $0x90000048  }
0xc0: {  	_ =	sfence  }
0xc1: {  	s30 =	sld [smem:$0x0];
	_ =	sdelay $0x2  }
0xc2: {  	s31 =	sshll.u32 s1, $0xD;
	s1 =	sshrl.u32 s1, $0x2  }
0xc3: {  	s3 =	sand.u32 $0x4000, s31;
	s1 =	sadd.s32 s1, s30  }
0xc4: {  	s0 =	sor.u32 s3, s0;
	s1 =	sshll.u32 s1, $0x11  }
0xc5: {  	s0 =	sor.u32 s1, s0  }
0xc6: {  	s0 =	sadd.s32 $0x8F2B, s0  }
0xc7: {  	[sflag:s0] =	ssyncadd.remote.s32 $0x1  }
0xc8: {  	_ =	sfence.sel $0xFFFF  }
0xc9: {  	[dreg:$0x0] =	wrdreg $0xFFFFFFFF;
	(pc) =	sbr.abs _section_cstart, $3  }
0xca: {  	[dreg:$0x1] =	wrdreg $0xFFFFFFFF  }
0xcb: {  	_ =	task.clear_ibuf [dreg:s10], $0x2FFFF;
	_ =	strace $0x9FFFFFFF  }
0xcc: {  	(tm) =	ssettm $0x7FFFFFFF  }
0xcd: {  	_ =	shalt  }
tec
execute0_lowered:
.L_overlay_start_1:
0x0: {  	(tag) =	ssettag $0x1  }
0x1: {  	s0 =	rddreg [dreg:$0x0]  }
0x2: {  	s1 =	rddreg [dreg:$0x1]  }
0x3: {  	s4 =	rddreg [dreg:$0x2]  }
0x4: {  	s2 =	srdreg.scid;
	s5 =	rddreg [dreg:$0x3]  }
0x5: {  	s9 =	stileid.u32;
	s6 =	rddreg [dreg:$0x4]  }
0x6: {  	s28 =	simm.s32 $0xAC00;
	s29 =	simm.s32 $0xC000;
	s30 =	simm.s32 $0x40  }
0x7: {  	s3 =	sand.u32 $0x1, s2;
	s7 =	sshrl.u32 s9, $0x2;
	s9 =	sand.u32 $0x3, s9  }
0x8: {  	s11 =	sadd.s32 $0x800, s6;
	s14 =	sadd.s32 $0x1800, s6;
	s10 =	smul.u32 $0x1E8400, s9  }
0x9: {  	s2 =	sshll.u32 s3, $0x2;
	s12 =	ssub.s32 $0x2, s3;
	s3 =	smul.u32 $0x3D080, s9  }
0xa: {  	s15 =	sshll.u32 s9, $0x7;
	p0 =	sne.s32 s9, $0x3;
	s8 =	sor.u32 s7, s2  }
0xb: {  	s2 =	simm.s32 $0x0;
	s13 =	sshrl.u32 s12, $0x1;
	s7 =	smul.u32 $0x7A1400, s8  }
0xc: {  	[smem:$0x7FF] =	sst s2;
	s12 =	ssub.s32 s12, s13;
	s25 =	sadd.s32 s3, s0  }
0xd: {  	s31 =	sshll.u32 s8, $0x9;
	s8 =	sshll.u32 s8, $0x7;
	_ =	strace $0x80000047  }
0xe: {  	s15 =	sor.u32 s15, s31;
	s16 =	sadd.s32 s11, s31;
	s17 =	sor.u32 $0x80, s31  }
0xf: {  	s18 =	sadd.s32 s14, s31;
	s20 =	sor.u32 $0x100, s31;
	[dreg:$0xb] =	wrdreg s16  }
0x10: {  	s22 =	sor.u32 $0x180, s31;
	s31 =	smax.u32 s12, $0x1;
	[dreg:$0xc] =	wrdreg s18  }
0x11: {  	s10 =	sadd.s32 s10, s7;
	s19 =	sadd.s32 s11, s17;
	[dreg:$0x16] =	wrdreg s31  }
0x12: {  	s7 =	sshrl.u32 s7, $0x3;
	s21 =	sadd.s32 s11, s20;
	[dreg:$0xd] =	wrdreg s19  }
0x13: {  	s23 =	sadd.s32 s11, s22;
	s10 =	sshrl.u32 s10, $0x3;
	[dreg:$0xf] =	wrdreg s21  }
0x14: {  	s26 =	sadd.s32 s7, s25;
	[dreg:$0x11] =	wrdreg s23;
	s25 =	sadd.s32 s4, s8  }
0x15: {  	p1 =	sne.s32 s9, $0x0;
	s24 =	sadd.s32 s0, s10;
	[dreg:$0x14] =	wrdreg s25  }
0x16: {  	s13 =	simm.s32 $0x2;
	s10 =	sadd.s32 s11, s15;
	[dreg:$0x6] =	wrdreg s24  }
0x17: {  	s12 =	simm.s32 $0x11080;
	s15 =	sadd.s32 s14, s15;
	[dreg:$0x9] =	wrdreg s10  }
0x18: {  	s0 =	sadd.s32 s0, s7;
	s6 =	sadd.s32 $0xA80, s24;
	[dreg:$0xa] =	wrdreg s15  }
0x19: {  	s4 =	simm.s32 $0x0;
	s0 =	sadd.s32 $0xF4200, s0;
	[dreg:$0x7] =	wrdreg s6  }
0x1a: {  	s7 =	sadd.s32 $0x1F80, s26;
	s10 =	sadd.s32 s14, s20;
	[dreg:$0x8] =	wrdreg s0  }
.Ltmp0:
0x1b: {  	s24 =	sadd.s32 s1, s8;
	[dreg:$0x10] =	wrdreg s10;
	(pc) =	sbr.rel .LBB2_1-.Ltmp0, $4  }
0x1c: {  	s25 =	simm.s32 $0x1;
	s0 =	sadd.s32 s14, s17;
	[dreg:$0x13] =	wrdreg s24  }
0x1d: {  	s6 =	sadd.s32 $0x1500, s26;
	s26 =	sadd.s32 s5, s8;
	[dreg:$0xe] =	wrdreg s0  }
0x1e: {  	s11 =	simm.s32 $0x11000;
	s0 =	sadd.s32 s14, s22;
	[dreg:$0x15] =	wrdreg s26  }
0x1f: {  	v0 =	vlaneseq.u32;
	v1 =	vimm.s32 $0x0;
	v2 =	vimm.f32 $-Inf;
	s1 =	simm.s32 $0x3;
	s26 =	simm.s32 $0x80000000;
	[dreg:$0x12] =	wrdreg s0  }
.LBB2_89:
0x20: {  	s0 =	rddreg [dreg:$0x9];
	s4 =	simm.s32 $0xE800  }
0x21: {  	[hbm4b:s0+s2] =	stream.linear.scatter [tilespmem:s4], [sflag:$0x3], $0x400, $0x38;
	[tilespmem:$0x11D00] =	vst v63  }
0x22: {  	_ =	swait.ge [sflag:s1], $0x400  }
0x23: {  	[sflag:s1] =	ssyncset.done $0x0  }
0x24: {  	s31 =	simm.s32 $0xEC00;
	s24 =	rddreg [dreg:$0xa];
	[sflag:s1] =	ssyncadd.s32 $0xFFFFFC00  }
0x25: {  	[hbm4b:s24+s2] =	stream.linear.scatter [tilespmem:s31], [sflag:$0x3], $0x400, $0x38;
	[tilespmem:$0x11D00] =	vst v63  }
.Ltmp1:
0x26: {  	_ =	swait.ge [sflag:s1], $0x400;
	(pc) =	sbr.rel @!p1 .LBB2_90-.Ltmp1, $4  }
0x27: {  	[sflag:s1] =	ssyncset.done $0x0  }
0x28: {  	[sflag:s1] =	ssyncadd.s32 $0xFFFFFC00  }
0x29: {  	[bflag:$0x0] =	sbarrier.arrive $0xFFFF  }
0x2a: {  	s4 =	rddreg [dreg:$0x17]  }
.LBB2_101:
0x2b: {  	s4 =	sadd.s32 $0x1, s4;
	s0 =	rddreg [dreg:$0x16]  }
0x2c: {  	p2 =	sne.s32 s4, s0  }
.Ltmp2:
0x2d: {  	_ = 	snop;
	(pc) =	sbr.rel @!p2 .LBB2_102-.Ltmp2, $1  }
0x2e: {  	_ =	sdelay $0x3  }
.LBB2_1:
0x2f: {  	[dreg:$0x17] =	wrdreg s4  }
0x30: {  	[smem:$0x0] =	sst s2  }
0x31: {  	s0 =	rddreg [dreg:$0x6]  }
0x32: {  	s24 =	simm.s32 $0xFF800000;
	s31 =	rddreg [dreg:$0x7]  }
0x33: {  	[smem:$0x80] =	sst s24  }
0x34: {  	[tilespmem:s2], [sflag:$0x1] =	stream.linear.gather [hbm4b:s0+s2], $0x5400, $0x38;
	[tilespmem:$0x11D00] =	vst v63  }
0x35: {  	[smem:$0x1] =	sst s2  }
0x36: {  	s5 =	simm.s32 $0x5400;
	[smem:$0x81] =	sst s24  }
0x37: {  	[tilespmem:s5], [sflag:$0x2] =	stream.linear.gather [hbm4b:s31+s2], $0x5400, $0x38;
	[tilespmem:$0x11D00] =	vst v63  }
0x38: {  	[smem:$0x2] =	sst s2  }
0x39: {  	[smem:$0x82] =	sst s24  }
0x3a: {  	[smem:$0x3] =	sst s2  }
0x3b: {  	[smem:$0x83] =	sst s24  }
0x3c: {  	[smem:$0x4] =	sst s2  }
0x3d: {  	[smem:$0x84] =	sst s24  }
0x3e: {  	[smem:$0x5] =	sst s2  }
.Ltmp3:
0x3f: {  	[smem:$0x85] =	sst s24;
	(pc) =	sbr.rel .LBB2_2-.Ltmp3, $4  }
0x40: {  	[smem:$0x6] =	sst s2  }
0x41: {  	[smem:$0x86] =	sst s24  }
0x42: {  	[smem:$0x7] =	sst s2  }
0x43: {  	s15 =	simm.s32 $0x0;
	[smem:$0x87] =	sst s24  }
.LBB2_60:
0x44: {  	p2 =	sgt.u32 s15, $0x2C  }
0x45: {  	s0 =	sadd.s32 @!p2 s16, s7;
	s4 =	simm.s32 @!p2 $0x0;
	s5 =	simm.s32 @!p2 $0x5400  }
0x46: {  	[tilespmem:s5], [sflag:$0x2] =	stream.linear.gather @!p2 [hbm4b:s0+s4], $0x5400, $0x38;
	[tilespmem:$0x11D00] =	vst v63  }
.LBB2_61:
0x47: {  	s15 =	sadd.s32 $0x1, s15  }
0x48: {  	p2 =	sne.s32 s15, $0x2F  }
.Ltmp4:
0x49: {  	_ = 	snop;
	(pc) =	sbr.rel @!p2 .LBB2_62-.Ltmp4, $1  }
0x4a: {  	_ =	sdelay $0x3  }
.LBB2_2:
.Ltmp5:
0x4b: {  	(pc) =	sbr.rel .LBB2_3-.Ltmp5, $4  }
0x4c: {  	_ = 	snop  }
0x4d: {  	_ =	swait.ge [sflag:s25], $0x5400;
	s16 =	smul.u32 $0x1500, s15  }
0x4e: {  	s18 =	simm.s32 $0x0;
	[sflag:s25] =	ssyncset.done $0x0  }
0x4f: {  	s19 =	simm.s32 $0x0;
	[sflag:s25] =	ssyncadd.s32 $0xFFFFAC00;
	s17 =	sadd.s32 s3, s16  }
.LBB2_29:
0x50: {  	s19 =	sadd.s32 $0x1, s19  }
0x51: {  	p2 =	sne.s32 s19, $0x8  }
.Ltmp6:
0x52: {  	_ = 	snop;
	(pc) =	sbr.rel @!p2 .LBB2_30-.Ltmp6, $2  }
0x53: {  	_ =	sdelay $0x2  }
0x54: {  	s18 =	sadd.s32 $0x280, s18  }
.LBB2_3:
0x55: {  	s20 =	smul.u32 $0x280, s19  }
.Ltmp7:
0x56: {  	_ = 	snop;
	(pc) =	sbr.rel .LBB2_4-.Ltmp7, $4  }
0x57: {  	_ = 	snop  }
0x58: {  	s0 =	sshll.u32 s19, $0x9;
	v3 =	vmov s20  }
0x59: {  	s0 =	sshra.s32 s0, $0x2;
	v3 =	vadd.s32 $0xFFFFFFFF, v3  }
0x5a: {  	s21 =	sadd.s32 $0x80, s19;
	s24 =	simm.s32 $0x0;
	v4 =	vmov s0;
	v3 =	vbroadcast v3, $0x0  }
.LBB2_23:
0x5b: {  	s9 =	simm.s32 $0x0  }
.LBB2_26:
0x5c: {  	v8, _, _ =	vpop (xrf0)  }
0x5d: {  	v8 =	vadd.s32 s9, v8  }
0x5e: {  	vm1 =	vle.s32 v8, v6  }
0x5f: {  	vm2 =	vgt.u32 v7, v5;
	vm0 =	vmand vm0, vm1  }
0x60: {  	vm1 =	vmor vm2, vm0;
	v5 =	vmpcnt.ones.xlane vm0  }
0x61: {  	v6 =	vsel vm1, $0x1, v1;
	v7 =	vmpcnt.ones.xlane vm1  }
0x62: {  	v5 =	vxor.u32 $0x80000000, v5;
	(xrf0) =	vadd.scan.msk.s32 $0xffff, v6  }
0x63: {  	v6 =	vxor.u32 $0x80000000, v7;
	(xrf0) =	vmax.scan.msk.u32 $0xffff, v5  }
0x64: {  	(xrf0) =	vmax.scan.msk.u32 $0xffff, v6;
	_ =	sdelay $0x3  }
0x65: {  	v5, _, _ =	vpop (xrf0)  }
0x66: {  	v6, _, _ =	vpop (xrf0)  }
0x67: {  	v7, _, _ =	vpop (xrf0);
	(v2sf) =	vpush v6, $0xF  }
0x68: {  	(v2sf) =	vpush v7, $0xF;
	_ =	sdelay $0x1  }
0x69: {  	s4 =	sadd.s32 @p2 $0x80000000, s10  }
0x6a: {  	s0 =	smov.u32 @p2 s4  }
0x6b: {  	s0 =	sadd.s32 s20, s0  }
0x6c: {  	v6 =	vmov s0  }
0x6d: {  	v6 =	vadd.s32 $0xFFFFFFFF, v6  }
0x6e: {  	v6 =	vbroadcast v6, $0x0;
	_ =	sdelay $0x1  }
0x6f: {  	v5 =	vadd.s32 v5, v6;
	v6 =	vld [tilespmem:s8+$0xAC00]  }
0x70: {  	v7 =	vld [tilespmem:s8+$0xC000];
	_ =	sdelay $0x3  }
0x71: {  	[tilespmem:v5+s28+$0x0] =	vst.idx.msk vm1, v6;
	s23 =	spop (v2sf)  }
0x72: {  	[tilespmem:v5+s29+$0x0] =	vst.idx.msk vm1, v7;
	s31 =	spop (v2sf)  }
.LBB2_27:
0x73: {  	v5 =	vld [tilespmem:s20+$0xAC00]  }
0x74: {  	v6 =	vld [tilespmem:s20+$0xAC10]  }
0x75: {  	v7 =	vld [tilespmem:s20+$0xAC20]  }
0x76: {  	v8 =	vld [tilespmem:s20+$0xAC30];
	_ =	sdelay $0x4  }
0x77: {  	v5 =	vmin.f32 v5, v6;
	v6 =	vmin.f32 v7, v8  }
0x78: {  	v5 =	vmin.f32 v5, v6  }
0x79: {  	(xrf0) =	vmin.scan.msk.f32 $0xffff, v5;
	_ =	sdelay $0x5  }
0x7a: {  	v5, _, _ =	vpop (xrf0)  }
0x7b: {  	(v2sf) =	vpush v5, $0xF;
	_ =	sdelay $0xe  }
0x7c: {  	[smem:s19] =	sst s30;
	s0 =	spop (v2sf)  }
0x7d: {  	[smem:s21] =	sst s0  }
.LBB2_28:
0x7e: {  	s24 =	sadd.s32 $0x1, s24  }
0x7f: {  	p2 =	sne.s32 s24, $0x7  }
.Ltmp8:
0x80: {  	_ = 	snop;
	(pc) =	sbr.rel @!p2 .LBB2_29-.Ltmp8, $1  }
0x81: {  	_ =	sdelay $0x3  }
.LBB2_4:
0x82: {  	_ = 	snop  }
0x83: {  	s0 =	smul.u32 $0x3000, s24;
	_ =	sdelay $0x1  }
0x84: {  	s0 =	sshra.s32 s0, $0x2  }
0x85: {  	v7 =	vld.idx.msk [tilespmem:v4+s0+$0x0 ss:$0x1], $0xffff  }
0x86: {  	v5 =	vld.idx.msk [tilespmem:v4+s0+$0x10 ss:$0x1], $0xffff  }
0x87: {  	v6 =	vld.idx.msk [tilespmem:v4+s0+$0x20 ss:$0x1], $0xffff  }
0x88: {  	v8 =	vld.idx.msk [tilespmem:v4+s0+$0x30 ss:$0x1], $0xffff  }
0x89: {  	v9 =	vld.idx.msk [tilespmem:v4+s0+$0x40 ss:$0x1], $0xffff  }
0x8a: {  	v10 =	vld.idx.msk [tilespmem:v4+s0+$0x50 ss:$0x1], $0xffff  }
0x8b: {  	v11 =	vld.idx.msk [tilespmem:v4+s0+$0x60 ss:$0x1], $0xffff  }
0x8c: {  	v12 =	vld.idx.msk [tilespmem:v4+s0+$0x70 ss:$0x1], $0xffff  }
0x8d: {  	v14 =	vld.idx.msk [tilespmem:v4+s0+$0x410 ss:$0x1], $0xffff  }
0x8e: {  	v15 =	vld.idx.msk [tilespmem:v4+s0+$0x420 ss:$0x1], $0xffff  }
0x8f: {  	v16 =	vld.idx.msk [tilespmem:v4+s0+$0x430 ss:$0x1], $0xffff  }
0x90: {  	v17 =	vld.idx.msk [tilespmem:v4+s0+$0x440 ss:$0x1], $0xffff  }
0x91: {  	v18 =	vld.idx.msk [tilespmem:v4+s0+$0x450 ss:$0x1], $0xffff  }
0x92: {  	v19 =	vld.idx.msk [tilespmem:v4+s0+$0x460 ss:$0x1], $0xffff  }
0x93: {  	v20 =	vld.idx.msk [tilespmem:v4+s0+$0x470 ss:$0x1], $0xffff  }
0x94: {  	v22 =	vld.idx.msk [tilespmem:v4+s0+$0x810 ss:$0x1], $0xffff  }
0x95: {  	v23 =	vld.idx.msk [tilespmem:v4+s0+$0x820 ss:$0x1], $0xffff  }
0x96: {  	s8 =	smul.u32 $0x180, s24;
	v24 =	vld.idx.msk [tilespmem:v4+s0+$0x830 ss:$0x1], $0xffff  }
0x97: {  	v25 =	vld.idx.msk [tilespmem:v4+s0+$0x840 ss:$0x1], $0xffff  }
0x98: {  	s22 =	sadd.s32 $0x80, s8;
	v26 =	vld.idx.msk [tilespmem:v4+s0+$0x850 ss:$0x1], $0xffff  }
0x99: {  	s9 =	sadd.s32 $0x100, s8;
	s4 =	sshll.u32 s22, $0x5;
	v27 =	vld.idx.msk [tilespmem:v4+s0+$0x860 ss:$0x1], $0xffff  }
0x9a: {  	s10 =	sshll.u32 s9, $0x5;
	v28 =	vld.idx.msk [tilespmem:v4+s0+$0x870 ss:$0x1], $0xffff;
	s5 =	sshrl.u32 s4, $0x2  }
0x9b: {  	s31 =	sshrl.u32 s10, $0x2;
	v13 =	vld.idx.msk [tilespmem:v4+s5+$0x0 ss:$0x1], $0xffff  }
0x9c: {  	v21 =	vld.idx.msk [tilespmem:v4+s31+$0x0 ss:$0x1], $0xffff;
	v5 =	vmax.f32 v7, v5;
	v6 =	vmax.f32 v6, v8  }
0x9d: {  	v49 =	vmax.f32 v9, v10;
	v50 =	vmax.f32 v11, v12;
	v52 =	vmax.f32 v15, v16  }
0x9e: {  	v53 =	vmax.f32 v17, v18;
	v54 =	vmax.f32 v19, v20;
	v56 =	vmax.f32 v23, v24  }
0x9f: {  	v57 =	vmax.f32 v25, v26;
	v58 =	vmax.f32 v27, v28;
	v5 =	vmax.f32 v5, v6  }
0xa0: {  	v6 =	vmax.f32 v49, v50;
	v60 =	vmax.f32 v53, v54;
	v51 =	vmax.f32 v13, v14  }
0xa1: {  	v62 =	vmax.f32 v57, v58;
	v55 =	vmax.f32 v21, v22;
	v59 =	vmax.f32 v51, v52  }
0xa2: {  	v5 =	vmax.f32 v5, v6;
	v61 =	vmax.f32 v55, v56;
	v6 =	vmax.f32 v59, v60  }
0xa3: {  	v63 =	vmax.f32 v61, v62;
	v5 =	vmax.f32 v5, v6  }
0xa4: {  	v5 =	vmax.f32 v5, v63  }
0xa5: {  	(xrf0) =	vmax.scan.msk.f32 $0xffff, v5;
	_ =	sdelay $0x5  }
0xa6: {  	v5, _, _ =	vpop (xrf0)  }
0xa7: {  	(v2sf) =	vpush v5, $0xF;
	_ =	sdelay $0xc  }
0xa8: {  	s5 =	sld [smem:s21+$0x0];
	_ =	sdelay $0x1  }
0xa9: {  	s23 =	spop (v2sf)  }
0xaa: {  	p2 =	sgt.f32 s23, s5;
	_ =	sdelay $0x1  }
0xab: {  	vm0 =	vgt.f32 @p2 v7, s5;
	v6 =	vimm.s32 @p2 $0x0  }
0xac: {  	v5 =	vsel @p2 vm0, $0x1, v6  }
0xad: {  	(xrf0) =	vadd.scan.msk.s32 @p2 $0xffff, v5;
	_ =	sdelay $0x4  }
0xae: {  	s14 =	sld @p2 [smem:s19+$0x0]  }
0xaf: {  	v5, _, _ =	vpop @p2 (xrf0)  }
0xb0: {  	v5 =	vadd.s32 @p2 v5, v3  }
0xb1: {  	v8 =	vadd.s32 @p2 s14, v5;
	_ =	sdelay $0x3  }
0xb2: {  	s23 =	sadd.s32 @p2 s17, s8;
	s31 =	simm.s32 @p2 $0xAC00;
	v5 =	vlaneseq.u32 @p2  }
0xb3: {  	s8 =	simm.s32 @p2 $0xC000;
	v9 =	vor.u32 @p2 s23, v5;
	[tilespmem:v8+s31+$0x0] =	vst.idx.msk @p2 vm0, v7  }
0xb4: {  	[tilespmem:v8+s8+$0x0] =	vst.idx.msk @p2 vm0, v9  }
0xb5: {  	v7 =	vld.idx.msk @p2 [tilespmem:v4+s0+$0x10 ss:$0x1], $0xffff;
	_ =	sdelay $0x4  }
0xb6: {  	vm1 =	vgt.f32 @p2 v7, s5  }
0xb7: {  	v8 =	vsel @p2 vm1, $0x1, v6  }
0xb8: {  	(xrf0) =	vadd.scan.msk.s32 @p2 $0xffff, v8;
	_ =	sdelay $0x2  }
0xb9: {  	v8 =	vmpcnt.ones.xlane @p2 vm0;
	_ =	sdelay $0x1  }
0xba: {  	v8 =	vadd.s32 @p2 s14, v8  }
0xbb: {  	v10 =	vadd.s32 @p2 v8, v3;
	v9, _, _ =	vpop @p2 (xrf0)  }
0xbc: {  	v9 =	vadd.s32 @p2 v9, v10;
	_ =	sdelay $0x3  }
0xbd: {  	s14 =	sor.u32 @p2 $0x10, s23  }
0xbe: {  	v10 =	vor.u32 @p2 s14, v5;
	[tilespmem:v9+s31+$0x0] =	vst.idx.msk @p2 vm1, v7  }
0xbf: {  	[tilespmem:v9+s8+$0x0] =	vst.idx.msk @p2 vm1, v10  }
0xc0: {  	v7 =	vld.idx.msk @p2 [tilespmem:v4+s0+$0x20 ss:$0x1], $0xffff;
	_ =	sdelay $0x4  }
0xc1: {  	vm0 =	vgt.f32 @p2 v7, s5  }
0xc2: {  	v9 =	vsel @p2 vm0, $0x1, v6  }
0xc3: {  	(xrf0) =	vadd.scan.msk.s32 @p2 $0xffff, v9;
	_ =	sdelay $0x1  }
0xc4: {  	v9 =	vmpcnt.ones.xlane @p2 vm1;
	_ =	sdelay $0x2  }
0xc5: {  	v8 =	vadd.s32 @p2 v8, v9  }
0xc6: {  	v10 =	vadd.s32 @p2 v8, v3;
	v9, _, _ =	vpop @p2 (xrf0)  }
0xc7: {  	v9 =	vadd.s32 @p2 v9, v10;
	_ =	sdelay $0x3  }
0xc8: {  	s14 =	sor.u32 @p2 $0x20, s23  }
0xc9: {  	v10 =	vor.u32 @p2 s14, v5;
	[tilespmem:v9+s31+$0x0] =	vst.idx.msk @p2 vm0, v7  }
0xca: {  	[tilespmem:v9+s8+$0x0] =	vst.idx.msk @p2 vm0, v10  }
0xcb: {  	v7 =	vld.idx.msk @p2 [tilespmem:v4+s0+$0x30 ss:$0x1], $0xffff;
	_ =	sdelay $0x4  }
0xcc: {  	vm1 =	vgt.f32 @p2 v7, s5  }
0xcd: {  	v9 =	vsel @p2 vm1, $0x1, v6  }
0xce: {  	(xrf0) =	vadd.scan.msk.s32 @p2 $0xffff, v9;
	_ =	sdelay $0x1  }
0xcf: {  	v9 =	vmpcnt.ones.xlane @p2 vm0;
	_ =	sdelay $0x2  }
0xd0: {  	v8 =	vadd.s32 @p2 v8, v9  }
0xd1: {  	v10 =	vadd.s32 @p2 v8, v3;
	v9, _, _ =	vpop @p2 (xrf0)  }
0xd2: {  	v9 =	vadd.s32 @p2 v9, v10;
	_ =	sdelay $0x3  }
0xd3: {  	s14 =	sor.u32 @p2 $0x30, s23  }
0xd4: {  	v10 =	vor.u32 @p2 s14, v5;
	[tilespmem:v9+s31+$0x0] =	vst.idx.msk @p2 vm1, v7  }
0xd5: {  	[tilespmem:v9+s8+$0x0] =	vst.idx.msk @p2 vm1, v10  }
0xd6: {  	v7 =	vld.idx.msk @p2 [tilespmem:v4+s0+$0x40 ss:$0x1], $0xffff;
	_ =	sdelay $0x4  }
0xd7: {  	vm0 =	vgt.f32 @p2 v7, s5  }
0xd8: {  	v9 =	vsel @p2 vm0, $0x1, v6  }
0xd9: {  	(xrf0) =	vadd.scan.msk.s32 @p2 $0xffff, v9;
	_ =	sdelay $0x1  }
0xda: {  	v9 =	vmpcnt.ones.xlane @p2 vm1;
	_ =	sdelay $0x2  }
0xdb: {  	v8 =	vadd.s32 @p2 v8, v9  }
0xdc: {  	v10 =	vadd.s32 @p2 v8, v3;
	v9, _, _ =	vpop @p2 (xrf0)  }
0xdd: {  	v9 =	vadd.s32 @p2 v9, v10;
	_ =	sdelay $0x3  }
0xde: {  	s14 =	sor.u32 @p2 $0x40, s23  }
0xdf: {  	v10 =	vor.u32 @p2 s14, v5;
	[tilespmem:v9+s31+$0x0] =	vst.idx.msk @p2 vm0, v7  }
0xe0: {  	[tilespmem:v9+s8+$0x0] =	vst.idx.msk @p2 vm0, v10  }
0xe1: {  	v7 =	vld.idx.msk @p2 [tilespmem:v4+s0+$0x50 ss:$0x1], $0xffff;
	_ =	sdelay $0x4  }
0xe2: {  	vm1 =	vgt.f32 @p2 v7, s5  }
0xe3: {  	v9 =	vsel @p2 vm1, $0x1, v6  }
0xe4: {  	(xrf0) =	vadd.scan.msk.s32 @p2 $0xffff, v9;
	_ =	sdelay $0x1  }
0xe5: {  	v9 =	vmpcnt.ones.xlane @p2 vm0;
	_ =	sdelay $0x2  }
0xe6: {  	v8 =	vadd.s32 @p2 v8, v9  }
0xe7: {  	v10 =	vadd.s32 @p2 v8, v3;
	v9, _, _ =	vpop @p2 (xrf0)  }
0xe8: {  	v9 =	vadd.s32 @p2 v9, v10;
	_ =	sdelay $0x3  }
0xe9: {  	s14 =	sor.u32 @p2 $0x50, s23  }
0xea: {  	v10 =	vor.u32 @p2 s14, v5;
	[tilespmem:v9+s31+$0x0] =	vst.idx.msk @p2 vm1, v7  }
0xeb: {  	[tilespmem:v9+s8+$0x0] =	vst.idx.msk @p2 vm1, v10  }
0xec: {  	v7 =	vld.idx.msk @p2 [tilespmem:v4+s0+$0x60 ss:$0x1], $0xffff;
	_ =	sdelay $0x4  }
0xed: {  	vm0 =	vgt.f32 @p2 v7, s5  }
0xee: {  	v9 =	vsel @p2 vm0, $0x1, v6  }
0xef: {  	(xrf0) =	vadd.scan.msk.s32 @p2 $0xffff, v9;
	_ =	sdelay $0x1  }
0xf0: {  	v9 =	vmpcnt.ones.xlane @p2 vm1;
	_ =	sdelay $0x2  }
0xf1: {  	v8 =	vadd.s32 @p2 v8, v9  }
0xf2: {  	v10 =	vadd.s32 @p2 v8, v3;
	v9, _, _ =	vpop @p2 (xrf0)  }
0xf3: {  	v9 =	vadd.s32 @p2 v9, v10;
	_ =	sdelay $0x3  }
0xf4: {  	s14 =	sor.u32 @p2 $0x60, s23  }
0xf5: {  	v10 =	vor.u32 @p2 s14, v5;
	[tilespmem:v9+s31+$0x0] =	vst.idx.msk @p2 vm0, v7  }
0xf6: {  	[tilespmem:v9+s8+$0x0] =	vst.idx.msk @p2 vm0, v10  }
0xf7: {  	v7 =	vld.idx.msk @p2 [tilespmem:v4+s0+$0x70 ss:$0x1], $0xffff;
	_ =	sdelay $0x4  }
0xf8: {  	vm1 =	vgt.f32 @p2 v7, s5  }
0xf9: {  	v9 =	vsel @p2 vm1, $0x1, v6  }
0xfa: {  	(xrf0) =	vadd.scan.msk.s32 @p2 $0xffff, v9;
	_ =	sdelay $0x1  }
0xfb: {  	v9 =	vmpcnt.ones.xlane @p2 vm0;
	_ =	sdelay $0x2  }
0xfc: {  	v8 =	vadd.s32 @p2 v8, v9  }
0xfd: {  	v10 =	vadd.s32 @p2 v8, v3;
	v9, _, _ =	vpop @p2 (xrf0)  }
0xfe: {  	v9 =	vadd.s32 @p2 v9, v10;
	_ =	sdelay $0x3  }
0xff: {  	s14 =	sor.u32 @p2 $0x70, s23  }
0x100: {  	v10 =	vor.u32 @p2 s14, v5;
	[tilespmem:v9+s31+$0x0] =	vst.idx.msk @p2 vm1, v7  }
0x101: {  	s4 =	sshrl.u32 @p2 s4, $0x2;
	[tilespmem:v9+s8+$0x0] =	vst.idx.msk @p2 vm1, v10  }
0x102: {  	v7 =	vld.idx.msk @p2 [tilespmem:v4+s4+$0x0 ss:$0x1], $0xffff;
	_ =	sdelay $0x4  }
0x103: {  	vm0 =	vgt.f32 @p2 v7, s5  }
0x104: {  	v9 =	vsel @p2 vm0, $0x1, v6  }
0x105: {  	(xrf0) =	vadd.scan.msk.s32 @p2 $0xffff, v9;
	_ =	sdelay $0x1  }
0x106: {  	v9 =	vmpcnt.ones.xlane @p2 vm1;
	_ =	sdelay $0x2  }
0x107: {  	v8 =	vadd.s32 @p2 v8, v9  }
0x108: {  	v10 =	vadd.s32 @p2 v8, v3;
	v9, _, _ =	vpop @p2 (xrf0)  }
0x109: {  	v9 =	vadd.s32 @p2 v9, v10;
	_ =	sdelay $0x3  }
0x10a: {  	s4 =	sadd.s32 @p2 s17, s22  }
0x10b: {  	v10 =	vor.u32 @p2 s4, v5;
	[tilespmem:v9+s31+$0x0] =	vst.idx.msk @p2 vm0, v7  }
0x10c: {  	[tilespmem:v9+s8+$0x0] =	vst.idx.msk @p2 vm0, v10  }
0x10d: {  	v7 =	vld.idx.msk @p2 [tilespmem:v4+s0+$0x410 ss:$0x1], $0xffff;
	_ =	sdelay $0x4  }
0x10e: {  	vm1 =	vgt.f32 @p2 v7, s5  }
0x10f: {  	v9 =	vsel @p2 vm1, $0x1, v6  }
0x110: {  	(xrf0) =	vadd.scan.msk.s32 @p2 $0xffff, v9;
	_ =	sdelay $0x1  }
0x111: {  	v9 =	vmpcnt.ones.xlane @p2 vm0;
	_ =	sdelay $0x2  }
0x112: {  	v8 =	vadd.s32 @p2 v8, v9  }
0x113: {  	v10 =	vadd.s32 @p2 v8, v3;
	v9, _, _ =	vpop @p2 (xrf0)  }
0x114: {  	v9 =	vadd.s32 @p2 v9, v10;
	_ =	sdelay $0x3  }
0x115: {  	s14 =	sor.u32 @p2 $0x10, s4  }
0x116: {  	v10 =	vor.u32 @p2 s14, v5;
	[tilespmem:v9+s31+$0x0] =	vst.idx.msk @p2 vm1, v7  }
0x117: {  	[tilespmem:v9+s8+$0x0] =	vst.idx.msk @p2 vm1, v10  }
0x118: {  	v7 =	vld.idx.msk @p2 [tilespmem:v4+s0+$0x420 ss:$0x1], $0xffff;
	_ =	sdelay $0x4  }
0x119: {  	vm0 =	vgt.f32 @p2 v7, s5  }
0x11a: {  	v9 =	vsel @p2 vm0, $0x1, v6  }
0x11b: {  	(xrf0) =	vadd.scan.msk.s32 @p2 $0xffff, v9;
	_ =	sdelay $0x1  }
0x11c: {  	v9 =	vmpcnt.ones.xlane @p2 vm1;
	_ =	sdelay $0x2  }
0x11d: {  	v8 =	vadd.s32 @p2 v8, v9  }
0x11e: {  	v10 =	vadd.s32 @p2 v8, v3;
	v9, _, _ =	vpop @p2 (xrf0)  }
0x11f: {  	v9 =	vadd.s32 @p2 v9, v10;
	_ =	sdelay $0x3  }
0x120: {  	s14 =	sor.u32 @p2 $0x20, s4  }
0x121: {  	v10 =	vor.u32 @p2 s14, v5;
	[tilespmem:v9+s31+$0x0] =	vst.idx.msk @p2 vm0, v7  }
0x122: {  	[tilespmem:v9+s8+$0x0] =	vst.idx.msk @p2 vm0, v10  }
0x123: {  	v7 =	vld.idx.msk @p2 [tilespmem:v4+s0+$0x430 ss:$0x1], $0xffff;
	_ =	sdelay $0x4  }
0x124: {  	vm1 =	vgt.f32 @p2 v7, s5  }
0x125: {  	v9 =	vsel @p2 vm1, $0x1, v6  }
0x126: {  	(xrf0) =	vadd.scan.msk.s32 @p2 $0xffff, v9;
	_ =	sdelay $0x1  }
0x127: {  	v9 =	vmpcnt.ones.xlane @p2 vm0;
	_ =	sdelay $0x2  }
0x128: {  	v8 =	vadd.s32 @p2 v8, v9  }
0x129: {  	v10 =	vadd.s32 @p2 v8, v3;
	v9, _, _ =	vpop @p2 (xrf0)  }
0x12a: {  	v9 =	vadd.s32 @p2 v9, v10;
	_ =	sdelay $0x3  }
0x12b: {  	s14 =	sor.u32 @p2 $0x30, s4  }
0x12c: {  	v10 =	vor.u32 @p2 s14, v5;
	[tilespmem:v9+s31+$0x0] =	vst.idx.msk @p2 vm1, v7  }
0x12d: {  	[tilespmem:v9+s8+$0x0] =	vst.idx.msk @p2 vm1, v10  }
0x12e: {  	v7 =	vld.idx.msk @p2 [tilespmem:v4+s0+$0x440 ss:$0x1], $0xffff;
	_ =	sdelay $0x4  }
0x12f: {  	vm0 =	vgt.f32 @p2 v7, s5  }
0x130: {  	v9 =	vsel @p2 vm0, $0x1, v6  }
0x131: {  	(xrf0) =	vadd.scan.msk.s32 @p2 $0xffff, v9;
	_ =	sdelay $0x1  }
0x132: {  	v9 =	vmpcnt.ones.xlane @p2 vm1;
	_ =	sdelay $0x2  }
0x133: {  	v8 =	vadd.s32 @p2 v8, v9  }
0x134: {  	v10 =	vadd.s32 @p2 v8, v3;
	v9, _, _ =	vpop @p2 (xrf0)  }
0x135: {  	v9 =	vadd.s32 @p2 v9, v10;
	_ =	sdelay $0x3  }
0x136: {  	s14 =	sor.u32 @p2 $0x40, s4  }
0x137: {  	v10 =	vor.u32 @p2 s14, v5;
	[tilespmem:v9+s31+$0x0] =	vst.idx.msk @p2 vm0, v7  }
0x138: {  	[tilespmem:v9+s8+$0x0] =	vst.idx.msk @p2 vm0, v10  }
0x139: {  	v7 =	vld.idx.msk @p2 [tilespmem:v4+s0+$0x450 ss:$0x1], $0xffff;
	_ =	sdelay $0x4  }
0x13a: {  	vm1 =	vgt.f32 @p2 v7, s5  }
0x13b: {  	v9 =	vsel @p2 vm1, $0x1, v6  }
0x13c: {  	(xrf0) =	vadd.scan.msk.s32 @p2 $0xffff, v9;
	_ =	sdelay $0x1  }
0x13d: {  	v9 =	vmpcnt.ones.xlane @p2 vm0;
	_ =	sdelay $0x2  }
0x13e: {  	v8 =	vadd.s32 @p2 v8, v9  }
0x13f: {  	v10 =	vadd.s32 @p2 v8, v3;
	v9, _, _ =	vpop @p2 (xrf0)  }
0x140: {  	v9 =	vadd.s32 @p2 v9, v10;
	_ =	sdelay $0x3  }
0x141: {  	s14 =	sor.u32 @p2 $0x50, s4  }
0x142: {  	v10 =	vor.u32 @p2 s14, v5;
	[tilespmem:v9+s31+$0x0] =	vst.idx.msk @p2 vm1, v7  }
0x143: {  	[tilespmem:v9+s8+$0x0] =	vst.idx.msk @p2 vm1, v10  }
0x144: {  	v7 =	vld.idx.msk @p2 [tilespmem:v4+s0+$0x460 ss:$0x1], $0xffff;
	_ =	sdelay $0x4  }
0x145: {  	vm0 =	vgt.f32 @p2 v7, s5  }
0x146: {  	v9 =	vsel @p2 vm0, $0x1, v6  }
0x147: {  	(xrf0) =	vadd.scan.msk.s32 @p2 $0xffff, v9;
	_ =	sdelay $0x1  }
0x148: {  	v9 =	vmpcnt.ones.xlane @p2 vm1;
	_ =	sdelay $0x2  }
0x149: {  	v8 =	vadd.s32 @p2 v8, v9  }
0x14a: {  	v10 =	vadd.s32 @p2 v8, v3;
	v9, _, _ =	vpop @p2 (xrf0)  }
0x14b: {  	v9 =	vadd.s32 @p2 v9, v10;
	_ =	sdelay $0x3  }
0x14c: {  	s14 =	sor.u32 @p2 $0x60, s4  }
0x14d: {  	v10 =	vor.u32 @p2 s14, v5;
	[tilespmem:v9+s31+$0x0] =	vst.idx.msk @p2 vm0, v7  }
0x14e: {  	[tilespmem:v9+s8+$0x0] =	vst.idx.msk @p2 vm0, v10  }
0x14f: {  	v7 =	vld.idx.msk @p2 [tilespmem:v4+s0+$0x470 ss:$0x1], $0xffff;
	_ =	sdelay $0x4  }
0x150: {  	vm1 =	vgt.f32 @p2 v7, s5  }
0x151: {  	v9 =	vsel @p2 vm1, $0x1, v6  }
0x152: {  	(xrf0) =	vadd.scan.msk.s32 @p2 $0xffff, v9;
	_ =	sdelay $0x1  }
0x153: {  	v9 =	vmpcnt.ones.xlane @p2 vm0;
	_ =	sdelay $0x2  }
0x154: {  	v8 =	vadd.s32 @p2 v8, v9  }
0x155: {  	v10 =	vadd.s32 @p2 v8, v3;
	v9, _, _ =	vpop @p2 (xrf0)  }
0x156: {  	v9 =	vadd.s32 @p2 v9, v10;
	_ =	sdelay $0x3  }
0x157: {  	s4 =	sor.u32 @p2 $0x70, s4  }
0x158: {  	v10 =	vor.u32 @p2 s4, v5;
	[tilespmem:v9+s31+$0x0] =	vst.idx.msk @p2 vm1, v7  }
0x159: {  	s4 =	sshrl.u32 @p2 s10, $0x2;
	[tilespmem:v9+s8+$0x0] =	vst.idx.msk @p2 vm1, v10  }
0x15a: {  	v7 =	vld.idx.msk @p2 [tilespmem:v4+s4+$0x0 ss:$0x1], $0xffff;
	_ =	sdelay $0x4  }
0x15b: {  	vm0 =	vgt.f32 @p2 v7, s5  }
0x15c: {  	v9 =	vsel @p2 vm0, $0x1, v6  }
0x15d: {  	(xrf0) =	vadd.scan.msk.s32 @p2 $0xffff, v9;
	_ =	sdelay $0x1  }
0x15e: {  	v9 =	vmpcnt.ones.xlane @p2 vm1;
	_ =	sdelay $0x2  }
0x15f: {  	v8 =	vadd.s32 @p2 v8, v9  }
0x160: {  	v10 =	vadd.s32 @p2 v8, v3;
	v9, _, _ =	vpop @p2 (xrf0)  }
0x161: {  	v9 =	vadd.s32 @p2 v9, v10;
	_ =	sdelay $0x3  }
0x162: {  	s4 =	sadd.s32 @p2 s17, s9  }
0x163: {  	v10 =	vor.u32 @p2 s4, v5;
	[tilespmem:v9+s31+$0x0] =	vst.idx.msk @p2 vm0, v7  }
0x164: {  	[tilespmem:v9+s8+$0x0] =	vst.idx.msk @p2 vm0, v10  }
0x165: {  	v7 =	vld.idx.msk @p2 [tilespmem:v4+s0+$0x810 ss:$0x1], $0xffff;
	_ =	sdelay $0x4  }
0x166: {  	vm1 =	vgt.f32 @p2 v7, s5  }
0x167: {  	v9 =	vsel @p2 vm1, $0x1, v6  }
0x168: {  	(xrf0) =	vadd.scan.msk.s32 @p2 $0xffff, v9;
	_ =	sdelay $0x1  }
0x169: {  	v9 =	vmpcnt.ones.xlane @p2 vm0;
	_ =	sdelay $0x2  }
0x16a: {  	v8 =	vadd.s32 @p2 v8, v9  }
0x16b: {  	v10 =	vadd.s32 @p2 v8, v3;
	v9, _, _ =	vpop @p2 (xrf0)  }
0x16c: {  	v9 =	vadd.s32 @p2 v9, v10;
	_ =	sdelay $0x3  }
0x16d: {  	s9 =	sor.u32 @p2 $0x10, s4  }
0x16e: {  	v10 =	vor.u32 @p2 s9, v5;
	[tilespmem:v9+s31+$0x0] =	vst.idx.msk @p2 vm1, v7  }
0x16f: {  	[tilespmem:v9+s8+$0x0] =	vst.idx.msk @p2 vm1, v10  }
0x170: {  	v7 =	vld.idx.msk @p2 [tilespmem:v4+s0+$0x820 ss:$0x1], $0xffff;
	_ =	sdelay $0x4  }
0x171: {  	vm0 =	vgt.f32 @p2 v7, s5  }
0x172: {  	v9 =	vsel @p2 vm0, $0x1, v6  }
0x173: {  	(xrf0) =	vadd.scan.msk.s32 @p2 $0xffff, v9;
	_ =	sdelay $0x1  }
0x174: {  	v9 =	vmpcnt.ones.xlane @p2 vm1;
	_ =	sdelay $0x2  }
0x175: {  	v8 =	vadd.s32 @p2 v8, v9  }
0x176: {  	v10 =	vadd.s32 @p2 v8, v3;
	v9, _, _ =	vpop @p2 (xrf0)  }
0x177: {  	v9 =	vadd.s32 @p2 v9, v10;
	_ =	sdelay $0x3  }
0x178: {  	s9 =	sor.u32 @p2 $0x20, s4  }
0x179: {  	v10 =	vor.u32 @p2 s9, v5;
	[tilespmem:v9+s31+$0x0] =	vst.idx.msk @p2 vm0, v7  }
0x17a: {  	[tilespmem:v9+s8+$0x0] =	vst.idx.msk @p2 vm0, v10  }
0x17b: {  	v7 =	vld.idx.msk @p2 [tilespmem:v4+s0+$0x830 ss:$0x1], $0xffff;
	_ =	sdelay $0x4  }
0x17c: {  	vm1 =	vgt.f32 @p2 v7, s5  }
0x17d: {  	v9 =	vsel @p2 vm1, $0x1, v6  }
0x17e: {  	(xrf0) =	vadd.scan.msk.s32 @p2 $0xffff, v9;
	_ =	sdelay $0x1  }
0x17f: {  	v9 =	vmpcnt.ones.xlane @p2 vm0;
	_ =	sdelay $0x2  }
0x180: {  	v8 =	vadd.s32 @p2 v8, v9  }
0x181: {  	v10 =	vadd.s32 @p2 v8, v3;
	v9, _, _ =	vpop @p2 (xrf0)  }
0x182: {  	v9 =	vadd.s32 @p2 v9, v10;
	_ =	sdelay $0x3  }
0x183: {  	s9 =	sor.u32 @p2 $0x30, s4  }
0x184: {  	v10 =	vor.u32 @p2 s9, v5;
	[tilespmem:v9+s31+$0x0] =	vst.idx.msk @p2 vm1, v7  }
0x185: {  	[tilespmem:v9+s8+$0x0] =	vst.idx.msk @p2 vm1, v10  }
0x186: {  	v7 =	vld.idx.msk @p2 [tilespmem:v4+s0+$0x840 ss:$0x1], $0xffff;
	_ =	sdelay $0x4  }
0x187: {  	vm0 =	vgt.f32 @p2 v7, s5  }
0x188: {  	v9 =	vsel @p2 vm0, $0x1, v6  }
0x189: {  	(xrf0) =	vadd.scan.msk.s32 @p2 $0xffff, v9;
	_ =	sdelay $0x1  }
0x18a: {  	v9 =	vmpcnt.ones.xlane @p2 vm1;
	_ =	sdelay $0x2  }
0x18b: {  	v8 =	vadd.s32 @p2 v8, v9  }
0x18c: {  	v10 =	vadd.s32 @p2 v8, v3;
	v9, _, _ =	vpop @p2 (xrf0)  }
0x18d: {  	v9 =	vadd.s32 @p2 v9, v10;
	_ =	sdelay $0x3  }
0x18e: {  	s9 =	sor.u32 @p2 $0x40, s4  }
0x18f: {  	v10 =	vor.u32 @p2 s9, v5;
	[tilespmem:v9+s31+$0x0] =	vst.idx.msk @p2 vm0, v7  }
0x190: {  	[tilespmem:v9+s8+$0x0] =	vst.idx.msk @p2 vm0, v10  }
0x191: {  	v7 =	vld.idx.msk @p2 [tilespmem:v4+s0+$0x850 ss:$0x1], $0xffff;
	_ =	sdelay $0x4  }
0x192: {  	vm1 =	vgt.f32 @p2 v7, s5  }
0x193: {  	v9 =	vsel @p2 vm1, $0x1, v6  }
0x194: {  	(xrf0) =	vadd.scan.msk.s32 @p2 $0xffff, v9;
	_ =	sdelay $0x1  }
0x195: {  	v9 =	vmpcnt.ones.xlane @p2 vm0;
	_ =	sdelay $0x2  }
0x196: {  	v8 =	vadd.s32 @p2 v8, v9  }
0x197: {  	v10 =	vadd.s32 @p2 v8, v3;
	v9, _, _ =	vpop @p2 (xrf0)  }
0x198: {  	v9 =	vadd.s32 @p2 v9, v10;
	_ =	sdelay $0x3  }
0x199: {  	s9 =	sor.u32 @p2 $0x50, s4  }
0x19a: {  	v10 =	vor.u32 @p2 s9, v5;
	[tilespmem:v9+s31+$0x0] =	vst.idx.msk @p2 vm1, v7  }
0x19b: {  	[tilespmem:v9+s8+$0x0] =	vst.idx.msk @p2 vm1, v10  }
0x19c: {  	v7 =	vld.idx.msk @p2 [tilespmem:v4+s0+$0x860 ss:$0x1], $0xffff;
	_ =	sdelay $0x4  }
0x19d: {  	vm0 =	vgt.f32 @p2 v7, s5  }
0x19e: {  	v9 =	vsel @p2 vm0, $0x1, v6  }
0x19f: {  	(xrf0) =	vadd.scan.msk.s32 @p2 $0xffff, v9;
	_ =	sdelay $0x1  }
0x1a0: {  	v9 =	vmpcnt.ones.xlane @p2 vm1;
	_ =	sdelay $0x2  }
0x1a1: {  	v8 =	vadd.s32 @p2 v8, v9  }
0x1a2: {  	v10 =	vadd.s32 @p2 v8, v3;
	v9, _, _ =	vpop @p2 (xrf0)  }
0x1a3: {  	v9 =	vadd.s32 @p2 v9, v10;
	_ =	sdelay $0x3  }
0x1a4: {  	s9 =	sor.u32 @p2 $0x60, s4  }
0x1a5: {  	v10 =	vor.u32 @p2 s9, v5;
	[tilespmem:v9+s31+$0x0] =	vst.idx.msk @p2 vm0, v7  }
0x1a6: {  	[tilespmem:v9+s8+$0x0] =	vst.idx.msk @p2 vm0, v10  }
0x1a7: {  	v7 =	vld.idx.msk @p2 [tilespmem:v4+s0+$0x870 ss:$0x1], $0xffff;
	_ =	sdelay $0x4  }
0x1a8: {  	v9 =	vmpcnt.ones.xlane @p2 vm0;
	vm0 =	vgt.f32 @p2 v7, s5  }
0x1a9: {  	v10 =	vmpcnt.ones.xlane @p2 vm0  }
0x1aa: {  	v8 =	vadd.s32 @p2 v8, v9  }
0x1ab: {  	v6 =	vsel @p2 vm0, $0x1, v6;
	v9 =	vadd.s32 @p2 v8, v10  }
0x1ac: {  	(xrf0) =	vadd.scan.msk.s32 @p2 $0xffff, v6;
	v6 =	vxor.u32 @p2 $0x80000000, v9  }
0x1ad: {  	(xrf0) =	vmax.scan.msk.u32 @p2 $0xffff, v6;
	_ =	sdelay $0x4  }
0x1ae: {  	v6, _, _ =	vpop @p2 (xrf0)  }
0x1af: {  	v9, _, _ =	vpop @p2 (xrf0)  }
0x1b0: {  	(v2sf) =	vpush @p2 v9, $0xF;
	_ =	sdelay $0xe  }
0x1b1: {  	s0 =	spop @p2 (v2sf)  }
0x1b2: {  	v8 =	vadd.s32 @p2 v8, v3;
	s9 =	sxor.u32 @p2 $0x80000000, s0  }
0x1b3: {  	v6 =	vadd.s32 @p2 v6, v8;
	p3 =	slt.s32 @p2 s9, $0x100  }
0x1b4: {  	p3 =	por !p2, p3  }
.Ltmp9:
0x1b5: {  	_ = 	snop;
	(pc) =	sbr.rel @p3 .LBB2_28-.Ltmp9, $4  }
0x1b6: {  	_ = 	snop  }
0x1b7: {  	s4 =	sor.u32 @p2 $0x70, s4  }
0x1b8: {  	v5 =	vor.u32 @p2 s4, v5;
	[tilespmem:v6+s31+$0x0] =	vst.idx.msk @p2 vm0, v7  }
0x1b9: {  	[tilespmem:v6+s8+$0x0] =	vst.idx.msk @p2 vm0, v5;
	[smem:s19] =	sst @p2 s9  }
0x1ba: {  	s0 =	sadd.s32 $0x8000000F, s0  }
0x1bb: {  	s4 =	sand.u32 $0xF, s0  }
0x1bc: {  	s5 =	sshra.s32 s0, $0x1F;
	p2 =	slt.s32 s0, $0x1;
	p3 =	sne.s32 s4, $0x0  }
0x1bd: {  	s31 =	sshrl.u32 s5, $0x1C;
	p2 =	por !p2, !p3  }
0x1be: {  	s4 =	simm.s32 $0x1;
	s0 =	sadd.s32 s31, s0;
	p2 =	por !p2, !p2  }
0x1bf: {  	s0 =	sshra.s32 s0, $0x4;
	s4 =	simm.s32 @!p2 $0x0  }
0x1c0: {  	s5 =	ssub.s32 s0, s4  }
0x1c1: {  	p2 =	slt.s32 s5, $0x1  }
.Ltmp10:
0x1c2: {  	_ = 	snop;
	(pc) =	sbr.rel @p2 .LBB2_13-.Ltmp10, $1  }
0x1c3: {  	_ =	sdelay $0x3  }
0x1c4: {  	p4 =	sne.s32 s5, $0x1  }
.Ltmp11:
0x1c5: {  	_ = 	snop;
	(pc) =	sbr.rel @!p4 .LBB2_7-.Ltmp11, $4  }
0x1c6: {  	s8 =	simm.s32 $0x0;
	s0 =	sadd.s32 $0x0, s18  }
0x1c7: {  	s0 =	sand.u32 $0xFFFFFF80, s0;
	s4 =	sand.u32 $0x70, s8  }
0x1c8: {  	s0 =	sor.u32 s4, s0  }
0x1c9: {  	v5 =	vmov s9;
	s9 =	sadd.s32 $0xFFFFFFFF, s5;
	p3 =	por $0x0, $0x0;
	s4 =	simm.s32 $0x10;
	v6 =	vld [tilespmem:s0+$0xAC00]  }
0x1ca: {  	_ =	sdelay $0x2  }
0x1cb: {  	s10 =	sadd.s32 $0x10, s18;
	p4 =	sne.s32 s9, $0x1  }
.Ltmp12:
0x1cc: {  	s14 =	sand.u32 $0x70, s4;
	s10 =	sand.u32 $0xFFFFFF80, s10;
	v7 =	vshra.s32 v6, $0x1F;
	(pc) =	sbr.rel @!p4 .LBB2_9-.Ltmp12, $4  }
0x1cd: {  	v8 =	vor.u32 s8, v0;
	s8 =	sor.u32 s14, s10;
	v7 =	vor.u32 $0x80000000, v7  }
0x1ce: {  	v7 =	vxor.u32 v6, v7;
	v6 =	vld [tilespmem:s8+$0xAC00]  }
0x1cf: {  	vm0 =	vlt.s32 v8, v5  }
0x1d0: {  	s9 =	sadd.s32 $0xFFFFFFFF, s9;
	p3 =	por $0x1, $0x1;
	s10 =	simm.s32 $0x20;
	v7 =	vnsel vm0, $0x0, v7  }
.LBB2_10:
0x1d1: {  	s14 =	sadd.s32 s10, s18;
	p4 =	sne.s32 s9, $0x1;
	s9 =	sadd.s32 $0xFFFFFFFF, s9;
	[tilespmem:s0+$0xD400] =	vst v7  }
.Ltmp13:
0x1d2: {  	s22 =	sand.u32 $0x70, s10;
	s14 =	sand.u32 $0xFFFFFF80, s14;
	(pc) =	sbr.rel @p4 .LBB2_10-.Ltmp13, $4  }
0x1d3: {  	s0 =	smov.u32 s8;
	v7 =	vshra.s32 v6, $0x1F;
	v8 =	vmov v6;
	s8 =	sor.u32 s22, s14  }
0x1d4: {  	v9 =	vor.u32 s4, v0;
	s4 =	smov.u32 s10;
	v6 =	vld [tilespmem:s8+$0xAC00];
	v7 =	vor.u32 $0x80000000, v7  }
0x1d5: {  	vm0 =	vlt.s32 v9, v5;
	v7 =	vxor.u32 v8, v7  }
0x1d6: {  	s10 =	sadd.s32 $0x10, s10;
	v7 =	vnsel vm0, $0x0, v7  }
0x1d7: {  	s9 =	smov.u32 s0;
	s0 =	smov.u32 s8;
	s8 =	smov.u32 s4  }
.LBB2_12:
0x1d8: {  	_ = 	snop  }
0x1d9: {  	v8 =	vshra.s32 v6, $0x1F  }
0x1da: {  	v9 =	vor.u32 s8, v0;
	v8 =	vor.u32 $0x80000000, v8  }
0x1db: {  	vm0 =	vlt.s32 v9, v5;
	v6 =	vxor.u32 v6, v8  }
0x1dc: {  	[tilespmem:s9+$0xD400] =	vst @p3 v7;
	v5 =	vnsel vm0, $0x0, v6  }
0x1dd: {  	[tilespmem:s0+$0xD400] =	vst v5  }
.LBB2_13:
.Ltmp14:
0x1de: {  	(pc) =	sbr.rel .LBB2_14-.Ltmp14, $2  }
0x1df: {  	_ =	sdelay $0x2  }
0x1e0: {  	s0 =	simm.s32 $0x0;
	s4 =	simm.s32 $0x0;
	s8 =	simm.s32 $0x0  }
.LBB2_103:
0x1e1: {  	v5 =	vimm.s32 $0x80000000  }
.LBB2_18:
0x1e2: {  	(xrf0) =	vmax.scan.msk.u32 $0xffff, v5;
	_ =	sdelay $0x5  }
0x1e3: {  	v5, _, _ =	vpop (xrf0)  }
0x1e4: {  	(v2sf) =	vpush v5, $0xF;
	_ =	sdelay $0xa  }
0x1e5: {  	s8 =	sadd.s32 $0x1, s8  }
0x1e6: {  	p4 =	sne.s32 s8, $0x20  }
.Ltmp15:
0x1e7: {  	_ = 	snop;
	(pc) =	sbr.rel @!p4 .LBB2_19-.Ltmp15, $4  }
0x1e8: {  	_ = 	snop  }
0x1e9: {  	s10 =	spop (v2sf)  }
0x1ea: {  	p3 =	sgt.u32 s10, $0x8000003F  }
0x1eb: {  	s4 =	smov.u32 @p3 s9  }
.LBB2_14:
.Ltmp16:
0x1ec: {  	(pc) =	sbr.rel @p2 .LBB2_103-.Ltmp16, $3  }
0x1ed: {  	_ =	sdelay $0x1  }
0x1ee: {  	s9 =	sshrl.u32 s26, s8  }
0x1ef: {  	s9 =	sor.u32 s9, s4  }
0x1f0: {  	s10 =	sadd.s32 $0x0, s18;
	p3 =	sne.s32 s5, $0x1  }
.Ltmp17:
0x1f1: {  	s14 =	sand.u32 $0x70, s0;
	s10 =	sand.u32 $0xFFFFFF80, s10;
	(pc) =	sbr.rel @!p3 .LBB2_17-.Ltmp17, $3  }
0x1f2: {  	s14 =	sor.u32 s14, s10  }
0x1f3: {  	v7 =	vld [tilespmem:s14+$0xD400];
	_ =	sdelay $0x1  }
0x1f4: {  	v6 =	vmov s9;
	v5 =	vimm.s32 $0x0;
	s22 =	simm.s32 $0x10;
	s10 =	sadd.s32 $0xFFFFFFFF, s5  }
.LBB2_16:
0x1f5: {  	s14 =	sadd.s32 s22, s18;
	p3 =	sne.s32 s10, $0x1;
	s10 =	sadd.s32 $0xFFFFFFFF, s10  }
.Ltmp18:
0x1f6: {  	s23 =	sand.u32 $0x70, s22;
	s14 =	sand.u32 $0xFFFFFF80, s14;
	(pc) =	sbr.rel @p3 .LBB2_16-.Ltmp18, $3  }
0x1f7: {  	s14 =	sor.u32 s23, s14;
	vm0 =	vge.u32 v7, v6  }
0x1f8: {  	v7 =	vld [tilespmem:s14+$0xD400];
	v8 =	vmpcnt.ones.xlane vm0;
	_ =	sdelay $0x1  }
0x1f9: {  	s22 =	sadd.s32 $0x10, s22;
	v5 =	vadd.s32 v5, v8  }
.LBB2_17:
0x1fa: {  	_ =	sdelay $0x1  }
.Ltmp19:
0x1fb: {  	vm0 =	vge.u32 v7, v6;
	(pc) =	sbr.rel .LBB2_18-.Ltmp19, $3  }
0x1fc: {  	v6 =	vmpcnt.ones.xlane vm0;
	_ =	sdelay $0x1  }
0x1fd: {  	v5 =	vadd.s32 v5, v6  }
0x1fe: {  	v5 =	vxor.u32 $0x80000000, v5  }
.LBB2_19:
.Ltmp20:
0x1ff: {  	(pc) =	sbr.rel @p2 .LBB2_27-.Ltmp20, $1  }
0x200: {  	_ =	sdelay $0x3  }
0x201: {  	s0 =	simm.s32 $0x0;
	s8 =	sadd.s32 $0x0, s18;
	p3 =	sne.s32 s5, $0x1  }
.Ltmp21:
0x202: {  	s8 =	sand.u32 $0xFFFFFF80, s8;
	s9 =	sand.u32 $0x70, s0;
	(pc) =	sbr.rel @!p3 .LBB2_22-.Ltmp21, $3  }
0x203: {  	s8 =	sor.u32 s9, s8  }
0x204: {  	v7 =	vld [tilespmem:s8+$0xD400];
	_ =	sdelay $0x1  }
0x205: {  	v5 =	vmov s4;
	v6 =	vimm.s32 $0x0;
	s4 =	sadd.s32 $0xFFFFFFFF, s5;
	s9 =	simm.s32 $0x10  }
.LBB2_21:
0x206: {  	s10 =	sadd.s32 s9, s18;
	p2 =	sne.s32 s4, $0x1;
	s4 =	sadd.s32 $0xFFFFFFFF, s4  }
.Ltmp22:
0x207: {  	s14 =	sand.u32 $0x70, s9;
	s10 =	sand.u32 $0xFFFFFF80, s10;
	(pc) =	sbr.rel @p2 .LBB2_21-.Ltmp22, $3  }
0x208: {  	s10 =	sor.u32 s14, s10;
	vm0 =	vgt.u32 v7, v5  }
0x209: {  	v7 =	vld [tilespmem:s10+$0xD400];
	v8 =	vmpcnt.ones.xlane vm0;
	_ =	sdelay $0x1  }
0x20a: {  	s9 =	sadd.s32 $0x10, s9;
	v6 =	vadd.s32 v6, v8  }
.LBB2_22:
0x20b: {  	_ =	sdelay $0x1  }
0x20c: {  	vm0 =	vgt.u32 v7, v5  }
0x20d: {  	v7 =	vmpcnt.ones.xlane vm0;
	_ =	sdelay $0x1  }
0x20e: {  	v6 =	vadd.s32 v6, v7  }
0x20f: {  	v6 =	vxor.u32 $0x80000000, v6  }
0x210: {  	(xrf0) =	vmax.scan.msk.u32 $0xffff, v6;
	_ =	sdelay $0x5  }
0x211: {  	v6, _, _ =	vpop (xrf0)  }
0x212: {  	(v2sf) =	vpush v6, $0xF;
	_ =	sdelay $0x5  }
0x213: {  	v7 =	vld [tilespmem:s8+$0xD400];
	_ =	sdelay $0x4  }
0x214: {  	vm0 =	veq.s32 v7, v5  }
0x215: {  	v8 =	vsel vm0, $0x1, v1  }
0x216: {  	(xrf0) =	vadd.scan.msk.s32 $0xffff, v8  }
.Ltmp23:
0x217: {  	_ = 	snop;
	(pc) =	sbr.rel @!p3 .LBB2_23-.Ltmp23, $4  }
0x218: {  	s4 =	spop (v2sf)  }
0x219: {  	s4 =	sxor.u32 $0x80000000, s4  }
0x21a: {  	s4 =	ssub.s32 $0x40, s4  }
0x21b: {  	s5 =	sadd.s32 $0xFFFFFFFF, s5;
	p2 =	por $0x0, $0x0;
	v6 =	vmov s4  }
0x21c: {  	v8, _, _ =	vpop (xrf0)  }
0x21d: {  	v8 =	vadd.s32 s0, v8  }
0x21e: {  	vm1 =	vle.s32 v8, v6  }
0x21f: {  	vm2 =	vgt.u32 v7, v5;
	vm0 =	vmand vm0, vm1  }
0x220: {  	vm1 =	vmor vm2, vm0  }
0x221: {  	v7 =	vmpcnt.ones.xlane vm0;
	v8 =	vsel vm1, $0x1, v1  }
0x222: {  	v9 =	vmpcnt.ones.xlane vm1;
	(xrf0) =	vadd.scan.msk.s32 $0xffff, v8  }
0x223: {  	v7 =	vxor.u32 $0x80000000, v7  }
0x224: {  	s4 =	sadd.s32 $0x0, s20;
	v8 =	vxor.u32 $0x80000000, v9;
	(xrf0) =	vmax.scan.msk.u32 $0xffff, v7  }
0x225: {  	(xrf0) =	vmax.scan.msk.u32 $0xffff, v8;
	v8 =	vmov s4  }
0x226: {  	v8 =	vadd.s32 $0xFFFFFFFF, v8  }
0x227: {  	v8 =	vbroadcast v8, $0x0  }
0x228: {  	v7, _, _ =	vpop (xrf0)  }
0x229: {  	v7 =	vadd.s32 v7, v8;
	v8 =	vld [tilespmem:s8+$0xAC00]  }
0x22a: {  	v63 =	vld [tilespmem:s8+$0xC000];
	v62, _, _ =	vpop (xrf0)  }
0x22b: {  	v10, _, _ =	vpop (xrf0);
	(v2sf) =	vpush v62, $0xF  }
0x22c: {  	(v2sf) =	vpush v10, $0xF  }
0x22d: {  	s23 =	sadd.s32 $0x10, s18;
	s4 =	simm.s32 $0x10  }
0x22e: {  	s9 =	sand.u32 $0x70, s4;
	s8 =	sand.u32 $0xFFFFFF80, s23;
	[tilespmem:v7+s28+$0x0] =	vst.idx.msk vm1, v8  }
0x22f: {  	s8 =	sor.u32 s9, s8;
	[tilespmem:v7+s29+$0x0] =	vst.idx.msk vm1, v63  }
0x230: {  	v7 =	vld [tilespmem:s8+$0xD400];
	_ =	sdelay $0x4  }
0x231: {  	vm0 =	veq.s32 v7, v5  }
0x232: {  	v8 =	vsel vm0, $0x1, v1  }
0x233: {  	p3 =	sne.s32 s5, $0x1;
	(xrf0) =	vadd.scan.msk.s32 $0xffff, v8  }
.Ltmp24:
0x234: {  	_ = 	snop;
	(pc) =	sbr.rel @!p3 .LBB2_26-.Ltmp24, $4  }
0x235: {  	_ = 	snop  }
0x236: {  	s31 =	spop (v2sf)  }
0x237: {  	s5 =	sadd.s32 $0xFFFFFFFF, s5;
	s9 =	sadd.s32 $0x0, s31;
	s10 =	spop (v2sf)  }
0x238: {  	p2 =	por $0x1, $0x1;
	s10 =	sadd.s32 $0x0, s10;
	s9 =	sadd.s32 $0x80000000, s9  }
.LBB2_25:
0x239: {  	p3 =	sne.s32 s5, $0x1;
	s5 =	sadd.s32 $0xFFFFFFFF, s5;
	s10 =	sadd.s32 $0x80000000, s10  }
0x23a: {  	s14 =	sadd.s32 s20, s10;
	v8, _, _ =	vpop (xrf0)  }
0x23b: {  	v8 =	vadd.s32 s9, v8;
	v9 =	vmov s14  }
0x23c: {  	vm1 =	vle.s32 v8, v6;
	v8 =	vadd.s32 $0xFFFFFFFF, v9  }
0x23d: {  	vm2 =	vgt.u32 v7, v5;
	vm1 =	vmand vm0, vm1  }
0x23e: {  	vm0 =	vmor vm2, vm1;
	v7 =	vmpcnt.ones.xlane vm1  }
0x23f: {  	v9 =	vsel vm0, $0x1, v1;
	v10 =	vmpcnt.ones.xlane vm0  }
0x240: {  	v7 =	vxor.u32 $0x80000000, v7;
	(xrf0) =	vadd.scan.msk.s32 $0xffff, v9  }
0x241: {  	v9 =	vxor.u32 $0x80000000, v10;
	(xrf0) =	vmax.scan.msk.u32 $0xffff, v7  }
0x242: {  	(xrf0) =	vmax.scan.msk.u32 $0xffff, v9;
	_ =	sdelay $0x2  }
0x243: {  	v7 =	vbroadcast v8, $0x0  }
0x244: {  	v8, _, _ =	vpop (xrf0)  }
0x245: {  	v7 =	vadd.s32 v8, v7;
	v8 =	vld [tilespmem:s8+$0xAC00];
	v9, _, _ =	vpop (xrf0)  }
0x246: {  	v10 =	vld [tilespmem:s8+$0xC000];
	v11, _, _ =	vpop (xrf0);
	(v2sf) =	vpush v9, $0xF  }
0x247: {  	(v2sf) =	vpush v11, $0xF  }
0x248: {  	s4 =	sadd.s32 $0x10, s4  }
0x249: {  	s8 =	sadd.s32 s4, s18  }
0x24a: {  	s14 =	sand.u32 $0x70, s4;
	s8 =	sand.u32 $0xFFFFFF80, s8;
	[tilespmem:v7+s28+$0x0] =	vst.idx.msk vm0, v8  }
0x24b: {  	s8 =	sor.u32 s14, s8;
	[tilespmem:v7+s29+$0x0] =	vst.idx.msk vm0, v10  }
0x24c: {  	v7 =	vld [tilespmem:s8+$0xD400];
	_ =	sdelay $0x4  }
0x24d: {  	vm0 =	veq.s32 v7, v5  }
0x24e: {  	v8 =	vsel vm0, $0x1, v1  }
.Ltmp25:
0x24f: {  	(xrf0) =	vadd.scan.msk.s32 $0xffff, v8;
	(pc) =	sbr.rel @p3 .LBB2_25-.Ltmp25, $4  }
0x250: {  	_ = 	snop  }
0x251: {  	s14 =	spop (v2sf)  }
0x252: {  	s9 =	sadd.s32 s14, s9;
	s14 =	spop (v2sf)  }
0x253: {  	s10 =	sadd.s32 s14, s10;
	s9 =	sadd.s32 $0x80000000, s9  }
.Ltmp26:
0x254: {  	_ = 	snop;
	(pc) =	sbr.rel .LBB2_26-.Ltmp26, $1  }
0x255: {  	_ =	sdelay $0x3  }
.LBB2_7:
.Ltmp27:
0x256: {  	(pc) =	sbr.rel .LBB2_12-.Ltmp27, $2  }
0x257: {  	_ =	sdelay $0x2  }
0x258: {  	_ = 	snop  }
.LBB2_9:
.Ltmp28:
0x259: {  	(pc) =	sbr.rel .LBB2_12-.Ltmp28, $2  }
0x25a: {  	_ =	sdelay $0x2  }
0x25b: {  	s9 =	smov.u32 s0;
	s0 =	smov.u32 s8;
	s8 =	simm.s32 $0x10  }
.LBB2_30:
0x25c: {  	p2 =	seq.s32 s15, $0x2E  }
.Ltmp29:
0x25d: {  	_ = 	snop;
	(pc) =	sbr.rel @p2 .LBB2_62-.Ltmp29, $1  }
0x25e: {  	_ =	sdelay $0x3  }
0x25f: {  	s0 =	sadd.s32 s16, s6  }
0x260: {  	[tilespmem:s2], [sflag:$0x1] =	stream.linear.gather [hbm4b:s0+s2], $0x5400, $0x38;
	[tilespmem:$0x11D00] =	vst v63  }
0x261: {  	s0 =	sshllo.u32 s15, $0x1  }
0x262: {  	p2 =	sgt.u32 s0, $0x5C  }
.Ltmp30:
0x263: {  	_ = 	snop;
	(pc) =	sbr.rel @p2 .LBB2_61-.Ltmp30, $1  }
0x264: {  	_ =	sdelay $0x3  }
.Ltmp31:
0x265: {  	(pc) =	sbr.rel .LBB2_33-.Ltmp31, $4  }
0x266: {  	_ = 	snop  }
0x267: {  	_ =	swait.ge [sflag:s13], $0x5400;
	s0 =	smul.u32 $0xA80, s0  }
0x268: {  	s18 =	simm.s32 $0x0;
	[sflag:s13] =	ssyncset.done $0x0  }
0x269: {  	s19 =	simm.s32 $0x0;
	[sflag:s13] =	ssyncadd.s32 $0xFFFFAC00;
	s17 =	sadd.s32 s3, s0  }
.LBB2_59:
0x26a: {  	s19 =	sadd.s32 $0x1, s19  }
0x26b: {  	p2 =	sne.s32 s19, $0x8  }
.Ltmp32:
0x26c: {  	_ = 	snop;
	(pc) =	sbr.rel @!p2 .LBB2_60-.Ltmp32, $2  }
0x26d: {  	_ =	sdelay $0x2  }
0x26e: {  	s18 =	sadd.s32 $0x280, s18  }
.LBB2_33:
0x26f: {  	s20 =	smul.u32 $0x280, s19  }
.Ltmp33:
0x270: {  	_ = 	snop;
	(pc) =	sbr.rel .LBB2_34-.Ltmp33, $4  }
0x271: {  	s0 =	sshll.u32 s19, $0x9  }
0x272: {  	s0 =	sshra.s32 s0, $0x2;
	v3 =	vmov s20  }
0x273: {  	s0 =	sadd.s32 $0x5400, s0;
	v3 =	vadd.s32 $0xFFFFFFFF, v3  }
0x274: {  	s21 =	sadd.s32 $0x80, s19;
	s24 =	simm.s32 $0x0;
	v4 =	vmov s0;
	v3 =	vbroadcast v3, $0x0  }
.LBB2_53:
0x275: {  	s9 =	simm.s32 $0x0  }
.LBB2_56:
0x276: {  	v8, _, _ =	vpop (xrf0)  }
0x277: {  	v8 =	vadd.s32 s9, v8  }
0x278: {  	vm1 =	vle.s32 v8, v6  }
0x279: {  	vm2 =	vgt.u32 v7, v5;
	vm0 =	vmand vm0, vm1  }
0x27a: {  	vm1 =	vmor vm2, vm0;
	v5 =	vmpcnt.ones.xlane vm0  }
0x27b: {  	v6 =	vsel vm1, $0x1, v1;
	v7 =	vmpcnt.ones.xlane vm1  }
0x27c: {  	v5 =	vxor.u32 $0x80000000, v5;
	(xrf0) =	vadd.scan.msk.s32 $0xffff, v6  }
0x27d: {  	v6 =	vxor.u32 $0x80000000, v7;
	(xrf0) =	vmax.scan.msk.u32 $0xffff, v5  }
0x27e: {  	(xrf0) =	vmax.scan.msk.u32 $0xffff, v6;
	_ =	sdelay $0x3  }
0x27f: {  	v5, _, _ =	vpop (xrf0)  }
0x280: {  	v6, _, _ =	vpop (xrf0)  }
0x281: {  	v7, _, _ =	vpop (xrf0);
	(v2sf) =	vpush v6, $0xF  }
0x282: {  	(v2sf) =	vpush v7, $0xF;
	_ =	sdelay $0x1  }
0x283: {  	s4 =	sadd.s32 @p2 $0x80000000, s10  }
0x284: {  	s0 =	smov.u32 @p2 s4  }
0x285: {  	s0 =	sadd.s32 s20, s0  }
0x286: {  	v6 =	vmov s0  }
0x287: {  	v6 =	vadd.s32 $0xFFFFFFFF, v6  }
0x288: {  	v6 =	vbroadcast v6, $0x0;
	_ =	sdelay $0x1  }
0x289: {  	v5 =	vadd.s32 v5, v6;
	v6 =	vld [tilespmem:s8+$0xAC00]  }
0x28a: {  	v7 =	vld [tilespmem:s8+$0xC000];
	_ =	sdelay $0x3  }
0x28b: {  	[tilespmem:v5+s28+$0x0] =	vst.idx.msk vm1, v6;
	s23 =	spop (v2sf)  }
0x28c: {  	[tilespmem:v5+s29+$0x0] =	vst.idx.msk vm1, v7;
	s31 =	spop (v2sf)  }
.LBB2_57:
0x28d: {  	v5 =	vld [tilespmem:s20+$0xAC00]  }
0x28e: {  	v6 =	vld [tilespmem:s20+$0xAC10]  }
0x28f: {  	v7 =	vld [tilespmem:s20+$0xAC20]  }
0x290: {  	v8 =	vld [tilespmem:s20+$0xAC30];
	_ =	sdelay $0x4  }
0x291: {  	v5 =	vmin.f32 v5, v6;
	v6 =	vmin.f32 v7, v8  }
0x292: {  	v5 =	vmin.f32 v5, v6  }
0x293: {  	(xrf0) =	vmin.scan.msk.f32 $0xffff, v5;
	_ =	sdelay $0x5  }
0x294: {  	v5, _, _ =	vpop (xrf0)  }
0x295: {  	(v2sf) =	vpush v5, $0xF;
	_ =	sdelay $0xe  }
0x296: {  	[smem:s19] =	sst s30;
	s0 =	spop (v2sf)  }
0x297: {  	[smem:s21] =	sst s0  }
.LBB2_58:
0x298: {  	s24 =	sadd.s32 $0x1, s24  }
0x299: {  	p2 =	sne.s32 s24, $0x7  }
.Ltmp34:
0x29a: {  	_ = 	snop;
	(pc) =	sbr.rel @!p2 .LBB2_59-.Ltmp34, $1  }
0x29b: {  	_ =	sdelay $0x3  }
.LBB2_34:
0x29c: {  	_ = 	snop  }
0x29d: {  	s0 =	smul.u32 $0x3000, s24;
	_ =	sdelay $0x1  }
0x29e: {  	s0 =	sshra.s32 s0, $0x2  }
0x29f: {  	v7 =	vld.idx.msk [tilespmem:v4+s0+$0x0 ss:$0x1], $0xffff  }
0x2a0: {  	v5 =	vld.idx.msk [tilespmem:v4+s0+$0x10 ss:$0x1], $0xffff  }
0x2a1: {  	v6 =	vld.idx.msk [tilespmem:v4+s0+$0x20 ss:$0x1], $0xffff  }
0x2a2: {  	v8 =	vld.idx.msk [tilespmem:v4+s0+$0x30 ss:$0x1], $0xffff  }
0x2a3: {  	v9 =	vld.idx.msk [tilespmem:v4+s0+$0x40 ss:$0x1], $0xffff  }
0x2a4: {  	v10 =	vld.idx.msk [tilespmem:v4+s0+$0x50 ss:$0x1], $0xffff  }
0x2a5: {  	v11 =	vld.idx.msk [tilespmem:v4+s0+$0x60 ss:$0x1], $0xffff  }
0x2a6: {  	v12 =	vld.idx.msk [tilespmem:v4+s0+$0x70 ss:$0x1], $0xffff  }
0x2a7: {  	v14 =	vld.idx.msk [tilespmem:v4+s0+$0x410 ss:$0x1], $0xffff  }
0x2a8: {  	v15 =	vld.idx.msk [tilespmem:v4+s0+$0x420 ss:$0x1], $0xffff  }
0x2a9: {  	v16 =	vld.idx.msk [tilespmem:v4+s0+$0x430 ss:$0x1], $0xffff  }
0x2aa: {  	v17 =	vld.idx.msk [tilespmem:v4+s0+$0x440 ss:$0x1], $0xffff  }
0x2ab: {  	v18 =	vld.idx.msk [tilespmem:v4+s0+$0x450 ss:$0x1], $0xffff  }
0x2ac: {  	v19 =	vld.idx.msk [tilespmem:v4+s0+$0x460 ss:$0x1], $0xffff  }
0x2ad: {  	v20 =	vld.idx.msk [tilespmem:v4+s0+$0x470 ss:$0x1], $0xffff  }
0x2ae: {  	v22 =	vld.idx.msk [tilespmem:v4+s0+$0x810 ss:$0x1], $0xffff  }
0x2af: {  	v23 =	vld.idx.msk [tilespmem:v4+s0+$0x820 ss:$0x1], $0xffff  }
0x2b0: {  	s8 =	smul.u32 $0x180, s24;
	v24 =	vld.idx.msk [tilespmem:v4+s0+$0x830 ss:$0x1], $0xffff  }
0x2b1: {  	v25 =	vld.idx.msk [tilespmem:v4+s0+$0x840 ss:$0x1], $0xffff  }
0x2b2: {  	s22 =	sadd.s32 $0x80, s8;
	v26 =	vld.idx.msk [tilespmem:v4+s0+$0x850 ss:$0x1], $0xffff  }
0x2b3: {  	s9 =	sadd.s32 $0x100, s8;
	s4 =	sshll.u32 s22, $0x5;
	v27 =	vld.idx.msk [tilespmem:v4+s0+$0x860 ss:$0x1], $0xffff  }
0x2b4: {  	s10 =	sshll.u32 s9, $0x5;
	v28 =	vld.idx.msk [tilespmem:v4+s0+$0x870 ss:$0x1], $0xffff;
	s5 =	sshrl.u32 s4, $0x2  }
0x2b5: {  	s31 =	sshrl.u32 s10, $0x2;
	v13 =	vld.idx.msk [tilespmem:v4+s5+$0x0 ss:$0x1], $0xffff  }
0x2b6: {  	v21 =	vld.idx.msk [tilespmem:v4+s31+$0x0 ss:$0x1], $0xffff;
	v5 =	vmax.f32 v7, v5;
	v6 =	vmax.f32 v6, v8  }
0x2b7: {  	v49 =	vmax.f32 v9, v10;
	v50 =	vmax.f32 v11, v12;
	v52 =	vmax.f32 v15, v16  }
0x2b8: {  	v53 =	vmax.f32 v17, v18;
	v54 =	vmax.f32 v19, v20;
	v56 =	vmax.f32 v23, v24  }
0x2b9: {  	v57 =	vmax.f32 v25, v26;
	v58 =	vmax.f32 v27, v28;
	v5 =	vmax.f32 v5, v6  }
0x2ba: {  	v6 =	vmax.f32 v49, v50;
	v60 =	vmax.f32 v53, v54;
	v51 =	vmax.f32 v13, v14  }
0x2bb: {  	v62 =	vmax.f32 v57, v58;
	v55 =	vmax.f32 v21, v22;
	v59 =	vmax.f32 v51, v52  }
0x2bc: {  	v5 =	vmax.f32 v5, v6;
	v61 =	vmax.f32 v55, v56;
	v6 =	vmax.f32 v59, v60  }
0x2bd: {  	v63 =	vmax.f32 v61, v62;
	v5 =	vmax.f32 v5, v6  }
0x2be: {  	v5 =	vmax.f32 v5, v63  }
0x2bf: {  	(xrf0) =	vmax.scan.msk.f32 $0xffff, v5;
	_ =	sdelay $0x5  }
0x2c0: {  	v5, _, _ =	vpop (xrf0)  }
0x2c1: {  	(v2sf) =	vpush v5, $0xF;
	_ =	sdelay $0xc  }
0x2c2: {  	s5 =	sld [smem:s21+$0x0];
	_ =	sdelay $0x1  }
0x2c3: {  	s14 =	spop (v2sf)  }
0x2c4: {  	p2 =	sgt.f32 s14, s5;
	_ =	sdelay $0x1  }
0x2c5: {  	vm0 =	vgt.f32 @p2 v7, s5;
	v6 =	vimm.s32 @p2 $0x0  }
0x2c6: {  	v5 =	vsel @p2 vm0, $0x1, v6  }
0x2c7: {  	(xrf0) =	vadd.scan.msk.s32 @p2 $0xffff, v5;
	_ =	sdelay $0x4  }
0x2c8: {  	s14 =	sld @p2 [smem:s19+$0x0]  }
0x2c9: {  	v5, _, _ =	vpop @p2 (xrf0)  }
0x2ca: {  	v5 =	vadd.s32 @p2 v5, v3  }
0x2cb: {  	v8 =	vadd.s32 @p2 s14, v5;
	_ =	sdelay $0x3  }
0x2cc: {  	s23 =	sadd.s32 @p2 s17, s8;
	s31 =	simm.s32 @p2 $0xAC00;
	v5 =	vlaneseq.u32 @p2  }
0x2cd: {  	s8 =	simm.s32 @p2 $0xC000;
	v9 =	vor.u32 @p2 s23, v5;
	[tilespmem:v8+s31+$0x0] =	vst.idx.msk @p2 vm0, v7  }
0x2ce: {  	[tilespmem:v8+s8+$0x0] =	vst.idx.msk @p2 vm0, v9  }
0x2cf: {  	v7 =	vld.idx.msk @p2 [tilespmem:v4+s0+$0x10 ss:$0x1], $0xffff;
	_ =	sdelay $0x4  }
0x2d0: {  	vm1 =	vgt.f32 @p2 v7, s5  }
0x2d1: {  	v8 =	vsel @p2 vm1, $0x1, v6  }
0x2d2: {  	(xrf0) =	vadd.scan.msk.s32 @p2 $0xffff, v8;
	_ =	sdelay $0x2  }
0x2d3: {  	v8 =	vmpcnt.ones.xlane @p2 vm0;
	_ =	sdelay $0x1  }
0x2d4: {  	v8 =	vadd.s32 @p2 s14, v8  }
0x2d5: {  	v10 =	vadd.s32 @p2 v8, v3;
	v9, _, _ =	vpop @p2 (xrf0)  }
0x2d6: {  	v9 =	vadd.s32 @p2 v9, v10;
	_ =	sdelay $0x3  }
0x2d7: {  	s14 =	sor.u32 @p2 $0x10, s23  }
0x2d8: {  	v10 =	vor.u32 @p2 s14, v5;
	[tilespmem:v9+s31+$0x0] =	vst.idx.msk @p2 vm1, v7  }
0x2d9: {  	[tilespmem:v9+s8+$0x0] =	vst.idx.msk @p2 vm1, v10  }
0x2da: {  	v7 =	vld.idx.msk @p2 [tilespmem:v4+s0+$0x20 ss:$0x1], $0xffff;
	_ =	sdelay $0x4  }
0x2db: {  	vm0 =	vgt.f32 @p2 v7, s5  }
0x2dc: {  	v9 =	vsel @p2 vm0, $0x1, v6  }
0x2dd: {  	(xrf0) =	vadd.scan.msk.s32 @p2 $0xffff, v9;
	_ =	sdelay $0x1  }
0x2de: {  	v9 =	vmpcnt.ones.xlane @p2 vm1;
	_ =	sdelay $0x2  }
0x2df: {  	v8 =	vadd.s32 @p2 v8, v9  }
0x2e0: {  	v10 =	vadd.s32 @p2 v8, v3;
	v9, _, _ =	vpop @p2 (xrf0)  }
0x2e1: {  	v9 =	vadd.s32 @p2 v9, v10;
	_ =	sdelay $0x3  }
0x2e2: {  	s14 =	sor.u32 @p2 $0x20, s23  }
0x2e3: {  	v10 =	vor.u32 @p2 s14, v5;
	[tilespmem:v9+s31+$0x0] =	vst.idx.msk @p2 vm0, v7  }
0x2e4: {  	[tilespmem:v9+s8+$0x0] =	vst.idx.msk @p2 vm0, v10  }
0x2e5: {  	v7 =	vld.idx.msk @p2 [tilespmem:v4+s0+$0x30 ss:$0x1], $0xffff;
	_ =	sdelay $0x4  }
0x2e6: {  	vm1 =	vgt.f32 @p2 v7, s5  }
0x2e7: {  	v9 =	vsel @p2 vm1, $0x1, v6  }
0x2e8: {  	(xrf0) =	vadd.scan.msk.s32 @p2 $0xffff, v9;
	_ =	sdelay $0x1  }
0x2e9: {  	v9 =	vmpcnt.ones.xlane @p2 vm0;
	_ =	sdelay $0x2  }
0x2ea: {  	v8 =	vadd.s32 @p2 v8, v9  }
0x2eb: {  	v10 =	vadd.s32 @p2 v8, v3;
	v9, _, _ =	vpop @p2 (xrf0)  }
0x2ec: {  	v9 =	vadd.s32 @p2 v9, v10;
	_ =	sdelay $0x3  }
0x2ed: {  	s14 =	sor.u32 @p2 $0x30, s23  }
0x2ee: {  	v10 =	vor.u32 @p2 s14, v5;
	[tilespmem:v9+s31+$0x0] =	vst.idx.msk @p2 vm1, v7  }
0x2ef: {  	[tilespmem:v9+s8+$0x0] =	vst.idx.msk @p2 vm1, v10  }
0x2f0: {  	v7 =	vld.idx.msk @p2 [tilespmem:v4+s0+$0x40 ss:$0x1], $0xffff;
	_ =	sdelay $0x4  }
0x2f1: {  	vm0 =	vgt.f32 @p2 v7, s5  }
0x2f2: {  	v9 =	vsel @p2 vm0, $0x1, v6  }
0x2f3: {  	(xrf0) =	vadd.scan.msk.s32 @p2 $0xffff, v9;
	_ =	sdelay $0x1  }
0x2f4: {  	v9 =	vmpcnt.ones.xlane @p2 vm1;
	_ =	sdelay $0x2  }
0x2f5: {  	v8 =	vadd.s32 @p2 v8, v9  }
0x2f6: {  	v10 =	vadd.s32 @p2 v8, v3;
	v9, _, _ =	vpop @p2 (xrf0)  }
0x2f7: {  	v9 =	vadd.s32 @p2 v9, v10;
	_ =	sdelay $0x3  }
0x2f8: {  	s14 =	sor.u32 @p2 $0x40, s23  }
0x2f9: {  	v10 =	vor.u32 @p2 s14, v5;
	[tilespmem:v9+s31+$0x0] =	vst.idx.msk @p2 vm0, v7  }
0x2fa: {  	[tilespmem:v9+s8+$0x0] =	vst.idx.msk @p2 vm0, v10  }
0x2fb: {  	v7 =	vld.idx.msk @p2 [tilespmem:v4+s0+$0x50 ss:$0x1], $0xffff;
	_ =	sdelay $0x4  }
0x2fc: {  	vm1 =	vgt.f32 @p2 v7, s5  }
0x2fd: {  	v9 =	vsel @p2 vm1, $0x1, v6  }
0x2fe: {  	(xrf0) =	vadd.scan.msk.s32 @p2 $0xffff, v9;
	_ =	sdelay $0x1  }
0x2ff: {  	v9 =	vmpcnt.ones.xlane @p2 vm0;
	_ =	sdelay $0x2  }
0x300: {  	v8 =	vadd.s32 @p2 v8, v9  }
0x301: {  	v10 =	vadd.s32 @p2 v8, v3;
	v9, _, _ =	vpop @p2 (xrf0)  }
0x302: {  	v9 =	vadd.s32 @p2 v9, v10;
	_ =	sdelay $0x3  }
0x303: {  	s14 =	sor.u32 @p2 $0x50, s23  }
0x304: {  	v10 =	vor.u32 @p2 s14, v5;
	[tilespmem:v9+s31+$0x0] =	vst.idx.msk @p2 vm1, v7  }
0x305: {  	[tilespmem:v9+s8+$0x0] =	vst.idx.msk @p2 vm1, v10  }
0x306: {  	v7 =	vld.idx.msk @p2 [tilespmem:v4+s0+$0x60 ss:$0x1], $0xffff;
	_ =	sdelay $0x4  }
0x307: {  	vm0 =	vgt.f32 @p2 v7, s5  }
0x308: {  	v9 =	vsel @p2 vm0, $0x1, v6  }
0x309: {  	(xrf0) =	vadd.scan.msk.s32 @p2 $0xffff, v9;
	_ =	sdelay $0x1  }
0x30a: {  	v9 =	vmpcnt.ones.xlane @p2 vm1;
	_ =	sdelay $0x2  }
0x30b: {  	v8 =	vadd.s32 @p2 v8, v9  }
0x30c: {  	v10 =	vadd.s32 @p2 v8, v3;
	v9, _, _ =	vpop @p2 (xrf0)  }
0x30d: {  	v9 =	vadd.s32 @p2 v9, v10;
	_ =	sdelay $0x3  }
0x30e: {  	s14 =	sor.u32 @p2 $0x60, s23  }
0x30f: {  	v10 =	vor.u32 @p2 s14, v5;
	[tilespmem:v9+s31+$0x0] =	vst.idx.msk @p2 vm0, v7  }
0x310: {  	[tilespmem:v9+s8+$0x0] =	vst.idx.msk @p2 vm0, v10  }
0x311: {  	v7 =	vld.idx.msk @p2 [tilespmem:v4+s0+$0x70 ss:$0x1], $0xffff;
	_ =	sdelay $0x4  }
0x312: {  	vm1 =	vgt.f32 @p2 v7, s5  }
0x313: {  	v9 =	vsel @p2 vm1, $0x1, v6  }
0x314: {  	(xrf0) =	vadd.scan.msk.s32 @p2 $0xffff, v9;
	_ =	sdelay $0x1  }
0x315: {  	v9 =	vmpcnt.ones.xlane @p2 vm0;
	_ =	sdelay $0x2  }
0x316: {  	v8 =	vadd.s32 @p2 v8, v9  }
0x317: {  	v10 =	vadd.s32 @p2 v8, v3;
	v9, _, _ =	vpop @p2 (xrf0)  }
0x318: {  	v9 =	vadd.s32 @p2 v9, v10;
	_ =	sdelay $0x3  }
0x319: {  	s14 =	sor.u32 @p2 $0x70, s23  }
0x31a: {  	v10 =	vor.u32 @p2 s14, v5;
	[tilespmem:v9+s31+$0x0] =	vst.idx.msk @p2 vm1, v7  }
0x31b: {  	s4 =	sshrl.u32 @p2 s4, $0x2;
	[tilespmem:v9+s8+$0x0] =	vst.idx.msk @p2 vm1, v10  }
0x31c: {  	v7 =	vld.idx.msk @p2 [tilespmem:v4+s4+$0x0 ss:$0x1], $0xffff;
	_ =	sdelay $0x4  }
0x31d: {  	vm0 =	vgt.f32 @p2 v7, s5  }
0x31e: {  	v9 =	vsel @p2 vm0, $0x1, v6  }
0x31f: {  	(xrf0) =	vadd.scan.msk.s32 @p2 $0xffff, v9;
	_ =	sdelay $0x1  }
0x320: {  	v9 =	vmpcnt.ones.xlane @p2 vm1;
	_ =	sdelay $0x2  }
0x321: {  	v8 =	vadd.s32 @p2 v8, v9  }
0x322: {  	v10 =	vadd.s32 @p2 v8, v3;
	v9, _, _ =	vpop @p2 (xrf0)  }
0x323: {  	v9 =	vadd.s32 @p2 v9, v10;
	_ =	sdelay $0x3  }
0x324: {  	s4 =	sadd.s32 @p2 s17, s22  }
0x325: {  	v10 =	vor.u32 @p2 s4, v5;
	[tilespmem:v9+s31+$0x0] =	vst.idx.msk @p2 vm0, v7  }
0x326: {  	[tilespmem:v9+s8+$0x0] =	vst.idx.msk @p2 vm0, v10  }
0x327: {  	v7 =	vld.idx.msk @p2 [tilespmem:v4+s0+$0x410 ss:$0x1], $0xffff;
	_ =	sdelay $0x4  }
0x328: {  	vm1 =	vgt.f32 @p2 v7, s5  }
0x329: {  	v9 =	vsel @p2 vm1, $0x1, v6  }
0x32a: {  	(xrf0) =	vadd.scan.msk.s32 @p2 $0xffff, v9;
	_ =	sdelay $0x1  }
0x32b: {  	v9 =	vmpcnt.ones.xlane @p2 vm0;
	_ =	sdelay $0x2  }
0x32c: {  	v8 =	vadd.s32 @p2 v8, v9  }
0x32d: {  	v10 =	vadd.s32 @p2 v8, v3;
	v9, _, _ =	vpop @p2 (xrf0)  }
0x32e: {  	v9 =	vadd.s32 @p2 v9, v10;
	_ =	sdelay $0x3  }
0x32f: {  	s14 =	sor.u32 @p2 $0x10, s4  }
0x330: {  	v10 =	vor.u32 @p2 s14, v5;
	[tilespmem:v9+s31+$0x0] =	vst.idx.msk @p2 vm1, v7  }
0x331: {  	[tilespmem:v9+s8+$0x0] =	vst.idx.msk @p2 vm1, v10  }
0x332: {  	v7 =	vld.idx.msk @p2 [tilespmem:v4+s0+$0x420 ss:$0x1], $0xffff;
	_ =	sdelay $0x4  }
0x333: {  	vm0 =	vgt.f32 @p2 v7, s5  }
0x334: {  	v9 =	vsel @p2 vm0, $0x1, v6  }
0x335: {  	(xrf0) =	vadd.scan.msk.s32 @p2 $0xffff, v9;
	_ =	sdelay $0x1  }
0x336: {  	v9 =	vmpcnt.ones.xlane @p2 vm1;
	_ =	sdelay $0x2  }
0x337: {  	v8 =	vadd.s32 @p2 v8, v9  }
0x338: {  	v10 =	vadd.s32 @p2 v8, v3;
	v9, _, _ =	vpop @p2 (xrf0)  }
0x339: {  	v9 =	vadd.s32 @p2 v9, v10;
	_ =	sdelay $0x3  }
0x33a: {  	s14 =	sor.u32 @p2 $0x20, s4  }
0x33b: {  	v10 =	vor.u32 @p2 s14, v5;
	[tilespmem:v9+s31+$0x0] =	vst.idx.msk @p2 vm0, v7  }
0x33c: {  	[tilespmem:v9+s8+$0x0] =	vst.idx.msk @p2 vm0, v10  }
0x33d: {  	v7 =	vld.idx.msk @p2 [tilespmem:v4+s0+$0x430 ss:$0x1], $0xffff;
	_ =	sdelay $0x4  }
0x33e: {  	vm1 =	vgt.f32 @p2 v7, s5  }
0x33f: {  	v9 =	vsel @p2 vm1, $0x1, v6  }
0x340: {  	(xrf0) =	vadd.scan.msk.s32 @p2 $0xffff, v9;
	_ =	sdelay $0x1  }
0x341: {  	v9 =	vmpcnt.ones.xlane @p2 vm0;
	_ =	sdelay $0x2  }
0x342: {  	v8 =	vadd.s32 @p2 v8, v9  }
0x343: {  	v10 =	vadd.s32 @p2 v8, v3;
	v9, _, _ =	vpop @p2 (xrf0)  }
0x344: {  	v9 =	vadd.s32 @p2 v9, v10;
	_ =	sdelay $0x3  }
0x345: {  	s14 =	sor.u32 @p2 $0x30, s4  }
0x346: {  	v10 =	vor.u32 @p2 s14, v5;
	[tilespmem:v9+s31+$0x0] =	vst.idx.msk @p2 vm1, v7  }
0x347: {  	[tilespmem:v9+s8+$0x0] =	vst.idx.msk @p2 vm1, v10  }
0x348: {  	v7 =	vld.idx.msk @p2 [tilespmem:v4+s0+$0x440 ss:$0x1], $0xffff;
	_ =	sdelay $0x4  }
0x349: {  	vm0 =	vgt.f32 @p2 v7, s5  }
0x34a: {  	v9 =	vsel @p2 vm0, $0x1, v6  }
0x34b: {  	(xrf0) =	vadd.scan.msk.s32 @p2 $0xffff, v9;
	_ =	sdelay $0x1  }
0x34c: {  	v9 =	vmpcnt.ones.xlane @p2 vm1;
	_ =	sdelay $0x2  }
0x34d: {  	v8 =	vadd.s32 @p2 v8, v9  }
0x34e: {  	v10 =	vadd.s32 @p2 v8, v3;
	v9, _, _ =	vpop @p2 (xrf0)  }
0x34f: {  	v9 =	vadd.s32 @p2 v9, v10;
	_ =	sdelay $0x3  }
0x350: {  	s14 =	sor.u32 @p2 $0x40, s4  }
0x351: {  	v10 =	vor.u32 @p2 s14, v5;
	[tilespmem:v9+s31+$0x0] =	vst.idx.msk @p2 vm0, v7  }
0x352: {  	[tilespmem:v9+s8+$0x0] =	vst.idx.msk @p2 vm0, v10  }
0x353: {  	v7 =	vld.idx.msk @p2 [tilespmem:v4+s0+$0x450 ss:$0x1], $0xffff;
	_ =	sdelay $0x4  }
0x354: {  	vm1 =	vgt.f32 @p2 v7, s5  }
0x355: {  	v9 =	vsel @p2 vm1, $0x1, v6  }
0x356: {  	(xrf0) =	vadd.scan.msk.s32 @p2 $0xffff, v9;
	_ =	sdelay $0x1  }
0x357: {  	v9 =	vmpcnt.ones.xlane @p2 vm0;
	_ =	sdelay $0x2  }
0x358: {  	v8 =	vadd.s32 @p2 v8, v9  }
0x359: {  	v10 =	vadd.s32 @p2 v8, v3;
	v9, _, _ =	vpop @p2 (xrf0)  }
0x35a: {  	v9 =	vadd.s32 @p2 v9, v10;
	_ =	sdelay $0x3  }
0x35b: {  	s14 =	sor.u32 @p2 $0x50, s4  }
0x35c: {  	v10 =	vor.u32 @p2 s14, v5;
	[tilespmem:v9+s31+$0x0] =	vst.idx.msk @p2 vm1, v7  }
0x35d: {  	[tilespmem:v9+s8+$0x0] =	vst.idx.msk @p2 vm1, v10  }
0x35e: {  	v7 =	vld.idx.msk @p2 [tilespmem:v4+s0+$0x460 ss:$0x1], $0xffff;
	_ =	sdelay $0x4  }
0x35f: {  	vm0 =	vgt.f32 @p2 v7, s5  }
0x360: {  	v9 =	vsel @p2 vm0, $0x1, v6  }
0x361: {  	(xrf0) =	vadd.scan.msk.s32 @p2 $0xffff, v9;
	_ =	sdelay $0x1  }
0x362: {  	v9 =	vmpcnt.ones.xlane @p2 vm1;
	_ =	sdelay $0x2  }
0x363: {  	v8 =	vadd.s32 @p2 v8, v9  }
0x364: {  	v10 =	vadd.s32 @p2 v8, v3;
	v9, _, _ =	vpop @p2 (xrf0)  }
0x365: {  	v9 =	vadd.s32 @p2 v9, v10;
	_ =	sdelay $0x3  }
0x366: {  	s14 =	sor.u32 @p2 $0x60, s4  }
0x367: {  	v10 =	vor.u32 @p2 s14, v5;
	[tilespmem:v9+s31+$0x0] =	vst.idx.msk @p2 vm0, v7  }
0x368: {  	[tilespmem:v9+s8+$0x0] =	vst.idx.msk @p2 vm0, v10  }
0x369: {  	v7 =	vld.idx.msk @p2 [tilespmem:v4+s0+$0x470 ss:$0x1], $0xffff;
	_ =	sdelay $0x4  }
0x36a: {  	vm1 =	vgt.f32 @p2 v7, s5  }
0x36b: {  	v9 =	vsel @p2 vm1, $0x1, v6  }
0x36c: {  	(xrf0) =	vadd.scan.msk.s32 @p2 $0xffff, v9;
	_ =	sdelay $0x1  }
0x36d: {  	v9 =	vmpcnt.ones.xlane @p2 vm0;
	_ =	sdelay $0x2  }
0x36e: {  	v8 =	vadd.s32 @p2 v8, v9  }
0x36f: {  	v10 =	vadd.s32 @p2 v8, v3;
	v9, _, _ =	vpop @p2 (xrf0)  }
0x370: {  	v9 =	vadd.s32 @p2 v9, v10;
	_ =	sdelay $0x3  }
0x371: {  	s4 =	sor.u32 @p2 $0x70, s4  }
0x372: {  	v10 =	vor.u32 @p2 s4, v5;
	[tilespmem:v9+s31+$0x0] =	vst.idx.msk @p2 vm1, v7  }
0x373: {  	s4 =	sshrl.u32 @p2 s10, $0x2;
	[tilespmem:v9+s8+$0x0] =	vst.idx.msk @p2 vm1, v10  }
0x374: {  	v7 =	vld.idx.msk @p2 [tilespmem:v4+s4+$0x0 ss:$0x1], $0xffff;
	_ =	sdelay $0x4  }
0x375: {  	vm0 =	vgt.f32 @p2 v7, s5  }
0x376: {  	v9 =	vsel @p2 vm0, $0x1, v6  }
0x377: {  	(xrf0) =	vadd.scan.msk.s32 @p2 $0xffff, v9;
	_ =	sdelay $0x1  }
0x378: {  	v9 =	vmpcnt.ones.xlane @p2 vm1;
	_ =	sdelay $0x2  }
0x379: {  	v8 =	vadd.s32 @p2 v8, v9  }
0x37a: {  	v10 =	vadd.s32 @p2 v8, v3;
	v9, _, _ =	vpop @p2 (xrf0)  }
0x37b: {  	v9 =	vadd.s32 @p2 v9, v10;
	_ =	sdelay $0x3  }
0x37c: {  	s4 =	sadd.s32 @p2 s17, s9  }
0x37d: {  	v10 =	vor.u32 @p2 s4, v5;
	[tilespmem:v9+s31+$0x0] =	vst.idx.msk @p2 vm0, v7  }
0x37e: {  	[tilespmem:v9+s8+$0x0] =	vst.idx.msk @p2 vm0, v10  }
0x37f: {  	v7 =	vld.idx.msk @p2 [tilespmem:v4+s0+$0x810 ss:$0x1], $0xffff;
	_ =	sdelay $0x4  }
0x380: {  	vm1 =	vgt.f32 @p2 v7, s5  }
0x381: {  	v9 =	vsel @p2 vm1, $0x1, v6  }
0x382: {  	(xrf0) =	vadd.scan.msk.s32 @p2 $0xffff, v9;
	_ =	sdelay $0x1  }
0x383: {  	v9 =	vmpcnt.ones.xlane @p2 vm0;
	_ =	sdelay $0x2  }
0x384: {  	v8 =	vadd.s32 @p2 v8, v9  }
0x385: {  	v10 =	vadd.s32 @p2 v8, v3;
	v9, _, _ =	vpop @p2 (xrf0)  }
0x386: {  	v9 =	vadd.s32 @p2 v9, v10;
	_ =	sdelay $0x3  }
0x387: {  	s9 =	sor.u32 @p2 $0x10, s4  }
0x388: {  	v10 =	vor.u32 @p2 s9, v5;
	[tilespmem:v9+s31+$0x0] =	vst.idx.msk @p2 vm1, v7  }
0x389: {  	[tilespmem:v9+s8+$0x0] =	vst.idx.msk @p2 vm1, v10  }
0x38a: {  	v7 =	vld.idx.msk @p2 [tilespmem:v4+s0+$0x820 ss:$0x1], $0xffff;
	_ =	sdelay $0x4  }
0x38b: {  	vm0 =	vgt.f32 @p2 v7, s5  }
0x38c: {  	v9 =	vsel @p2 vm0, $0x1, v6  }
0x38d: {  	(xrf0) =	vadd.scan.msk.s32 @p2 $0xffff, v9;
	_ =	sdelay $0x1  }
0x38e: {  	v9 =	vmpcnt.ones.xlane @p2 vm1;
	_ =	sdelay $0x2  }
0x38f: {  	v8 =	vadd.s32 @p2 v8, v9  }
0x390: {  	v10 =	vadd.s32 @p2 v8, v3;
	v9, _, _ =	vpop @p2 (xrf0)  }
0x391: {  	v9 =	vadd.s32 @p2 v9, v10;
	_ =	sdelay $0x3  }
0x392: {  	s9 =	sor.u32 @p2 $0x20, s4  }
0x393: {  	v10 =	vor.u32 @p2 s9, v5;
	[tilespmem:v9+s31+$0x0] =	vst.idx.msk @p2 vm0, v7  }
0x394: {  	[tilespmem:v9+s8+$0x0] =	vst.idx.msk @p2 vm0, v10  }
0x395: {  	v7 =	vld.idx.msk @p2 [tilespmem:v4+s0+$0x830 ss:$0x1], $0xffff;
	_ =	sdelay $0x4  }
0x396: {  	vm1 =	vgt.f32 @p2 v7, s5  }
0x397: {  	v9 =	vsel @p2 vm1, $0x1, v6  }
0x398: {  	(xrf0) =	vadd.scan.msk.s32 @p2 $0xffff, v9;
	_ =	sdelay $0x1  }
0x399: {  	v9 =	vmpcnt.ones.xlane @p2 vm0;
	_ =	sdelay $0x2  }
0x39a: {  	v8 =	vadd.s32 @p2 v8, v9  }
0x39b: {  	v10 =	vadd.s32 @p2 v8, v3;
	v9, _, _ =	vpop @p2 (xrf0)  }
0x39c: {  	v9 =	vadd.s32 @p2 v9, v10;
	_ =	sdelay $0x3  }
0x39d: {  	s9 =	sor.u32 @p2 $0x30, s4  }
0x39e: {  	v10 =	vor.u32 @p2 s9, v5;
	[tilespmem:v9+s31+$0x0] =	vst.idx.msk @p2 vm1, v7  }
0x39f: {  	[tilespmem:v9+s8+$0x0] =	vst.idx.msk @p2 vm1, v10  }
0x3a0: {  	v7 =	vld.idx.msk @p2 [tilespmem:v4+s0+$0x840 ss:$0x1], $0xffff;
	_ =	sdelay $0x4  }
0x3a1: {  	vm0 =	vgt.f32 @p2 v7, s5  }
0x3a2: {  	v9 =	vsel @p2 vm0, $0x1, v6  }
0x3a3: {  	(xrf0) =	vadd.scan.msk.s32 @p2 $0xffff, v9;
	_ =	sdelay $0x1  }
0x3a4: {  	v9 =	vmpcnt.ones.xlane @p2 vm1;
	_ =	sdelay $0x2  }
0x3a5: {  	v8 =	vadd.s32 @p2 v8, v9  }
0x3a6: {  	v10 =	vadd.s32 @p2 v8, v3;
	v9, _, _ =	vpop @p2 (xrf0)  }
0x3a7: {  	v9 =	vadd.s32 @p2 v9, v10;
	_ =	sdelay $0x3  }
0x3a8: {  	s9 =	sor.u32 @p2 $0x40, s4  }
0x3a9: {  	v10 =	vor.u32 @p2 s9, v5;
	[tilespmem:v9+s31+$0x0] =	vst.idx.msk @p2 vm0, v7  }
0x3aa: {  	[tilespmem:v9+s8+$0x0] =	vst.idx.msk @p2 vm0, v10  }
0x3ab: {  	v7 =	vld.idx.msk @p2 [tilespmem:v4+s0+$0x850 ss:$0x1], $0xffff;
	_ =	sdelay $0x4  }
0x3ac: {  	vm1 =	vgt.f32 @p2 v7, s5  }
0x3ad: {  	v9 =	vsel @p2 vm1, $0x1, v6  }
0x3ae: {  	(xrf0) =	vadd.scan.msk.s32 @p2 $0xffff, v9;
	_ =	sdelay $0x1  }
0x3af: {  	v9 =	vmpcnt.ones.xlane @p2 vm0;
	_ =	sdelay $0x2  }
0x3b0: {  	v8 =	vadd.s32 @p2 v8, v9  }
0x3b1: {  	v10 =	vadd.s32 @p2 v8, v3;
	v9, _, _ =	vpop @p2 (xrf0)  }
0x3b2: {  	v9 =	vadd.s32 @p2 v9, v10;
	_ =	sdelay $0x3  }
0x3b3: {  	s9 =	sor.u32 @p2 $0x50, s4  }
0x3b4: {  	v10 =	vor.u32 @p2 s9, v5;
	[tilespmem:v9+s31+$0x0] =	vst.idx.msk @p2 vm1, v7  }
0x3b5: {  	[tilespmem:v9+s8+$0x0] =	vst.idx.msk @p2 vm1, v10  }
0x3b6: {  	v7 =	vld.idx.msk @p2 [tilespmem:v4+s0+$0x860 ss:$0x1], $0xffff;
	_ =	sdelay $0x4  }
0x3b7: {  	vm0 =	vgt.f32 @p2 v7, s5  }
0x3b8: {  	v9 =	vsel @p2 vm0, $0x1, v6  }
0x3b9: {  	(xrf0) =	vadd.scan.msk.s32 @p2 $0xffff, v9;
	_ =	sdelay $0x1  }
0x3ba: {  	v9 =	vmpcnt.ones.xlane @p2 vm1;
	_ =	sdelay $0x2  }
0x3bb: {  	v8 =	vadd.s32 @p2 v8, v9  }
0x3bc: {  	v10 =	vadd.s32 @p2 v8, v3;
	v9, _, _ =	vpop @p2 (xrf0)  }
0x3bd: {  	v9 =	vadd.s32 @p2 v9, v10;
	_ =	sdelay $0x3  }
0x3be: {  	s9 =	sor.u32 @p2 $0x60, s4  }
0x3bf: {  	v10 =	vor.u32 @p2 s9, v5;
	[tilespmem:v9+s31+$0x0] =	vst.idx.msk @p2 vm0, v7  }
0x3c0: {  	[tilespmem:v9+s8+$0x0] =	vst.idx.msk @p2 vm0, v10  }
0x3c1: {  	v7 =	vld.idx.msk @p2 [tilespmem:v4+s0+$0x870 ss:$0x1], $0xffff;
	_ =	sdelay $0x4  }
0x3c2: {  	v9 =	vmpcnt.ones.xlane @p2 vm0;
	vm0 =	vgt.f32 @p2 v7, s5  }
0x3c3: {  	v10 =	vmpcnt.ones.xlane @p2 vm0  }
0x3c4: {  	v8 =	vadd.s32 @p2 v8, v9  }
0x3c5: {  	v6 =	vsel @p2 vm0, $0x1, v6;
	v9 =	vadd.s32 @p2 v8, v10  }
0x3c6: {  	(xrf0) =	vadd.scan.msk.s32 @p2 $0xffff, v6;
	v6 =	vxor.u32 @p2 $0x80000000, v9  }
0x3c7: {  	(xrf0) =	vmax.scan.msk.u32 @p2 $0xffff, v6;
	_ =	sdelay $0x4  }
0x3c8: {  	v6, _, _ =	vpop @p2 (xrf0)  }
0x3c9: {  	v9, _, _ =	vpop @p2 (xrf0)  }
0x3ca: {  	(v2sf) =	vpush @p2 v9, $0xF;
	_ =	sdelay $0xe  }
0x3cb: {  	s0 =	spop @p2 (v2sf)  }
0x3cc: {  	v8 =	vadd.s32 @p2 v8, v3;
	s9 =	sxor.u32 @p2 $0x80000000, s0  }
0x3cd: {  	v6 =	vadd.s32 @p2 v6, v8;
	p3 =	slt.s32 @p2 s9, $0x100  }
0x3ce: {  	p3 =	por !p2, p3  }
.Ltmp35:
0x3cf: {  	_ = 	snop;
	(pc) =	sbr.rel @p3 .LBB2_58-.Ltmp35, $4  }
0x3d0: {  	_ = 	snop  }
0x3d1: {  	s4 =	sor.u32 @p2 $0x70, s4  }
0x3d2: {  	v5 =	vor.u32 @p2 s4, v5;
	[tilespmem:v6+s31+$0x0] =	vst.idx.msk @p2 vm0, v7  }
0x3d3: {  	[tilespmem:v6+s8+$0x0] =	vst.idx.msk @p2 vm0, v5;
	[smem:s19] =	sst @p2 s9  }
0x3d4: {  	s0 =	sadd.s32 $0x8000000F, s0  }
0x3d5: {  	s4 =	sand.u32 $0xF, s0  }
0x3d6: {  	s5 =	sshra.s32 s0, $0x1F;
	p2 =	slt.s32 s0, $0x1;
	p3 =	sne.s32 s4, $0x0  }
0x3d7: {  	s31 =	sshrl.u32 s5, $0x1C;
	p2 =	por !p2, !p3  }
0x3d8: {  	s4 =	simm.s32 $0x1;
	s0 =	sadd.s32 s31, s0;
	p2 =	por !p2, !p2  }
0x3d9: {  	s0 =	sshra.s32 s0, $0x4;
	s4 =	simm.s32 @!p2 $0x0  }
0x3da: {  	s5 =	ssub.s32 s0, s4  }
0x3db: {  	p2 =	slt.s32 s5, $0x1  }
.Ltmp36:
0x3dc: {  	_ = 	snop;
	(pc) =	sbr.rel @p2 .LBB2_43-.Ltmp36, $1  }
0x3dd: {  	_ =	sdelay $0x3  }
0x3de: {  	p4 =	sne.s32 s5, $0x1  }
.Ltmp37:
0x3df: {  	_ = 	snop;
	(pc) =	sbr.rel @!p4 .LBB2_37-.Ltmp37, $4  }
0x3e0: {  	s8 =	simm.s32 $0x0;
	s0 =	sadd.s32 $0x0, s18  }
0x3e1: {  	s0 =	sand.u32 $0xFFFFFF80, s0;
	s4 =	sand.u32 $0x70, s8  }
0x3e2: {  	s0 =	sor.u32 s4, s0  }
0x3e3: {  	v5 =	vmov s9;
	s9 =	sadd.s32 $0xFFFFFFFF, s5;
	p3 =	por $0x0, $0x0;
	s4 =	simm.s32 $0x10;
	v6 =	vld [tilespmem:s0+$0xAC00]  }
0x3e4: {  	_ =	sdelay $0x2  }
0x3e5: {  	s10 =	sadd.s32 $0x10, s18;
	p4 =	sne.s32 s9, $0x1  }
.Ltmp38:
0x3e6: {  	s14 =	sand.u32 $0x70, s4;
	s10 =	sand.u32 $0xFFFFFF80, s10;
	v7 =	vshra.s32 v6, $0x1F;
	(pc) =	sbr.rel @!p4 .LBB2_39-.Ltmp38, $4  }
0x3e7: {  	v8 =	vor.u32 s8, v0;
	s8 =	sor.u32 s14, s10;
	v7 =	vor.u32 $0x80000000, v7  }
0x3e8: {  	v7 =	vxor.u32 v6, v7;
	v6 =	vld [tilespmem:s8+$0xAC00]  }
0x3e9: {  	vm0 =	vlt.s32 v8, v5  }
0x3ea: {  	s9 =	sadd.s32 $0xFFFFFFFF, s9;
	p3 =	por $0x1, $0x1;
	s10 =	simm.s32 $0x20;
	v7 =	vnsel vm0, $0x0, v7  }
.LBB2_40:
0x3eb: {  	s14 =	sadd.s32 s10, s18;
	p4 =	sne.s32 s9, $0x1;
	s9 =	sadd.s32 $0xFFFFFFFF, s9;
	[tilespmem:s0+$0xD400] =	vst v7  }
.Ltmp39:
0x3ec: {  	s22 =	sand.u32 $0x70, s10;
	s14 =	sand.u32 $0xFFFFFF80, s14;
	(pc) =	sbr.rel @p4 .LBB2_40-.Ltmp39, $4  }
0x3ed: {  	s0 =	smov.u32 s8;
	v7 =	vshra.s32 v6, $0x1F;
	v8 =	vmov v6;
	s8 =	sor.u32 s22, s14  }
0x3ee: {  	v9 =	vor.u32 s4, v0;
	s4 =	smov.u32 s10;
	v6 =	vld [tilespmem:s8+$0xAC00];
	v7 =	vor.u32 $0x80000000, v7  }
0x3ef: {  	vm0 =	vlt.s32 v9, v5;
	v7 =	vxor.u32 v8, v7  }
0x3f0: {  	s10 =	sadd.s32 $0x10, s10;
	v7 =	vnsel vm0, $0x0, v7  }
0x3f1: {  	s9 =	smov.u32 s0;
	s0 =	smov.u32 s8;
	s8 =	smov.u32 s4  }
.LBB2_42:
0x3f2: {  	_ = 	snop  }
0x3f3: {  	v8 =	vshra.s32 v6, $0x1F  }
0x3f4: {  	v9 =	vor.u32 s8, v0;
	v8 =	vor.u32 $0x80000000, v8  }
0x3f5: {  	vm0 =	vlt.s32 v9, v5;
	v6 =	vxor.u32 v6, v8  }
0x3f6: {  	[tilespmem:s9+$0xD400] =	vst @p3 v7;
	v5 =	vnsel vm0, $0x0, v6  }
0x3f7: {  	[tilespmem:s0+$0xD400] =	vst v5  }
.LBB2_43:
.Ltmp40:
0x3f8: {  	(pc) =	sbr.rel .LBB2_44-.Ltmp40, $2  }
0x3f9: {  	_ =	sdelay $0x2  }
0x3fa: {  	s0 =	simm.s32 $0x0;
	s4 =	simm.s32 $0x0;
	s8 =	simm.s32 $0x0  }
.LBB2_104:
0x3fb: {  	v5 =	vimm.s32 $0x80000000  }
.LBB2_48:
0x3fc: {  	(xrf0) =	vmax.scan.msk.u32 $0xffff, v5;
	_ =	sdelay $0x5  }
0x3fd: {  	v5, _, _ =	vpop (xrf0)  }
0x3fe: {  	(v2sf) =	vpush v5, $0xF;
	_ =	sdelay $0xa  }
0x3ff: {  	s8 =	sadd.s32 $0x1, s8  }
0x400: {  	p4 =	sne.s32 s8, $0x20  }
.Ltmp41:
0x401: {  	_ = 	snop;
	(pc) =	sbr.rel @!p4 .LBB2_49-.Ltmp41, $4  }
0x402: {  	_ = 	snop  }
0x403: {  	s10 =	spop (v2sf)  }
0x404: {  	p3 =	sgt.u32 s10, $0x8000003F  }
0x405: {  	s4 =	smov.u32 @p3 s9  }
.LBB2_44:
.Ltmp42:
0x406: {  	(pc) =	sbr.rel @p2 .LBB2_104-.Ltmp42, $3  }
0x407: {  	_ =	sdelay $0x1  }
0x408: {  	s9 =	sshrl.u32 s26, s8  }
0x409: {  	s9 =	sor.u32 s9, s4  }
0x40a: {  	s10 =	sadd.s32 $0x0, s18;
	p3 =	sne.s32 s5, $0x1  }
.Ltmp43:
0x40b: {  	s14 =	sand.u32 $0x70, s0;
	s10 =	sand.u32 $0xFFFFFF80, s10;
	(pc) =	sbr.rel @!p3 .LBB2_47-.Ltmp43, $3  }
0x40c: {  	s14 =	sor.u32 s14, s10  }
0x40d: {  	v7 =	vld [tilespmem:s14+$0xD400];
	_ =	sdelay $0x1  }
0x40e: {  	v6 =	vmov s9;
	v5 =	vimm.s32 $0x0;
	s22 =	simm.s32 $0x10;
	s10 =	sadd.s32 $0xFFFFFFFF, s5  }
.LBB2_46:
0x40f: {  	s14 =	sadd.s32 s22, s18;
	p3 =	sne.s32 s10, $0x1;
	s10 =	sadd.s32 $0xFFFFFFFF, s10  }
.Ltmp44:
0x410: {  	s23 =	sand.u32 $0x70, s22;
	s14 =	sand.u32 $0xFFFFFF80, s14;
	(pc) =	sbr.rel @p3 .LBB2_46-.Ltmp44, $3  }
0x411: {  	s14 =	sor.u32 s23, s14;
	vm0 =	vge.u32 v7, v6  }
0x412: {  	v7 =	vld [tilespmem:s14+$0xD400];
	v8 =	vmpcnt.ones.xlane vm0;
	_ =	sdelay $0x1  }
0x413: {  	s22 =	sadd.s32 $0x10, s22;
	v5 =	vadd.s32 v5, v8  }
.LBB2_47:
0x414: {  	_ =	sdelay $0x1  }
.Ltmp45:
0x415: {  	vm0 =	vge.u32 v7, v6;
	(pc) =	sbr.rel .LBB2_48-.Ltmp45, $3  }
0x416: {  	v6 =	vmpcnt.ones.xlane vm0;
	_ =	sdelay $0x1  }
0x417: {  	v5 =	vadd.s32 v5, v6  }
0x418: {  	v5 =	vxor.u32 $0x80000000, v5  }
.LBB2_49:
.Ltmp46:
0x419: {  	(pc) =	sbr.rel @p2 .LBB2_57-.Ltmp46, $1  }
0x41a: {  	_ =	sdelay $0x3  }
0x41b: {  	s0 =	simm.s32 $0x0;
	s8 =	sadd.s32 $0x0, s18;
	p3 =	sne.s32 s5, $0x1  }
.Ltmp47:
0x41c: {  	s8 =	sand.u32 $0xFFFFFF80, s8;
	s9 =	sand.u32 $0x70, s0;
	(pc) =	sbr.rel @!p3 .LBB2_52-.Ltmp47, $3  }
0x41d: {  	s8 =	sor.u32 s9, s8  }
0x41e: {  	v7 =	vld [tilespmem:s8+$0xD400];
	_ =	sdelay $0x1  }
0x41f: {  	v5 =	vmov s4;
	v6 =	vimm.s32 $0x0;
	s4 =	sadd.s32 $0xFFFFFFFF, s5;
	s9 =	simm.s32 $0x10  }
.LBB2_51:
0x420: {  	s10 =	sadd.s32 s9, s18;
	p2 =	sne.s32 s4, $0x1;
	s4 =	sadd.s32 $0xFFFFFFFF, s4  }
.Ltmp48:
0x421: {  	s14 =	sand.u32 $0x70, s9;
	s10 =	sand.u32 $0xFFFFFF80, s10;
	(pc) =	sbr.rel @p2 .LBB2_51-.Ltmp48, $3  }
0x422: {  	s10 =	sor.u32 s14, s10;
	vm0 =	vgt.u32 v7, v5  }
0x423: {  	v7 =	vld [tilespmem:s10+$0xD400];
	v8 =	vmpcnt.ones.xlane vm0;
	_ =	sdelay $0x1  }
0x424: {  	s9 =	sadd.s32 $0x10, s9;
	v6 =	vadd.s32 v6, v8  }
.LBB2_52:
0x425: {  	_ =	sdelay $0x1  }
0x426: {  	vm0 =	vgt.u32 v7, v5  }
0x427: {  	v7 =	vmpcnt.ones.xlane vm0;
	_ =	sdelay $0x1  }
0x428: {  	v6 =	vadd.s32 v6, v7  }
0x429: {  	v6 =	vxor.u32 $0x80000000, v6  }
0x42a: {  	(xrf0) =	vmax.scan.msk.u32 $0xffff, v6;
	_ =	sdelay $0x5  }
0x42b: {  	v6, _, _ =	vpop (xrf0)  }
0x42c: {  	(v2sf) =	vpush v6, $0xF;
	_ =	sdelay $0x5  }
0x42d: {  	v7 =	vld [tilespmem:s8+$0xD400];
	_ =	sdelay $0x4  }
0x42e: {  	vm0 =	veq.s32 v7, v5  }
0x42f: {  	v8 =	vsel vm0, $0x1, v1  }
0x430: {  	(xrf0) =	vadd.scan.msk.s32 $0xffff, v8  }
.Ltmp49:
0x431: {  	_ = 	snop;
	(pc) =	sbr.rel @!p3 .LBB2_53-.Ltmp49, $4  }
0x432: {  	s4 =	spop (v2sf)  }
0x433: {  	s4 =	sxor.u32 $0x80000000, s4  }
0x434: {  	s4 =	ssub.s32 $0x40, s4  }
0x435: {  	s5 =	sadd.s32 $0xFFFFFFFF, s5;
	p2 =	por $0x0, $0x0;
	v6 =	vmov s4  }
0x436: {  	v8, _, _ =	vpop (xrf0)  }
0x437: {  	v8 =	vadd.s32 s0, v8  }
0x438: {  	vm1 =	vle.s32 v8, v6  }
0x439: {  	vm2 =	vgt.u32 v7, v5;
	vm0 =	vmand vm0, vm1  }
0x43a: {  	vm1 =	vmor vm2, vm0  }
0x43b: {  	v7 =	vmpcnt.ones.xlane vm0;
	v8 =	vsel vm1, $0x1, v1  }
0x43c: {  	v9 =	vmpcnt.ones.xlane vm1;
	(xrf0) =	vadd.scan.msk.s32 $0xffff, v8  }
0x43d: {  	v7 =	vxor.u32 $0x80000000, v7  }
0x43e: {  	s4 =	sadd.s32 $0x0, s20;
	v8 =	vxor.u32 $0x80000000, v9;
	(xrf0) =	vmax.scan.msk.u32 $0xffff, v7  }
0x43f: {  	(xrf0) =	vmax.scan.msk.u32 $0xffff, v8;
	v8 =	vmov s4  }
0x440: {  	v8 =	vadd.s32 $0xFFFFFFFF, v8  }
0x441: {  	v8 =	vbroadcast v8, $0x0  }
0x442: {  	v7, _, _ =	vpop (xrf0)  }
0x443: {  	v7 =	vadd.s32 v7, v8;
	v8 =	vld [tilespmem:s8+$0xAC00]  }
0x444: {  	v63 =	vld [tilespmem:s8+$0xC000];
	v62, _, _ =	vpop (xrf0)  }
0x445: {  	v10, _, _ =	vpop (xrf0);
	(v2sf) =	vpush v62, $0xF  }
0x446: {  	(v2sf) =	vpush v10, $0xF  }
0x447: {  	s23 =	sadd.s32 $0x10, s18;
	s4 =	simm.s32 $0x10  }
0x448: {  	s9 =	sand.u32 $0x70, s4;
	s8 =	sand.u32 $0xFFFFFF80, s23;
	[tilespmem:v7+s28+$0x0] =	vst.idx.msk vm1, v8  }
0x449: {  	s8 =	sor.u32 s9, s8;
	[tilespmem:v7+s29+$0x0] =	vst.idx.msk vm1, v63  }
0x44a: {  	v7 =	vld [tilespmem:s8+$0xD400];
	_ =	sdelay $0x4  }
0x44b: {  	vm0 =	veq.s32 v7, v5  }
0x44c: {  	v8 =	vsel vm0, $0x1, v1  }
0x44d: {  	p3 =	sne.s32 s5, $0x1;
	(xrf0) =	vadd.scan.msk.s32 $0xffff, v8  }
.Ltmp50:
0x44e: {  	_ = 	snop;
	(pc) =	sbr.rel @!p3 .LBB2_56-.Ltmp50, $4  }
0x44f: {  	_ = 	snop  }
0x450: {  	s31 =	spop (v2sf)  }
0x451: {  	s5 =	sadd.s32 $0xFFFFFFFF, s5;
	s9 =	sadd.s32 $0x0, s31;
	s10 =	spop (v2sf)  }
0x452: {  	p2 =	por $0x1, $0x1;
	s10 =	sadd.s32 $0x0, s10;
	s9 =	sadd.s32 $0x80000000, s9  }
.LBB2_55:
0x453: {  	p3 =	sne.s32 s5, $0x1;
	s5 =	sadd.s32 $0xFFFFFFFF, s5;
	s10 =	sadd.s32 $0x80000000, s10  }
0x454: {  	s14 =	sadd.s32 s20, s10;
	v8, _, _ =	vpop (xrf0)  }
0x455: {  	v8 =	vadd.s32 s9, v8;
	v9 =	vmov s14  }
0x456: {  	vm1 =	vle.s32 v8, v6;
	v8 =	vadd.s32 $0xFFFFFFFF, v9  }
0x457: {  	vm2 =	vgt.u32 v7, v5;
	vm1 =	vmand vm0, vm1  }
0x458: {  	vm0 =	vmor vm2, vm1;
	v7 =	vmpcnt.ones.xlane vm1  }
0x459: {  	v9 =	vsel vm0, $0x1, v1;
	v10 =	vmpcnt.ones.xlane vm0  }
0x45a: {  	v7 =	vxor.u32 $0x80000000, v7;
	(xrf0) =	vadd.scan.msk.s32 $0xffff, v9  }
0x45b: {  	v9 =	vxor.u32 $0x80000000, v10;
	(xrf0) =	vmax.scan.msk.u32 $0xffff, v7  }
0x45c: {  	(xrf0) =	vmax.scan.msk.u32 $0xffff, v9;
	_ =	sdelay $0x2  }
0x45d: {  	v7 =	vbroadcast v8, $0x0  }
0x45e: {  	v8, _, _ =	vpop (xrf0)  }
0x45f: {  	v7 =	vadd.s32 v8, v7;
	v8 =	vld [tilespmem:s8+$0xAC00];
	v9, _, _ =	vpop (xrf0)  }
0x460: {  	v10 =	vld [tilespmem:s8+$0xC000];
	v11, _, _ =	vpop (xrf0);
	(v2sf) =	vpush v9, $0xF  }
0x461: {  	(v2sf) =	vpush v11, $0xF  }
0x462: {  	s4 =	sadd.s32 $0x10, s4  }
0x463: {  	s8 =	sadd.s32 s4, s18  }
0x464: {  	s14 =	sand.u32 $0x70, s4;
	s8 =	sand.u32 $0xFFFFFF80, s8;
	[tilespmem:v7+s28+$0x0] =	vst.idx.msk vm0, v8  }
0x465: {  	s8 =	sor.u32 s14, s8;
	[tilespmem:v7+s29+$0x0] =	vst.idx.msk vm0, v10  }
0x466: {  	v7 =	vld [tilespmem:s8+$0xD400];
	_ =	sdelay $0x4  }
0x467: {  	vm0 =	veq.s32 v7, v5  }
0x468: {  	v8 =	vsel vm0, $0x1, v1  }
.Ltmp51:
0x469: {  	(xrf0) =	vadd.scan.msk.s32 $0xffff, v8;
	(pc) =	sbr.rel @p3 .LBB2_55-.Ltmp51, $4  }
0x46a: {  	_ = 	snop  }
0x46b: {  	s14 =	spop (v2sf)  }
0x46c: {  	s9 =	sadd.s32 s14, s9;
	s14 =	spop (v2sf)  }
0x46d: {  	s10 =	sadd.s32 s14, s10;
	s9 =	sadd.s32 $0x80000000, s9  }
.Ltmp52:
0x46e: {  	_ = 	snop;
	(pc) =	sbr.rel .LBB2_56-.Ltmp52, $1  }
0x46f: {  	_ =	sdelay $0x3  }
.LBB2_37:
.Ltmp53:
0x470: {  	(pc) =	sbr.rel .LBB2_42-.Ltmp53, $2  }
0x471: {  	_ =	sdelay $0x2  }
0x472: {  	_ = 	snop  }
.LBB2_39:
.Ltmp54:
0x473: {  	(pc) =	sbr.rel .LBB2_42-.Ltmp54, $2  }
0x474: {  	_ =	sdelay $0x2  }
0x475: {  	s9 =	smov.u32 s0;
	s0 =	smov.u32 s8;
	s8 =	simm.s32 $0x10  }
.LBB2_62:
.Ltmp55:
0x476: {  	(pc) =	sbr.rel @p0 .LBB2_65-.Ltmp55, $1  }
0x477: {  	_ =	sdelay $0x3  }
0x478: {  	s0 =	simm.s32 $0x0;
	s4 =	rddreg [dreg:$0x8];
	s5 =	simm.s32 $0xA800  }
0x479: {  	[tilespmem:s5], [sflag:$0x3] =	stream.linear.gather [hbm4b:s4+s0], $0x400, $0x38;
	[tilespmem:$0x11D00] =	vst v63  }
0x47a: {  	_ =	swait.ge [sflag:s1], $0x400  }
0x47b: {  	s8 =	simm.s32 $0x0;
	[sflag:s1] =	ssyncset.done $0x0  }
0x47c: {  	s4 =	simm.s32 $0x80;
	s5 =	simm.s32 $0xA820;
	[sflag:s1] =	ssyncadd.s32 $0xFFFFFC00  }
.LBB2_64:
0x47d: {  	v3 =	vld [tilespmem:s5+$0xFFFFFFE0];
	_ =	sdelay $0x1  }
0x47e: {  	s9 =	sld [smem:s4+$0x0];
	_ =	sdelay $0x2  }
0x47f: {  	vm0 =	vgt.f32 v3, s9  }
0x480: {  	v4 =	vsel vm0, $0x1, v1  }
0x481: {  	(xrf0) =	vadd.scan.msk.s32 $0xffff, v4;
	_ =	sdelay $0x1  }
0x482: {  	v50 =	vmov s8  }
0x483: {  	s10 =	sld [smem:s0+$0x0];
	v4 =	vadd.s32 $0xFFFFFFFF, v50  }
0x484: {  	v4 =	vbroadcast v4, $0x0;
	_ =	sdelay $0x1  }
0x485: {  	v6 =	vadd.s32 s10, v4;
	v5, _, _ =	vpop (xrf0)  }
0x486: {  	v5 =	vadd.s32 v5, v6;
	_ =	sdelay $0x4  }
0x487: {  	[tilespmem:v5+s28+$0x0] =	vst.idx.msk vm0, v3;
	v3 =	vor.u32 $0xF4200, v0  }
0x488: {  	[tilespmem:v5+s29+$0x0] =	vst.idx.msk vm0, v3  }
0x489: {  	v3 =	vld [tilespmem:s5+$0xFFFFFFF0];
	_ =	sdelay $0x4  }
0x48a: {  	vm1 =	vgt.f32 v3, s9  }
0x48b: {  	v51 =	vsel vm1, $0x1, v1  }
0x48c: {  	(xrf0) =	vadd.scan.msk.s32 $0xffff, v51;
	_ =	sdelay $0x2  }
0x48d: {  	v52 =	vmpcnt.ones.xlane vm0;
	_ =	sdelay $0x1  }
0x48e: {  	v5 =	vadd.s32 s10, v52  }
0x48f: {  	v7 =	vadd.s32 v5, v4;
	v53, _, _ =	vpop (xrf0)  }
0x490: {  	v6 =	vadd.s32 v53, v7;
	_ =	sdelay $0x4  }
0x491: {  	[tilespmem:v6+s28+$0x0] =	vst.idx.msk vm1, v3;
	v3 =	vor.u32 $0xF4210, v0  }
0x492: {  	[tilespmem:v6+s29+$0x0] =	vst.idx.msk vm1, v3  }
0x493: {  	v3 =	vld [tilespmem:s5+$0x0];
	_ =	sdelay $0x4  }
0x494: {  	vm14 =	vgt.f32 v3, s9  }
0x495: {  	v54 =	vsel vm14, $0x1, v1  }
0x496: {  	(xrf0) =	vadd.scan.msk.s32 $0xffff, v54;
	_ =	sdelay $0x2  }
0x497: {  	v55 =	vmpcnt.ones.xlane vm1;
	_ =	sdelay $0x1  }
0x498: {  	v5 =	vadd.s32 v5, v55  }
0x499: {  	v57 =	vadd.s32 v5, v4;
	v56, _, _ =	vpop (xrf0)  }
0x49a: {  	v6 =	vadd.s32 v56, v57;
	_ =	sdelay $0x4  }
0x49b: {  	[tilespmem:v6+s28+$0x0] =	vst.idx.msk vm14, v3;
	v3 =	vor.u32 $0xF4220, v0  }
0x49c: {  	[tilespmem:v6+s29+$0x0] =	vst.idx.msk vm14, v3  }
0x49d: {  	v3 =	vld [tilespmem:s5+$0x10];
	_ =	sdelay $0x4  }
0x49e: {  	v58 =	vmpcnt.ones.xlane vm14;
	vm15 =	vgt.f32 v3, s9  }
0x49f: {  	v59 =	vmpcnt.ones.xlane vm15  }
0x4a0: {  	v5 =	vadd.s32 v5, v58  }
0x4a1: {  	v60 =	vsel vm15, $0x1, v1;
	v7 =	vadd.s32 v5, v59  }
0x4a2: {  	(xrf0) =	vadd.scan.msk.s32 $0xffff, v60;
	v61 =	vxor.u32 $0x80000000, v7  }
0x4a3: {  	(xrf0) =	vmax.scan.msk.u32 $0xffff, v61;
	_ =	sdelay $0x4  }
0x4a4: {  	v62, _, _ =	vpop (xrf0)  }
0x4a5: {  	v63, _, _ =	vpop (xrf0)  }
0x4a6: {  	(v2sf) =	vpush v63, $0xF;
	_ =	sdelay $0x9  }
0x4a7: {  	v4 =	vadd.s32 v5, v4  }
0x4a8: {  	v4 =	vadd.s32 v62, v4  }
0x4a9: {  	p2 =	sne.s32 s8, $0x1180  }
.Ltmp56:
0x4aa: {  	_ = 	snop;
	(pc) =	sbr.rel @p2 .LBB2_64-.Ltmp56, $4  }
0x4ab: {  	_ = 	snop  }
0x4ac: {  	s31 =	spop (v2sf)  }
0x4ad: {  	s4 =	sadd.s32 $0x1, s4;
	s8 =	sadd.s32 $0x280, s8;
	[tilespmem:v4+s28+$0x0] =	vst.idx.msk vm15, v3;
	v3 =	vor.u32 $0xF4230, v0;
	s9 =	sxor.u32 $0x80000000, s31  }
0x4ae: {  	s5 =	sadd.s32 $0x80, s5;
	[tilespmem:v4+s29+$0x0] =	vst.idx.msk vm15, v3;
	[smem:s0] =	sst s9;
	s0 =	sadd.s32 $0x1, s0  }
.LBB2_65:
.Ltmp57:
0x4af: {  	(pc) =	sbr.rel .LBB2_66-.Ltmp57, $2  }
0x4b0: {  	_ =	sdelay $0x2  }
0x4b1: {  	s15 =	simm.s32 $0x0;
	s16 =	simm.s32 $0x0  }
.LBB2_90:
0x4b2: {  	s15 =	simm.s32 $0x0;
	s0 =	rddreg [dreg:$0xb];
	s4 =	simm.s32 $0xF000  }
0x4b3: {  	[tilespmem:s4], [sflag:$0x3] =	stream.linear.gather [hbm4b:s0+s15], $0x400, $0x38;
	[tilespmem:$0x11D00] =	vst v63  }
0x4b4: {  	_ =	swait.ge [sflag:s1], $0x400  }
0x4b5: {  	[sflag:s1] =	ssyncset.done $0x0  }
0x4b6: {  	s5 =	simm.s32 $0x10000;
	s4 =	rddreg [dreg:$0xc];
	[sflag:s1] =	ssyncadd.s32 $0xFFFFFC00  }
0x4b7: {  	[tilespmem:s5], [sflag:$0x3] =	stream.linear.gather [hbm4b:s4+s15], $0x400, $0x38;
	[tilespmem:$0x11D00] =	vst v63  }
0x4b8: {  	_ =	swait.ge [sflag:s1], $0x400  }
0x4b9: {  	[sflag:s1] =	ssyncset.done $0x0  }
0x4ba: {  	s9 =	simm.s32 $0xF400;
	s8 =	rddreg [dreg:$0xd];
	[sflag:s1] =	ssyncadd.s32 $0xFFFFFC00  }
0x4bb: {  	[tilespmem:s9], [sflag:$0x3] =	stream.linear.gather [hbm4b:s8+s15], $0x400, $0x38;
	[tilespmem:$0x11D00] =	vst v63  }
0x4bc: {  	_ =	swait.ge [sflag:s1], $0x400  }
0x4bd: {  	[sflag:s1] =	ssyncset.done $0x0  }
0x4be: {  	s14 =	simm.s32 $0x10400;
	s10 =	rddreg [dreg:$0xe];
	[sflag:s1] =	ssyncadd.s32 $0xFFFFFC00  }
0x4bf: {  	[tilespmem:s14], [sflag:$0x3] =	stream.linear.gather [hbm4b:s10+s15], $0x400, $0x38;
	[tilespmem:$0x11D00] =	vst v63  }
0x4c0: {  	_ =	swait.ge [sflag:s1], $0x400  }
0x4c1: {  	[sflag:s1] =	ssyncset.done $0x0  }
0x4c2: {  	s17 =	simm.s32 $0xF800;
	s16 =	rddreg [dreg:$0xf];
	[sflag:s1] =	ssyncadd.s32 $0xFFFFFC00  }
0x4c3: {  	[tilespmem:s17], [sflag:$0x3] =	stream.linear.gather [hbm4b:s16+s15], $0x400, $0x38;
	[tilespmem:$0x11D00] =	vst v63  }
0x4c4: {  	_ =	swait.ge [sflag:s1], $0x400  }
0x4c5: {  	[sflag:s1] =	ssyncset.done $0x0  }
0x4c6: {  	s19 =	simm.s32 $0x10800;
	s18 =	rddreg [dreg:$0x10];
	[sflag:s1] =	ssyncadd.s32 $0xFFFFFC00  }
0x4c7: {  	[tilespmem:s19], [sflag:$0x3] =	stream.linear.gather [hbm4b:s18+s15], $0x400, $0x38;
	[tilespmem:$0x11D00] =	vst v63  }
0x4c8: {  	_ =	swait.ge [sflag:s1], $0x400  }
0x4c9: {  	[sflag:s1] =	ssyncset.done $0x0  }
0x4ca: {  	s21 =	simm.s32 $0xFC00;
	s20 =	rddreg [dreg:$0x11];
	[sflag:s1] =	ssyncadd.s32 $0xFFFFFC00  }
0x4cb: {  	[tilespmem:s21], [sflag:$0x3] =	stream.linear.gather [hbm4b:s20+s15], $0x400, $0x38;
	[tilespmem:$0x11D00] =	vst v63  }
0x4cc: {  	_ =	swait.ge [sflag:s1], $0x400  }
0x4cd: {  	[sflag:s1] =	ssyncset.done $0x0  }
0x4ce: {  	s23 =	simm.s32 $0x10C00;
	s22 =	rddreg [dreg:$0x12];
	[sflag:s1] =	ssyncadd.s32 $0xFFFFFC00  }
0x4cf: {  	[tilespmem:s23], [sflag:$0x3] =	stream.linear.gather [hbm4b:s22+s15], $0x400, $0x38;
	[tilespmem:$0x11D00] =	vst v63  }
0x4d0: {  	_ =	swait.ge [sflag:s1], $0x400  }
0x4d1: {  	[sflag:s1] =	ssyncset.done $0x0  }
0x4d2: {  	s31 =	simm.s32 $0x11900;
	s24 =	rddreg [dreg:$0x13];
	[sflag:s1] =	ssyncadd.s32 $0xFFFFFC00  }
0x4d3: {  	[tilespmem:s31], [sflag:$0x3] =	stream.linear.gather [hbm4b:s24+s15], $0x400, $0x38;
	[tilespmem:$0x11D00] =	vst v63  }
0x4d4: {  	_ =	swait.ge [sflag:s1], $0x400  }
0x4d5: {  	[sflag:s1] =	ssyncset.done $0x0  }
0x4d6: {  	s16 =	simm.s32 $0x0;
	[sflag:s1] =	ssyncadd.s32 $0xFFFFFC00  }
.LBB2_91:
0x4d7: {  	s17 =	sshll.u32 s16, $0x7;
	s0 =	sand.u32 $0xC00, s15  }
0x4d8: {  	s4 =	sand.u32 $0x30, s15;
	s0 =	sadd.s32 s17, s0  }
0x4d9: {  	s5 =	sor.u32 s4, s0  }
0x4da: {  	v3 =	vld [tilespmem:s5+$0xF000];
	_ =	sdelay $0x3  }
0x4db: {  	s4 =	simm.s32 $0xAC00  }
0x4dc: {  	[tilespmem:s4+$0x0] =	vst v3  }
0x4dd: {  	v3 =	vld [tilespmem:s5+$0x10000]  }
0x4de: {  	s8 =	simm.s32 $0x100  }
0x4df: {  	s9 =	sand.u32 $0xC00, s8  }
0x4e0: {  	s8 =	simm.s32 $0x200;
	s0 =	simm.s32 $0xC000;
	s5 =	simm.s32 $0x10  }
.LBB2_92:
0x4e1: {  	p2 =	sne.s32 s8, $0xF00;
	s10 =	sand.u32 $0x30, s5;
	s9 =	sadd.s32 s17, s9  }
0x4e2: {  	s9 =	sor.u32 s10, s9;
	[tilespmem:s0+$0x0] =	vst v3  }
0x4e3: {  	v3 =	vld [tilespmem:s9+$0xF000];
	_ =	sdelay $0x3  }
0x4e4: {  	s4 =	sadd.s32 $0x10, s4  }
.Ltmp58:
0x4e5: {  	[tilespmem:s4+$0x0] =	vst v3;
	(pc) =	sbr.rel @p2 .LBB2_92-.Ltmp58, $3  }
0x4e6: {  	v3 =	vld [tilespmem:s9+$0x10000];
	_ =	sdelay $0x1  }
0x4e7: {  	s0 =	sadd.s32 $0x10, s0  }
0x4e8: {  	s5 =	sadd.s32 $0x10, s5;
	s9 =	sand.u32 $0xC00, s8;
	s8 =	sadd.s32 $0x100, s8  }
0x4e9: {  	s5 =	sand.u32 $0x30, s5;
	s8 =	sadd.s32 s17, s9  }
0x4ea: {  	s5 =	sor.u32 s5, s8;
	[tilespmem:s0+$0x0] =	vst v3  }
0x4eb: {  	v3 =	vld [tilespmem:s5+$0xF000];
	_ =	sdelay $0x3  }
0x4ec: {  	s4 =	sadd.s32 $0x10, s4  }
0x4ed: {  	[tilespmem:s4+$0x0] =	vst v3  }
0x4ee: {  	v3 =	vld [tilespmem:s5+$0x10000];
	_ =	sdelay $0x3  }
0x4ef: {  	s31 =	sadd.s32 $0x10, s0  }
0x4f0: {  	[tilespmem:s31+$0x0] =	vst v3  }
0x4f1: {  	v3 =	vld [tilespmem:$0xAC00]  }
0x4f2: {  	v4 =	vld [tilespmem:$0xAC10]  }
0x4f3: {  	v5 =	vld [tilespmem:$0xAC20]  }
0x4f4: {  	v6 =	vld [tilespmem:$0xAC30]  }
0x4f5: {  	v7 =	vld [tilespmem:$0xAC40]  }
0x4f6: {  	v9 =	vld [tilespmem:$0xAC50];
	v8 =	vshra.s32 v3, $0x1F  }
0x4f7: {  	v11 =	vld [tilespmem:$0xAC60];
	v10 =	vshra.s32 v4, $0x1F;
	v8 =	vor.u32 $0x80000000, v8  }
0x4f8: {  	v12 =	vld [tilespmem:$0xAC70];
	v3 =	vxor.u32 v3, v8;
	v8 =	vor.u32 $0x80000000, v10;
	v10 =	vshra.s32 v5, $0x1F  }
0x4f9: {  	[tilespmem:$0xD400] =	vst v3;
	v3 =	vxor.u32 v4, v8;
	v4 =	vor.u32 $0x80000000, v10;
	v8 =	vshra.s32 v6, $0x1F;
	v10 =	vld [tilespmem:$0xAC80]  }
0x4fa: {  	v13 =	vld [tilespmem:$0xAC90];
	v4 =	vxor.u32 v5, v4;
	v5 =	vor.u32 $0x80000000, v8;
	v8 =	vshra.s32 v7, $0x1F  }
0x4fb: {  	v14 =	vld [tilespmem:$0xACA0];
	[tilespmem:$0xD410] =	vst v3;
	v5 =	vxor.u32 v6, v5;
	v6 =	vor.u32 $0x80000000, v8;
	v8 =	vshra.s32 v9, $0x1F  }
0x4fc: {  	v15 =	vld [tilespmem:$0xACB0];
	[tilespmem:$0xD420] =	vst v4;
	v6 =	vxor.u32 v7, v6;
	v7 =	vor.u32 $0x80000000, v8;
	v8 =	vshra.s32 v11, $0x1F  }
0x4fd: {  	v16 =	vld [tilespmem:$0xACC0];
	[tilespmem:$0xD430] =	vst v5;
	v7 =	vxor.u32 v9, v7;
	v8 =	vor.u32 $0x80000000, v8;
	v9 =	vshra.s32 v12, $0x1F  }
0x4fe: {  	v17 =	vld [tilespmem:$0xACD0];
	[tilespmem:$0xD440] =	vst v6;
	v8 =	vxor.u32 v11, v8;
	v9 =	vor.u32 $0x80000000, v9;
	v11 =	vshra.s32 v10, $0x1F  }
0x4ff: {  	v18 =	vld [tilespmem:$0xACE0];
	[tilespmem:$0xD450] =	vst v7;
	v9 =	vxor.u32 v12, v9;
	v11 =	vor.u32 $0x80000000, v11;
	v12 =	vshra.s32 v13, $0x1F  }
0x500: {  	[tilespmem:$0xD460] =	vst v8;
	v10 =	vxor.u32 v10, v11;
	v11 =	vor.u32 $0x80000000, v12;
	v12 =	vshra.s32 v14, $0x1F  }
0x501: {  	v19 =	vld [tilespmem:$0xACF0];
	[tilespmem:$0xD470] =	vst v9;
	v11 =	vxor.u32 v13, v11;
	v12 =	vor.u32 $0x80000000, v12;
	v13 =	vshra.s32 v15, $0x1F  }
0x502: {  	[tilespmem:$0xD480] =	vst v10;
	v12 =	vxor.u32 v14, v12;
	v13 =	vor.u32 $0x80000000, v13;
	v14 =	vshra.s32 v16, $0x1F  }
0x503: {  	[tilespmem:$0xD490] =	vst v11;
	v13 =	vxor.u32 v15, v13;
	v14 =	vor.u32 $0x80000000, v14  }
0x504: {  	[tilespmem:$0xD4A0] =	vst v12;
	v15 =	vshra.s32 v17, $0x1F;
	v14 =	vxor.u32 v16, v14;
	v16 =	vshra.s32 v18, $0x1F  }
0x505: {  	[tilespmem:$0xD4B0] =	vst v13;
	v15 =	vor.u32 $0x80000000, v15;
	v16 =	vor.u32 $0x80000000, v16  }
0x506: {  	[tilespmem:$0xD4C0] =	vst v14;
	v15 =	vxor.u32 v17, v15;
	v17 =	vshra.s32 v19, $0x1F;
	v16 =	vxor.u32 v18, v16;
	v18 =	vld [tilespmem:$0xD400]  }
0x507: {  	[tilespmem:$0xD4D0] =	vst v15;
	v17 =	vor.u32 $0x80000000, v17  }
0x508: {  	[tilespmem:$0xD4E0] =	vst v16;
	v17 =	vxor.u32 v19, v17  }
0x509: {  	s0 =	simm.s32 $0x0;
	s8 =	simm.s32 $0x80000000;
	s4 =	simm.s32 $0x1;
	[tilespmem:$0xD4F0] =	vst v17  }
.LBB2_94:
0x50a: {  	p2 =	sne.s32 s4, $0x1F;
	s5 =	sor.u32 s8, s0  }
0x50b: {  	vm0 =	vge.u32 v18, s5;
	vm1 =	vge.u32 v3, s5  }
0x50c: {  	v19 =	vmpcnt.ones.xlane vm0;
	v20 =	vmpcnt.ones.xlane vm1;
	vm0 =	vge.u32 v4, s5  }
0x50d: {  	v21 =	vmpcnt.ones.xlane vm0;
	vm0 =	vge.u32 v5, s5  }
0x50e: {  	v19 =	vadd.s32 v19, v20;
	v20 =	vmpcnt.ones.xlane vm0;
	vm0 =	vge.u32 v6, s5  }
0x50f: {  	v19 =	vadd.s32 v19, v21;
	v21 =	vmpcnt.ones.xlane vm0;
	vm0 =	vge.u32 v7, s5  }
0x510: {  	v19 =	vadd.s32 v19, v20;
	v20 =	vmpcnt.ones.xlane vm0;
	vm0 =	vge.u32 v8, s5  }
0x511: {  	v19 =	vadd.s32 v19, v21;
	v21 =	vmpcnt.ones.xlane vm0;
	vm0 =	vge.u32 v9, s5  }
0x512: {  	v19 =	vadd.s32 v19, v20;
	v20 =	vmpcnt.ones.xlane vm0;
	vm0 =	vge.u32 v10, s5  }
0x513: {  	v19 =	vadd.s32 v19, v21;
	v21 =	vmpcnt.ones.xlane vm0;
	vm0 =	vge.u32 v11, s5  }
0x514: {  	v19 =	vadd.s32 v19, v20;
	v20 =	vmpcnt.ones.xlane vm0;
	vm0 =	vge.u32 v12, s5  }
0x515: {  	v19 =	vadd.s32 v19, v21;
	v21 =	vmpcnt.ones.xlane vm0;
	vm0 =	vge.u32 v13, s5  }
0x516: {  	v19 =	vadd.s32 v19, v20;
	v20 =	vmpcnt.ones.xlane vm0;
	vm0 =	vge.u32 v14, s5  }
0x517: {  	v19 =	vadd.s32 v19, v21;
	v21 =	vmpcnt.ones.xlane vm0;
	vm0 =	vge.u32 v15, s5  }
0x518: {  	v19 =	vadd.s32 v19, v20;
	v20 =	vmpcnt.ones.xlane vm0;
	vm0 =	vge.u32 v16, s5  }
0x519: {  	v19 =	vadd.s32 v19, v21;
	v21 =	vmpcnt.ones.xlane vm0;
	vm0 =	vge.u32 v17, s5  }
0x51a: {  	v19 =	vadd.s32 v19, v20;
	v20 =	vmpcnt.ones.xlane vm0  }
0x51b: {  	v19 =	vadd.s32 v19, v21  }
0x51c: {  	v19 =	vadd.s32 v19, v20  }
0x51d: {  	v19 =	vxor.u32 $0x80000000, v19  }
0x51e: {  	(xrf0) =	vmax.scan.msk.u32 $0xffff, v19;
	_ =	sdelay $0x5  }
0x51f: {  	v19, _, _ =	vpop (xrf0)  }
0x520: {  	(v2sf) =	vpush v19, $0xF;
	_ =	sdelay $0xc  }
.Ltmp59:
0x521: {  	(pc) =	sbr.rel @p2 .LBB2_94-.Ltmp59, $4  }
0x522: {  	_ = 	snop  }
0x523: {  	s8 =	spop (v2sf)  }
0x524: {  	p3 =	sgt.u32 s8, $0x8000003F  }
0x525: {  	s8 =	sshrl.u32 s26, s4;
	s4 =	sadd.s32 $0x1, s4;
	s0 =	smov.u32 @p3 s5  }
0x526: {  	s4 =	sor.u32 s8, s0  }
0x527: {  	vm0 =	vge.u32 v18, s4;
	vm1 =	vge.u32 v3, s4  }
0x528: {  	v19 =	vmpcnt.ones.xlane vm0;
	v20 =	vmpcnt.ones.xlane vm1;
	vm0 =	vge.u32 v4, s4  }
0x529: {  	v21 =	vmpcnt.ones.xlane vm0;
	vm0 =	vge.u32 v5, s4  }
0x52a: {  	v19 =	vadd.s32 v19, v20;
	v49 =	vmpcnt.ones.xlane vm0;
	vm0 =	vge.u32 v6, s4  }
0x52b: {  	v19 =	vadd.s32 v19, v21;
	v50 =	vmpcnt.ones.xlane vm0;
	vm0 =	vge.u32 v7, s4  }
0x52c: {  	v19 =	vadd.s32 v19, v49;
	v51 =	vmpcnt.ones.xlane vm0;
	vm0 =	vge.u32 v8, s4  }
0x52d: {  	v19 =	vadd.s32 v19, v50;
	v52 =	vmpcnt.ones.xlane vm0;
	vm0 =	vge.u32 v9, s4  }
0x52e: {  	v19 =	vadd.s32 v19, v51;
	v53 =	vmpcnt.ones.xlane vm0;
	vm0 =	vge.u32 v10, s4  }
0x52f: {  	v19 =	vadd.s32 v19, v52;
	v54 =	vmpcnt.ones.xlane vm0;
	vm0 =	vge.u32 v11, s4  }
0x530: {  	v19 =	vadd.s32 v19, v53;
	v55 =	vmpcnt.ones.xlane vm0;
	vm0 =	vge.u32 v12, s4  }
0x531: {  	v19 =	vadd.s32 v19, v54;
	v56 =	vmpcnt.ones.xlane vm0;
	vm0 =	vge.u32 v13, s4  }
0x532: {  	v19 =	vadd.s32 v19, v55;
	v57 =	vmpcnt.ones.xlane vm0;
	vm0 =	vge.u32 v14, s4  }
0x533: {  	v19 =	vadd.s32 v19, v56;
	v58 =	vmpcnt.ones.xlane vm0;
	vm0 =	vge.u32 v15, s4  }
0x534: {  	v19 =	vadd.s32 v19, v57;
	v59 =	vmpcnt.ones.xlane vm0;
	vm0 =	vge.u32 v16, s4  }
0x535: {  	v19 =	vadd.s32 v19, v58;
	v60 =	vmpcnt.ones.xlane vm0;
	vm0 =	vge.u32 v17, s4  }
0x536: {  	v19 =	vadd.s32 v19, v59;
	v61 =	vmpcnt.ones.xlane vm0  }
0x537: {  	v19 =	vadd.s32 v19, v60  }
0x538: {  	v19 =	vadd.s32 v19, v61  }
0x539: {  	v19 =	vxor.u32 $0x80000000, v19  }
0x53a: {  	(xrf0) =	vmax.scan.msk.u32 $0xffff, v19;
	_ =	sdelay $0x5  }
0x53b: {  	v19, _, _ =	vpop (xrf0)  }
0x53c: {  	(v2sf) =	vpush v19, $0xF;
	_ =	sdelay $0xe  }
0x53d: {  	s5 =	spop (v2sf)  }
0x53e: {  	p2 =	sgt.u32 s5, $0x8000003F  }
0x53f: {  	s0 =	smov.u32 @p2 s4  }
0x540: {  	vm0 =	vgt.u32 v18, s0;
	vm1 =	vgt.u32 v3, s0  }
0x541: {  	v3 =	vmpcnt.ones.xlane vm0;
	v62 =	vmpcnt.ones.xlane vm1;
	vm0 =	vgt.u32 v4, s0  }
0x542: {  	v4 =	vmpcnt.ones.xlane vm0;
	vm0 =	vgt.u32 v5, s0  }
0x543: {  	v3 =	vadd.s32 v3, v62;
	v5 =	vmpcnt.ones.xlane vm0;
	vm0 =	vgt.u32 v6, s0  }
0x544: {  	v3 =	vadd.s32 v3, v4;
	v4 =	vmpcnt.ones.xlane vm0;
	vm0 =	vgt.u32 v7, s0  }
0x545: {  	v3 =	vadd.s32 v3, v5;
	v5 =	vmpcnt.ones.xlane vm0;
	vm0 =	vgt.u32 v8, s0  }
0x546: {  	v3 =	vadd.s32 v3, v4;
	v4 =	vmpcnt.ones.xlane vm0;
	vm0 =	vgt.u32 v9, s0  }
0x547: {  	v3 =	vadd.s32 v3, v5;
	v5 =	vmpcnt.ones.xlane vm0;
	vm0 =	vgt.u32 v10, s0  }
0x548: {  	v3 =	vadd.s32 v3, v4;
	v4 =	vmpcnt.ones.xlane vm0;
	vm0 =	vgt.u32 v11, s0  }
0x549: {  	v3 =	vadd.s32 v3, v5;
	v5 =	vmpcnt.ones.xlane vm0;
	vm0 =	vgt.u32 v12, s0  }
0x54a: {  	v3 =	vadd.s32 v3, v4;
	v4 =	vmpcnt.ones.xlane vm0;
	vm0 =	vgt.u32 v13, s0  }
0x54b: {  	v3 =	vadd.s32 v3, v5;
	v5 =	vmpcnt.ones.xlane vm0;
	vm0 =	vgt.u32 v14, s0  }
0x54c: {  	v3 =	vadd.s32 v3, v4;
	v4 =	vmpcnt.ones.xlane vm0;
	vm0 =	vgt.u32 v15, s0  }
0x54d: {  	v3 =	vadd.s32 v3, v5;
	v5 =	vmpcnt.ones.xlane vm0;
	vm0 =	vgt.u32 v16, s0  }
0x54e: {  	v3 =	vadd.s32 v3, v4;
	v4 =	vmpcnt.ones.xlane vm0;
	vm0 =	vgt.u32 v17, s0  }
0x54f: {  	v3 =	vadd.s32 v3, v5;
	v5 =	vmpcnt.ones.xlane vm0  }
0x550: {  	v3 =	vadd.s32 v3, v4  }
0x551: {  	v3 =	vadd.s32 v3, v5  }
0x552: {  	v3 =	vxor.u32 $0x80000000, v3  }
0x553: {  	(xrf0) =	vmax.scan.msk.u32 $0xffff, v3;
	_ =	sdelay $0x5  }
0x554: {  	v3, _, _ =	vpop (xrf0)  }
0x555: {  	(v2sf) =	vpush v3, $0xF;
	_ =	sdelay $0x2  }
0x556: {  	s21 =	simm.s32 $0x0  }
0x557: {  	v5 =	vld [tilespmem:s21+$0xD400];
	_ =	sdelay $0x3  }
0x558: {  	v3 =	vmov s0  }
0x559: {  	vm0 =	veq.s32 v5, v3  }
0x55a: {  	v4 =	vsel vm0, $0x1, v1  }
0x55b: {  	(xrf0) =	vadd.scan.msk.s32 $0xffff, v4;
	_ =	sdelay $0x3  }
0x55c: {  	s22 =	spop (v2sf)  }
0x55d: {  	s0 =	sxor.u32 $0x80000000, s22  }
0x55e: {  	v6, _, _ =	vpop (xrf0);
	s23 =	ssub.s32 $0x40, s0;
	s0 =	simm.s32 $0x0  }
0x55f: {  	v4 =	vmov s23;
	v6 =	vadd.s32 s0, v6  }
0x560: {  	vm1 =	vle.s32 v6, v4  }
0x561: {  	vm2 =	vgt.u32 v5, v3;
	vm0 =	vmand vm0, vm1  }
0x562: {  	vm1 =	vmor vm2, vm0;
	v5 =	vmpcnt.ones.xlane vm0  }
0x563: {  	v6 =	vsel vm1, $0x1, v1;
	v7 =	vmpcnt.ones.xlane vm1  }
0x564: {  	v5 =	vxor.u32 $0x80000000, v5;
	(xrf0) =	vadd.scan.msk.s32 $0xffff, v6  }
0x565: {  	v6 =	vxor.u32 $0x80000000, v7;
	(xrf0) =	vmax.scan.msk.u32 $0xffff, v5  }
0x566: {  	(xrf0) =	vmax.scan.msk.u32 $0xffff, v6;
	_ =	sdelay $0x1  }
0x567: {  	v6 =	vmov s0  }
0x568: {  	v6 =	vadd.s32 $0xFFFFFFFF, v6  }
0x569: {  	v6 =	vbroadcast v6, $0x0;
	v5, _, _ =	vpop (xrf0)  }
0x56a: {  	v7, _, _ =	vpop (xrf0)  }
0x56b: {  	v5 =	vadd.s32 v5, v6;
	v6 =	vld [tilespmem:s21+$0xAC00];
	v63, _, _ =	vpop (xrf0);
	(v2sf) =	vpush v7, $0xF  }
0x56c: {  	v7 =	vld [tilespmem:s21+$0xC000];
	(v2sf) =	vpush v63, $0xF;
	_ =	sdelay $0x3  }
0x56d: {  	[tilespmem:v5+s28+$0x0] =	vst.idx.msk vm1, v6  }
0x56e: {  	s4 =	simm.s32 $0x10;
	[tilespmem:v5+s29+$0x0] =	vst.idx.msk vm1, v7  }
0x56f: {  	v5 =	vld [tilespmem:s4+$0xD400];
	_ =	sdelay $0x4  }
0x570: {  	vm0 =	veq.s32 v5, v3  }
0x571: {  	v6 =	vsel vm0, $0x1, v1  }
0x572: {  	(xrf0) =	vadd.scan.msk.s32 $0xffff, v6  }
0x573: {  	s24 =	spop (v2sf)  }
0x574: {  	s31 =	sadd.s32 $0x0, s24;
	s9 =	spop (v2sf)  }
0x575: {  	s5 =	simm.s32 $0x80;
	s9 =	sadd.s32 $0x0, s9;
	s8 =	sadd.s32 $0x80000000, s31  }
.LBB2_96:
0x576: {  	p2 =	sne.s32 s5, $0x3C0  }
0x577: {  	s9 =	sadd.s32 $0x80000000, s9;
	s10 =	smov.u32 s5;
	s5 =	sadd.s32 $0x40, s5  }
0x578: {  	v6 =	vmov s9;
	v7, _, _ =	vpop (xrf0)  }
0x579: {  	v7 =	vadd.s32 s8, v7;
	v6 =	vadd.s32 $0xFFFFFFFF, v6  }
0x57a: {  	vm1 =	vle.s32 v7, v4  }
0x57b: {  	vm2 =	vgt.u32 v5, v3;
	vm1 =	vmand vm0, vm1  }
0x57c: {  	vm0 =	vmor vm2, vm1;
	v5 =	vmpcnt.ones.xlane vm1  }
0x57d: {  	v7 =	vsel vm0, $0x1, v1;
	v8 =	vmpcnt.ones.xlane vm0  }
0x57e: {  	v5 =	vxor.u32 $0x80000000, v5;
	(xrf0) =	vadd.scan.msk.s32 $0xffff, v7  }
0x57f: {  	v7 =	vxor.u32 $0x80000000, v8;
	(xrf0) =	vmax.scan.msk.u32 $0xffff, v5  }
0x580: {  	(xrf0) =	vmax.scan.msk.u32 $0xffff, v7;
	_ =	sdelay $0x2  }
0x581: {  	v5 =	vbroadcast v6, $0x0  }
0x582: {  	v6, _, _ =	vpop (xrf0)  }
0x583: {  	v5 =	vadd.s32 v6, v5;
	v6 =	vld [tilespmem:s4+$0xAC00];
	v7, _, _ =	vpop (xrf0)  }
0x584: {  	v8 =	vld [tilespmem:s4+$0xC000];
	v9, _, _ =	vpop (xrf0);
	(v2sf) =	vpush v7, $0xF  }
0x585: {  	(v2sf) =	vpush v9, $0xF;
	_ =	sdelay $0x2  }
0x586: {  	[tilespmem:v5+s28+$0x0] =	vst.idx.msk vm0, v6  }
0x587: {  	s4 =	sshra.s32 s10, $0x2;
	[tilespmem:v5+s29+$0x0] =	vst.idx.msk vm0, v8  }
0x588: {  	v5 =	vld [tilespmem:s4+$0xD400];
	_ =	sdelay $0x4  }
0x589: {  	vm0 =	veq.s32 v5, v3  }
0x58a: {  	v6 =	vsel vm0, $0x1, v1  }
.Ltmp60:
0x58b: {  	(xrf0) =	vadd.scan.msk.s32 $0xffff, v6;
	(pc) =	sbr.rel @p2 .LBB2_96-.Ltmp60, $4  }
0x58c: {  	_ = 	snop  }
0x58d: {  	s10 =	spop (v2sf)  }
0x58e: {  	s8 =	sadd.s32 s10, s8;
	s10 =	spop (v2sf)  }
0x58f: {  	s9 =	sadd.s32 s10, s9;
	s8 =	sadd.s32 $0x80000000, s8  }
0x590: {  	_ = 	snop  }
0x591: {  	v6, _, _ =	vpop (xrf0)  }
0x592: {  	v6 =	vadd.s32 s8, v6  }
0x593: {  	vm1 =	vle.s32 v6, v4  }
0x594: {  	vm2 =	vgt.u32 v5, v3;
	vm0 =	vmand vm0, vm1  }
0x595: {  	vm1 =	vmor vm2, vm0  }
0x596: {  	v3 =	vsel vm1, $0x1, v1  }
0x597: {  	(xrf0) =	vadd.scan.msk.s32 $0xffff, v3;
	_ =	sdelay $0x1  }
0x598: {  	s5 =	sadd.s32 $0x80000000, s9  }
0x599: {  	v3 =	vmov s5  }
0x59a: {  	v3 =	vadd.s32 $0xFFFFFFFF, v3  }
0x59b: {  	v3 =	vbroadcast v3, $0x0  }
0x59c: {  	v4, _, _ =	vpop (xrf0)  }
0x59d: {  	v3 =	vadd.s32 v4, v3;
	v4 =	vld [tilespmem:s4+$0xAC00]  }
0x59e: {  	v5 =	vld [tilespmem:s4+$0xC000];
	_ =	sdelay $0x3  }
0x59f: {  	[tilespmem:v3+s28+$0x0] =	vst.idx.msk vm1, v4  }
0x5a0: {  	[tilespmem:v3+s29+$0x0] =	vst.idx.msk vm1, v5  }
0x5a1: {  	v6 =	vld [tilespmem:$0xAC00]  }
0x5a2: {  	v4 =	vld [tilespmem:$0xAC30]  }
0x5a3: {  	v5 =	vld [tilespmem:$0xAC20]  }
0x5a4: {  	v7 =	vld [tilespmem:$0xAC10];
	_ =	sdelay $0x1  }
0x5a5: {  	v3 =	vmpcnt.ones.xlane vm0  }
0x5a6: {  	v8 =	vmpcnt.ones.xlane vm1  }
0x5a7: {  	v3 =	vxor.u32 $0x80000000, v3  }
0x5a8: {  	v8 =	vxor.u32 $0x80000000, v8;
	(xrf0) =	vmax.scan.msk.u32 $0xffff, v3;
	v3 =	vmax.f32 v6, v7;
	v9 =	vmax.f32 v5, v4  }
0x5a9: {  	(xrf0) =	vmax.scan.msk.u32 $0xffff, v8;
	v3 =	vmax.f32 v3, v9  }
0x5aa: {  	(xrf0) =	vmax.scan.msk.f32 $0xffff, v3;
	_ =	sdelay $0x3  }
0x5ab: {  	v8, _, _ =	vpop (xrf0)  }
0x5ac: {  	v62, _, _ =	vpop (xrf0)  }
0x5ad: {  	v3, _, _ =	vpop (xrf0)  }
0x5ae: {  	v10 =	vbroadcast v3, $0xF;
	_ =	sdelay $0x1  }
0x5af: {  	v3 =	vor.u32 $0x80000030, v0;
	vm12 =	veq.f32 v4, v10  }
0x5b0: {  	vm13 =	veq.f32 v5, v10;
	v4 =	vor.u32 $0x80000020, v0;
	v5 =	vnsel vm12, $0xC0000000, v3  }
0x5b1: {  	vm14 =	veq.f32 v7, v10;
	v7 =	vsel vm13, v4, v5;
	v5 =	vor.u32 $0x80000010, v0  }
0x5b2: {  	vm15 =	veq.f32 v6, v10;
	v6 =	vor.u32 $0x80000000, v0;
	v7 =	vsel vm14, v5, v7  }
0x5b3: {  	v7 =	vsel vm15, v6, v7  }
0x5b4: {  	(xrf0) =	vmin.scan.msk.u32 $0xffff, v7;
	_ =	sdelay $0x4  }
0x5b5: {  	(v2sf) =	vpush v8, $0xF  }
0x5b6: {  	(v2sf) =	vpush v62, $0xF;
	v7, _, _ =	vpop (xrf0)  }
0x5b7: {  	(v2sf) =	vpush v7, $0xF;
	_ =	sdelay $0xc  }
0x5b8: {  	s23 =	spop (v2sf)  }
0x5b9: {  	s24 =	spop (v2sf)  }
0x5ba: {  	s4 =	spop (v2sf)  }
0x5bb: {  	v8 =	vmov s0;
	s31 =	sxor.u32 $0x80000000, s4  }
0x5bc: {  	v7 =	vmov s31;
	_ =	sdelay $0x3  }
0x5bd: {  	[tilespmem:v8+s11+$0x0] =	vst.idx.msk $0x1, v10  }
0x5be: {  	v63 =	vld.idx.msk [tilespmem:v7+s29+$0x0], $0xffff;
	_ =	sdelay $0x4  }
0x5bf: {  	s0 =	simm.s32 $0x1;
	[tilespmem:v8+s12+$0x0] =	vst.idx.msk $0x1, v63  }
.LBB2_98:
0x5c0: {  	p2 =	sne.s32 s0, $0x3F;
	[tilespmem:v7+s28+$0x0] =	vst.idx.msk $0x1, v2;
	s4 =	smov.u32 s0;
	s0 =	sadd.s32 $0x1, s0  }
0x5c1: {  	v7 =	vld [tilespmem:$0xAC00]  }
0x5c2: {  	v8 =	vld [tilespmem:$0xAC30]  }
0x5c3: {  	v9 =	vld [tilespmem:$0xAC20]  }
0x5c4: {  	v10 =	vld [tilespmem:$0xAC10];
	_ =	sdelay $0x4  }
0x5c5: {  	v12 =	vmax.f32 v9, v8;
	v11 =	vmax.f32 v7, v10  }
0x5c6: {  	v11 =	vmax.f32 v11, v12  }
0x5c7: {  	(xrf0) =	vmax.scan.msk.f32 $0xffff, v11;
	_ =	sdelay $0x4  }
0x5c8: {  	v11 =	vmov s4  }
0x5c9: {  	v12, _, _ =	vpop (xrf0)  }
0x5ca: {  	v12 =	vbroadcast v12, $0xF;
	_ =	sdelay $0x1  }
0x5cb: {  	vm0 =	veq.f32 v7, v12;
	vm1 =	veq.f32 v9, v12;
	vm2 =	veq.f32 v8, v12  }
0x5cc: {  	v7 =	vnsel vm2, $0xC0000000, v3;
	[tilespmem:v11+s11+$0x0] =	vst.idx.msk $0x1, v12  }
0x5cd: {  	vm2 =	veq.f32 v10, v12;
	v7 =	vsel vm1, v4, v7  }
0x5ce: {  	v7 =	vsel vm2, v5, v7  }
0x5cf: {  	v7 =	vsel vm0, v6, v7  }
0x5d0: {  	(xrf0) =	vmin.scan.msk.u32 $0xffff, v7;
	_ =	sdelay $0x5  }
0x5d1: {  	v7, _, _ =	vpop (xrf0)  }
0x5d2: {  	(v2sf) =	vpush v7, $0xF;
	_ =	sdelay $0xe  }
0x5d3: {  	s4 =	spop (v2sf)  }
0x5d4: {  	s4 =	sxor.u32 $0x80000000, s4  }
0x5d5: {  	v7 =	vmov s4;
	_ =	sdelay $0x4  }
0x5d6: {  	v8 =	vld.idx.msk [tilespmem:v7+s29+$0x0], $0xffff;
	_ =	sdelay $0x1  }
.Ltmp61:
0x5d7: {  	(pc) =	sbr.rel @p2 .LBB2_98-.Ltmp61, $2  }
0x5d8: {  	_ =	sdelay $0x2  }
0x5d9: {  	[tilespmem:v11+s12+$0x0] =	vst.idx.msk $0x1, v8  }
0x5da: {  	_ =	sdelay $0x3  }
0x5db: {  	[tilespmem:v7+s28+$0x0] =	vst.idx.msk $0x1, v2  }
0x5dc: {  	v7 =	vld [tilespmem:$0x11000];
	_ =	sdelay $0x4  }
0x5dd: {  	(xrf0) =	vmax.scan.msk.f32 $0xffff, v7;
	_ =	sdelay $0x4  }
0x5de: {  	v8 =	vld [tilespmem:$0x11010]  }
0x5df: {  	v9, _, _ =	vpop (xrf0)  }
0x5e0: {  	v10 =	vld [tilespmem:$0x11020];
	v9 =	vbroadcast v9, $0xF;
	_ =	sdelay $0x1  }
0x5e1: {  	v11 =	vld [tilespmem:$0x11030];
	v7 =	vsub.f32 v7, v9  }
0x5e2: {  	v8 =	vsub.f32 v8, v9  }
0x5e3: {  	v7 =	vmul.f32 $1.442695020e+00, v7  }
0x5e4: {  	v10 =	vsub.f32 v10, v9;
	v8 =	vmul.f32 $1.442695020e+00, v8  }
0x5e5: {  	(erf) = vpow2.f32 v7  }
0x5e6: {  	v52 =	vsub.f32 v11, v9;
	v51 =	vmul.f32 $1.442695020e+00, v10;
	(erf) = vpow2.f32 v8;
	_ =	sdelay $0x1  }
0x5e7: {  	v53 =	vmul.f32 $1.442695020e+00, v52;
	(erf) = vpow2.f32 v51;
	_ =	sdelay $0x1  }
0x5e8: {  	(erf) = vpow2.f32 v53;
	_ =	sdelay $0x3  }
0x5e9: {  	v54 =	vpop (erf)  }
0x5ea: {  	v55 =	vpop (erf)  }
0x5eb: {  	v56 =	vadd.f32 v55, v54  }
0x5ec: {  	v57 =	vpop (erf)  }
0x5ed: {  	v9 =	vadd.f32 v56, v57  }
0x5ee: {  	v58 =	vpop (erf)  }
0x5ef: {  	v9 =	vadd.f32 v9, v58;
	_ =	sdelay $0x1  }
0x5f0: {  	(xrf2) =	vadd.scan.msk.f32 $0xffff, v9;
	_ =	sdelay $0x9  }
0x5f1: {  	v9, _, _ =	vpop (xrf2)  }
0x5f2: {  	v9 =	vbroadcast v9, $0xF;
	_ =	sdelay $0x1  }
0x5f3: {  	(erf) = vrcp.f32 v9;
	_ =	sdelay $0x7  }
0x5f4: {  	v59 =	vld [tilespmem:s17+$0x11900]  }
0x5f5: {  	v13 =	vld [tilespmem:s17+$0x11910];
	v12 =	vpop (erf)  }
0x5f6: {  	v14 =	vld [tilespmem:s17+$0x11920];
	v7 =	vmul.f32 v12, v54;
	v8 =	vmul.f32 v12, v55  }
0x5f7: {  	v15 =	vld [tilespmem:s17+$0x11930];
	v10 =	vmul.f32 v12, v57  }
0x5f8: {  	v11 =	vmul.f32 v12, v58;
	v16 =	vadd.f32 $9.999999680e-21, v7;
	v17 =	vadd.f32 $9.999999680e-21, v8  }
0x5f9: {  	v60 =	vadd.f32 $9.999999680e-21, v10  }
0x5fa: {  	v61 =	vadd.f32 $9.999999680e-21, v11;
	v9 =	vmul.f32 v16, v59;
	v13 =	vmul.f32 v17, v13  }
0x5fb: {  	v12 =	vmul.f32 v60, v14  }
0x5fc: {  	v62 =	vmul.f32 v61, v15;
	v63 =	vmax.f32 v9, v13  }
0x5fd: {  	v15 =	vmax.f32 v63, v12  }
0x5fe: {  	v15 =	vmax.f32 v15, v62  }
0x5ff: {  	(xrf0) =	vmax.scan.msk.f32 $0xffff, v15;
	_ =	sdelay $0x5  }
0x600: {  	v15, _, _ =	vpop (xrf0)  }
0x601: {  	v15 =	vbroadcast v15, $0xF;
	_ =	sdelay $0x1  }
0x602: {  	vm0 =	veq.f32 v62, v15  }
0x603: {  	vm1 =	veq.f32 v12, v15;
	v3 =	vnsel vm0, $0xC0000000, v3  }
0x604: {  	vm13 =	veq.f32 v13, v15;
	v3 =	vsel vm1, v4, v3  }
0x605: {  	vm14 =	veq.f32 v9, v15;
	v3 =	vsel vm13, v5, v3  }
0x606: {  	v3 =	vsel vm14, v6, v3  }
0x607: {  	(xrf0) =	vmin.scan.msk.u32 $0xffff, v3;
	_ =	sdelay $0x5  }
0x608: {  	v3, _, _ =	vpop (xrf0)  }
0x609: {  	(v2sf) =	vpush v3, $0xF;
	_ =	sdelay $0xe  }
0x60a: {  	s0 =	spop (v2sf)  }
0x60b: {  	s0 =	sxor.u32 $0x80000000, s0  }
0x60c: {  	v3 =	vmov s0  }
0x60d: {  	[tilespmem:s17+$0x11100] =	vst v7  }
0x60e: {  	[tilespmem:s17+$0x11110] =	vst v8  }
0x60f: {  	[tilespmem:s17+$0x11120] =	vst v10  }
0x610: {  	[tilespmem:s17+$0x11130] =	vst v11  }
0x611: {  	s16 =	sadd.s32 $0x1, s16;
	v3 =	vld.idx.msk [tilespmem:v3+s12+$0x0], $0xffff  }
0x612: {  	p2 =	sne.s32 s16, $0x8  }
.Ltmp62:
0x613: {  	_ = 	snop;
	(pc) =	sbr.rel @p2 .LBB2_91-.Ltmp62, $4  }
0x614: {  	_ = 	snop  }
0x615: {  	vm15 =	vmmov $0x1  }
0x616: {  	v3 =	vnsel vm15, $0x0, v3  }
0x617: {  	[tilespmem:s17+$0x11500] =	vst v3  }
0x618: {  	s0 =	rddreg [dreg:$0x14];
	s4 =	simm.s32 $0x11100  }
0x619: {  	[hbm4b:s0+s2] =	stream.linear.scatter [tilespmem:s4], [sflag:$0x3], $0x400, $0x38;
	[tilespmem:$0x11D00] =	vst v63  }
0x61a: {  	_ =	swait.ge [sflag:s1], $0x400  }
0x61b: {  	s31 =	simm.s32 $0x11500;
	[sflag:s1] =	ssyncset.done $0x0  }
.Ltmp63:
0x61c: {  	s24 =	rddreg [dreg:$0x15];
	[sflag:s1] =	ssyncadd.s32 $0xFFFFFC00;
	(pc) =	sbr.rel .LBB2_101-.Ltmp63, $4  }
0x61d: {  	[hbm4b:s24+s2] =	stream.linear.scatter [tilespmem:s31], [sflag:$0x3], $0x400, $0x38;
	[tilespmem:$0x11D00] =	vst v63  }
0x61e: {  	_ =	swait.ge [sflag:s1], $0x400  }
0x61f: {  	[sflag:s1] =	ssyncset.done $0x0  }
0x620: {  	s4 =	rddreg [dreg:$0x17];
	[sflag:s1] =	ssyncadd.s32 $0xFFFFFC00  }
.LBB2_84:
0x621: {  	s10 =	simm.s32 $0x0  }
.LBB2_87:
0x622: {  	v6, _, _ =	vpop (xrf0)  }
0x623: {  	v6 =	vadd.s32 s10, v6  }
0x624: {  	vm1 =	vle.s32 v6, v4  }
0x625: {  	vm2 =	vgt.u32 v5, v3;
	vm0 =	vmand vm0, vm1  }
0x626: {  	vm1 =	vmor vm2, vm0;
	v3 =	vmpcnt.ones.xlane vm0  }
0x627: {  	v56 =	vsel vm1, $0x1, v1;
	v57 =	vmpcnt.ones.xlane vm1  }
0x628: {  	v3 =	vxor.u32 $0x80000000, v3;
	(xrf0) =	vadd.scan.msk.s32 $0xffff, v56  }
0x629: {  	v58 =	vxor.u32 $0x80000000, v57;
	(xrf0) =	vmax.scan.msk.u32 $0xffff, v3  }
0x62a: {  	(xrf0) =	vmax.scan.msk.u32 $0xffff, v58;
	_ =	sdelay $0x3  }
0x62b: {  	v3, _, _ =	vpop (xrf0)  }
0x62c: {  	v59, _, _ =	vpop (xrf0)  }
0x62d: {  	v60, _, _ =	vpop (xrf0);
	(v2sf) =	vpush v59, $0xF  }
0x62e: {  	(v2sf) =	vpush v60, $0xF;
	_ =	sdelay $0x1  }
0x62f: {  	s4 =	sadd.s32 @p2 $0x80000000, s17  }
0x630: {  	s5 =	smov.u32 @p2 s4  }
0x631: {  	s4 =	sadd.s32 s0, s5  }
0x632: {  	v61 =	vmov s4  }
0x633: {  	v4 =	vadd.s32 $0xFFFFFFFF, v61  }
0x634: {  	v4 =	vbroadcast v4, $0x0;
	_ =	sdelay $0x1  }
0x635: {  	v62 =	vld [tilespmem:s9+$0xAC00];
	v3 =	vadd.s32 v3, v4  }
0x636: {  	v63 =	vld [tilespmem:s9+$0xC000];
	_ =	sdelay $0x3  }
0x637: {  	[tilespmem:v3+s28+$0x0] =	vst.idx.msk vm1, v62;
	s24 =	spop (v2sf)  }
0x638: {  	[tilespmem:v3+s29+$0x0] =	vst.idx.msk vm1, v63;
	s31 =	spop (v2sf)  }
.LBB2_88:
0x639: {  	v3 =	vld [tilespmem:s0+$0xAC00];
	_ =	sdelay $0x2  }
0x63a: {  	v4 =	vld [tilespmem:s0+$0xAC10]  }
0x63b: {  	v5 =	vld [tilespmem:s0+$0xAC20];
	s4 =	sshll.u32 s16, $0x7  }
0x63c: {  	v6 =	vld [tilespmem:s0+$0xAC30];
	[tilespmem:s4+$0xE800] =	vst v3  }
0x63d: {  	v7 =	vld [tilespmem:s0+$0xC000];
	_ =	sdelay $0x4  }
0x63e: {  	[tilespmem:s4+$0xEC00] =	vst v7  }
0x63f: {  	v7 =	vld [tilespmem:s0+$0xAC10];
	_ =	sdelay $0x4  }
0x640: {  	[tilespmem:s4+$0xE810] =	vst v7  }
0x641: {  	v7 =	vld [tilespmem:s0+$0xC010];
	_ =	sdelay $0x3  }
0x642: {  	v3 =	vmin.f32 v3, v4;
	v62 =	vmin.f32 v5, v6  }
0x643: {  	v3 =	vmin.f32 v3, v62;
	[tilespmem:s4+$0xEC10] =	vst v7  }
0x644: {  	(xrf0) =	vmin.scan.msk.f32 $0xffff, v3;
	v3 =	vld [tilespmem:s0+$0xAC20];
	_ =	sdelay $0x4  }
0x645: {  	[tilespmem:s4+$0xE820] =	vst v3  }
0x646: {  	v3, _, _ =	vpop (xrf0);
	v63 =	vld [tilespmem:s0+$0xC020]  }
0x647: {  	(v2sf) =	vpush v3, $0xF;
	_ =	sdelay $0x3  }
0x648: {  	[tilespmem:s4+$0xEC20] =	vst v63  }
0x649: {  	v3 =	vld [tilespmem:s0+$0xAC30];
	_ =	sdelay $0x4  }
0x64a: {  	[smem:s16] =	sst s30;
	s31 =	sadd.s32 $0x80, s16;
	s16 =	sadd.s32 $0x1, s16;
	[tilespmem:s4+$0xE830] =	vst v3  }
0x64b: {  	p2 =	sne.s32 s16, $0x8;
	v3 =	vld [tilespmem:s0+$0xC030]  }
.Ltmp64:
0x64c: {  	_ = 	snop;
	(pc) =	sbr.rel @!p2 .LBB2_89-.Ltmp64, $3  }
0x64d: {  	_ =	sdelay $0x1  }
0x64e: {  	s5 =	spop (v2sf)  }
0x64f: {  	s15 =	sadd.s32 $0x280, s15;
	[smem:s31] =	sst s5;
	[tilespmem:s4+$0xEC30] =	vst v3  }
.LBB2_66:
0x650: {  	s4 =	sld [smem:s16+$0x0];
	_ =	sdelay $0x2  }
0x651: {  	s0 =	sadd.s32 $0xF, s4  }
0x652: {  	s5 =	sand.u32 $0xF, s0  }
0x653: {  	s8 =	sshra.s32 s0, $0x1F;
	p2 =	slt.s32 s0, $0x1;
	p3 =	sne.s32 s5, $0x0  }
0x654: {  	s31 =	sshrl.u32 s8, $0x1C;
	p2 =	por !p2, !p3  }
0x655: {  	s5 =	simm.s32 $0x1;
	s0 =	sadd.s32 s31, s0;
	p2 =	por !p2, !p2  }
0x656: {  	s0 =	sshra.s32 s0, $0x4;
	s5 =	simm.s32 @!p2 $0x0  }
0x657: {  	s8 =	ssub.s32 s0, s5  }
0x658: {  	p2 =	slt.s32 s8, $0x1  }
.Ltmp65:
0x659: {  	_ = 	snop;
	(pc) =	sbr.rel @p2 .LBB2_74-.Ltmp65, $1  }
0x65a: {  	_ =	sdelay $0x3  }
0x65b: {  	p4 =	sne.s32 s8, $0x1  }
.Ltmp66:
0x65c: {  	_ = 	snop;
	(pc) =	sbr.rel @!p4 .LBB2_68-.Ltmp66, $4  }
0x65d: {  	s5 =	simm.s32 $0x0;
	s0 =	sadd.s32 $0x0, s15  }
0x65e: {  	s0 =	sand.u32 $0xFFFFFF80, s0;
	s9 =	sand.u32 $0x70, s5  }
0x65f: {  	s0 =	sor.u32 s9, s0  }
0x660: {  	v3 =	vmov s4;
	s4 =	simm.s32 $0x10;
	p3 =	por $0x0, $0x0;
	s9 =	sadd.s32 $0xFFFFFFFF, s8;
	v4 =	vld [tilespmem:s0+$0xAC00]  }
0x661: {  	_ =	sdelay $0x2  }
0x662: {  	s10 =	sadd.s32 $0x10, s15;
	p4 =	sne.s32 s9, $0x1  }
.Ltmp67:
0x663: {  	s14 =	sand.u32 $0x70, s4;
	s10 =	sand.u32 $0xFFFFFF80, s10;
	v5 =	vshra.s32 v4, $0x1F;
	(pc) =	sbr.rel @!p4 .LBB2_70-.Ltmp67, $4  }
0x664: {  	v6 =	vor.u32 s5, v0;
	s5 =	sor.u32 s14, s10;
	v5 =	vor.u32 $0x80000000, v5  }
0x665: {  	v5 =	vxor.u32 v4, v5;
	v4 =	vld [tilespmem:s5+$0xAC00]  }
0x666: {  	vm0 =	vlt.s32 v6, v3  }
0x667: {  	s9 =	sadd.s32 $0xFFFFFFFF, s9;
	p3 =	por $0x1, $0x1;
	s10 =	simm.s32 $0x20;
	v5 =	vnsel vm0, $0x0, v5  }
.LBB2_71:
0x668: {  	s14 =	sadd.s32 s10, s15;
	p4 =	sne.s32 s9, $0x1;
	s9 =	sadd.s32 $0xFFFFFFFF, s9;
	[tilespmem:s0+$0xD400] =	vst v5  }
.Ltmp68:
0x669: {  	s17 =	sand.u32 $0x70, s10;
	s14 =	sand.u32 $0xFFFFFF80, s14;
	(pc) =	sbr.rel @p4 .LBB2_71-.Ltmp68, $4  }
0x66a: {  	s0 =	smov.u32 s5;
	v5 =	vshra.s32 v4, $0x1F;
	v6 =	vmov v4;
	s5 =	sor.u32 s17, s14  }
0x66b: {  	v7 =	vor.u32 s4, v0;
	s4 =	smov.u32 s10;
	v4 =	vld [tilespmem:s5+$0xAC00];
	v5 =	vor.u32 $0x80000000, v5  }
0x66c: {  	vm0 =	vlt.s32 v7, v3;
	v5 =	vxor.u32 v6, v5  }
0x66d: {  	s10 =	sadd.s32 $0x10, s10;
	v5 =	vnsel vm0, $0x0, v5  }
0x66e: {  	s9 =	smov.u32 s0;
	s0 =	smov.u32 s5;
	s5 =	smov.u32 s4  }
.LBB2_73:
0x66f: {  	_ = 	snop  }
0x670: {  	v6 =	vshra.s32 v4, $0x1F  }
0x671: {  	v7 =	vor.u32 s5, v0;
	v6 =	vor.u32 $0x80000000, v6  }
0x672: {  	vm0 =	vlt.s32 v7, v3;
	v63 =	vxor.u32 v4, v6  }
0x673: {  	[tilespmem:s9+$0xD400] =	vst @p3 v5;
	v3 =	vnsel vm0, $0x0, v63  }
0x674: {  	[tilespmem:s0+$0xD400] =	vst v3  }
.LBB2_74:
.Ltmp69:
0x675: {  	(pc) =	sbr.rel .LBB2_75-.Ltmp69, $3  }
0x676: {  	_ =	sdelay $0x1  }
0x677: {  	s0 =	smul.u32 $0x280, s16  }
0x678: {  	s5 =	simm.s32 $0x0;
	s4 =	simm.s32 $0x0;
	s9 =	simm.s32 $0x0  }
.LBB2_105:
0x679: {  	v3 =	vimm.s32 $0x80000000  }
.LBB2_79:
0x67a: {  	(xrf0) =	vmax.scan.msk.u32 $0xffff, v3;
	_ =	sdelay $0x5  }
0x67b: {  	v3, _, _ =	vpop (xrf0)  }
0x67c: {  	(v2sf) =	vpush v3, $0xF;
	_ =	sdelay $0xa  }
0x67d: {  	s9 =	sadd.s32 $0x1, s9  }
0x67e: {  	p4 =	sne.s32 s9, $0x20  }
.Ltmp70:
0x67f: {  	_ = 	snop;
	(pc) =	sbr.rel @!p4 .LBB2_80-.Ltmp70, $4  }
0x680: {  	_ = 	snop  }
0x681: {  	s14 =	spop (v2sf)  }
0x682: {  	p3 =	sgt.u32 s14, $0x8000003F  }
0x683: {  	s4 =	smov.u32 @p3 s10  }
.LBB2_75:
.Ltmp71:
0x684: {  	(pc) =	sbr.rel @p2 .LBB2_105-.Ltmp71, $3  }
0x685: {  	_ =	sdelay $0x1  }
0x686: {  	s10 =	sshrl.u32 s26, s9  }
0x687: {  	s10 =	sor.u32 s10, s4  }
0x688: {  	s14 =	sadd.s32 $0x0, s15;
	p3 =	sne.s32 s8, $0x1  }
.Ltmp72:
0x689: {  	s17 =	sand.u32 $0x70, s5;
	s14 =	sand.u32 $0xFFFFFF80, s14;
	(pc) =	sbr.rel @!p3 .LBB2_78-.Ltmp72, $3  }
0x68a: {  	s14 =	sor.u32 s17, s14  }
0x68b: {  	v5 =	vld [tilespmem:s14+$0xD400];
	_ =	sdelay $0x1  }
0x68c: {  	v4 =	vmov s10;
	v3 =	vimm.s32 $0x0;
	s18 =	simm.s32 $0x10;
	s17 =	sadd.s32 $0xFFFFFFFF, s8  }
.LBB2_77:
0x68d: {  	s14 =	sadd.s32 s18, s15;
	p3 =	sne.s32 s17, $0x1;
	s17 =	sadd.s32 $0xFFFFFFFF, s17  }
.Ltmp73:
0x68e: {  	s19 =	sand.u32 $0x70, s18;
	s14 =	sand.u32 $0xFFFFFF80, s14;
	(pc) =	sbr.rel @p3 .LBB2_77-.Ltmp73, $3  }
0x68f: {  	s14 =	sor.u32 s19, s14;
	vm0 =	vge.u32 v5, v4  }
0x690: {  	v5 =	vld [tilespmem:s14+$0xD400];
	v6 =	vmpcnt.ones.xlane vm0;
	_ =	sdelay $0x1  }
0x691: {  	s18 =	sadd.s32 $0x10, s18;
	v3 =	vadd.s32 v3, v6  }
.LBB2_78:
0x692: {  	_ =	sdelay $0x1  }
.Ltmp74:
0x693: {  	vm0 =	vge.u32 v5, v4;
	(pc) =	sbr.rel .LBB2_79-.Ltmp74, $3  }
0x694: {  	v4 =	vmpcnt.ones.xlane vm0;
	_ =	sdelay $0x1  }
0x695: {  	v3 =	vadd.s32 v3, v4  }
0x696: {  	v3 =	vxor.u32 $0x80000000, v3  }
.LBB2_80:
.Ltmp75:
0x697: {  	(pc) =	sbr.rel @p2 .LBB2_88-.Ltmp75, $1  }
0x698: {  	_ =	sdelay $0x3  }
0x699: {  	s5 =	simm.s32 $0x0;
	s9 =	sadd.s32 $0x0, s15;
	p3 =	sne.s32 s8, $0x1  }
.Ltmp76:
0x69a: {  	s9 =	sand.u32 $0xFFFFFF80, s9;
	s10 =	sand.u32 $0x70, s5;
	(pc) =	sbr.rel @!p3 .LBB2_83-.Ltmp76, $3  }
0x69b: {  	s9 =	sor.u32 s10, s9  }
0x69c: {  	v5 =	vld [tilespmem:s9+$0xD400];
	_ =	sdelay $0x1  }
0x69d: {  	v3 =	vmov s4;
	v4 =	vimm.s32 $0x0;
	s4 =	sadd.s32 $0xFFFFFFFF, s8;
	s10 =	simm.s32 $0x10  }
.LBB2_82:
0x69e: {  	s14 =	sadd.s32 s10, s15;
	p2 =	sne.s32 s4, $0x1;
	s4 =	sadd.s32 $0xFFFFFFFF, s4  }
.Ltmp77:
0x69f: {  	s17 =	sand.u32 $0x70, s10;
	s14 =	sand.u32 $0xFFFFFF80, s14;
	(pc) =	sbr.rel @p2 .LBB2_82-.Ltmp77, $3  }
0x6a0: {  	s14 =	sor.u32 s17, s14;
	vm0 =	vgt.u32 v5, v3  }
0x6a1: {  	v5 =	vld [tilespmem:s14+$0xD400];
	v6 =	vmpcnt.ones.xlane vm0;
	_ =	sdelay $0x1  }
0x6a2: {  	s10 =	sadd.s32 $0x10, s10;
	v4 =	vadd.s32 v4, v6  }
.LBB2_83:
0x6a3: {  	_ =	sdelay $0x1  }
0x6a4: {  	vm0 =	vgt.u32 v5, v3  }
0x6a5: {  	v5 =	vmpcnt.ones.xlane vm0;
	_ =	sdelay $0x1  }
0x6a6: {  	v4 =	vadd.s32 v4, v5  }
0x6a7: {  	v4 =	vxor.u32 $0x80000000, v4  }
0x6a8: {  	(xrf0) =	vmax.scan.msk.u32 $0xffff, v4;
	_ =	sdelay $0x5  }
0x6a9: {  	v4, _, _ =	vpop (xrf0)  }
0x6aa: {  	(v2sf) =	vpush v4, $0xF;
	_ =	sdelay $0x5  }
0x6ab: {  	v5 =	vld [tilespmem:s9+$0xD400];
	_ =	sdelay $0x4  }
0x6ac: {  	vm0 =	veq.s32 v5, v3  }
0x6ad: {  	v6 =	vsel vm0, $0x1, v1  }
0x6ae: {  	(xrf0) =	vadd.scan.msk.s32 $0xffff, v6  }
.Ltmp78:
0x6af: {  	_ = 	snop;
	(pc) =	sbr.rel @!p3 .LBB2_84-.Ltmp78, $4  }
0x6b0: {  	s4 =	spop (v2sf)  }
0x6b1: {  	s4 =	sxor.u32 $0x80000000, s4  }
0x6b2: {  	s4 =	ssub.s32 $0x40, s4  }
0x6b3: {  	s8 =	sadd.s32 $0xFFFFFFFF, s8;
	p2 =	por $0x0, $0x0;
	v4 =	vmov s4  }
0x6b4: {  	v6, _, _ =	vpop (xrf0)  }
0x6b5: {  	v6 =	vadd.s32 s5, v6  }
0x6b6: {  	vm1 =	vle.s32 v6, v4  }
0x6b7: {  	vm2 =	vgt.u32 v5, v3;
	vm0 =	vmand vm0, vm1  }
0x6b8: {  	vm1 =	vmor vm2, vm0;
	v5 =	vmpcnt.ones.xlane vm0  }
0x6b9: {  	v6 =	vsel vm1, $0x1, v1  }
0x6ba: {  	v7 =	vmpcnt.ones.xlane vm1;
	v5 =	vxor.u32 $0x80000000, v5;
	(xrf0) =	vadd.scan.msk.s32 $0xffff, v6  }
0x6bb: {  	(xrf0) =	vmax.scan.msk.u32 $0xffff, v5  }
0x6bc: {  	s4 =	sadd.s32 $0x0, s0;
	v6 =	vxor.u32 $0x80000000, v7  }
0x6bd: {  	(xrf0) =	vmax.scan.msk.u32 $0xffff, v6;
	v6 =	vmov s4  }
0x6be: {  	v6 =	vadd.s32 $0xFFFFFFFF, v6  }
0x6bf: {  	v6 =	vbroadcast v6, $0x0  }
0x6c0: {  	v5, _, _ =	vpop (xrf0)  }
0x6c1: {  	v7, _, _ =	vpop (xrf0);
	v5 =	vadd.s32 v5, v6;
	v6 =	vld [tilespmem:s9+$0xAC00]  }
0x6c2: {  	(v2sf) =	vpush v7, $0xF;
	v7 =	vld [tilespmem:s9+$0xC000]  }
0x6c3: {  	v8, _, _ =	vpop (xrf0)  }
0x6c4: {  	(v2sf) =	vpush v8, $0xF  }
0x6c5: {  	s24 =	sadd.s32 $0x10, s15;
	s4 =	simm.s32 $0x10  }
0x6c6: {  	s10 =	sand.u32 $0x70, s4;
	s9 =	sand.u32 $0xFFFFFF80, s24;
	[tilespmem:v5+s28+$0x0] =	vst.idx.msk vm1, v6  }
0x6c7: {  	s9 =	sor.u32 s10, s9;
	[tilespmem:v5+s29+$0x0] =	vst.idx.msk vm1, v7  }
0x6c8: {  	v5 =	vld [tilespmem:s9+$0xD400];
	_ =	sdelay $0x4  }
0x6c9: {  	vm0 =	veq.s32 v5, v3  }
0x6ca: {  	v6 =	vsel vm0, $0x1, v1  }
0x6cb: {  	p3 =	sne.s32 s8, $0x1;
	(xrf0) =	vadd.scan.msk.s32 $0xffff, v6  }
.Ltmp79:
0x6cc: {  	_ = 	snop;
	(pc) =	sbr.rel @!p3 .LBB2_87-.Ltmp79, $4  }
0x6cd: {  	_ = 	snop  }
0x6ce: {  	s31 =	spop (v2sf)  }
0x6cf: {  	s8 =	sadd.s32 $0xFFFFFFFF, s8;
	s10 =	sadd.s32 $0x0, s31;
	s14 =	spop (v2sf)  }
0x6d0: {  	p2 =	por $0x1, $0x1;
	s17 =	sadd.s32 $0x0, s14;
	s10 =	sadd.s32 $0x80000000, s10  }
.LBB2_86:
0x6d1: {  	p3 =	sne.s32 s8, $0x1;
	s8 =	sadd.s32 $0xFFFFFFFF, s8;
	s17 =	sadd.s32 $0x80000000, s17  }
0x6d2: {  	s14 =	sadd.s32 s0, s17;
	v6, _, _ =	vpop (xrf0)  }
0x6d3: {  	v6 =	vadd.s32 s10, v6;
	v7 =	vmov s14  }
0x6d4: {  	vm1 =	vle.s32 v6, v4;
	v6 =	vadd.s32 $0xFFFFFFFF, v7  }
0x6d5: {  	vm2 =	vgt.u32 v5, v3;
	vm1 =	vmand vm0, vm1  }
0x6d6: {  	vm0 =	vmor vm2, vm1;
	v5 =	vmpcnt.ones.xlane vm1  }
0x6d7: {  	v7 =	vsel vm0, $0x1, v1;
	v8 =	vmpcnt.ones.xlane vm0  }
0x6d8: {  	v5 =	vxor.u32 $0x80000000, v5;
	(xrf0) =	vadd.scan.msk.s32 $0xffff, v7  }
0x6d9: {  	v7 =	vxor.u32 $0x80000000, v8;
	(xrf0) =	vmax.scan.msk.u32 $0xffff, v5  }
0x6da: {  	(xrf0) =	vmax.scan.msk.u32 $0xffff, v7;
	_ =	sdelay $0x2  }
0x6db: {  	v5 =	vbroadcast v6, $0x0  }
0x6dc: {  	v6, _, _ =	vpop (xrf0)  }
0x6dd: {  	v5 =	vadd.s32 v6, v5;
	v6 =	vld [tilespmem:s9+$0xAC00];
	v7, _, _ =	vpop (xrf0)  }
0x6de: {  	v8 =	vld [tilespmem:s9+$0xC000];
	v9, _, _ =	vpop (xrf0);
	(v2sf) =	vpush v7, $0xF  }
0x6df: {  	(v2sf) =	vpush v9, $0xF  }
0x6e0: {  	s4 =	sadd.s32 $0x10, s4  }
0x6e1: {  	s9 =	sadd.s32 s4, s15  }
0x6e2: {  	s14 =	sand.u32 $0x70, s4;
	s9 =	sand.u32 $0xFFFFFF80, s9;
	[tilespmem:v5+s28+$0x0] =	vst.idx.msk vm0, v6  }
0x6e3: {  	s9 =	sor.u32 s14, s9;
	[tilespmem:v5+s29+$0x0] =	vst.idx.msk vm0, v8  }
0x6e4: {  	v5 =	vld [tilespmem:s9+$0xD400];
	_ =	sdelay $0x4  }
0x6e5: {  	vm0 =	veq.s32 v5, v3  }
0x6e6: {  	v6 =	vsel vm0, $0x1, v1  }
.Ltmp80:
0x6e7: {  	(xrf0) =	vadd.scan.msk.s32 $0xffff, v6;
	(pc) =	sbr.rel @p3 .LBB2_86-.Ltmp80, $4  }
0x6e8: {  	_ = 	snop  }
0x6e9: {  	s14 =	spop (v2sf)  }
0x6ea: {  	s10 =	sadd.s32 s14, s10;
	s14 =	spop (v2sf)  }
0x6eb: {  	s17 =	sadd.s32 s14, s17;
	s10 =	sadd.s32 $0x80000000, s10  }
.Ltmp81:
0x6ec: {  	_ = 	snop;
	(pc) =	sbr.rel .LBB2_87-.Ltmp81, $1  }
0x6ed: {  	_ =	sdelay $0x3  }
.LBB2_68:
.Ltmp82:
0x6ee: {  	(pc) =	sbr.rel .LBB2_73-.Ltmp82, $2  }
0x6ef: {  	_ =	sdelay $0x2  }
0x6f0: {  	_ = 	snop  }
.LBB2_70:
.Ltmp83:
0x6f1: {  	(pc) =	sbr.rel .LBB2_73-.Ltmp83, $2  }
0x6f2: {  	_ =	sdelay $0x2  }
0x6f3: {  	s9 =	smov.u32 s0;
	s0 =	smov.u32 s5;
	s5 =	simm.s32 $0x10  }
.LBB2_102:
0x6f4: {  	_ =	sfence.sel $0x180000  }
0x6f5: {  	[bflag:$0x0] =	sbarrier.arrive $0xFFFF  }
0x6f6: {  	_ =	strace $0x90000047  }
0x6f7: {  	s0 =	stileid.u32;
	[bflag:$0x2] =	sbarrier.arrive $0xFFFF  }
0x6f8: {  	p0 =	sne.s32 s0, $0x0;
	s0 =	rddreg [dreg:$0x5]  }
0x6f9: {  	s0 =	sadd.s32 @!p0 $0x100000, s0  }
0x6fa: {  	[sflag:s0] =	ssyncadd.tile.s32 @!p0 $0x1;
	_ =	shalt  }
.Lfunc_end2:
_tile_overlayer_lowered:
.L_overlay_start_2:
0x6fb: {  	(tag) =	ssettag $0x2  }
0x6fc: {  	s0 =	rddreg [dreg:$0x0];
	s2 =	stileid.u32  }
0x6fd: {  	s1 =	rddreg [dreg:$0x1];
	p0 =	sne.s32 s2, $0x0  }
0x6fe: {  	s3 =	rddreg [dreg:$0x2];
	[bflag:$0x3] =	sbarrier.arrive $0xFFFF;
	s2 =	simm.s32 @!p0 $0x1C03  }
0x6ff: {  	[timem:s3], [sflag:s2] =	dma.local @!p0 [hbm:s0], s1  }
0x700: {  	s0 =	simm.s32 @!p0 $0x3  }
0x701: {  	_ =	swait.ge @!p0 [sflag:s0], s1  }
0x702: {  	s1 =	ssub.s32 @!p0 $0x0, s1;
	[sflag:s0] =	ssyncset.done @!p0 $0x0  }
0x703: {  	[sflag:s0] =	ssyncadd.s32 @!p0 s1  }
0x704: {  	[bflag:$0x3] =	sbarrier.arrive $0xFFFF  }
0x705: {  	_ =	shalt  }

</sc_bundles>
